<compile_context>
chip_gen: v7x
topology: tpu7x:2x2x1
jax: 0.10.2.dev20260603
libtpu: 0.0.44.dev20260713+nightly
codegen_flags: <defaults>
</compile_context>

<pallas_src>
import functools

import jax
import jax.numpy as jnp
from jax import lax
from jax.experimental import pallas as pl
from jax.experimental.pallas import tpu as pltpu
from jax.experimental.pallas import tpu_sc as plsc

N = 10000
E = 160000
DC = 128
NS = 16
NCORE = 2
CHUNK = 128
KT = 80
HKT = KT // 2
EPAD = NS * KT * CHUNK
NACC = 10112
ZROW = NACC // NS


def _spmm_body(nblk, with_deg, *refs):
    if with_deg:
        (x_hbm, src_hbm, dst_hbm, zeros_hbm, out_hbm, deg_hbm,
         src_v, dst_v, r0v, r1v, acc, g0, g1) = refs
    else:
        (x_hbm, src_hbm, dst_hbm, zeros_hbm, out_hbm,
         src_v, dst_v, r0v, r1v, acc, g0, g1) = refs
    rows = (r0v, r1v)
    gsem = (g0, g1)

    c = lax.axis_index("c")
    s = lax.axis_index("s")
    r0 = pl.multiple_of(s * ZROW, 8)

    def _fire_g(chunk_idx, b):
        pltpu.async_copy(x_hbm.at[src_v.at[chunk_idx]], rows[b], gsem[b])

    def _wait_g(b):
        pltpu.make_async_copy(x_hbm.at[src_v.at[0]], rows[b], gsem[b]).wait()

    def _scat(chunk_idx, b):
        pltpu.sync_copy(rows[b], acc.at[dst_v.at[chunk_idx]], add=True)

    bps = nblk // NCORE

    for bb in range(bps):
        blk = c * bps + bb
        c0 = pl.multiple_of(blk * DC, DC)

        pltpu.sync_copy(zeros_hbm.at[pl.ds(r0, ZROW), :],
                        acc.at[pl.ds(r0, ZROW), :])
        plsc.subcore_barrier()

        for half in range(2):
            hof = pl.multiple_of(half * HKT, 8)
            pltpu.sync_copy(src_hbm.at[s, pl.ds(hof, HKT), :], src_v)
            pltpu.sync_copy(dst_hbm.at[s, pl.ds(hof, HKT), :], dst_v)

            def _xrow(j, carry):
                for u in range(CHUNK // 16):
                    sl = pl.ds(u * 16, 16)
                    src_v[j, sl] = src_v[j, sl] * nblk + blk
                return carry
            lax.fori_loop(0, HKT, _xrow, 0)

            for b in range(2):
                _fire_g(b, b)

            def _group(jg, carry):
                cbase = jg * 2
                for b in range(2):
                    _wait_g(b)
                    _scat(cbase + b, b)
                    _fire_g(cbase + 2 + b, b)
                return carry
            lax.fori_loop(0, HKT // 2 - 1, _group, 0)
            for b in range(2):
                _wait_g(b)
                _scat(HKT - 2 + b, b)
        plsc.subcore_barrier()

        pltpu.sync_copy(acc.at[pl.ds(r0, ZROW), :],
                        out_hbm.at[pl.ds(r0, ZROW), pl.ds(c0, DC)])
        plsc.subcore_barrier()

    if with_deg:
        pltpu.sync_copy(zeros_hbm.at[pl.ds(r0, ZROW), :],
                        acc.at[pl.ds(r0, ZROW), :])
        hc = pl.multiple_of(c * HKT, 8)
        pltpu.sync_copy(dst_hbm.at[s, pl.ds(hc, HKT), :], dst_v)

        def _fill_ones(i, carry):
            for u in range(DC // 16):
                r0v[i, pl.ds(u * 16, 16)] = jnp.ones((16,), jnp.float32)
            return carry
        lax.fori_loop(0, CHUNK, _fill_ones, 0)
        plsc.subcore_barrier()

        def _deg_chunk(j, carry):
            pltpu.sync_copy(r0v, acc.at[dst_v.at[j]], add=True)
            return carry
        lax.fori_loop(0, HKT, _deg_chunk, 0)
        plsc.subcore_barrier()

        cdeg = pl.multiple_of(c * DC, DC)
        pltpu.sync_copy(acc.at[pl.ds(r0, ZROW), :],
                        deg_hbm.at[pl.ds(r0, ZROW), pl.ds(cdeg, DC)])
        plsc.subcore_barrier()


def _make_spmm(nblk, with_deg):
    d = nblk * DC
    out_type = [jax.ShapeDtypeStruct((NACC, d), jnp.float32)]
    if with_deg:
        out_type.append(jax.ShapeDtypeStruct((NACC, 2 * DC), jnp.float32))
    scratch = [
        pltpu.VMEM((HKT, CHUNK), jnp.int32),
        pltpu.VMEM((HKT, CHUNK), jnp.int32),
        pltpu.VMEM((CHUNK, DC), jnp.float32),
        pltpu.VMEM((CHUNK, DC), jnp.float32),
        pltpu.VMEM_SHARED((NACC, DC), jnp.float32),
        pltpu.SemaphoreType.DMA,
        pltpu.SemaphoreType.DMA,
    ]
    mesh = plsc.VectorSubcoreMesh(core_axis_name="c", subcore_axis_name="s")
    return pl.kernel(
        functools.partial(_spmm_body, nblk, with_deg),
        out_type=tuple(out_type),
        mesh=mesh,
        scratch_types=scratch,
    )



RT = 2000


def _deg_col(deg_ref):
    return jnp.maximum(deg_ref[:, 0:1] + deg_ref[:, DC:DC + 1], 1.0)


def _tc0_body(agg_ref, deg_ref, w0_ref, b0_ref, w1_ref, h0_ref, z1_ref):
    x = agg_ref[...] / _deg_col(deg_ref)
    h0 = jnp.dot(x, w0_ref[...], preferred_element_type=jnp.float32)
    h0 = jnp.maximum(h0 + b0_ref[...], 0.0)
    h0_ref[...] = h0
    z1_ref[...] = jnp.dot(h0, w1_ref[...], preferred_element_type=jnp.float32)


def _tc1_body(agg_ref, deg_ref, b1_ref, h0_ref, wo_ref, z2_ref):
    h = jnp.maximum(agg_ref[...] / _deg_col(deg_ref) + b1_ref[...], 0.0)
    h = h + h0_ref[...]
    z2_ref[...] = jnp.dot(h, wo_ref[...], preferred_element_type=jnp.float32)


def _tc2_body(agg_ref, deg_ref, bo_ref, out_ref):
    out_ref[...] = agg_ref[...] / _deg_col(deg_ref) + bo_ref[...]


def _row_spec(cols):
    return pl.BlockSpec((RT, cols), lambda r: (r, 0))


def _full_spec(rows, cols):
    return pl.BlockSpec((rows, cols), lambda r: (0, 0))


def _tc0(agg0, deg, W0, b0, W1):
    return pl.pallas_call(
        _tc0_body,
        grid=(N // RT,),
        in_specs=[_row_spec(256), _row_spec(2 * DC), _full_spec(256, 512),
                  _full_spec(1, 512), _full_spec(512, 512)],
        out_specs=[_row_spec(512), _row_spec(512)],
        out_shape=[jax.ShapeDtypeStruct((N, 512), jnp.float32),
                   jax.ShapeDtypeStruct((N, 512), jnp.float32)],
    )(agg0, deg, W0, b0, W1)


def _tc1(agg1, deg, b1, h0, Wo):
    return pl.pallas_call(
        _tc1_body,
        grid=(N // RT,),
        in_specs=[_row_spec(512), _row_spec(2 * DC), _full_spec(1, 512),
                  _row_spec(512), _full_spec(512, 256)],
        out_specs=_row_spec(256),
        out_shape=jax.ShapeDtypeStruct((N, 256), jnp.float32),
    )(agg1, deg, b1, h0, Wo)


def _tc2(agg2, deg, bo):
    return pl.pallas_call(
        _tc2_body,
        grid=(N // RT,),
        in_specs=[_row_spec(256), _row_spec(2 * DC), _full_spec(1, 256)],
        out_specs=_row_spec(256),
        out_shape=jax.ShapeDtypeStruct((N, 256), jnp.float32),
    )(agg2, deg, bo)


def kernel(feats, edge_index, W0, b0, W1, b1, Wo, bo):
    src = edge_index[0]
    dst = edge_index[1]
    pad = EPAD - E
    pad_dst = N + (jnp.arange(pad, dtype=jnp.int32) % (NACC - 1 - N))
    pad_src = jnp.arange(pad, dtype=jnp.int32) % N
    src2 = jnp.concatenate([src, pad_src]).reshape(NS, KT, CHUNK)
    dst2 = jnp.concatenate([dst, pad_dst]).reshape(NS, KT, CHUNK)
    zeros = jnp.zeros((NACC, DC), jnp.float32)

    agg0, deg = _make_spmm(2, True)(
        feats.reshape(N * 2, DC), src2, dst2, zeros)
    h0, z1 = _tc0(agg0, deg, W0, b0.reshape(1, -1), W1)
    (agg1,) = _make_spmm(4, False)(z1.reshape(N * 4, DC), src2, dst2, zeros)
    z2 = _tc1(agg1, deg, b1.reshape(1, -1), h0, Wo)
    (agg2,) = _make_spmm(2, False)(z2.reshape(N * 2, DC), src2, dst2, zeros)
    return _tc2(agg2, deg, bo.reshape(1, -1))

# --- scband reference (transcript-rebuilt; emitter-appended) ---
"""Pipeline reference for scband-res-gcn-21921513079348 (READ-ONLY COPY).

The authoritative reference and input builder live on the scoring server;
editing this copy changes nothing except your own understanding.
"""

import jax, jax.numpy as jnp
import numpy as np

N = 10000
E = 160000
IN_DIM = 256
HID_DIM = 512
OUT_DIM = 256


def _glorot(key, shape):
    fan_in, fan_out = shape[0], shape[1]
    limit = (6.0 / (fan_in + fan_out)) ** 0.5
    return jax.random.uniform(key, shape, dtype=jnp.float32, minval=-limit, maxval=limit)


def setup_inputs(seed: int = 0) -> dict:
    key = jax.random.key(seed)
    ks = jax.random.split(key, 8)
    feats = jax.random.normal(ks[0], (N, IN_DIM), dtype=jnp.float32)
    edge_index = jax.random.randint(ks[1], (2, E), 0, N, dtype=jnp.int32)
    W0 = _glorot(ks[2], (IN_DIM, HID_DIM))
    b0 = jnp.zeros((HID_DIM,), dtype=jnp.float32)
    W1 = _glorot(ks[3], (HID_DIM, HID_DIM))
    b1 = jnp.zeros((HID_DIM,), dtype=jnp.float32)
    Wo = _glorot(ks[4], (HID_DIM, OUT_DIM))
    bo = jnp.zeros((OUT_DIM,), dtype=jnp.float32)
    return {"feats": feats, "edge_index": edge_index, "W0": W0, "b0": b0, "W1": W1, "b1": b1, "Wo": Wo, "bo": bo}


def _graph_conv(h, src, dst, W, b, activation):
    # DGL GraphConv, norm='right', norm_bias=0: h' = (sum over in-edges of (x W)[src]) / in_degree + b
    h = h @ W
    msg = jnp.take(h, src, axis=0)
    agg = jax.ops.segment_sum(msg, dst, num_segments=N)
    deg = jax.ops.segment_sum(jnp.ones((src.shape[0],), dtype=h.dtype), dst, num_segments=N)
    deg = jnp.maximum(deg, 1.0)
    out = agg / deg[:, None] + b
    if activation:
        out = jax.nn.relu(out)
    return out


def reference(feats, edge_index, W0, b0, W1, b1, Wo, bo):
    src = edge_index[0]
    dst = edge_index[1]
    # layer 0 (in_dim -> hid_dim, relu); dropout p=0.0 is identity
    h = _graph_conv(feats, src, dst, W0, b0, True)
    h_1 = h
    # layer 1 (hid_dim -> hid_dim, relu)
    h = _graph_conv(h, src, dst, W1, b1, True)
    # residual connection to first-layer output
    h = h + h_1
    # output layer (hid_dim -> out_dim, no activation)
    out = _graph_conv(h, src, dst, Wo, bo, False)
    return out

if __name__ == "__main__":
    import jax
    _d = setup_inputs()
    print(jax.jit(kernel)(*tuple(_d.values())))

</pallas_src>

<mosaic_0001>
#map = affine_map<(d0, d1) -> (0, 0)>
#map1 = affine_map<(d0, d1) -> (0, 0, 0)>
module attributes {stable_mosaic.version = 14 : i64} {
  func.func @_spmm_body(%arg0: i32, %arg1: i32, %arg2: memref<20000x128xf32, #tpu.memory_space<hbm>>, %arg3: memref<16x80x128xi32, #tpu.memory_space<hbm>>, %arg4: memref<16x80x128xi32, #tpu.memory_space<hbm>>, %arg5: memref<10112x128xf32, #tpu.memory_space<hbm>>, %arg6: memref<10112x256xf32, #tpu.memory_space<hbm>>, %arg7: memref<10112x256xf32, #tpu.memory_space<hbm>>, %arg8: memref<40x128xi32, #tpu.memory_space<vmem>>, %arg9: memref<40x128xi32, #tpu.memory_space<vmem>>, %arg10: memref<128x128xf32, #tpu.memory_space<vmem>>, %arg11: memref<128x128xf32, #tpu.memory_space<vmem>>, %arg12: memref<10112x128xf32, #tpu.memory_space<vmem_shared>>, %arg13: memref<!tpu.dma_semaphore, #tpu.memory_space<semaphore_mem>>, %arg14: memref<!tpu.dma_semaphore, #tpu.memory_space<semaphore_mem>>) attributes {dimension_semantics = [#tpu.dimension_semantics<core_parallel>, #tpu.dimension_semantics<subcore_parallel>], iteration_bounds = array<i64: 2, 16>, scalar_prefetch = 0 : i64, scratch_operands = 7 : i64, tpu.core_type = #tpu.core_type<sc_vector_subcore>, window_params = [{transform_indices = #map}, {transform_indices = #map1}, {transform_indices = #map1}, {transform_indices = #map}, {transform_indices = #map}, {transform_indices = #map}]} {
    %mul3A = arith.constant 632 : i32
    %mul3A_0 = arith.muli %arg1, %mul3A : i32
    %multiple_of3A = tpu.assume_multiple %mul3A_0, 8 : i32
    %mul3A_1 = arith.constant 1 : i32
    %mul3A_2 = arith.muli %arg0, %mul3A_1 : i32
    %add3A = arith.constant 0 : i32
    %add3A_3 = arith.addi %mul3A_2, %add3A : i32
    %mul3A_4 = arith.constant 128 : i32
    %mul3A_5 = arith.muli %add3A_3, %mul3A_4 : i32
    %multiple_of3A_6 = tpu.assume_multiple %mul3A_5, 128 : i32
    "tpu.region"() ({
      %run_scoped3A_114 = tpu.sem_alloc : memref<!tpu.dma_semaphore, #tpu.memory_space<semaphore_mem>>
      %dma_start3A_115 = arith.constant 0 : i32
      %dma_start3A_116 = tpu.memref_slice %arg12[%multiple_of3A, %dma_start3A_115] : memref<10112x128xf32, #tpu.memory_space<vmem_shared>> -> memref<632x128xf32, #tpu.memory_space<vmem_shared>>
      %dma_start3A_117 = arith.constant 0 : i32
      %dma_start3A_118 = tpu.memref_slice %arg5[%multiple_of3A, %dma_start3A_117] : memref<10112x128xf32, #tpu.memory_space<hbm>> -> memref<632x128xf32, #tpu.memory_space<hbm>>
      tpu.enqueue_dma source(%dma_start3A_118 : memref<632x128xf32, #tpu.memory_space<hbm>>) target(%dma_start3A_116 : memref<632x128xf32, #tpu.memory_space<vmem_shared>>) target_semaphore(%run_scoped3A_114 : memref<!tpu.dma_semaphore, #tpu.memory_space<semaphore_mem>>)
      %dma_wait3A_119 = arith.constant 0 : i32
      %dma_wait3A_120 = tpu.memref_slice %arg12[%multiple_of3A, %dma_wait3A_119] : memref<10112x128xf32, #tpu.memory_space<vmem_shared>> -> memref<632x128xf32, #tpu.memory_space<vmem_shared>>
      %dma_wait3A_121 = arith.constant 0 : i32
      %dma_wait3A_122 = tpu.memref_slice %arg5[%multiple_of3A, %dma_wait3A_121] : memref<10112x128xf32, #tpu.memory_space<hbm>> -> memref<632x128xf32, #tpu.memory_space<hbm>>
      tpu.wait_dma2 semaphore(%run_scoped3A_114 : memref<!tpu.dma_semaphore, #tpu.memory_space<semaphore_mem>>) src(%dma_wait3A_122 : memref<632x128xf32, #tpu.memory_space<hbm>>) dst(%dma_wait3A_120 : memref<632x128xf32, #tpu.memory_space<vmem_shared>>)
      tpu.yield
    }) : () -> ()
    %barrier3A = arith.constant 0 : index
    tpu.barrier barrier_id(%barrier3A)
    %multiple_of3A_7 = arith.constant 0 : i32
    %multiple_of3A_8 = tpu.assume_multiple %multiple_of3A_7, 8 : i32
    "tpu.region"() ({
      %run_scoped3A_114 = tpu.sem_alloc : memref<!tpu.dma_semaphore, #tpu.memory_space<semaphore_mem>>
      %dma_start3A_115 = arith.constant 0 : i32
      %dma_start3A_116 = tpu.memref_slice %arg3[%arg1, %multiple_of3A_8, %dma_start3A_115] : memref<16x80x128xi32, #tpu.memory_space<hbm>> -> memref<1x40x128xi32, #tpu.memory_space<hbm>>
      %dma_start3A_117 = tpu.memref_squeeze %dma_start3A_116 : memref<1x40x128xi32, #tpu.memory_space<hbm>> -> memref<40x128xi32, #tpu.memory_space<hbm>>
      %dma_start3A_118 = arith.constant 0 : i32
      %dma_start3A_119 = tpu.memref_slice %arg3[%arg1, %multiple_of3A_8, %dma_start3A_118] : memref<16x80x128xi32, #tpu.memory_space<hbm>> -> memref<1x40x128xi32, #tpu.memory_space<hbm>>
      %dma_start3A_120 = tpu.memref_squeeze %dma_start3A_119 : memref<1x40x128xi32, #tpu.memory_space<hbm>> -> memref<40x128xi32, #tpu.memory_space<hbm>>
      tpu.enqueue_dma source(%dma_start3A_120 : memref<40x128xi32, #tpu.memory_space<hbm>>) target(%arg8 : memref<40x128xi32, #tpu.memory_space<vmem>>) target_semaphore(%run_scoped3A_114 : memref<!tpu.dma_semaphore, #tpu.memory_space<semaphore_mem>>)
      %dma_wait3A_121 = arith.constant 0 : i32
      %dma_wait3A_122 = tpu.memref_slice %arg3[%arg1, %multiple_of3A_8, %dma_wait3A_121] : memref<16x80x128xi32, #tpu.memory_space<hbm>> -> memref<1x40x128xi32, #tpu.memory_space<hbm>>
      %dma_wait3A_123 = tpu.memref_squeeze %dma_wait3A_122 : memref<1x40x128xi32, #tpu.memory_space<hbm>> -> memref<40x128xi32, #tpu.memory_space<hbm>>
      %dma_wait3A_124 = arith.constant 0 : i32
      %dma_wait3A_125 = tpu.memref_slice %arg3[%arg1, %multiple_of3A_8, %dma_wait3A_124] : memref<16x80x128xi32, #tpu.memory_space<hbm>> -> memref<1x40x128xi32, #tpu.memory_space<hbm>>
      %dma_wait3A_126 = tpu.memref_squeeze %dma_wait3A_125 : memref<1x40x128xi32, #tpu.memory_space<hbm>> -> memref<40x128xi32, #tpu.memory_space<hbm>>
      tpu.wait_dma2 semaphore(%run_scoped3A_114 : memref<!tpu.dma_semaphore, #tpu.memory_space<semaphore_mem>>) src(%dma_wait3A_126 : memref<40x128xi32, #tpu.memory_space<hbm>>) dst(%arg8 : memref<40x128xi32, #tpu.memory_space<vmem>>)
      tpu.yield
    }) : () -> ()
    "tpu.region"() ({
      %run_scoped3A_114 = tpu.sem_alloc : memref<!tpu.dma_semaphore, #tpu.memory_space<semaphore_mem>>
      %dma_start3A_115 = arith.constant 0 : i32
      %dma_start3A_116 = tpu.memref_slice %arg4[%arg1, %multiple_of3A_8, %dma_start3A_115] : memref<16x80x128xi32, #tpu.memory_space<hbm>> -> memref<1x40x128xi32, #tpu.memory_space<hbm>>
      %dma_start3A_117 = tpu.memref_squeeze %dma_start3A_116 : memref<1x40x128xi32, #tpu.memory_space<hbm>> -> memref<40x128xi32, #tpu.memory_space<hbm>>
      %dma_start3A_118 = arith.constant 0 : i32
      %dma_start3A_119 = tpu.memref_slice %arg4[%arg1, %multiple_of3A_8, %dma_start3A_118] : memref<16x80x128xi32, #tpu.memory_space<hbm>> -> memref<1x40x128xi32, #tpu.memory_space<hbm>>
      %dma_start3A_120 = tpu.memref_squeeze %dma_start3A_119 : memref<1x40x128xi32, #tpu.memory_space<hbm>> -> memref<40x128xi32, #tpu.memory_space<hbm>>
      tpu.enqueue_dma source(%dma_start3A_120 : memref<40x128xi32, #tpu.memory_space<hbm>>) target(%arg9 : memref<40x128xi32, #tpu.memory_space<vmem>>) target_semaphore(%run_scoped3A_114 : memref<!tpu.dma_semaphore, #tpu.memory_space<semaphore_mem>>)
      %dma_wait3A_121 = arith.constant 0 : i32
      %dma_wait3A_122 = tpu.memref_slice %arg4[%arg1, %multiple_of3A_8, %dma_wait3A_121] : memref<16x80x128xi32, #tpu.memory_space<hbm>> -> memref<1x40x128xi32, #tpu.memory_space<hbm>>
      %dma_wait3A_123 = tpu.memref_squeeze %dma_wait3A_122 : memref<1x40x128xi32, #tpu.memory_space<hbm>> -> memref<40x128xi32, #tpu.memory_space<hbm>>
      %dma_wait3A_124 = arith.constant 0 : i32
      %dma_wait3A_125 = tpu.memref_slice %arg4[%arg1, %multiple_of3A_8, %dma_wait3A_124] : memref<16x80x128xi32, #tpu.memory_space<hbm>> -> memref<1x40x128xi32, #tpu.memory_space<hbm>>
      %dma_wait3A_126 = tpu.memref_squeeze %dma_wait3A_125 : memref<1x40x128xi32, #tpu.memory_space<hbm>> -> memref<40x128xi32, #tpu.memory_space<hbm>>
      tpu.wait_dma2 semaphore(%run_scoped3A_114 : memref<!tpu.dma_semaphore, #tpu.memory_space<semaphore_mem>>) src(%dma_wait3A_126 : memref<40x128xi32, #tpu.memory_space<hbm>>) dst(%arg9 : memref<40x128xi32, #tpu.memory_space<vmem>>)
      tpu.yield
    }) : () -> ()
    %scan3A = arith.constant 0 : i32
    %scan3A_9 = arith.constant 0 : i32
    %scan3A_10 = arith.constant 40 : i32
    %scan3A_11 = arith.addi %scan3A_9, %scan3A_10 : i32
    %scan3A_12 = arith.constant 1 : i32
    scf.for %scan3A_114 = %scan3A_9 to %scan3A_11 step %scan3A_12  : i32 {
      %get3A = arith.index_cast %scan3A_114 : i32 to index
      %get3A_115 = arith.constant 0 : index
      %get3A_116 = tpu.vector_load %arg8[%get3A, %get3A_115] {strides = array<i32>} : memref<40x128xi32, #tpu.memory_space<vmem>>, vector<1x16xi32>,
      %get3A_117 = vector.shape_cast %get3A_116 : vector<1x16xi32> to vector<16xi32>
      %mul3A_118 = arith.constant 2 : i32
      %mul3A_119 = vector.broadcast %mul3A_118 : i32 to vector<16xi32>
      %mul3A_120 = arith.muli %get3A_117, %mul3A_119 : vector<16xi32>
      %add3A_121 = vector.broadcast %add3A_3 : i32 to vector<16xi32>
      %add3A_122 = arith.addi %mul3A_120, %add3A_121 : vector<16xi32>
      %swap3A = arith.index_cast %scan3A_114 : i32 to index
      %swap3A_123 = arith.constant 0 : index
      %swap3A_124 = tpu.vector_load %arg8[%swap3A, %swap3A_123] {strides = array<i32>} : memref<40x128xi32, #tpu.memory_space<vmem>>, vector<1x16xi32>,
      %swap3A_125 = vector.shape_cast %swap3A_124 : vector<1x16xi32> to vector<16xi32>
      %swap3A_126 = vector.shape_cast %add3A_122 : vector<16xi32> to vector<1x16xi32>
      tpu.vector_store %arg8[%swap3A, %swap3A_123], %swap3A_126 {strides = array<i32>} : memref<40x128xi32, #tpu.memory_space<vmem>>, vector<1x16xi32>,
      %get3A_127 = arith.index_cast %scan3A_114 : i32 to index
      %get3A_128 = arith.constant 16 : index
      %get3A_129 = tpu.vector_load %arg8[%get3A_127, %get3A_128] {strides = array<i32>} : memref<40x128xi32, #tpu.memory_space<vmem>>, vector<1x16xi32>,
      %get3A_130 = vector.shape_cast %get3A_129 : vector<1x16xi32> to vector<16xi32>
      %mul3A_131 = arith.constant 2 : i32
      %mul3A_132 = vector.broadcast %mul3A_131 : i32 to vector<16xi32>
      %mul3A_133 = arith.muli %get3A_130, %mul3A_132 : vector<16xi32>
      %add3A_134 = vector.broadcast %add3A_3 : i32 to vector<16xi32>
      %add3A_135 = arith.addi %mul3A_133, %add3A_134 : vector<16xi32>
      %swap3A_136 = arith.index_cast %scan3A_114 : i32 to index
      %swap3A_137 = arith.constant 16 : index
      %swap3A_138 = tpu.vector_load %arg8[%swap3A_136, %swap3A_137] {strides = array<i32>} : memref<40x128xi32, #tpu.memory_space<vmem>>, vector<1x16xi32>,
      %swap3A_139 = vector.shape_cast %swap3A_138 : vector<1x16xi32> to vector<16xi32>
      %swap3A_140 = vector.shape_cast %add3A_135 : vector<16xi32> to vector<1x16xi32>
      tpu.vector_store %arg8[%swap3A_136, %swap3A_137], %swap3A_140 {strides = array<i32>} : memref<40x128xi32, #tpu.memory_space<vmem>>, vector<1x16xi32>,
      %get3A_141 = arith.index_cast %scan3A_114 : i32 to index
      %get3A_142 = arith.constant 32 : index
      %get3A_143 = tpu.vector_load %arg8[%get3A_141, %get3A_142] {strides = array<i32>} : memref<40x128xi32, #tpu.memory_space<vmem>>, vector<1x16xi32>,
      %get3A_144 = vector.shape_cast %get3A_143 : vector<1x16xi32> to vector<16xi32>
      %mul3A_145 = arith.constant 2 : i32
      %mul3A_146 = vector.broadcast %mul3A_145 : i32 to vector<16xi32>
      %mul3A_147 = arith.muli %get3A_144, %mul3A_146 : vector<16xi32>
      %add3A_148 = vector.broadcast %add3A_3 : i32 to vector<16xi32>
      %add3A_149 = arith.addi %mul3A_147, %add3A_148 : vector<16xi32>
      %swap3A_150 = arith.index_cast %scan3A_114 : i32 to index
      %swap3A_151 = arith.constant 32 : index
      %swap3A_152 = tpu.vector_load %arg8[%swap3A_150, %swap3A_151] {strides = array<i32>} : memref<40x128xi32, #tpu.memory_space<vmem>>, vector<1x16xi32>,
      %swap3A_153 = vector.shape_cast %swap3A_152 : vector<1x16xi32> to vector<16xi32>
      %swap3A_154 = vector.shape_cast %add3A_149 : vector<16xi32> to vector<1x16xi32>
      tpu.vector_store %arg8[%swap3A_150, %swap3A_151], %swap3A_154 {strides = array<i32>} : memref<40x128xi32, #tpu.memory_space<vmem>>, vector<1x16xi32>,
      %get3A_155 = arith.index_cast %scan3A_114 : i32 to index
      %get3A_156 = arith.constant 48 : index
      %get3A_157 = tpu.vector_load %arg8[%get3A_155, %get3A_156] {strides = array<i32>} : memref<40x128xi32, #tpu.memory_space<vmem>>, vector<1x16xi32>,
      %get3A_158 = vector.shape_cast %get3A_157 : vector<1x16xi32> to vector<16xi32>
      %mul3A_159 = arith.constant 2 : i32
      %mul3A_160 = vector.broadcast %mul3A_159 : i32 to vector<16xi32>
      %mul3A_161 = arith.muli %get3A_158, %mul3A_160 : vector<16xi32>
      %add3A_162 = vector.broadcast %add3A_3 : i32 to vector<16xi32>
      %add3A_163 = arith.addi %mul3A_161, %add3A_162 : vector<16xi32>
      %swap3A_164 = arith.index_cast %scan3A_114 : i32 to index
      %swap3A_165 = arith.constant 48 : index
      %swap3A_166 = tpu.vector_load %arg8[%swap3A_164, %swap3A_165] {strides = array<i32>} : memref<40x128xi32, #tpu.memory_space<vmem>>, vector<1x16xi32>,
      %swap3A_167 = vector.shape_cast %swap3A_166 : vector<1x16xi32> to vector<16xi32>
      %swap3A_168 = vector.shape_cast %add3A_163 : vector<16xi32> to vector<1x16xi32>
      tpu.vector_store %arg8[%swap3A_164, %swap3A_165], %swap3A_168 {strides = array<i32>} : memref<40x128xi32, #tpu.memory_space<vmem>>, vector<1x16xi32>,
      %get3A_169 = arith.index_cast %scan3A_114 : i32 to index
      %get3A_170 = arith.constant 64 : index
      %get3A_171 = tpu.vector_load %arg8[%get3A_169, %get3A_170] {strides = array<i32>} : memref<40x128xi32, #tpu.memory_space<vmem>>, vector<1x16xi32>,
      %get3A_172 = vector.shape_cast %get3A_171 : vector<1x16xi32> to vector<16xi32>
      %mul3A_173 = arith.constant 2 : i32
      %mul3A_174 = vector.broadcast %mul3A_173 : i32 to vector<16xi32>
      %mul3A_175 = arith.muli %get3A_172, %mul3A_174 : vector<16xi32>
      %add3A_176 = vector.broadcast %add3A_3 : i32 to vector<16xi32>
      %add3A_177 = arith.addi %mul3A_175, %add3A_176 : vector<16xi32>
      %swap3A_178 = arith.index_cast %scan3A_114 : i32 to index
      %swap3A_179 = arith.constant 64 : index
      %swap3A_180 = tpu.vector_load %arg8[%swap3A_178, %swap3A_179] {strides = array<i32>} : memref<40x128xi32, #tpu.memory_space<vmem>>, vector<1x16xi32>,
      %swap3A_181 = vector.shape_cast %swap3A_180 : vector<1x16xi32> to vector<16xi32>
      %swap3A_182 = vector.shape_cast %add3A_177 : vector<16xi32> to vector<1x16xi32>
      tpu.vector_store %arg8[%swap3A_178, %swap3A_179], %swap3A_182 {strides = array<i32>} : memref<40x128xi32, #tpu.memory_space<vmem>>, vector<1x16xi32>,
      %get3A_183 = arith.index_cast %scan3A_114 : i32 to index
      %get3A_184 = arith.constant 80 : index
      %get3A_185 = tpu.vector_load %arg8[%get3A_183, %get3A_184] {strides = array<i32>} : memref<40x128xi32, #tpu.memory_space<vmem>>, vector<1x16xi32>,
      %get3A_186 = vector.shape_cast %get3A_185 : vector<1x16xi32> to vector<16xi32>
      %mul3A_187 = arith.constant 2 : i32
      %mul3A_188 = vector.broadcast %mul3A_187 : i32 to vector<16xi32>
      %mul3A_189 = arith.muli %get3A_186, %mul3A_188 : vector<16xi32>
      %add3A_190 = vector.broadcast %add3A_3 : i32 to vector<16xi32>
      %add3A_191 = arith.addi %mul3A_189, %add3A_190 : vector<16xi32>
      %swap3A_192 = arith.index_cast %scan3A_114 : i32 to index
      %swap3A_193 = arith.constant 80 : index
      %swap3A_194 = tpu.vector_load %arg8[%swap3A_192, %swap3A_193] {strides = array<i32>} : memref<40x128xi32, #tpu.memory_space<vmem>>, vector<1x16xi32>,
      %swap3A_195 = vector.shape_cast %swap3A_194 : vector<1x16xi32> to vector<16xi32>
      %swap3A_196 = vector.shape_cast %add3A_191 : vector<16xi32> to vector<1x16xi32>
      tpu.vector_store %arg8[%swap3A_192, %swap3A_193], %swap3A_196 {strides = array<i32>} : memref<40x128xi32, #tpu.memory_space<vmem>>, vector<1x16xi32>,
      %get3A_197 = arith.index_cast %scan3A_114 : i32 to index
      %get3A_198 = arith.constant 96 : index
      %get3A_199 = tpu.vector_load %arg8[%get3A_197, %get3A_198] {strides = array<i32>} : memref<40x128xi32, #tpu.memory_space<vmem>>, vector<1x16xi32>,
      %get3A_200 = vector.shape_cast %get3A_199 : vector<1x16xi32> to vector<16xi32>
      %mul3A_201 = arith.constant 2 : i32
      %mul3A_202 = vector.broadcast %mul3A_201 : i32 to vector<16xi32>
      %mul3A_203 = arith.muli %get3A_200, %mul3A_202 : vector<16xi32>
      %add3A_204 = vector.broadcast %add3A_3 : i32 to vector<16xi32>
      %add3A_205 = arith.addi %mul3A_203, %add3A_204 : vector<16xi32>
      %swap3A_206 = arith.index_cast %scan3A_114 : i32 to index
      %swap3A_207 = arith.constant 96 : index
      %swap3A_208 = tpu.vector_load %arg8[%swap3A_206, %swap3A_207] {strides = array<i32>} : memref<40x128xi32, #tpu.memory_space<vmem>>, vector<1x16xi32>,
      %swap3A_209 = vector.shape_cast %swap3A_208 : vector<1x16xi32> to vector<16xi32>
      %swap3A_210 = vector.shape_cast %add3A_205 : vector<16xi32> to vector<1x16xi32>
      tpu.vector_store %arg8[%swap3A_206, %swap3A_207], %swap3A_210 {strides = array<i32>} : memref<40x128xi32, #tpu.memory_space<vmem>>, vector<1x16xi32>,
      %get3A_211 = arith.index_cast %scan3A_114 : i32 to index
      %get3A_212 = arith.constant 112 : index
      %get3A_213 = tpu.vector_load %arg8[%get3A_211, %get3A_212] {strides = array<i32>} : memref<40x128xi32, #tpu.memory_space<vmem>>, vector<1x16xi32>,
      %get3A_214 = vector.shape_cast %get3A_213 : vector<1x16xi32> to vector<16xi32>
      %mul3A_215 = arith.constant 2 : i32
      %mul3A_216 = vector.broadcast %mul3A_215 : i32 to vector<16xi32>
      %mul3A_217 = arith.muli %get3A_214, %mul3A_216 : vector<16xi32>
      %add3A_218 = vector.broadcast %add3A_3 : i32 to vector<16xi32>
      %add3A_219 = arith.addi %mul3A_217, %add3A_218 : vector<16xi32>
      %swap3A_220 = arith.index_cast %scan3A_114 : i32 to index
      %swap3A_221 = arith.constant 112 : index
      %swap3A_222 = tpu.vector_load %arg8[%swap3A_220, %swap3A_221] {strides = array<i32>} : memref<40x128xi32, #tpu.memory_space<vmem>>, vector<1x16xi32>,
      %swap3A_223 = vector.shape_cast %swap3A_222 : vector<1x16xi32> to vector<16xi32>
      %swap3A_224 = vector.shape_cast %add3A_219 : vector<16xi32> to vector<1x16xi32>
      tpu.vector_store %arg8[%swap3A_220, %swap3A_221], %swap3A_224 {strides = array<i32>} : memref<40x128xi32, #tpu.memory_space<vmem>>, vector<1x16xi32>,
    }
    %scan3A_13 = arith.constant 40 : i32
    %dma_start3A = arith.constant 0 : i32
    %dma_start3A_14 = arith.constant 0 : i32
    %dma_start3A_15 = tpu.memref_slice %arg8[%dma_start3A, %dma_start3A_14] : memref<40x128xi32, #tpu.memory_space<vmem>> -> memref<1x128xi32, #tpu.memory_space<vmem>>
    %dma_start3A_16 = tpu.memref_squeeze %dma_start3A_15 : memref<1x128xi32, #tpu.memory_space<vmem>> -> memref<128xi32, #tpu.memory_space<vmem>>
    %dma_start3A_17 = arith.constant 0 : i32
    %dma_start3A_18 = arith.constant 0 : i32
    %dma_start3A_19 = tpu.memref_slice %arg2[%dma_start3A_17, %dma_start3A_18] : memref<20000x128xf32, #tpu.memory_space<hbm>> -> memref<20000x128xf32, #tpu.memory_space<hbm>>
    tpu.enqueue_indirect_dma source(%dma_start3A_19 : memref<20000x128xf32, #tpu.memory_space<hbm>>) target(%arg10 : memref<128x128xf32, #tpu.memory_space<vmem>>) offsets(%dma_start3A_16 : memref<128xi32, #tpu.memory_space<vmem>>) semaphore(%arg13 : memref<!tpu.dma_semaphore, #tpu.memory_space<semaphore_mem>>)
    %dma_start3A_20 = arith.constant 1 : i32
    %dma_start3A_21 = arith.constant 0 : i32
    %dma_start3A_22 = tpu.memref_slice %arg8[%dma_start3A_20, %dma_start3A_21] : memref<40x128xi32, #tpu.memory_space<vmem>> -> memref<1x128xi32, #tpu.memory_space<vmem>>
    %dma_start3A_23 = tpu.memref_squeeze %dma_start3A_22 : memref<1x128xi32, #tpu.memory_space<vmem>> -> memref<128xi32, #tpu.memory_space<vmem>>
    %dma_start3A_24 = arith.constant 0 : i32
    %dma_start3A_25 = arith.constant 0 : i32
    %dma_start3A_26 = tpu.memref_slice %arg2[%dma_start3A_24, %dma_start3A_25] : memref<20000x128xf32, #tpu.memory_space<hbm>> -> memref<20000x128xf32, #tpu.memory_space<hbm>>
    tpu.enqueue_indirect_dma source(%dma_start3A_26 : memref<20000x128xf32, #tpu.memory_space<hbm>>) target(%arg11 : memref<128x128xf32, #tpu.memory_space<vmem>>) offsets(%dma_start3A_23 : memref<128xi32, #tpu.memory_space<vmem>>) semaphore(%arg14 : memref<!tpu.dma_semaphore, #tpu.memory_space<semaphore_mem>>)
    %scan3A_27 = arith.constant 0 : i32
    %scan3A_28 = arith.constant 0 : i32
    %scan3A_29 = arith.constant 19 : i32
    %scan3A_30 = arith.addi %scan3A_28, %scan3A_29 : i32
    %scan3A_31 = arith.constant 1 : i32
    scf.for %scan3A_114 = %scan3A_28 to %scan3A_30 step %scan3A_31  : i32 {
      %mul3A_115 = arith.constant 2 : i32
      %mul3A_116 = arith.muli %scan3A_114, %mul3A_115 : i32
      %dma_wait3A_117 = arith.constant 0 : i32
      %dma_wait3A_118 = arith.constant 0 : i32
      %dma_wait3A_119 = tpu.memref_slice %arg8[%dma_wait3A_117, %dma_wait3A_118] : memref<40x128xi32, #tpu.memory_space<vmem>> -> memref<1x128xi32, #tpu.memory_space<vmem>>
      %dma_wait3A_120 = tpu.memref_squeeze %dma_wait3A_119 : memref<1x128xi32, #tpu.memory_space<vmem>> -> memref<128xi32, #tpu.memory_space<vmem>>
      %dma_wait3A_121 = arith.constant 0 : i32
      %dma_wait3A_122 = arith.constant 0 : i32
      %dma_wait3A_123 = tpu.memref_slice %arg2[%dma_wait3A_121, %dma_wait3A_122] : memref<20000x128xf32, #tpu.memory_space<hbm>> -> memref<20000x128xf32, #tpu.memory_space<hbm>>
      tpu.wait_indirect_dma semaphore(%arg13 : memref<!tpu.dma_semaphore, #tpu.memory_space<semaphore_mem>>) src(%dma_wait3A_123 : memref<20000x128xf32, #tpu.memory_space<hbm>>) dst(%arg10 : memref<128x128xf32, #tpu.memory_space<vmem>>)
      %add3A_124 = arith.constant 0 : i32
      %add3A_125 = arith.addi %mul3A_116, %add3A_124 : i32
      "tpu.region"() ({
        %run_scoped3A_155 = tpu.sem_alloc : memref<!tpu.dma_semaphore, #tpu.memory_space<semaphore_mem>>
        %dma_start3A_156 = arith.constant 0 : i32
        %dma_start3A_157 = tpu.memref_slice %arg9[%add3A_125, %dma_start3A_156] : memref<40x128xi32, #tpu.memory_space<vmem>> -> memref<1x128xi32, #tpu.memory_space<vmem>>
        %dma_start3A_158 = tpu.memref_squeeze %dma_start3A_157 : memref<1x128xi32, #tpu.memory_space<vmem>> -> memref<128xi32, #tpu.memory_space<vmem>>
        %dma_start3A_159 = arith.constant 0 : i32
        %dma_start3A_160 = arith.constant 0 : i32
        %dma_start3A_161 = tpu.memref_slice %arg12[%dma_start3A_159, %dma_start3A_160] : memref<10112x128xf32, #tpu.memory_space<vmem_shared>> -> memref<10112x128xf32, #tpu.memory_space<vmem_shared>>
        tpu.enqueue_indirect_dma source(%arg10 : memref<128x128xf32, #tpu.memory_space<vmem>>) target(%dma_start3A_161 : memref<10112x128xf32, #tpu.memory_space<vmem_shared>>) offsets(%dma_start3A_158 : memref<128xi32, #tpu.memory_space<vmem>>) semaphore(%run_scoped3A_155 : memref<!tpu.dma_semaphore, #tpu.memory_space<semaphore_mem>>) {add = true}
        %dma_wait3A_162 = arith.constant 0 : i32
        %dma_wait3A_163 = tpu.memref_slice %arg9[%add3A_125, %dma_wait3A_162] : memref<40x128xi32, #tpu.memory_space<vmem>> -> memref<1x128xi32, #tpu.memory_space<vmem>>
        %dma_wait3A_164 = tpu.memref_squeeze %dma_wait3A_163 : memref<1x128xi32, #tpu.memory_space<vmem>> -> memref<128xi32, #tpu.memory_space<vmem>>
        %dma_wait3A_165 = arith.constant 0 : i32
        %dma_wait3A_166 = arith.constant 0 : i32
        %dma_wait3A_167 = tpu.memref_slice %arg12[%dma_wait3A_165, %dma_wait3A_166] : memref<10112x128xf32, #tpu.memory_space<vmem_shared>> -> memref<10112x128xf32, #tpu.memory_space<vmem_shared>>
        tpu.wait_indirect_dma semaphore(%run_scoped3A_155 : memref<!tpu.dma_semaphore, #tpu.memory_space<semaphore_mem>>) src(%arg10 : memref<128x128xf32, #tpu.memory_space<vmem>>) dst(%dma_wait3A_167 : memref<10112x128xf32, #tpu.memory_space<vmem_shared>>)
        tpu.yield
      }) : () -> ()
      %add3A_126 = arith.constant 2 : i32
      %add3A_127 = arith.addi %mul3A_116, %add3A_126 : i32
      %add3A_128 = arith.constant 0 : i32
      %add3A_129 = arith.addi %add3A_127, %add3A_128 : i32
      %dma_start3A_130 = arith.constant 0 : i32
      %dma_start3A_131 = tpu.memref_slice %arg8[%add3A_129, %dma_start3A_130] : memref<40x128xi32, #tpu.memory_space<vmem>> -> memref<1x128xi32, #tpu.memory_space<vmem>>
      %dma_start3A_132 = tpu.memref_squeeze %dma_start3A_131 : memref<1x128xi32, #tpu.memory_space<vmem>> -> memref<128xi32, #tpu.memory_space<vmem>>
      %dma_start3A_133 = arith.constant 0 : i32
      %dma_start3A_134 = arith.constant 0 : i32
      %dma_start3A_135 = tpu.memref_slice %arg2[%dma_start3A_133, %dma_start3A_134] : memref<20000x128xf32, #tpu.memory_space<hbm>> -> memref<20000x128xf32, #tpu.memory_space<hbm>>
      tpu.enqueue_indirect_dma source(%dma_start3A_135 : memref<20000x128xf32, #tpu.memory_space<hbm>>) target(%arg10 : memref<128x128xf32, #tpu.memory_space<vmem>>) offsets(%dma_start3A_132 : memref<128xi32, #tpu.memory_space<vmem>>) semaphore(%arg13 : memref<!tpu.dma_semaphore, #tpu.memory_space<semaphore_mem>>)
      %dma_wait3A_136 = arith.constant 0 : i32
      %dma_wait3A_137 = arith.constant 0 : i32
      %dma_wait3A_138 = tpu.memref_slice %arg8[%dma_wait3A_136, %dma_wait3A_137] : memref<40x128xi32, #tpu.memory_space<vmem>> -> memref<1x128xi32, #tpu.memory_space<vmem>>
      %dma_wait3A_139 = tpu.memref_squeeze %dma_wait3A_138 : memref<1x128xi32, #tpu.memory_space<vmem>> -> memref<128xi32, #tpu.memory_space<vmem>>
      %dma_wait3A_140 = arith.constant 0 : i32
      %dma_wait3A_141 = arith.constant 0 : i32
      %dma_wait3A_142 = tpu.memref_slice %arg2[%dma_wait3A_140, %dma_wait3A_141] : memref<20000x128xf32, #tpu.memory_space<hbm>> -> memref<20000x128xf32, #tpu.memory_space<hbm>>
      tpu.wait_indirect_dma semaphore(%arg14 : memref<!tpu.dma_semaphore, #tpu.memory_space<semaphore_mem>>) src(%dma_wait3A_142 : memref<20000x128xf32, #tpu.memory_space<hbm>>) dst(%arg11 : memref<128x128xf32, #tpu.memory_space<vmem>>)
      %add3A_143 = arith.constant 1 : i32
      %add3A_144 = arith.addi %mul3A_116, %add3A_143 : i32
      "tpu.region"() ({
        %run_scoped3A_155 = tpu.sem_alloc : memref<!tpu.dma_semaphore, #tpu.memory_space<semaphore_mem>>
        %dma_start3A_156 = arith.constant 0 : i32
        %dma_start3A_157 = tpu.memref_slice %arg9[%add3A_144, %dma_start3A_156] : memref<40x128xi32, #tpu.memory_space<vmem>> -> memref<1x128xi32, #tpu.memory_space<vmem>>
        %dma_start3A_158 = tpu.memref_squeeze %dma_start3A_157 : memref<1x128xi32, #tpu.memory_space<vmem>> -> memref<128xi32, #tpu.memory_space<vmem>>
        %dma_start3A_159 = arith.constant 0 : i32
        %dma_start3A_160 = arith.constant 0 : i32
        %dma_start3A_161 = tpu.memref_slice %arg12[%dma_start3A_159, %dma_start3A_160] : memref<10112x128xf32, #tpu.memory_space<vmem_shared>> -> memref<10112x128xf32, #tpu.memory_space<vmem_shared>>
        tpu.enqueue_indirect_dma source(%arg11 : memref<128x128xf32, #tpu.memory_space<vmem>>) target(%dma_start3A_161 : memref<10112x128xf32, #tpu.memory_space<vmem_shared>>) offsets(%dma_start3A_158 : memref<128xi32, #tpu.memory_space<vmem>>) semaphore(%run_scoped3A_155 : memref<!tpu.dma_semaphore, #tpu.memory_space<semaphore_mem>>) {add = true}
        %dma_wait3A_162 = arith.constant 0 : i32
        %dma_wait3A_163 = tpu.memref_slice %arg9[%add3A_144, %dma_wait3A_162] : memref<40x128xi32, #tpu.memory_space<vmem>> -> memref<1x128xi32, #tpu.memory_space<vmem>>
        %dma_wait3A_164 = tpu.memref_squeeze %dma_wait3A_163 : memref<1x128xi32, #tpu.memory_space<vmem>> -> memref<128xi32, #tpu.memory_space<vmem>>
        %dma_wait3A_165 = arith.constant 0 : i32
        %dma_wait3A_166 = arith.constant 0 : i32
        %dma_wait3A_167 = tpu.memref_slice %arg12[%dma_wait3A_165, %dma_wait3A_166] : memref<10112x128xf32, #tpu.memory_space<vmem_shared>> -> memref<10112x128xf32, #tpu.memory_space<vmem_shared>>
        tpu.wait_indirect_dma semaphore(%run_scoped3A_155 : memref<!tpu.dma_semaphore, #tpu.memory_space<semaphore_mem>>) src(%arg11 : memref<128x128xf32, #tpu.memory_space<vmem>>) dst(%dma_wait3A_167 : memref<10112x128xf32, #tpu.memory_space<vmem_shared>>)
        tpu.yield
      }) : () -> ()
      %add3A_145 = arith.constant 2 : i32
      %add3A_146 = arith.addi %mul3A_116, %add3A_145 : i32
      %add3A_147 = arith.constant 1 : i32
      %add3A_148 = arith.addi %add3A_146, %add3A_147 : i32
      %dma_start3A_149 = arith.constant 0 : i32
      %dma_start3A_150 = tpu.memref_slice %arg8[%add3A_148, %dma_start3A_149] : memref<40x128xi32, #tpu.memory_space<vmem>> -> memref<1x128xi32, #tpu.memory_space<vmem>>
      %dma_start3A_151 = tpu.memref_squeeze %dma_start3A_150 : memref<1x128xi32, #tpu.memory_space<vmem>> -> memref<128xi32, #tpu.memory_space<vmem>>
      %dma_start3A_152 = arith.constant 0 : i32
      %dma_start3A_153 = arith.constant 0 : i32
      %dma_start3A_154 = tpu.memref_slice %arg2[%dma_start3A_152, %dma_start3A_153] : memref<20000x128xf32, #tpu.memory_space<hbm>> -> memref<20000x128xf32, #tpu.memory_space<hbm>>
      tpu.enqueue_indirect_dma source(%dma_start3A_154 : memref<20000x128xf32, #tpu.memory_space<hbm>>) target(%arg11 : memref<128x128xf32, #tpu.memory_space<vmem>>) offsets(%dma_start3A_151 : memref<128xi32, #tpu.memory_space<vmem>>) semaphore(%arg14 : memref<!tpu.dma_semaphore, #tpu.memory_space<semaphore_mem>>)
    }
    %scan3A_32 = arith.constant 19 : i32
    %dma_wait3A = arith.constant 0 : i32
    %dma_wait3A_33 = arith.constant 0 : i32
    %dma_wait3A_34 = tpu.memref_slice %arg8[%dma_wait3A, %dma_wait3A_33] : memref<40x128xi32, #tpu.memory_space<vmem>> -> memref<1x128xi32, #tpu.memory_space<vmem>>
    %dma_wait3A_35 = tpu.memref_squeeze %dma_wait3A_34 : memref<1x128xi32, #tpu.memory_space<vmem>> -> memref<128xi32, #tpu.memory_space<vmem>>
    %dma_wait3A_36 = arith.constant 0 : i32
    %dma_wait3A_37 = arith.constant 0 : i32
    %dma_wait3A_38 = tpu.memref_slice %arg2[%dma_wait3A_36, %dma_wait3A_37] : memref<20000x128xf32, #tpu.memory_space<hbm>> -> memref<20000x128xf32, #tpu.memory_space<hbm>>
    tpu.wait_indirect_dma semaphore(%arg13 : memref<!tpu.dma_semaphore, #tpu.memory_space<semaphore_mem>>) src(%dma_wait3A_38 : memref<20000x128xf32, #tpu.memory_space<hbm>>) dst(%arg10 : memref<128x128xf32, #tpu.memory_space<vmem>>)
    %run_scoped3A = arith.constant 38 : i32
    "tpu.region"() ({
      %run_scoped3A_114 = tpu.sem_alloc : memref<!tpu.dma_semaphore, #tpu.memory_space<semaphore_mem>>
      %dma_start3A_115 = arith.constant 0 : i32
      %dma_start3A_116 = tpu.memref_slice %arg9[%run_scoped3A, %dma_start3A_115] : memref<40x128xi32, #tpu.memory_space<vmem>> -> memref<1x128xi32, #tpu.memory_space<vmem>>
      %dma_start3A_117 = tpu.memref_squeeze %dma_start3A_116 : memref<1x128xi32, #tpu.memory_space<vmem>> -> memref<128xi32, #tpu.memory_space<vmem>>
      %dma_start3A_118 = arith.constant 0 : i32
      %dma_start3A_119 = arith.constant 0 : i32
      %dma_start3A_120 = tpu.memref_slice %arg12[%dma_start3A_118, %dma_start3A_119] : memref<10112x128xf32, #tpu.memory_space<vmem_shared>> -> memref<10112x128xf32, #tpu.memory_space<vmem_shared>>
      tpu.enqueue_indirect_dma source(%arg10 : memref<128x128xf32, #tpu.memory_space<vmem>>) target(%dma_start3A_120 : memref<10112x128xf32, #tpu.memory_space<vmem_shared>>) offsets(%dma_start3A_117 : memref<128xi32, #tpu.memory_space<vmem>>) semaphore(%run_scoped3A_114 : memref<!tpu.dma_semaphore, #tpu.memory_space<semaphore_mem>>) {add = true}
      %dma_wait3A_121 = arith.constant 0 : i32
      %dma_wait3A_122 = tpu.memref_slice %arg9[%run_scoped3A, %dma_wait3A_121] : memref<40x128xi32, #tpu.memory_space<vmem>> -> memref<1x128xi32, #tpu.memory_space<vmem>>
      %dma_wait3A_123 = tpu.memref_squeeze %dma_wait3A_122 : memref<1x128xi32, #tpu.memory_space<vmem>> -> memref<128xi32, #tpu.memory_space<vmem>>
      %dma_wait3A_124 = arith.constant 0 : i32
      %dma_wait3A_125 = arith.constant 0 : i32
      %dma_wait3A_126 = tpu.memref_slice %arg12[%dma_wait3A_124, %dma_wait3A_125] : memref<10112x128xf32, #tpu.memory_space<vmem_shared>> -> memref<10112x128xf32, #tpu.memory_space<vmem_shared>>
      tpu.wait_indirect_dma semaphore(%run_scoped3A_114 : memref<!tpu.dma_semaphore, #tpu.memory_space<semaphore_mem>>) src(%arg10 : memref<128x128xf32, #tpu.memory_space<vmem>>) dst(%dma_wait3A_126 : memref<10112x128xf32, #tpu.memory_space<vmem_shared>>)
      tpu.yield
    }) : () -> ()
    %dma_wait3A_39 = arith.constant 0 : i32
    %dma_wait3A_40 = arith.constant 0 : i32
    %dma_wait3A_41 = tpu.memref_slice %arg8[%dma_wait3A_39, %dma_wait3A_40] : memref<40x128xi32, #tpu.memory_space<vmem>> -> memref<1x128xi32, #tpu.memory_space<vmem>>
    %dma_wait3A_42 = tpu.memref_squeeze %dma_wait3A_41 : memref<1x128xi32, #tpu.memory_space<vmem>> -> memref<128xi32, #tpu.memory_space<vmem>>
    %dma_wait3A_43 = arith.constant 0 : i32
    %dma_wait3A_44 = arith.constant 0 : i32
    %dma_wait3A_45 = tpu.memref_slice %arg2[%dma_wait3A_43, %dma_wait3A_44] : memref<20000x128xf32, #tpu.memory_space<hbm>> -> memref<20000x128xf32, #tpu.memory_space<hbm>>
    tpu.wait_indirect_dma semaphore(%arg14 : memref<!tpu.dma_semaphore, #tpu.memory_space<semaphore_mem>>) src(%dma_wait3A_45 : memref<20000x128xf32, #tpu.memory_space<hbm>>) dst(%arg11 : memref<128x128xf32, #tpu.memory_space<vmem>>)
    %run_scoped3A_46 = arith.constant 39 : i32
    "tpu.region"() ({
      %run_scoped3A_114 = tpu.sem_alloc : memref<!tpu.dma_semaphore, #tpu.memory_space<semaphore_mem>>
      %dma_start3A_115 = arith.constant 0 : i32
      %dma_start3A_116 = tpu.memref_slice %arg9[%run_scoped3A_46, %dma_start3A_115] : memref<40x128xi32, #tpu.memory_space<vmem>> -> memref<1x128xi32, #tpu.memory_space<vmem>>
      %dma_start3A_117 = tpu.memref_squeeze %dma_start3A_116 : memref<1x128xi32, #tpu.memory_space<vmem>> -> memref<128xi32, #tpu.memory_space<vmem>>
      %dma_start3A_118 = arith.constant 0 : i32
      %dma_start3A_119 = arith.constant 0 : i32
      %dma_start3A_120 = tpu.memref_slice %arg12[%dma_start3A_118, %dma_start3A_119] : memref<10112x128xf32, #tpu.memory_space<vmem_shared>> -> memref<10112x128xf32, #tpu.memory_space<vmem_shared>>
      tpu.enqueue_indirect_dma source(%arg11 : memref<128x128xf32, #tpu.memory_space<vmem>>) target(%dma_start3A_120 : memref<10112x128xf32, #tpu.memory_space<vmem_shared>>) offsets(%dma_start3A_117 : memref<128xi32, #tpu.memory_space<vmem>>) semaphore(%run_scoped3A_114 : memref<!tpu.dma_semaphore, #tpu.memory_space<semaphore_mem>>) {add = true}
      %dma_wait3A_121 = arith.constant 0 : i32
      %dma_wait3A_122 = tpu.memref_slice %arg9[%run_scoped3A_46, %dma_wait3A_121] : memref<40x128xi32, #tpu.memory_space<vmem>> -> memref<1x128xi32, #tpu.memory_space<vmem>>
      %dma_wait3A_123 = tpu.memref_squeeze %dma_wait3A_122 : memref<1x128xi32, #tpu.memory_space<vmem>> -> memref<128xi32, #tpu.memory_space<vmem>>
      %dma_wait3A_124 = arith.constant 0 : i32
      %dma_wait3A_125 = arith.constant 0 : i32
      %dma_wait3A_126 = tpu.memref_slice %arg12[%dma_wait3A_124, %dma_wait3A_125] : memref<10112x128xf32, #tpu.memory_space<vmem_shared>> -> memref<10112x128xf32, #tpu.memory_space<vmem_shared>>
      tpu.wait_indirect_dma semaphore(%run_scoped3A_114 : memref<!tpu.dma_semaphore, #tpu.memory_space<semaphore_mem>>) src(%arg11 : memref<128x128xf32, #tpu.memory_space<vmem>>) dst(%dma_wait3A_126 : memref<10112x128xf32, #tpu.memory_space<vmem_shared>>)
      tpu.yield
    }) : () -> ()
    %multiple_of3A_47 = arith.constant 40 : i32
    %multiple_of3A_48 = tpu.assume_multiple %multiple_of3A_47, 8 : i32
    "tpu.region"() ({
      %run_scoped3A_114 = tpu.sem_alloc : memref<!tpu.dma_semaphore, #tpu.memory_space<semaphore_mem>>
      %dma_start3A_115 = arith.constant 0 : i32
      %dma_start3A_116 = tpu.memref_slice %arg3[%arg1, %multiple_of3A_48, %dma_start3A_115] : memref<16x80x128xi32, #tpu.memory_space<hbm>> -> memref<1x40x128xi32, #tpu.memory_space<hbm>>
      %dma_start3A_117 = tpu.memref_squeeze %dma_start3A_116 : memref<1x40x128xi32, #tpu.memory_space<hbm>> -> memref<40x128xi32, #tpu.memory_space<hbm>>
      %dma_start3A_118 = arith.constant 0 : i32
      %dma_start3A_119 = tpu.memref_slice %arg3[%arg1, %multiple_of3A_48, %dma_start3A_118] : memref<16x80x128xi32, #tpu.memory_space<hbm>> -> memref<1x40x128xi32, #tpu.memory_space<hbm>>
      %dma_start3A_120 = tpu.memref_squeeze %dma_start3A_119 : memref<1x40x128xi32, #tpu.memory_space<hbm>> -> memref<40x128xi32, #tpu.memory_space<hbm>>
      tpu.enqueue_dma source(%dma_start3A_120 : memref<40x128xi32, #tpu.memory_space<hbm>>) target(%arg8 : memref<40x128xi32, #tpu.memory_space<vmem>>) target_semaphore(%run_scoped3A_114 : memref<!tpu.dma_semaphore, #tpu.memory_space<semaphore_mem>>)
      %dma_wait3A_121 = arith.constant 0 : i32
      %dma_wait3A_122 = tpu.memref_slice %arg3[%arg1, %multiple_of3A_48, %dma_wait3A_121] : memref<16x80x128xi32, #tpu.memory_space<hbm>> -> memref<1x40x128xi32, #tpu.memory_space<hbm>>
      %dma_wait3A_123 = tpu.memref_squeeze %dma_wait3A_122 : memref<1x40x128xi32, #tpu.memory_space<hbm>> -> memref<40x128xi32, #tpu.memory_space<hbm>>
      %dma_wait3A_124 = arith.constant 0 : i32
      %dma_wait3A_125 = tpu.memref_slice %arg3[%arg1, %multiple_of3A_48, %dma_wait3A_124] : memref<16x80x128xi32, #tpu.memory_space<hbm>> -> memref<1x40x128xi32, #tpu.memory_space<hbm>>
      %dma_wait3A_126 = tpu.memref_squeeze %dma_wait3A_125 : memref<1x40x128xi32, #tpu.memory_space<hbm>> -> memref<40x128xi32, #tpu.memory_space<hbm>>
      tpu.wait_dma2 semaphore(%run_scoped3A_114 : memref<!tpu.dma_semaphore, #tpu.memory_space<semaphore_mem>>) src(%dma_wait3A_126 : memref<40x128xi32, #tpu.memory_space<hbm>>) dst(%arg8 : memref<40x128xi32, #tpu.memory_space<vmem>>)
      tpu.yield
    }) : () -> ()
    "tpu.region"() ({
      %run_scoped3A_114 = tpu.sem_alloc : memref<!tpu.dma_semaphore, #tpu.memory_space<semaphore_mem>>
      %dma_start3A_115 = arith.constant 0 : i32
      %dma_start3A_116 = tpu.memref_slice %arg4[%arg1, %multiple_of3A_48, %dma_start3A_115] : memref<16x80x128xi32, #tpu.memory_space<hbm>> -> memref<1x40x128xi32, #tpu.memory_space<hbm>>
      %dma_start3A_117 = tpu.memref_squeeze %dma_start3A_116 : memref<1x40x128xi32, #tpu.memory_space<hbm>> -> memref<40x128xi32, #tpu.memory_space<hbm>>
      %dma_start3A_118 = arith.constant 0 : i32
      %dma_start3A_119 = tpu.memref_slice %arg4[%arg1, %multiple_of3A_48, %dma_start3A_118] : memref<16x80x128xi32, #tpu.memory_space<hbm>> -> memref<1x40x128xi32, #tpu.memory_space<hbm>>
      %dma_start3A_120 = tpu.memref_squeeze %dma_start3A_119 : memref<1x40x128xi32, #tpu.memory_space<hbm>> -> memref<40x128xi32, #tpu.memory_space<hbm>>
      tpu.enqueue_dma source(%dma_start3A_120 : memref<40x128xi32, #tpu.memory_space<hbm>>) target(%arg9 : memref<40x128xi32, #tpu.memory_space<vmem>>) target_semaphore(%run_scoped3A_114 : memref<!tpu.dma_semaphore, #tpu.memory_space<semaphore_mem>>)
      %dma_wait3A_121 = arith.constant 0 : i32
      %dma_wait3A_122 = tpu.memref_slice %arg4[%arg1, %multiple_of3A_48, %dma_wait3A_121] : memref<16x80x128xi32, #tpu.memory_space<hbm>> -> memref<1x40x128xi32, #tpu.memory_space<hbm>>
      %dma_wait3A_123 = tpu.memref_squeeze %dma_wait3A_122 : memref<1x40x128xi32, #tpu.memory_space<hbm>> -> memref<40x128xi32, #tpu.memory_space<hbm>>
      %dma_wait3A_124 = arith.constant 0 : i32
      %dma_wait3A_125 = tpu.memref_slice %arg4[%arg1, %multiple_of3A_48, %dma_wait3A_124] : memref<16x80x128xi32, #tpu.memory_space<hbm>> -> memref<1x40x128xi32, #tpu.memory_space<hbm>>
      %dma_wait3A_126 = tpu.memref_squeeze %dma_wait3A_125 : memref<1x40x128xi32, #tpu.memory_space<hbm>> -> memref<40x128xi32, #tpu.memory_space<hbm>>
      tpu.wait_dma2 semaphore(%run_scoped3A_114 : memref<!tpu.dma_semaphore, #tpu.memory_space<semaphore_mem>>) src(%dma_wait3A_126 : memref<40x128xi32, #tpu.memory_space<hbm>>) dst(%arg9 : memref<40x128xi32, #tpu.memory_space<vmem>>)
      tpu.yield
    }) : () -> ()
    %scan3A_49 = arith.constant 0 : i32
    %scan3A_50 = arith.constant 0 : i32
    %scan3A_51 = arith.constant 40 : i32
    %scan3A_52 = arith.addi %scan3A_50, %scan3A_51 : i32
    %scan3A_53 = arith.constant 1 : i32
    scf.for %scan3A_114 = %scan3A_50 to %scan3A_52 step %scan3A_53  : i32 {
      %get3A = arith.index_cast %scan3A_114 : i32 to index
      %get3A_115 = arith.constant 0 : index
      %get3A_116 = tpu.vector_load %arg8[%get3A, %get3A_115] {strides = array<i32>} : memref<40x128xi32, #tpu.memory_space<vmem>>, vector<1x16xi32>,
      %get3A_117 = vector.shape_cast %get3A_116 : vector<1x16xi32> to vector<16xi32>
      %mul3A_118 = arith.constant 2 : i32
      %mul3A_119 = vector.broadcast %mul3A_118 : i32 to vector<16xi32>
      %mul3A_120 = arith.muli %get3A_117, %mul3A_119 : vector<16xi32>
      %add3A_121 = vector.broadcast %add3A_3 : i32 to vector<16xi32>
      %add3A_122 = arith.addi %mul3A_120, %add3A_121 : vector<16xi32>
      %swap3A = arith.index_cast %scan3A_114 : i32 to index
      %swap3A_123 = arith.constant 0 : index
      %swap3A_124 = tpu.vector_load %arg8[%swap3A, %swap3A_123] {strides = array<i32>} : memref<40x128xi32, #tpu.memory_space<vmem>>, vector<1x16xi32>,
      %swap3A_125 = vector.shape_cast %swap3A_124 : vector<1x16xi32> to vector<16xi32>
      %swap3A_126 = vector.shape_cast %add3A_122 : vector<16xi32> to vector<1x16xi32>
      tpu.vector_store %arg8[%swap3A, %swap3A_123], %swap3A_126 {strides = array<i32>} : memref<40x128xi32, #tpu.memory_space<vmem>>, vector<1x16xi32>,
      %get3A_127 = arith.index_cast %scan3A_114 : i32 to index
      %get3A_128 = arith.constant 16 : index
      %get3A_129 = tpu.vector_load %arg8[%get3A_127, %get3A_128] {strides = array<i32>} : memref<40x128xi32, #tpu.memory_space<vmem>>, vector<1x16xi32>,
      %get3A_130 = vector.shape_cast %get3A_129 : vector<1x16xi32> to vector<16xi32>
      %mul3A_131 = arith.constant 2 : i32
      %mul3A_132 = vector.broadcast %mul3A_131 : i32 to vector<16xi32>
      %mul3A_133 = arith.muli %get3A_130, %mul3A_132 : vector<16xi32>
      %add3A_134 = vector.broadcast %add3A_3 : i32 to vector<16xi32>
      %add3A_135 = arith.addi %mul3A_133, %add3A_134 : vector<16xi32>
      %swap3A_136 = arith.index_cast %scan3A_114 : i32 to index
      %swap3A_137 = arith.constant 16 : index
      %swap3A_138 = tpu.vector_load %arg8[%swap3A_136, %swap3A_137] {strides = array<i32>} : memref<40x128xi32, #tpu.memory_space<vmem>>, vector<1x16xi32>,
      %swap3A_139 = vector.shape_cast %swap3A_138 : vector<1x16xi32> to vector<16xi32>
      %swap3A_140 = vector.shape_cast %add3A_135 : vector<16xi32> to vector<1x16xi32>
      tpu.vector_store %arg8[%swap3A_136, %swap3A_137], %swap3A_140 {strides = array<i32>} : memref<40x128xi32, #tpu.memory_space<vmem>>, vector<1x16xi32>,
      %get3A_141 = arith.index_cast %scan3A_114 : i32 to index
      %get3A_142 = arith.constant 32 : index
      %get3A_143 = tpu.vector_load %arg8[%get3A_141, %get3A_142] {strides = array<i32>} : memref<40x128xi32, #tpu.memory_space<vmem>>, vector<1x16xi32>,
      %get3A_144 = vector.shape_cast %get3A_143 : vector<1x16xi32> to vector<16xi32>
      %mul3A_145 = arith.constant 2 : i32
      %mul3A_146 = vector.broadcast %mul3A_145 : i32 to vector<16xi32>
      %mul3A_147 = arith.muli %get3A_144, %mul3A_146 : vector<16xi32>
      %add3A_148 = vector.broadcast %add3A_3 : i32 to vector<16xi32>
      %add3A_149 = arith.addi %mul3A_147, %add3A_148 : vector<16xi32>
      %swap3A_150 = arith.index_cast %scan3A_114 : i32 to index
      %swap3A_151 = arith.constant 32 : index
      %swap3A_152 = tpu.vector_load %arg8[%swap3A_150, %swap3A_151] {strides = array<i32>} : memref<40x128xi32, #tpu.memory_space<vmem>>, vector<1x16xi32>,
      %swap3A_153 = vector.shape_cast %swap3A_152 : vector<1x16xi32> to vector<16xi32>
      %swap3A_154 = vector.shape_cast %add3A_149 : vector<16xi32> to vector<1x16xi32>
      tpu.vector_store %arg8[%swap3A_150, %swap3A_151], %swap3A_154 {strides = array<i32>} : memref<40x128xi32, #tpu.memory_space<vmem>>, vector<1x16xi32>,
      %get3A_155 = arith.index_cast %scan3A_114 : i32 to index
      %get3A_156 = arith.constant 48 : index
      %get3A_157 = tpu.vector_load %arg8[%get3A_155, %get3A_156] {strides = array<i32>} : memref<40x128xi32, #tpu.memory_space<vmem>>, vector<1x16xi32>,
      %get3A_158 = vector.shape_cast %get3A_157 : vector<1x16xi32> to vector<16xi32>
      %mul3A_159 = arith.constant 2 : i32
      %mul3A_160 = vector.broadcast %mul3A_159 : i32 to vector<16xi32>
      %mul3A_161 = arith.muli %get3A_158, %mul3A_160 : vector<16xi32>
      %add3A_162 = vector.broadcast %add3A_3 : i32 to vector<16xi32>
      %add3A_163 = arith.addi %mul3A_161, %add3A_162 : vector<16xi32>
      %swap3A_164 = arith.index_cast %scan3A_114 : i32 to index
      %swap3A_165 = arith.constant 48 : index
      %swap3A_166 = tpu.vector_load %arg8[%swap3A_164, %swap3A_165] {strides = array<i32>} : memref<40x128xi32, #tpu.memory_space<vmem>>, vector<1x16xi32>,
      %swap3A_167 = vector.shape_cast %swap3A_166 : vector<1x16xi32> to vector<16xi32>
      %swap3A_168 = vector.shape_cast %add3A_163 : vector<16xi32> to vector<1x16xi32>
      tpu.vector_store %arg8[%swap3A_164, %swap3A_165], %swap3A_168 {strides = array<i32>} : memref<40x128xi32, #tpu.memory_space<vmem>>, vector<1x16xi32>,
      %get3A_169 = arith.index_cast %scan3A_114 : i32 to index
      %get3A_170 = arith.constant 64 : index
      %get3A_171 = tpu.vector_load %arg8[%get3A_169, %get3A_170] {strides = array<i32>} : memref<40x128xi32, #tpu.memory_space<vmem>>, vector<1x16xi32>,
      %get3A_172 = vector.shape_cast %get3A_171 : vector<1x16xi32> to vector<16xi32>
      %mul3A_173 = arith.constant 2 : i32
      %mul3A_174 = vector.broadcast %mul3A_173 : i32 to vector<16xi32>
      %mul3A_175 = arith.muli %get3A_172, %mul3A_174 : vector<16xi32>
      %add3A_176 = vector.broadcast %add3A_3 : i32 to vector<16xi32>
      %add3A_177 = arith.addi %mul3A_175, %add3A_176 : vector<16xi32>
      %swap3A_178 = arith.index_cast %scan3A_114 : i32 to index
      %swap3A_179 = arith.constant 64 : index
      %swap3A_180 = tpu.vector_load %arg8[%swap3A_178, %swap3A_179] {strides = array<i32>} : memref<40x128xi32, #tpu.memory_space<vmem>>, vector<1x16xi32>,
      %swap3A_181 = vector.shape_cast %swap3A_180 : vector<1x16xi32> to vector<16xi32>
      %swap3A_182 = vector.shape_cast %add3A_177 : vector<16xi32> to vector<1x16xi32>
      tpu.vector_store %arg8[%swap3A_178, %swap3A_179], %swap3A_182 {strides = array<i32>} : memref<40x128xi32, #tpu.memory_space<vmem>>, vector<1x16xi32>,
      %get3A_183 = arith.index_cast %scan3A_114 : i32 to index
      %get3A_184 = arith.constant 80 : index
      %get3A_185 = tpu.vector_load %arg8[%get3A_183, %get3A_184] {strides = array<i32>} : memref<40x128xi32, #tpu.memory_space<vmem>>, vector<1x16xi32>,
      %get3A_186 = vector.shape_cast %get3A_185 : vector<1x16xi32> to vector<16xi32>
      %mul3A_187 = arith.constant 2 : i32
      %mul3A_188 = vector.broadcast %mul3A_187 : i32 to vector<16xi32>
      %mul3A_189 = arith.muli %get3A_186, %mul3A_188 : vector<16xi32>
      %add3A_190 = vector.broadcast %add3A_3 : i32 to vector<16xi32>
      %add3A_191 = arith.addi %mul3A_189, %add3A_190 : vector<16xi32>
      %swap3A_192 = arith.index_cast %scan3A_114 : i32 to index
      %swap3A_193 = arith.constant 80 : index
      %swap3A_194 = tpu.vector_load %arg8[%swap3A_192, %swap3A_193] {strides = array<i32>} : memref<40x128xi32, #tpu.memory_space<vmem>>, vector<1x16xi32>,
      %swap3A_195 = vector.shape_cast %swap3A_194 : vector<1x16xi32> to vector<16xi32>
      %swap3A_196 = vector.shape_cast %add3A_191 : vector<16xi32> to vector<1x16xi32>
      tpu.vector_store %arg8[%swap3A_192, %swap3A_193], %swap3A_196 {strides = array<i32>} : memref<40x128xi32, #tpu.memory_space<vmem>>, vector<1x16xi32>,
      %get3A_197 = arith.index_cast %scan3A_114 : i32 to index
      %get3A_198 = arith.constant 96 : index
      %get3A_199 = tpu.vector_load %arg8[%get3A_197, %get3A_198] {strides = array<i32>} : memref<40x128xi32, #tpu.memory_space<vmem>>, vector<1x16xi32>,
      %get3A_200 = vector.shape_cast %get3A_199 : vector<1x16xi32> to vector<16xi32>
      %mul3A_201 = arith.constant 2 : i32
      %mul3A_202 = vector.broadcast %mul3A_201 : i32 to vector<16xi32>
      %mul3A_203 = arith.muli %get3A_200, %mul3A_202 : vector<16xi32>
      %add3A_204 = vector.broadcast %add3A_3 : i32 to vector<16xi32>
      %add3A_205 = arith.addi %mul3A_203, %add3A_204 : vector<16xi32>
      %swap3A_206 = arith.index_cast %scan3A_114 : i32 to index
      %swap3A_207 = arith.constant 96 : index
      %swap3A_208 = tpu.vector_load %arg8[%swap3A_206, %swap3A_207] {strides = array<i32>} : memref<40x128xi32, #tpu.memory_space<vmem>>, vector<1x16xi32>,
      %swap3A_209 = vector.shape_cast %swap3A_208 : vector<1x16xi32> to vector<16xi32>
      %swap3A_210 = vector.shape_cast %add3A_205 : vector<16xi32> to vector<1x16xi32>
      tpu.vector_store %arg8[%swap3A_206, %swap3A_207], %swap3A_210 {strides = array<i32>} : memref<40x128xi32, #tpu.memory_space<vmem>>, vector<1x16xi32>,
      %get3A_211 = arith.index_cast %scan3A_114 : i32 to index
      %get3A_212 = arith.constant 112 : index
      %get3A_213 = tpu.vector_load %arg8[%get3A_211, %get3A_212] {strides = array<i32>} : memref<40x128xi32, #tpu.memory_space<vmem>>, vector<1x16xi32>,
      %get3A_214 = vector.shape_cast %get3A_213 : vector<1x16xi32> to vector<16xi32>
      %mul3A_215 = arith.constant 2 : i32
      %mul3A_216 = vector.broadcast %mul3A_215 : i32 to vector<16xi32>
      %mul3A_217 = arith.muli %get3A_214, %mul3A_216 : vector<16xi32>
      %add3A_218 = vector.broadcast %add3A_3 : i32 to vector<16xi32>
      %add3A_219 = arith.addi %mul3A_217, %add3A_218 : vector<16xi32>
      %swap3A_220 = arith.index_cast %scan3A_114 : i32 to index
      %swap3A_221 = arith.constant 112 : index
      %swap3A_222 = tpu.vector_load %arg8[%swap3A_220, %swap3A_221] {strides = array<i32>} : memref<40x128xi32, #tpu.memory_space<vmem>>, vector<1x16xi32>,
      %swap3A_223 = vector.shape_cast %swap3A_222 : vector<1x16xi32> to vector<16xi32>
      %swap3A_224 = vector.shape_cast %add3A_219 : vector<16xi32> to vector<1x16xi32>
      tpu.vector_store %arg8[%swap3A_220, %swap3A_221], %swap3A_224 {strides = array<i32>} : memref<40x128xi32, #tpu.memory_space<vmem>>, vector<1x16xi32>,
    }
    %scan3A_54 = arith.constant 40 : i32
    %dma_start3A_55 = arith.constant 0 : i32
    %dma_start3A_56 = arith.constant 0 : i32
    %dma_start3A_57 = tpu.memref_slice %arg8[%dma_start3A_55, %dma_start3A_56] : memref<40x128xi32, #tpu.memory_space<vmem>> -> memref<1x128xi32, #tpu.memory_space<vmem>>
    %dma_start3A_58 = tpu.memref_squeeze %dma_start3A_57 : memref<1x128xi32, #tpu.memory_space<vmem>> -> memref<128xi32, #tpu.memory_space<vmem>>
    %dma_start3A_59 = arith.constant 0 : i32
    %dma_start3A_60 = arith.constant 0 : i32
    %dma_start3A_61 = tpu.memref_slice %arg2[%dma_start3A_59, %dma_start3A_60] : memref<20000x128xf32, #tpu.memory_space<hbm>> -> memref<20000x128xf32, #tpu.memory_space<hbm>>
    tpu.enqueue_indirect_dma source(%dma_start3A_61 : memref<20000x128xf32, #tpu.memory_space<hbm>>) target(%arg10 : memref<128x128xf32, #tpu.memory_space<vmem>>) offsets(%dma_start3A_58 : memref<128xi32, #tpu.memory_space<vmem>>) semaphore(%arg13 : memref<!tpu.dma_semaphore, #tpu.memory_space<semaphore_mem>>)
    %dma_start3A_62 = arith.constant 1 : i32
    %dma_start3A_63 = arith.constant 0 : i32
    %dma_start3A_64 = tpu.memref_slice %arg8[%dma_start3A_62, %dma_start3A_63] : memref<40x128xi32, #tpu.memory_space<vmem>> -> memref<1x128xi32, #tpu.memory_space<vmem>>
    %dma_start3A_65 = tpu.memref_squeeze %dma_start3A_64 : memref<1x128xi32, #tpu.memory_space<vmem>> -> memref<128xi32, #tpu.memory_space<vmem>>
    %dma_start3A_66 = arith.constant 0 : i32
    %dma_start3A_67 = arith.constant 0 : i32
    %dma_start3A_68 = tpu.memref_slice %arg2[%dma_start3A_66, %dma_start3A_67] : memref<20000x128xf32, #tpu.memory_space<hbm>> -> memref<20000x128xf32, #tpu.memory_space<hbm>>
    tpu.enqueue_indirect_dma source(%dma_start3A_68 : memref<20000x128xf32, #tpu.memory_space<hbm>>) target(%arg11 : memref<128x128xf32, #tpu.memory_space<vmem>>) offsets(%dma_start3A_65 : memref<128xi32, #tpu.memory_space<vmem>>) semaphore(%arg14 : memref<!tpu.dma_semaphore, #tpu.memory_space<semaphore_mem>>)
    %scan3A_69 = arith.constant 0 : i32
    %scan3A_70 = arith.constant 0 : i32
    %scan3A_71 = arith.constant 19 : i32
    %scan3A_72 = arith.addi %scan3A_70, %scan3A_71 : i32
    %scan3A_73 = arith.constant 1 : i32
    scf.for %scan3A_114 = %scan3A_70 to %scan3A_72 step %scan3A_73  : i32 {
      %mul3A_115 = arith.constant 2 : i32
      %mul3A_116 = arith.muli %scan3A_114, %mul3A_115 : i32
      %dma_wait3A_117 = arith.constant 0 : i32
      %dma_wait3A_118 = arith.constant 0 : i32
      %dma_wait3A_119 = tpu.memref_slice %arg8[%dma_wait3A_117, %dma_wait3A_118] : memref<40x128xi32, #tpu.memory_space<vmem>> -> memref<1x128xi32, #tpu.memory_space<vmem>>
      %dma_wait3A_120 = tpu.memref_squeeze %dma_wait3A_119 : memref<1x128xi32, #tpu.memory_space<vmem>> -> memref<128xi32, #tpu.memory_space<vmem>>
      %dma_wait3A_121 = arith.constant 0 : i32
      %dma_wait3A_122 = arith.constant 0 : i32
      %dma_wait3A_123 = tpu.memref_slice %arg2[%dma_wait3A_121, %dma_wait3A_122] : memref<20000x128xf32, #tpu.memory_space<hbm>> -> memref<20000x128xf32, #tpu.memory_space<hbm>>
      tpu.wait_indirect_dma semaphore(%arg13 : memref<!tpu.dma_semaphore, #tpu.memory_space<semaphore_mem>>) src(%dma_wait3A_123 : memref<20000x128xf32, #tpu.memory_space<hbm>>) dst(%arg10 : memref<128x128xf32, #tpu.memory_space<vmem>>)
      %add3A_124 = arith.constant 0 : i32
      %add3A_125 = arith.addi %mul3A_116, %add3A_124 : i32
      "tpu.region"() ({
        %run_scoped3A_155 = tpu.sem_alloc : memref<!tpu.dma_semaphore, #tpu.memory_space<semaphore_mem>>
        %dma_start3A_156 = arith.constant 0 : i32
        %dma_start3A_157 = tpu.memref_slice %arg9[%add3A_125, %dma_start3A_156] : memref<40x128xi32, #tpu.memory_space<vmem>> -> memref<1x128xi32, #tpu.memory_space<vmem>>
        %dma_start3A_158 = tpu.memref_squeeze %dma_start3A_157 : memref<1x128xi32, #tpu.memory_space<vmem>> -> memref<128xi32, #tpu.memory_space<vmem>>
        %dma_start3A_159 = arith.constant 0 : i32
        %dma_start3A_160 = arith.constant 0 : i32
        %dma_start3A_161 = tpu.memref_slice %arg12[%dma_start3A_159, %dma_start3A_160] : memref<10112x128xf32, #tpu.memory_space<vmem_shared>> -> memref<10112x128xf32, #tpu.memory_space<vmem_shared>>
        tpu.enqueue_indirect_dma source(%arg10 : memref<128x128xf32, #tpu.memory_space<vmem>>) target(%dma_start3A_161 : memref<10112x128xf32, #tpu.memory_space<vmem_shared>>) offsets(%dma_start3A_158 : memref<128xi32, #tpu.memory_space<vmem>>) semaphore(%run_scoped3A_155 : memref<!tpu.dma_semaphore, #tpu.memory_space<semaphore_mem>>) {add = true}
        %dma_wait3A_162 = arith.constant 0 : i32
        %dma_wait3A_163 = tpu.memref_slice %arg9[%add3A_125, %dma_wait3A_162] : memref<40x128xi32, #tpu.memory_space<vmem>> -> memref<1x128xi32, #tpu.memory_space<vmem>>
        %dma_wait3A_164 = tpu.memref_squeeze %dma_wait3A_163 : memref<1x128xi32, #tpu.memory_space<vmem>> -> memref<128xi32, #tpu.memory_space<vmem>>
        %dma_wait3A_165 = arith.constant 0 : i32
        %dma_wait3A_166 = arith.constant 0 : i32
        %dma_wait3A_167 = tpu.memref_slice %arg12[%dma_wait3A_165, %dma_wait3A_166] : memref<10112x128xf32, #tpu.memory_space<vmem_shared>> -> memref<10112x128xf32, #tpu.memory_space<vmem_shared>>
        tpu.wait_indirect_dma semaphore(%run_scoped3A_155 : memref<!tpu.dma_semaphore, #tpu.memory_space<semaphore_mem>>) src(%arg10 : memref<128x128xf32, #tpu.memory_space<vmem>>) dst(%dma_wait3A_167 : memref<10112x128xf32, #tpu.memory_space<vmem_shared>>)
        tpu.yield
      }) : () -> ()
      %add3A_126 = arith.constant 2 : i32
      %add3A_127 = arith.addi %mul3A_116, %add3A_126 : i32
      %add3A_128 = arith.constant 0 : i32
      %add3A_129 = arith.addi %add3A_127, %add3A_128 : i32
      %dma_start3A_130 = arith.constant 0 : i32
      %dma_start3A_131 = tpu.memref_slice %arg8[%add3A_129, %dma_start3A_130] : memref<40x128xi32, #tpu.memory_space<vmem>> -> memref<1x128xi32, #tpu.memory_space<vmem>>
      %dma_start3A_132 = tpu.memref_squeeze %dma_start3A_131 : memref<1x128xi32, #tpu.memory_space<vmem>> -> memref<128xi32, #tpu.memory_space<vmem>>
      %dma_start3A_133 = arith.constant 0 : i32
      %dma_start3A_134 = arith.constant 0 : i32
      %dma_start3A_135 = tpu.memref_slice %arg2[%dma_start3A_133, %dma_start3A_134] : memref<20000x128xf32, #tpu.memory_space<hbm>> -> memref<20000x128xf32, #tpu.memory_space<hbm>>
      tpu.enqueue_indirect_dma source(%dma_start3A_135 : memref<20000x128xf32, #tpu.memory_space<hbm>>) target(%arg10 : memref<128x128xf32, #tpu.memory_space<vmem>>) offsets(%dma_start3A_132 : memref<128xi32, #tpu.memory_space<vmem>>) semaphore(%arg13 : memref<!tpu.dma_semaphore, #tpu.memory_space<semaphore_mem>>)
      %dma_wait3A_136 = arith.constant 0 : i32
      %dma_wait3A_137 = arith.constant 0 : i32
      %dma_wait3A_138 = tpu.memref_slice %arg8[%dma_wait3A_136, %dma_wait3A_137] : memref<40x128xi32, #tpu.memory_space<vmem>> -> memref<1x128xi32, #tpu.memory_space<vmem>>
      %dma_wait3A_139 = tpu.memref_squeeze %dma_wait3A_138 : memref<1x128xi32, #tpu.memory_space<vmem>> -> memref<128xi32, #tpu.memory_space<vmem>>
      %dma_wait3A_140 = arith.constant 0 : i32
      %dma_wait3A_141 = arith.constant 0 : i32
      %dma_wait3A_142 = tpu.memref_slice %arg2[%dma_wait3A_140, %dma_wait3A_141] : memref<20000x128xf32, #tpu.memory_space<hbm>> -> memref<20000x128xf32, #tpu.memory_space<hbm>>
      tpu.wait_indirect_dma semaphore(%arg14 : memref<!tpu.dma_semaphore, #tpu.memory_space<semaphore_mem>>) src(%dma_wait3A_142 : memref<20000x128xf32, #tpu.memory_space<hbm>>) dst(%arg11 : memref<128x128xf32, #tpu.memory_space<vmem>>)
      %add3A_143 = arith.constant 1 : i32
      %add3A_144 = arith.addi %mul3A_116, %add3A_143 : i32
      "tpu.region"() ({
        %run_scoped3A_155 = tpu.sem_alloc : memref<!tpu.dma_semaphore, #tpu.memory_space<semaphore_mem>>
        %dma_start3A_156 = arith.constant 0 : i32
        %dma_start3A_157 = tpu.memref_slice %arg9[%add3A_144, %dma_start3A_156] : memref<40x128xi32, #tpu.memory_space<vmem>> -> memref<1x128xi32, #tpu.memory_space<vmem>>
        %dma_start3A_158 = tpu.memref_squeeze %dma_start3A_157 : memref<1x128xi32, #tpu.memory_space<vmem>> -> memref<128xi32, #tpu.memory_space<vmem>>
        %dma_start3A_159 = arith.constant 0 : i32
        %dma_start3A_160 = arith.constant 0 : i32
        %dma_start3A_161 = tpu.memref_slice %arg12[%dma_start3A_159, %dma_start3A_160] : memref<10112x128xf32, #tpu.memory_space<vmem_shared>> -> memref<10112x128xf32, #tpu.memory_space<vmem_shared>>
        tpu.enqueue_indirect_dma source(%arg11 : memref<128x128xf32, #tpu.memory_space<vmem>>) target(%dma_start3A_161 : memref<10112x128xf32, #tpu.memory_space<vmem_shared>>) offsets(%dma_start3A_158 : memref<128xi32, #tpu.memory_space<vmem>>) semaphore(%run_scoped3A_155 : memref<!tpu.dma_semaphore, #tpu.memory_space<semaphore_mem>>) {add = true}
        %dma_wait3A_162 = arith.constant 0 : i32
        %dma_wait3A_163 = tpu.memref_slice %arg9[%add3A_144, %dma_wait3A_162] : memref<40x128xi32, #tpu.memory_space<vmem>> -> memref<1x128xi32, #tpu.memory_space<vmem>>
        %dma_wait3A_164 = tpu.memref_squeeze %dma_wait3A_163 : memref<1x128xi32, #tpu.memory_space<vmem>> -> memref<128xi32, #tpu.memory_space<vmem>>
        %dma_wait3A_165 = arith.constant 0 : i32
        %dma_wait3A_166 = arith.constant 0 : i32
        %dma_wait3A_167 = tpu.memref_slice %arg12[%dma_wait3A_165, %dma_wait3A_166] : memref<10112x128xf32, #tpu.memory_space<vmem_shared>> -> memref<10112x128xf32, #tpu.memory_space<vmem_shared>>
        tpu.wait_indirect_dma semaphore(%run_scoped3A_155 : memref<!tpu.dma_semaphore, #tpu.memory_space<semaphore_mem>>) src(%arg11 : memref<128x128xf32, #tpu.memory_space<vmem>>) dst(%dma_wait3A_167 : memref<10112x128xf32, #tpu.memory_space<vmem_shared>>)
        tpu.yield
      }) : () -> ()
      %add3A_145 = arith.constant 2 : i32
      %add3A_146 = arith.addi %mul3A_116, %add3A_145 : i32
      %add3A_147 = arith.constant 1 : i32
      %add3A_148 = arith.addi %add3A_146, %add3A_147 : i32
      %dma_start3A_149 = arith.constant 0 : i32
      %dma_start3A_150 = tpu.memref_slice %arg8[%add3A_148, %dma_start3A_149] : memref<40x128xi32, #tpu.memory_space<vmem>> -> memref<1x128xi32, #tpu.memory_space<vmem>>
      %dma_start3A_151 = tpu.memref_squeeze %dma_start3A_150 : memref<1x128xi32, #tpu.memory_space<vmem>> -> memref<128xi32, #tpu.memory_space<vmem>>
      %dma_start3A_152 = arith.constant 0 : i32
      %dma_start3A_153 = arith.constant 0 : i32
      %dma_start3A_154 = tpu.memref_slice %arg2[%dma_start3A_152, %dma_start3A_153] : memref<20000x128xf32, #tpu.memory_space<hbm>> -> memref<20000x128xf32, #tpu.memory_space<hbm>>
      tpu.enqueue_indirect_dma source(%dma_start3A_154 : memref<20000x128xf32, #tpu.memory_space<hbm>>) target(%arg11 : memref<128x128xf32, #tpu.memory_space<vmem>>) offsets(%dma_start3A_151 : memref<128xi32, #tpu.memory_space<vmem>>) semaphore(%arg14 : memref<!tpu.dma_semaphore, #tpu.memory_space<semaphore_mem>>)
    }
    %scan3A_74 = arith.constant 19 : i32
    %dma_wait3A_75 = arith.constant 0 : i32
    %dma_wait3A_76 = arith.constant 0 : i32
    %dma_wait3A_77 = tpu.memref_slice %arg8[%dma_wait3A_75, %dma_wait3A_76] : memref<40x128xi32, #tpu.memory_space<vmem>> -> memref<1x128xi32, #tpu.memory_space<vmem>>
    %dma_wait3A_78 = tpu.memref_squeeze %dma_wait3A_77 : memref<1x128xi32, #tpu.memory_space<vmem>> -> memref<128xi32, #tpu.memory_space<vmem>>
    %dma_wait3A_79 = arith.constant 0 : i32
    %dma_wait3A_80 = arith.constant 0 : i32
    %dma_wait3A_81 = tpu.memref_slice %arg2[%dma_wait3A_79, %dma_wait3A_80] : memref<20000x128xf32, #tpu.memory_space<hbm>> -> memref<20000x128xf32, #tpu.memory_space<hbm>>
    tpu.wait_indirect_dma semaphore(%arg13 : memref<!tpu.dma_semaphore, #tpu.memory_space<semaphore_mem>>) src(%dma_wait3A_81 : memref<20000x128xf32, #tpu.memory_space<hbm>>) dst(%arg10 : memref<128x128xf32, #tpu.memory_space<vmem>>)
    %run_scoped3A_82 = arith.constant 38 : i32
    "tpu.region"() ({
      %run_scoped3A_114 = tpu.sem_alloc : memref<!tpu.dma_semaphore, #tpu.memory_space<semaphore_mem>>
      %dma_start3A_115 = arith.constant 0 : i32
      %dma_start3A_116 = tpu.memref_slice %arg9[%run_scoped3A_82, %dma_start3A_115] : memref<40x128xi32, #tpu.memory_space<vmem>> -> memref<1x128xi32, #tpu.memory_space<vmem>>
      %dma_start3A_117 = tpu.memref_squeeze %dma_start3A_116 : memref<1x128xi32, #tpu.memory_space<vmem>> -> memref<128xi32, #tpu.memory_space<vmem>>
      %dma_start3A_118 = arith.constant 0 : i32
      %dma_start3A_119 = arith.constant 0 : i32
      %dma_start3A_120 = tpu.memref_slice %arg12[%dma_start3A_118, %dma_start3A_119] : memref<10112x128xf32, #tpu.memory_space<vmem_shared>> -> memref<10112x128xf32, #tpu.memory_space<vmem_shared>>
      tpu.enqueue_indirect_dma source(%arg10 : memref<128x128xf32, #tpu.memory_space<vmem>>) target(%dma_start3A_120 : memref<10112x128xf32, #tpu.memory_space<vmem_shared>>) offsets(%dma_start3A_117 : memref<128xi32, #tpu.memory_space<vmem>>) semaphore(%run_scoped3A_114 : memref<!tpu.dma_semaphore, #tpu.memory_space<semaphore_mem>>) {add = true}
      %dma_wait3A_121 = arith.constant 0 : i32
      %dma_wait3A_122 = tpu.memref_slice %arg9[%run_scoped3A_82, %dma_wait3A_121] : memref<40x128xi32, #tpu.memory_space<vmem>> -> memref<1x128xi32, #tpu.memory_space<vmem>>
      %dma_wait3A_123 = tpu.memref_squeeze %dma_wait3A_122 : memref<1x128xi32, #tpu.memory_space<vmem>> -> memref<128xi32, #tpu.memory_space<vmem>>
      %dma_wait3A_124 = arith.constant 0 : i32
      %dma_wait3A_125 = arith.constant 0 : i32
      %dma_wait3A_126 = tpu.memref_slice %arg12[%dma_wait3A_124, %dma_wait3A_125] : memref<10112x128xf32, #tpu.memory_space<vmem_shared>> -> memref<10112x128xf32, #tpu.memory_space<vmem_shared>>
      tpu.wait_indirect_dma semaphore(%run_scoped3A_114 : memref<!tpu.dma_semaphore, #tpu.memory_space<semaphore_mem>>) src(%arg10 : memref<128x128xf32, #tpu.memory_space<vmem>>) dst(%dma_wait3A_126 : memref<10112x128xf32, #tpu.memory_space<vmem_shared>>)
      tpu.yield
    }) : () -> ()
    %dma_wait3A_83 = arith.constant 0 : i32
    %dma_wait3A_84 = arith.constant 0 : i32
    %dma_wait3A_85 = tpu.memref_slice %arg8[%dma_wait3A_83, %dma_wait3A_84] : memref<40x128xi32, #tpu.memory_space<vmem>> -> memref<1x128xi32, #tpu.memory_space<vmem>>
    %dma_wait3A_86 = tpu.memref_squeeze %dma_wait3A_85 : memref<1x128xi32, #tpu.memory_space<vmem>> -> memref<128xi32, #tpu.memory_space<vmem>>
    %dma_wait3A_87 = arith.constant 0 : i32
    %dma_wait3A_88 = arith.constant 0 : i32
    %dma_wait3A_89 = tpu.memref_slice %arg2[%dma_wait3A_87, %dma_wait3A_88] : memref<20000x128xf32, #tpu.memory_space<hbm>> -> memref<20000x128xf32, #tpu.memory_space<hbm>>
    tpu.wait_indirect_dma semaphore(%arg14 : memref<!tpu.dma_semaphore, #tpu.memory_space<semaphore_mem>>) src(%dma_wait3A_89 : memref<20000x128xf32, #tpu.memory_space<hbm>>) dst(%arg11 : memref<128x128xf32, #tpu.memory_space<vmem>>)
    %run_scoped3A_90 = arith.constant 39 : i32
    "tpu.region"() ({
      %run_scoped3A_114 = tpu.sem_alloc : memref<!tpu.dma_semaphore, #tpu.memory_space<semaphore_mem>>
      %dma_start3A_115 = arith.constant 0 : i32
      %dma_start3A_116 = tpu.memref_slice %arg9[%run_scoped3A_90, %dma_start3A_115] : memref<40x128xi32, #tpu.memory_space<vmem>> -> memref<1x128xi32, #tpu.memory_space<vmem>>
      %dma_start3A_117 = tpu.memref_squeeze %dma_start3A_116 : memref<1x128xi32, #tpu.memory_space<vmem>> -> memref<128xi32, #tpu.memory_space<vmem>>
      %dma_start3A_118 = arith.constant 0 : i32
      %dma_start3A_119 = arith.constant 0 : i32
      %dma_start3A_120 = tpu.memref_slice %arg12[%dma_start3A_118, %dma_start3A_119] : memref<10112x128xf32, #tpu.memory_space<vmem_shared>> -> memref<10112x128xf32, #tpu.memory_space<vmem_shared>>
      tpu.enqueue_indirect_dma source(%arg11 : memref<128x128xf32, #tpu.memory_space<vmem>>) target(%dma_start3A_120 : memref<10112x128xf32, #tpu.memory_space<vmem_shared>>) offsets(%dma_start3A_117 : memref<128xi32, #tpu.memory_space<vmem>>) semaphore(%run_scoped3A_114 : memref<!tpu.dma_semaphore, #tpu.memory_space<semaphore_mem>>) {add = true}
      %dma_wait3A_121 = arith.constant 0 : i32
      %dma_wait3A_122 = tpu.memref_slice %arg9[%run_scoped3A_90, %dma_wait3A_121] : memref<40x128xi32, #tpu.memory_space<vmem>> -> memref<1x128xi32, #tpu.memory_space<vmem>>
      %dma_wait3A_123 = tpu.memref_squeeze %dma_wait3A_122 : memref<1x128xi32, #tpu.memory_space<vmem>> -> memref<128xi32, #tpu.memory_space<vmem>>
      %dma_wait3A_124 = arith.constant 0 : i32
      %dma_wait3A_125 = arith.constant 0 : i32
      %dma_wait3A_126 = tpu.memref_slice %arg12[%dma_wait3A_124, %dma_wait3A_125] : memref<10112x128xf32, #tpu.memory_space<vmem_shared>> -> memref<10112x128xf32, #tpu.memory_space<vmem_shared>>
      tpu.wait_indirect_dma semaphore(%run_scoped3A_114 : memref<!tpu.dma_semaphore, #tpu.memory_space<semaphore_mem>>) src(%arg11 : memref<128x128xf32, #tpu.memory_space<vmem>>) dst(%dma_wait3A_126 : memref<10112x128xf32, #tpu.memory_space<vmem_shared>>)
      tpu.yield
    }) : () -> ()
    %barrier3A_91 = arith.constant 0 : index
    tpu.barrier barrier_id(%barrier3A_91)
    "tpu.region"() ({
      %run_scoped3A_114 = tpu.sem_alloc : memref<!tpu.dma_semaphore, #tpu.memory_space<semaphore_mem>>
      %dma_start3A_115 = tpu.memref_slice %arg6[%multiple_of3A, %multiple_of3A_6] : memref<10112x256xf32, #tpu.memory_space<hbm>> -> memref<632x128xf32, #tpu.memory_space<hbm>>
      %dma_start3A_116 = arith.constant 0 : i32
      %dma_start3A_117 = tpu.memref_slice %arg12[%multiple_of3A, %dma_start3A_116] : memref<10112x128xf32, #tpu.memory_space<vmem_shared>> -> memref<632x128xf32, #tpu.memory_space<vmem_shared>>
      tpu.enqueue_dma source(%dma_start3A_117 : memref<632x128xf32, #tpu.memory_space<vmem_shared>>) target(%dma_start3A_115 : memref<632x128xf32, #tpu.memory_space<hbm>>) target_semaphore(%run_scoped3A_114 : memref<!tpu.dma_semaphore, #tpu.memory_space<semaphore_mem>>)
      %dma_wait3A_118 = tpu.memref_slice %arg6[%multiple_of3A, %multiple_of3A_6] : memref<10112x256xf32, #tpu.memory_space<hbm>> -> memref<632x128xf32, #tpu.memory_space<hbm>>
      %dma_wait3A_119 = arith.constant 0 : i32
      %dma_wait3A_120 = tpu.memref_slice %arg12[%multiple_of3A, %dma_wait3A_119] : memref<10112x128xf32, #tpu.memory_space<vmem_shared>> -> memref<632x128xf32, #tpu.memory_space<vmem_shared>>
      tpu.wait_dma2 semaphore(%run_scoped3A_114 : memref<!tpu.dma_semaphore, #tpu.memory_space<semaphore_mem>>) src(%dma_wait3A_120 : memref<632x128xf32, #tpu.memory_space<vmem_shared>>) dst(%dma_wait3A_118 : memref<632x128xf32, #tpu.memory_space<hbm>>)
      tpu.yield
    }) : () -> ()
    %barrier3A_92 = arith.constant 0 : index
    tpu.barrier barrier_id(%barrier3A_92)
    "tpu.region"() ({
      %run_scoped3A_114 = tpu.sem_alloc : memref<!tpu.dma_semaphore, #tpu.memory_space<semaphore_mem>>
      %dma_start3A_115 = arith.constant 0 : i32
      %dma_start3A_116 = tpu.memref_slice %arg12[%multiple_of3A, %dma_start3A_115] : memref<10112x128xf32, #tpu.memory_space<vmem_shared>> -> memref<632x128xf32, #tpu.memory_space<vmem_shared>>
      %dma_start3A_117 = arith.constant 0 : i32
      %dma_start3A_118 = tpu.memref_slice %arg5[%multiple_of3A, %dma_start3A_117] : memref<10112x128xf32, #tpu.memory_space<hbm>> -> memref<632x128xf32, #tpu.memory_space<hbm>>
      tpu.enqueue_dma source(%dma_start3A_118 : memref<632x128xf32, #tpu.memory_space<hbm>>) target(%dma_start3A_116 : memref<632x128xf32, #tpu.memory_space<vmem_shared>>) target_semaphore(%run_scoped3A_114 : memref<!tpu.dma_semaphore, #tpu.memory_space<semaphore_mem>>)
      %dma_wait3A_119 = arith.constant 0 : i32
      %dma_wait3A_120 = tpu.memref_slice %arg12[%multiple_of3A, %dma_wait3A_119] : memref<10112x128xf32, #tpu.memory_space<vmem_shared>> -> memref<632x128xf32, #tpu.memory_space<vmem_shared>>
      %dma_wait3A_121 = arith.constant 0 : i32
      %dma_wait3A_122 = tpu.memref_slice %arg5[%multiple_of3A, %dma_wait3A_121] : memref<10112x128xf32, #tpu.memory_space<hbm>> -> memref<632x128xf32, #tpu.memory_space<hbm>>
      tpu.wait_dma2 semaphore(%run_scoped3A_114 : memref<!tpu.dma_semaphore, #tpu.memory_space<semaphore_mem>>) src(%dma_wait3A_122 : memref<632x128xf32, #tpu.memory_space<hbm>>) dst(%dma_wait3A_120 : memref<632x128xf32, #tpu.memory_space<vmem_shared>>)
      tpu.yield
    }) : () -> ()
    %mul3A_93 = arith.constant 40 : i32
    %mul3A_94 = arith.muli %arg0, %mul3A_93 : i32
    %multiple_of3A_95 = tpu.assume_multiple %mul3A_94, 8 : i32
    "tpu.region"() ({
      %run_scoped3A_114 = tpu.sem_alloc : memref<!tpu.dma_semaphore, #tpu.memory_space<semaphore_mem>>
      %dma_start3A_115 = arith.constant 0 : i32
      %dma_start3A_116 = tpu.memref_slice %arg4[%arg1, %multiple_of3A_95, %dma_start3A_115] : memref<16x80x128xi32, #tpu.memory_space<hbm>> -> memref<1x40x128xi32, #tpu.memory_space<hbm>>
      %dma_start3A_117 = tpu.memref_squeeze %dma_start3A_116 : memref<1x40x128xi32, #tpu.memory_space<hbm>> -> memref<40x128xi32, #tpu.memory_space<hbm>>
      %dma_start3A_118 = arith.constant 0 : i32
      %dma_start3A_119 = tpu.memref_slice %arg4[%arg1, %multiple_of3A_95, %dma_start3A_118] : memref<16x80x128xi32, #tpu.memory_space<hbm>> -> memref<1x40x128xi32, #tpu.memory_space<hbm>>
      %dma_start3A_120 = tpu.memref_squeeze %dma_start3A_119 : memref<1x40x128xi32, #tpu.memory_space<hbm>> -> memref<40x128xi32, #tpu.memory_space<hbm>>
      tpu.enqueue_dma source(%dma_start3A_120 : memref<40x128xi32, #tpu.memory_space<hbm>>) target(%arg9 : memref<40x128xi32, #tpu.memory_space<vmem>>) target_semaphore(%run_scoped3A_114 : memref<!tpu.dma_semaphore, #tpu.memory_space<semaphore_mem>>)
      %dma_wait3A_121 = arith.constant 0 : i32
      %dma_wait3A_122 = tpu.memref_slice %arg4[%arg1, %multiple_of3A_95, %dma_wait3A_121] : memref<16x80x128xi32, #tpu.memory_space<hbm>> -> memref<1x40x128xi32, #tpu.memory_space<hbm>>
      %dma_wait3A_123 = tpu.memref_squeeze %dma_wait3A_122 : memref<1x40x128xi32, #tpu.memory_space<hbm>> -> memref<40x128xi32, #tpu.memory_space<hbm>>
      %dma_wait3A_124 = arith.constant 0 : i32
      %dma_wait3A_125 = tpu.memref_slice %arg4[%arg1, %multiple_of3A_95, %dma_wait3A_124] : memref<16x80x128xi32, #tpu.memory_space<hbm>> -> memref<1x40x128xi32, #tpu.memory_space<hbm>>
      %dma_wait3A_126 = tpu.memref_squeeze %dma_wait3A_125 : memref<1x40x128xi32, #tpu.memory_space<hbm>> -> memref<40x128xi32, #tpu.memory_space<hbm>>
      tpu.wait_dma2 semaphore(%run_scoped3A_114 : memref<!tpu.dma_semaphore, #tpu.memory_space<semaphore_mem>>) src(%dma_wait3A_126 : memref<40x128xi32, #tpu.memory_space<hbm>>) dst(%arg9 : memref<40x128xi32, #tpu.memory_space<vmem>>)
      tpu.yield
    }) : () -> ()
    %scan3A_96 = arith.constant 0 : i32
    %scan3A_97 = arith.constant 0 : i32
    %scan3A_98 = arith.constant 128 : i32
    %scan3A_99 = arith.addi %scan3A_97, %scan3A_98 : i32
    %scan3A_100 = arith.constant 1 : i32
    scf.for %scan3A_114 = %scan3A_97 to %scan3A_99 step %scan3A_100  : i32 {
      %broadcast_in_dim3A = arith.constant 1.000000e+00 : f32
      %broadcast_in_dim3A_115 = vector.broadcast %broadcast_in_dim3A : f32 to vector<16xf32>
      %swap3A = arith.index_cast %scan3A_114 : i32 to index
      %swap3A_116 = arith.constant 0 : index
      %swap3A_117 = tpu.vector_load %arg10[%swap3A, %swap3A_116] {strides = array<i32>} : memref<128x128xf32, #tpu.memory_space<vmem>>, vector<1x16xf32>,
      %swap3A_118 = vector.shape_cast %swap3A_117 : vector<1x16xf32> to vector<16xf32>
      %swap3A_119 = vector.shape_cast %broadcast_in_dim3A_115 : vector<16xf32> to vector<1x16xf32>
      tpu.vector_store %arg10[%swap3A, %swap3A_116], %swap3A_119 {strides = array<i32>} : memref<128x128xf32, #tpu.memory_space<vmem>>, vector<1x16xf32>,
      %broadcast_in_dim3A_120 = arith.constant 1.000000e+00 : f32
      %broadcast_in_dim3A_121 = vector.broadcast %broadcast_in_dim3A_120 : f32 to vector<16xf32>
      %swap3A_122 = arith.index_cast %scan3A_114 : i32 to index
      %swap3A_123 = arith.constant 16 : index
      %swap3A_124 = tpu.vector_load %arg10[%swap3A_122, %swap3A_123] {strides = array<i32>} : memref<128x128xf32, #tpu.memory_space<vmem>>, vector<1x16xf32>,
      %swap3A_125 = vector.shape_cast %swap3A_124 : vector<1x16xf32> to vector<16xf32>
      %swap3A_126 = vector.shape_cast %broadcast_in_dim3A_121 : vector<16xf32> to vector<1x16xf32>
      tpu.vector_store %arg10[%swap3A_122, %swap3A_123], %swap3A_126 {strides = array<i32>} : memref<128x128xf32, #tpu.memory_space<vmem>>, vector<1x16xf32>,
      %broadcast_in_dim3A_127 = arith.constant 1.000000e+00 : f32
      %broadcast_in_dim3A_128 = vector.broadcast %broadcast_in_dim3A_127 : f32 to vector<16xf32>
      %swap3A_129 = arith.index_cast %scan3A_114 : i32 to index
      %swap3A_130 = arith.constant 32 : index
      %swap3A_131 = tpu.vector_load %arg10[%swap3A_129, %swap3A_130] {strides = array<i32>} : memref<128x128xf32, #tpu.memory_space<vmem>>, vector<1x16xf32>,
      %swap3A_132 = vector.shape_cast %swap3A_131 : vector<1x16xf32> to vector<16xf32>
      %swap3A_133 = vector.shape_cast %broadcast_in_dim3A_128 : vector<16xf32> to vector<1x16xf32>
      tpu.vector_store %arg10[%swap3A_129, %swap3A_130], %swap3A_133 {strides = array<i32>} : memref<128x128xf32, #tpu.memory_space<vmem>>, vector<1x16xf32>,
      %broadcast_in_dim3A_134 = arith.constant 1.000000e+00 : f32
      %broadcast_in_dim3A_135 = vector.broadcast %broadcast_in_dim3A_134 : f32 to vector<16xf32>
      %swap3A_136 = arith.index_cast %scan3A_114 : i32 to index
      %swap3A_137 = arith.constant 48 : index
      %swap3A_138 = tpu.vector_load %arg10[%swap3A_136, %swap3A_137] {strides = array<i32>} : memref<128x128xf32, #tpu.memory_space<vmem>>, vector<1x16xf32>,
      %swap3A_139 = vector.shape_cast %swap3A_138 : vector<1x16xf32> to vector<16xf32>
      %swap3A_140 = vector.shape_cast %broadcast_in_dim3A_135 : vector<16xf32> to vector<1x16xf32>
      tpu.vector_store %arg10[%swap3A_136, %swap3A_137], %swap3A_140 {strides = array<i32>} : memref<128x128xf32, #tpu.memory_space<vmem>>, vector<1x16xf32>,
      %broadcast_in_dim3A_141 = arith.constant 1.000000e+00 : f32
      %broadcast_in_dim3A_142 = vector.broadcast %broadcast_in_dim3A_141 : f32 to vector<16xf32>
      %swap3A_143 = arith.index_cast %scan3A_114 : i32 to index
      %swap3A_144 = arith.constant 64 : index
      %swap3A_145 = tpu.vector_load %arg10[%swap3A_143, %swap3A_144] {strides = array<i32>} : memref<128x128xf32, #tpu.memory_space<vmem>>, vector<1x16xf32>,
      %swap3A_146 = vector.shape_cast %swap3A_145 : vector<1x16xf32> to vector<16xf32>
      %swap3A_147 = vector.shape_cast %broadcast_in_dim3A_142 : vector<16xf32> to vector<1x16xf32>
      tpu.vector_store %arg10[%swap3A_143, %swap3A_144], %swap3A_147 {strides = array<i32>} : memref<128x128xf32, #tpu.memory_space<vmem>>, vector<1x16xf32>,
      %broadcast_in_dim3A_148 = arith.constant 1.000000e+00 : f32
      %broadcast_in_dim3A_149 = vector.broadcast %broadcast_in_dim3A_148 : f32 to vector<16xf32>
      %swap3A_150 = arith.index_cast %scan3A_114 : i32 to index
      %swap3A_151 = arith.constant 80 : index
      %swap3A_152 = tpu.vector_load %arg10[%swap3A_150, %swap3A_151] {strides = array<i32>} : memref<128x128xf32, #tpu.memory_space<vmem>>, vector<1x16xf32>,
      %swap3A_153 = vector.shape_cast %swap3A_152 : vector<1x16xf32> to vector<16xf32>
      %swap3A_154 = vector.shape_cast %broadcast_in_dim3A_149 : vector<16xf32> to vector<1x16xf32>
      tpu.vector_store %arg10[%swap3A_150, %swap3A_151], %swap3A_154 {strides = array<i32>} : memref<128x128xf32, #tpu.memory_space<vmem>>, vector<1x16xf32>,
      %broadcast_in_dim3A_155 = arith.constant 1.000000e+00 : f32
      %broadcast_in_dim3A_156 = vector.broadcast %broadcast_in_dim3A_155 : f32 to vector<16xf32>
      %swap3A_157 = arith.index_cast %scan3A_114 : i32 to index
      %swap3A_158 = arith.constant 96 : index
      %swap3A_159 = tpu.vector_load %arg10[%swap3A_157, %swap3A_158] {strides = array<i32>} : memref<128x128xf32, #tpu.memory_space<vmem>>, vector<1x16xf32>,
      %swap3A_160 = vector.shape_cast %swap3A_159 : vector<1x16xf32> to vector<16xf32>
      %swap3A_161 = vector.shape_cast %broadcast_in_dim3A_156 : vector<16xf32> to vector<1x16xf32>
      tpu.vector_store %arg10[%swap3A_157, %swap3A_158], %swap3A_161 {strides = array<i32>} : memref<128x128xf32, #tpu.memory_space<vmem>>, vector<1x16xf32>,
      %broadcast_in_dim3A_162 = arith.constant 1.000000e+00 : f32
      %broadcast_in_dim3A_163 = vector.broadcast %broadcast_in_dim3A_162 : f32 to vector<16xf32>
      %swap3A_164 = arith.index_cast %scan3A_114 : i32 to index
      %swap3A_165 = arith.constant 112 : index
      %swap3A_166 = tpu.vector_load %arg10[%swap3A_164, %swap3A_165] {strides = array<i32>} : memref<128x128xf32, #tpu.memory_space<vmem>>, vector<1x16xf32>,
      %swap3A_167 = vector.shape_cast %swap3A_166 : vector<1x16xf32> to vector<16xf32>
      %swap3A_168 = vector.shape_cast %broadcast_in_dim3A_163 : vector<16xf32> to vector<1x16xf32>
      tpu.vector_store %arg10[%swap3A_164, %swap3A_165], %swap3A_168 {strides = array<i32>} : memref<128x128xf32, #tpu.memory_space<vmem>>, vector<1x16xf32>,
    }
    %scan3A_101 = arith.constant 128 : i32
    %barrier3A_102 = arith.constant 0 : index
    tpu.barrier barrier_id(%barrier3A_102)
    %scan3A_103 = arith.constant 0 : i32
    %scan3A_104 = arith.constant 0 : i32
    %scan3A_105 = arith.constant 40 : i32
    %scan3A_106 = arith.addi %scan3A_104, %scan3A_105 : i32
    %scan3A_107 = arith.constant 1 : i32
    scf.for %scan3A_114 = %scan3A_104 to %scan3A_106 step %scan3A_107  : i32 {
      "tpu.region"() ({
        %run_scoped3A_115 = tpu.sem_alloc : memref<!tpu.dma_semaphore, #tpu.memory_space<semaphore_mem>>
        %dma_start3A_116 = arith.constant 0 : i32
        %dma_start3A_117 = tpu.memref_slice %arg9[%scan3A_114, %dma_start3A_116] : memref<40x128xi32, #tpu.memory_space<vmem>> -> memref<1x128xi32, #tpu.memory_space<vmem>>
        %dma_start3A_118 = tpu.memref_squeeze %dma_start3A_117 : memref<1x128xi32, #tpu.memory_space<vmem>> -> memref<128xi32, #tpu.memory_space<vmem>>
        %dma_start3A_119 = arith.constant 0 : i32
        %dma_start3A_120 = arith.constant 0 : i32
        %dma_start3A_121 = tpu.memref_slice %arg12[%dma_start3A_119, %dma_start3A_120] : memref<10112x128xf32, #tpu.memory_space<vmem_shared>> -> memref<10112x128xf32, #tpu.memory_space<vmem_shared>>
        tpu.enqueue_indirect_dma source(%arg10 : memref<128x128xf32, #tpu.memory_space<vmem>>) target(%dma_start3A_121 : memref<10112x128xf32, #tpu.memory_space<vmem_shared>>) offsets(%dma_start3A_118 : memref<128xi32, #tpu.memory_space<vmem>>) semaphore(%run_scoped3A_115 : memref<!tpu.dma_semaphore, #tpu.memory_space<semaphore_mem>>) {add = true}
        %dma_wait3A_122 = arith.constant 0 : i32
        %dma_wait3A_123 = tpu.memref_slice %arg9[%scan3A_114, %dma_wait3A_122] : memref<40x128xi32, #tpu.memory_space<vmem>> -> memref<1x128xi32, #tpu.memory_space<vmem>>
        %dma_wait3A_124 = tpu.memref_squeeze %dma_wait3A_123 : memref<1x128xi32, #tpu.memory_space<vmem>> -> memref<128xi32, #tpu.memory_space<vmem>>
        %dma_wait3A_125 = arith.constant 0 : i32
        %dma_wait3A_126 = arith.constant 0 : i32
        %dma_wait3A_127 = tpu.memref_slice %arg12[%dma_wait3A_125, %dma_wait3A_126] : memref<10112x128xf32, #tpu.memory_space<vmem_shared>> -> memref<10112x128xf32, #tpu.memory_space<vmem_shared>>
        tpu.wait_indirect_dma semaphore(%run_scoped3A_115 : memref<!tpu.dma_semaphore, #tpu.memory_space<semaphore_mem>>) src(%arg10 : memref<128x128xf32, #tpu.memory_space<vmem>>) dst(%dma_wait3A_127 : memref<10112x128xf32, #tpu.memory_space<vmem_shared>>)
        tpu.yield
      }) : () -> ()
    }
    %scan3A_108 = arith.constant 40 : i32
    %barrier3A_109 = arith.constant 0 : index
    tpu.barrier barrier_id(%barrier3A_109)
    %mul3A_110 = arith.constant 128 : i32
    %mul3A_111 = arith.muli %arg0, %mul3A_110 : i32
    %multiple_of3A_112 = tpu.assume_multiple %mul3A_111, 128 : i32
    "tpu.region"() ({
      %run_scoped3A_114 = tpu.sem_alloc : memref<!tpu.dma_semaphore, #tpu.memory_space<semaphore_mem>>
      %dma_start3A_115 = tpu.memref_slice %arg7[%multiple_of3A, %multiple_of3A_112] : memref<10112x256xf32, #tpu.memory_space<hbm>> -> memref<632x128xf32, #tpu.memory_space<hbm>>
      %dma_start3A_116 = arith.constant 0 : i32
      %dma_start3A_117 = tpu.memref_slice %arg12[%multiple_of3A, %dma_start3A_116] : memref<10112x128xf32, #tpu.memory_space<vmem_shared>> -> memref<632x128xf32, #tpu.memory_space<vmem_shared>>
      tpu.enqueue_dma source(%dma_start3A_117 : memref<632x128xf32, #tpu.memory_space<vmem_shared>>) target(%dma_start3A_115 : memref<632x128xf32, #tpu.memory_space<hbm>>) target_semaphore(%run_scoped3A_114 : memref<!tpu.dma_semaphore, #tpu.memory_space<semaphore_mem>>)
      %dma_wait3A_118 = tpu.memref_slice %arg7[%multiple_of3A, %multiple_of3A_112] : memref<10112x256xf32, #tpu.memory_space<hbm>> -> memref<632x128xf32, #tpu.memory_space<hbm>>
      %dma_wait3A_119 = arith.constant 0 : i32
      %dma_wait3A_120 = tpu.memref_slice %arg12[%multiple_of3A, %dma_wait3A_119] : memref<10112x128xf32, #tpu.memory_space<vmem_shared>> -> memref<632x128xf32, #tpu.memory_space<vmem_shared>>
      tpu.wait_dma2 semaphore(%run_scoped3A_114 : memref<!tpu.dma_semaphore, #tpu.memory_space<semaphore_mem>>) src(%dma_wait3A_120 : memref<632x128xf32, #tpu.memory_space<vmem_shared>>) dst(%dma_wait3A_118 : memref<632x128xf32, #tpu.memory_space<hbm>>)
      tpu.yield
    }) : () -> ()
    %barrier3A_113 = arith.constant 0 : index
    tpu.barrier barrier_id(%barrier3A_113)
    return
  }
}

#map = affine_map<(d0, d1) -> (0, 0)>
#map1 = affine_map<(d0, d1) -> (0, 0, 0)>
module attributes {stable_mosaic.version = 14 : i64} {
  func.func @_spmm_body(%arg0: i32, %arg1: i32, %arg2: memref<20000x128xf32, #tpu.memory_space<hbm>>, %arg3: memref<16x80x128xi32, #tpu.memory_space<hbm>>, %arg4: memref<16x80x128xi32, #tpu.memory_space<hbm>>, %arg5: memref<10112x128xf32, #tpu.memory_space<hbm>>, %arg6: memref<10112x256xf32, #tpu.memory_space<hbm>>, %arg7: memref<40x128xi32, #tpu.memory_space<vmem>>, %arg8: memref<40x128xi32, #tpu.memory_space<vmem>>, %arg9: memref<128x128xf32, #tpu.memory_space<vmem>>, %arg10: memref<128x128xf32, #tpu.memory_space<vmem>>, %arg11: memref<10112x128xf32, #tpu.memory_space<vmem_shared>>, %arg12: memref<!tpu.dma_semaphore, #tpu.memory_space<semaphore_mem>>, %arg13: memref<!tpu.dma_semaphore, #tpu.memory_space<semaphore_mem>>) attributes {dimension_semantics = [#tpu.dimension_semantics<core_parallel>, #tpu.dimension_semantics<subcore_parallel>], iteration_bounds = array<i64: 2, 16>, scalar_prefetch = 0 : i64, scratch_operands = 7 : i64, tpu.core_type = #tpu.core_type<sc_vector_subcore>, window_params = [{transform_indices = #map}, {transform_indices = #map1}, {transform_indices = #map1}, {transform_indices = #map}, {transform_indices = #map}]} {
    %mul3A = arith.constant 632 : i32
    %mul3A_0 = arith.muli %arg1, %mul3A : i32
    %multiple_of3A = tpu.assume_multiple %mul3A_0, 8 : i32
    %mul3A_1 = arith.constant 1 : i32
    %mul3A_2 = arith.muli %arg0, %mul3A_1 : i32
    %add3A = arith.constant 0 : i32
    %add3A_3 = arith.addi %mul3A_2, %add3A : i32
    %mul3A_4 = arith.constant 128 : i32
    %mul3A_5 = arith.muli %add3A_3, %mul3A_4 : i32
    %multiple_of3A_6 = tpu.assume_multiple %mul3A_5, 128 : i32
    "tpu.region"() ({
      %run_scoped3A_93 = tpu.sem_alloc : memref<!tpu.dma_semaphore, #tpu.memory_space<semaphore_mem>>
      %dma_start3A_94 = arith.constant 0 : i32
      %dma_start3A_95 = tpu.memref_slice %arg11[%multiple_of3A, %dma_start3A_94] : memref<10112x128xf32, #tpu.memory_space<vmem_shared>> -> memref<632x128xf32, #tpu.memory_space<vmem_shared>>
      %dma_start3A_96 = arith.constant 0 : i32
      %dma_start3A_97 = tpu.memref_slice %arg5[%multiple_of3A, %dma_start3A_96] : memref<10112x128xf32, #tpu.memory_space<hbm>> -> memref<632x128xf32, #tpu.memory_space<hbm>>
      tpu.enqueue_dma source(%dma_start3A_97 : memref<632x128xf32, #tpu.memory_space<hbm>>) target(%dma_start3A_95 : memref<632x128xf32, #tpu.memory_space<vmem_shared>>) target_semaphore(%run_scoped3A_93 : memref<!tpu.dma_semaphore, #tpu.memory_space<semaphore_mem>>)
      %dma_wait3A_98 = arith.constant 0 : i32
      %dma_wait3A_99 = tpu.memref_slice %arg11[%multiple_of3A, %dma_wait3A_98] : memref<10112x128xf32, #tpu.memory_space<vmem_shared>> -> memref<632x128xf32, #tpu.memory_space<vmem_shared>>
      %dma_wait3A_100 = arith.constant 0 : i32
      %dma_wait3A_101 = tpu.memref_slice %arg5[%multiple_of3A, %dma_wait3A_100] : memref<10112x128xf32, #tpu.memory_space<hbm>> -> memref<632x128xf32, #tpu.memory_space<hbm>>
      tpu.wait_dma2 semaphore(%run_scoped3A_93 : memref<!tpu.dma_semaphore, #tpu.memory_space<semaphore_mem>>) src(%dma_wait3A_101 : memref<632x128xf32, #tpu.memory_space<hbm>>) dst(%dma_wait3A_99 : memref<632x128xf32, #tpu.memory_space<vmem_shared>>)
      tpu.yield
    }) : () -> ()
    %barrier3A = arith.constant 0 : index
    tpu.barrier barrier_id(%barrier3A)
    %multiple_of3A_7 = arith.constant 0 : i32
    %multiple_of3A_8 = tpu.assume_multiple %multiple_of3A_7, 8 : i32
    "tpu.region"() ({
      %run_scoped3A_93 = tpu.sem_alloc : memref<!tpu.dma_semaphore, #tpu.memory_space<semaphore_mem>>
      %dma_start3A_94 = arith.constant 0 : i32
      %dma_start3A_95 = tpu.memref_slice %arg3[%arg1, %multiple_of3A_8, %dma_start3A_94] : memref<16x80x128xi32, #tpu.memory_space<hbm>> -> memref<1x40x128xi32, #tpu.memory_space<hbm>>
      %dma_start3A_96 = tpu.memref_squeeze %dma_start3A_95 : memref<1x40x128xi32, #tpu.memory_space<hbm>> -> memref<40x128xi32, #tpu.memory_space<hbm>>
      %dma_start3A_97 = arith.constant 0 : i32
      %dma_start3A_98 = tpu.memref_slice %arg3[%arg1, %multiple_of3A_8, %dma_start3A_97] : memref<16x80x128xi32, #tpu.memory_space<hbm>> -> memref<1x40x128xi32, #tpu.memory_space<hbm>>
      %dma_start3A_99 = tpu.memref_squeeze %dma_start3A_98 : memref<1x40x128xi32, #tpu.memory_space<hbm>> -> memref<40x128xi32, #tpu.memory_space<hbm>>
      tpu.enqueue_dma source(%dma_start3A_99 : memref<40x128xi32, #tpu.memory_space<hbm>>) target(%arg7 : memref<40x128xi32, #tpu.memory_space<vmem>>) target_semaphore(%run_scoped3A_93 : memref<!tpu.dma_semaphore, #tpu.memory_space<semaphore_mem>>)
      %dma_wait3A_100 = arith.constant 0 : i32
      %dma_wait3A_101 = tpu.memref_slice %arg3[%arg1, %multiple_of3A_8, %dma_wait3A_100] : memref<16x80x128xi32, #tpu.memory_space<hbm>> -> memref<1x40x128xi32, #tpu.memory_space<hbm>>
      %dma_wait3A_102 = tpu.memref_squeeze %dma_wait3A_101 : memref<1x40x128xi32, #tpu.memory_space<hbm>> -> memref<40x128xi32, #tpu.memory_space<hbm>>
      %dma_wait3A_103 = arith.constant 0 : i32
      %dma_wait3A_104 = tpu.memref_slice %arg3[%arg1, %multiple_of3A_8, %dma_wait3A_103] : memref<16x80x128xi32, #tpu.memory_space<hbm>> -> memref<1x40x128xi32, #tpu.memory_space<hbm>>
      %dma_wait3A_105 = tpu.memref_squeeze %dma_wait3A_104 : memref<1x40x128xi32, #tpu.memory_space<hbm>> -> memref<40x128xi32, #tpu.memory_space<hbm>>
      tpu.wait_dma2 semaphore(%run_scoped3A_93 : memref<!tpu.dma_semaphore, #tpu.memory_space<semaphore_mem>>) src(%dma_wait3A_105 : memref<40x128xi32, #tpu.memory_space<hbm>>) dst(%arg7 : memref<40x128xi32, #tpu.memory_space<vmem>>)
      tpu.yield
    }) : () -> ()
    "tpu.region"() ({
      %run_scoped3A_93 = tpu.sem_alloc : memref<!tpu.dma_semaphore, #tpu.memory_space<semaphore_mem>>
      %dma_start3A_94 = arith.constant 0 : i32
      %dma_start3A_95 = tpu.memref_slice %arg4[%arg1, %multiple_of3A_8, %dma_start3A_94] : memref<16x80x128xi32, #tpu.memory_space<hbm>> -> memref<1x40x128xi32, #tpu.memory_space<hbm>>
      %dma_start3A_96 = tpu.memref_squeeze %dma_start3A_95 : memref<1x40x128xi32, #tpu.memory_space<hbm>> -> memref<40x128xi32, #tpu.memory_space<hbm>>
      %dma_start3A_97 = arith.constant 0 : i32
      %dma_start3A_98 = tpu.memref_slice %arg4[%arg1, %multiple_of3A_8, %dma_start3A_97] : memref<16x80x128xi32, #tpu.memory_space<hbm>> -> memref<1x40x128xi32, #tpu.memory_space<hbm>>
      %dma_start3A_99 = tpu.memref_squeeze %dma_start3A_98 : memref<1x40x128xi32, #tpu.memory_space<hbm>> -> memref<40x128xi32, #tpu.memory_space<hbm>>
      tpu.enqueue_dma source(%dma_start3A_99 : memref<40x128xi32, #tpu.memory_space<hbm>>) target(%arg8 : memref<40x128xi32, #tpu.memory_space<vmem>>) target_semaphore(%run_scoped3A_93 : memref<!tpu.dma_semaphore, #tpu.memory_space<semaphore_mem>>)
      %dma_wait3A_100 = arith.constant 0 : i32
      %dma_wait3A_101 = tpu.memref_slice %arg4[%arg1, %multiple_of3A_8, %dma_wait3A_100] : memref<16x80x128xi32, #tpu.memory_space<hbm>> -> memref<1x40x128xi32, #tpu.memory_space<hbm>>
      %dma_wait3A_102 = tpu.memref_squeeze %dma_wait3A_101 : memref<1x40x128xi32, #tpu.memory_space<hbm>> -> memref<40x128xi32, #tpu.memory_space<hbm>>
      %dma_wait3A_103 = arith.constant 0 : i32
      %dma_wait3A_104 = tpu.memref_slice %arg4[%arg1, %multiple_of3A_8, %dma_wait3A_103] : memref<16x80x128xi32, #tpu.memory_space<hbm>> -> memref<1x40x128xi32, #tpu.memory_space<hbm>>
      %dma_wait3A_105 = tpu.memref_squeeze %dma_wait3A_104 : memref<1x40x128xi32, #tpu.memory_space<hbm>> -> memref<40x128xi32, #tpu.memory_space<hbm>>
      tpu.wait_dma2 semaphore(%run_scoped3A_93 : memref<!tpu.dma_semaphore, #tpu.memory_space<semaphore_mem>>) src(%dma_wait3A_105 : memref<40x128xi32, #tpu.memory_space<hbm>>) dst(%arg8 : memref<40x128xi32, #tpu.memory_space<vmem>>)
      tpu.yield
    }) : () -> ()
    %scan3A = arith.constant 0 : i32
    %scan3A_9 = arith.constant 0 : i32
    %scan3A_10 = arith.constant 40 : i32
    %scan3A_11 = arith.addi %scan3A_9, %scan3A_10 : i32
    %scan3A_12 = arith.constant 1 : i32
    scf.for %scan3A_93 = %scan3A_9 to %scan3A_11 step %scan3A_12  : i32 {
      %get3A = arith.index_cast %scan3A_93 : i32 to index
      %get3A_94 = arith.constant 0 : index
      %get3A_95 = tpu.vector_load %arg7[%get3A, %get3A_94] {strides = array<i32>} : memref<40x128xi32, #tpu.memory_space<vmem>>, vector<1x16xi32>,
      %get3A_96 = vector.shape_cast %get3A_95 : vector<1x16xi32> to vector<16xi32>
      %mul3A_97 = arith.constant 2 : i32
      %mul3A_98 = vector.broadcast %mul3A_97 : i32 to vector<16xi32>
      %mul3A_99 = arith.muli %get3A_96, %mul3A_98 : vector<16xi32>
      %add3A_100 = vector.broadcast %add3A_3 : i32 to vector<16xi32>
      %add3A_101 = arith.addi %mul3A_99, %add3A_100 : vector<16xi32>
      %swap3A = arith.index_cast %scan3A_93 : i32 to index
      %swap3A_102 = arith.constant 0 : index
      %swap3A_103 = tpu.vector_load %arg7[%swap3A, %swap3A_102] {strides = array<i32>} : memref<40x128xi32, #tpu.memory_space<vmem>>, vector<1x16xi32>,
      %swap3A_104 = vector.shape_cast %swap3A_103 : vector<1x16xi32> to vector<16xi32>
      %swap3A_105 = vector.shape_cast %add3A_101 : vector<16xi32> to vector<1x16xi32>
      tpu.vector_store %arg7[%swap3A, %swap3A_102], %swap3A_105 {strides = array<i32>} : memref<40x128xi32, #tpu.memory_space<vmem>>, vector<1x16xi32>,
      %get3A_106 = arith.index_cast %scan3A_93 : i32 to index
      %get3A_107 = arith.constant 16 : index
      %get3A_108 = tpu.vector_load %arg7[%get3A_106, %get3A_107] {strides = array<i32>} : memref<40x128xi32, #tpu.memory_space<vmem>>, vector<1x16xi32>,
      %get3A_109 = vector.shape_cast %get3A_108 : vector<1x16xi32> to vector<16xi32>
      %mul3A_110 = arith.constant 2 : i32
      %mul3A_111 = vector.broadcast %mul3A_110 : i32 to vector<16xi32>
      %mul3A_112 = arith.muli %get3A_109, %mul3A_111 : vector<16xi32>
      %add3A_113 = vector.broadcast %add3A_3 : i32 to vector<16xi32>
      %add3A_114 = arith.addi %mul3A_112, %add3A_113 : vector<16xi32>
      %swap3A_115 = arith.index_cast %scan3A_93 : i32 to index
      %swap3A_116 = arith.constant 16 : index
      %swap3A_117 = tpu.vector_load %arg7[%swap3A_115, %swap3A_116] {strides = array<i32>} : memref<40x128xi32, #tpu.memory_space<vmem>>, vector<1x16xi32>,
      %swap3A_118 = vector.shape_cast %swap3A_117 : vector<1x16xi32> to vector<16xi32>
      %swap3A_119 = vector.shape_cast %add3A_114 : vector<16xi32> to vector<1x16xi32>
      tpu.vector_store %arg7[%swap3A_115, %swap3A_116], %swap3A_119 {strides = array<i32>} : memref<40x128xi32, #tpu.memory_space<vmem>>, vector<1x16xi32>,
      %get3A_120 = arith.index_cast %scan3A_93 : i32 to index
      %get3A_121 = arith.constant 32 : index
      %get3A_122 = tpu.vector_load %arg7[%get3A_120, %get3A_121] {strides = array<i32>} : memref<40x128xi32, #tpu.memory_space<vmem>>, vector<1x16xi32>,
      %get3A_123 = vector.shape_cast %get3A_122 : vector<1x16xi32> to vector<16xi32>
      %mul3A_124 = arith.constant 2 : i32
      %mul3A_125 = vector.broadcast %mul3A_124 : i32 to vector<16xi32>
      %mul3A_126 = arith.muli %get3A_123, %mul3A_125 : vector<16xi32>
      %add3A_127 = vector.broadcast %add3A_3 : i32 to vector<16xi32>
      %add3A_128 = arith.addi %mul3A_126, %add3A_127 : vector<16xi32>
      %swap3A_129 = arith.index_cast %scan3A_93 : i32 to index
      %swap3A_130 = arith.constant 32 : index
      %swap3A_131 = tpu.vector_load %arg7[%swap3A_129, %swap3A_130] {strides = array<i32>} : memref<40x128xi32, #tpu.memory_space<vmem>>, vector<1x16xi32>,
      %swap3A_132 = vector.shape_cast %swap3A_131 : vector<1x16xi32> to vector<16xi32>
      %swap3A_133 = vector.shape_cast %add3A_128 : vector<16xi32> to vector<1x16xi32>
      tpu.vector_store %arg7[%swap3A_129, %swap3A_130], %swap3A_133 {strides = array<i32>} : memref<40x128xi32, #tpu.memory_space<vmem>>, vector<1x16xi32>,
      %get3A_134 = arith.index_cast %scan3A_93 : i32 to index
      %get3A_135 = arith.constant 48 : index
      %get3A_136 = tpu.vector_load %arg7[%get3A_134, %get3A_135] {strides = array<i32>} : memref<40x128xi32, #tpu.memory_space<vmem>>, vector<1x16xi32>,
      %get3A_137 = vector.shape_cast %get3A_136 : vector<1x16xi32> to vector<16xi32>
      %mul3A_138 = arith.constant 2 : i32
      %mul3A_139 = vector.broadcast %mul3A_138 : i32 to vector<16xi32>
      %mul3A_140 = arith.muli %get3A_137, %mul3A_139 : vector<16xi32>
      %add3A_141 = vector.broadcast %add3A_3 : i32 to vector<16xi32>
      %add3A_142 = arith.addi %mul3A_140, %add3A_141 : vector<16xi32>
      %swap3A_143 = arith.index_cast %scan3A_93 : i32 to index
      %swap3A_144 = arith.constant 48 : index
      %swap3A_145 = tpu.vector_load %arg7[%swap3A_143, %swap3A_144] {strides = array<i32>} : memref<40x128xi32, #tpu.memory_space<vmem>>, vector<1x16xi32>,
      %swap3A_146 = vector.shape_cast %swap3A_145 : vector<1x16xi32> to vector<16xi32>
      %swap3A_147 = vector.shape_cast %add3A_142 : vector<16xi32> to vector<1x16xi32>
      tpu.vector_store %arg7[%swap3A_143, %swap3A_144], %swap3A_147 {strides = array<i32>} : memref<40x128xi32, #tpu.memory_space<vmem>>, vector<1x16xi32>,
      %get3A_148 = arith.index_cast %scan3A_93 : i32 to index
      %get3A_149 = arith.constant 64 : index
      %get3A_150 = tpu.vector_load %arg7[%get3A_148, %get3A_149] {strides = array<i32>} : memref<40x128xi32, #tpu.memory_space<vmem>>, vector<1x16xi32>,
      %get3A_151 = vector.shape_cast %get3A_150 : vector<1x16xi32> to vector<16xi32>
      %mul3A_152 = arith.constant 2 : i32
      %mul3A_153 = vector.broadcast %mul3A_152 : i32 to vector<16xi32>
      %mul3A_154 = arith.muli %get3A_151, %mul3A_153 : vector<16xi32>
      %add3A_155 = vector.broadcast %add3A_3 : i32 to vector<16xi32>
      %add3A_156 = arith.addi %mul3A_154, %add3A_155 : vector<16xi32>
      %swap3A_157 = arith.index_cast %scan3A_93 : i32 to index
      %swap3A_158 = arith.constant 64 : index
      %swap3A_159 = tpu.vector_load %arg7[%swap3A_157, %swap3A_158] {strides = array<i32>} : memref<40x128xi32, #tpu.memory_space<vmem>>, vector<1x16xi32>,
      %swap3A_160 = vector.shape_cast %swap3A_159 : vector<1x16xi32> to vector<16xi32>
      %swap3A_161 = vector.shape_cast %add3A_156 : vector<16xi32> to vector<1x16xi32>
      tpu.vector_store %arg7[%swap3A_157, %swap3A_158], %swap3A_161 {strides = array<i32>} : memref<40x128xi32, #tpu.memory_space<vmem>>, vector<1x16xi32>,
      %get3A_162 = arith.index_cast %scan3A_93 : i32 to index
      %get3A_163 = arith.constant 80 : index
      %get3A_164 = tpu.vector_load %arg7[%get3A_162, %get3A_163] {strides = array<i32>} : memref<40x128xi32, #tpu.memory_space<vmem>>, vector<1x16xi32>,
      %get3A_165 = vector.shape_cast %get3A_164 : vector<1x16xi32> to vector<16xi32>
      %mul3A_166 = arith.constant 2 : i32
      %mul3A_167 = vector.broadcast %mul3A_166 : i32 to vector<16xi32>
      %mul3A_168 = arith.muli %get3A_165, %mul3A_167 : vector<16xi32>
      %add3A_169 = vector.broadcast %add3A_3 : i32 to vector<16xi32>
      %add3A_170 = arith.addi %mul3A_168, %add3A_169 : vector<16xi32>
      %swap3A_171 = arith.index_cast %scan3A_93 : i32 to index
      %swap3A_172 = arith.constant 80 : index
      %swap3A_173 = tpu.vector_load %arg7[%swap3A_171, %swap3A_172] {strides = array<i32>} : memref<40x128xi32, #tpu.memory_space<vmem>>, vector<1x16xi32>,
      %swap3A_174 = vector.shape_cast %swap3A_173 : vector<1x16xi32> to vector<16xi32>
      %swap3A_175 = vector.shape_cast %add3A_170 : vector<16xi32> to vector<1x16xi32>
      tpu.vector_store %arg7[%swap3A_171, %swap3A_172], %swap3A_175 {strides = array<i32>} : memref<40x128xi32, #tpu.memory_space<vmem>>, vector<1x16xi32>,
      %get3A_176 = arith.index_cast %scan3A_93 : i32 to index
      %get3A_177 = arith.constant 96 : index
      %get3A_178 = tpu.vector_load %arg7[%get3A_176, %get3A_177] {strides = array<i32>} : memref<40x128xi32, #tpu.memory_space<vmem>>, vector<1x16xi32>,
      %get3A_179 = vector.shape_cast %get3A_178 : vector<1x16xi32> to vector<16xi32>
      %mul3A_180 = arith.constant 2 : i32
      %mul3A_181 = vector.broadcast %mul3A_180 : i32 to vector<16xi32>
      %mul3A_182 = arith.muli %get3A_179, %mul3A_181 : vector<16xi32>
      %add3A_183 = vector.broadcast %add3A_3 : i32 to vector<16xi32>
      %add3A_184 = arith.addi %mul3A_182, %add3A_183 : vector<16xi32>
      %swap3A_185 = arith.index_cast %scan3A_93 : i32 to index
      %swap3A_186 = arith.constant 96 : index
      %swap3A_187 = tpu.vector_load %arg7[%swap3A_185, %swap3A_186] {strides = array<i32>} : memref<40x128xi32, #tpu.memory_space<vmem>>, vector<1x16xi32>,
      %swap3A_188 = vector.shape_cast %swap3A_187 : vector<1x16xi32> to vector<16xi32>
      %swap3A_189 = vector.shape_cast %add3A_184 : vector<16xi32> to vector<1x16xi32>
      tpu.vector_store %arg7[%swap3A_185, %swap3A_186], %swap3A_189 {strides = array<i32>} : memref<40x128xi32, #tpu.memory_space<vmem>>, vector<1x16xi32>,
      %get3A_190 = arith.index_cast %scan3A_93 : i32 to index
      %get3A_191 = arith.constant 112 : index
      %get3A_192 = tpu.vector_load %arg7[%get3A_190, %get3A_191] {strides = array<i32>} : memref<40x128xi32, #tpu.memory_space<vmem>>, vector<1x16xi32>,
      %get3A_193 = vector.shape_cast %get3A_192 : vector<1x16xi32> to vector<16xi32>
      %mul3A_194 = arith.constant 2 : i32
      %mul3A_195 = vector.broadcast %mul3A_194 : i32 to vector<16xi32>
      %mul3A_196 = arith.muli %get3A_193, %mul3A_195 : vector<16xi32>
      %add3A_197 = vector.broadcast %add3A_3 : i32 to vector<16xi32>
      %add3A_198 = arith.addi %mul3A_196, %add3A_197 : vector<16xi32>
      %swap3A_199 = arith.index_cast %scan3A_93 : i32 to index
      %swap3A_200 = arith.constant 112 : index
      %swap3A_201 = tpu.vector_load %arg7[%swap3A_199, %swap3A_200] {strides = array<i32>} : memref<40x128xi32, #tpu.memory_space<vmem>>, vector<1x16xi32>,
      %swap3A_202 = vector.shape_cast %swap3A_201 : vector<1x16xi32> to vector<16xi32>
      %swap3A_203 = vector.shape_cast %add3A_198 : vector<16xi32> to vector<1x16xi32>
      tpu.vector_store %arg7[%swap3A_199, %swap3A_200], %swap3A_203 {strides = array<i32>} : memref<40x128xi32, #tpu.memory_space<vmem>>, vector<1x16xi32>,
    }
    %scan3A_13 = arith.constant 40 : i32
    %dma_start3A = arith.constant 0 : i32
    %dma_start3A_14 = arith.constant 0 : i32
    %dma_start3A_15 = tpu.memref_slice %arg7[%dma_start3A, %dma_start3A_14] : memref<40x128xi32, #tpu.memory_space<vmem>> -> memref<1x128xi32, #tpu.memory_space<vmem>>
    %dma_start3A_16 = tpu.memref_squeeze %dma_start3A_15 : memref<1x128xi32, #tpu.memory_space<vmem>> -> memref<128xi32, #tpu.memory_space<vmem>>
    %dma_start3A_17 = arith.constant 0 : i32
    %dma_start3A_18 = arith.constant 0 : i32
    %dma_start3A_19 = tpu.memref_slice %arg2[%dma_start3A_17, %dma_start3A_18] : memref<20000x128xf32, #tpu.memory_space<hbm>> -> memref<20000x128xf32, #tpu.memory_space<hbm>>
    tpu.enqueue_indirect_dma source(%dma_start3A_19 : memref<20000x128xf32, #tpu.memory_space<hbm>>) target(%arg9 : memref<128x128xf32, #tpu.memory_space<vmem>>) offsets(%dma_start3A_16 : memref<128xi32, #tpu.memory_space<vmem>>) semaphore(%arg12 : memref<!tpu.dma_semaphore, #tpu.memory_space<semaphore_mem>>)
    %dma_start3A_20 = arith.constant 1 : i32
    %dma_start3A_21 = arith.constant 0 : i32
    %dma_start3A_22 = tpu.memref_slice %arg7[%dma_start3A_20, %dma_start3A_21] : memref<40x128xi32, #tpu.memory_space<vmem>> -> memref<1x128xi32, #tpu.memory_space<vmem>>
    %dma_start3A_23 = tpu.memref_squeeze %dma_start3A_22 : memref<1x128xi32, #tpu.memory_space<vmem>> -> memref<128xi32, #tpu.memory_space<vmem>>
    %dma_start3A_24 = arith.constant 0 : i32
    %dma_start3A_25 = arith.constant 0 : i32
    %dma_start3A_26 = tpu.memref_slice %arg2[%dma_start3A_24, %dma_start3A_25] : memref<20000x128xf32, #tpu.memory_space<hbm>> -> memref<20000x128xf32, #tpu.memory_space<hbm>>
    tpu.enqueue_indirect_dma source(%dma_start3A_26 : memref<20000x128xf32, #tpu.memory_space<hbm>>) target(%arg10 : memref<128x128xf32, #tpu.memory_space<vmem>>) offsets(%dma_start3A_23 : memref<128xi32, #tpu.memory_space<vmem>>) semaphore(%arg13 : memref<!tpu.dma_semaphore, #tpu.memory_space<semaphore_mem>>)
    %scan3A_27 = arith.constant 0 : i32
    %scan3A_28 = arith.constant 0 : i32
    %scan3A_29 = arith.constant 19 : i32
    %scan3A_30 = arith.addi %scan3A_28, %scan3A_29 : i32
    %scan3A_31 = arith.constant 1 : i32
    scf.for %scan3A_93 = %scan3A_28 to %scan3A_30 step %scan3A_31  : i32 {
      %mul3A_94 = arith.constant 2 : i32
      %mul3A_95 = arith.muli %scan3A_93, %mul3A_94 : i32
      %dma_wait3A_96 = arith.constant 0 : i32
      %dma_wait3A_97 = arith.constant 0 : i32
      %dma_wait3A_98 = tpu.memref_slice %arg7[%dma_wait3A_96, %dma_wait3A_97] : memref<40x128xi32, #tpu.memory_space<vmem>> -> memref<1x128xi32, #tpu.memory_space<vmem>>
      %dma_wait3A_99 = tpu.memref_squeeze %dma_wait3A_98 : memref<1x128xi32, #tpu.memory_space<vmem>> -> memref<128xi32, #tpu.memory_space<vmem>>
      %dma_wait3A_100 = arith.constant 0 : i32
      %dma_wait3A_101 = arith.constant 0 : i32
      %dma_wait3A_102 = tpu.memref_slice %arg2[%dma_wait3A_100, %dma_wait3A_101] : memref<20000x128xf32, #tpu.memory_space<hbm>> -> memref<20000x128xf32, #tpu.memory_space<hbm>>
      tpu.wait_indirect_dma semaphore(%arg12 : memref<!tpu.dma_semaphore, #tpu.memory_space<semaphore_mem>>) src(%dma_wait3A_102 : memref<20000x128xf32, #tpu.memory_space<hbm>>) dst(%arg9 : memref<128x128xf32, #tpu.memory_space<vmem>>)
      %add3A_103 = arith.constant 0 : i32
      %add3A_104 = arith.addi %mul3A_95, %add3A_103 : i32
      "tpu.region"() ({
        %run_scoped3A_134 = tpu.sem_alloc : memref<!tpu.dma_semaphore, #tpu.memory_space<semaphore_mem>>
        %dma_start3A_135 = arith.constant 0 : i32
        %dma_start3A_136 = tpu.memref_slice %arg8[%add3A_104, %dma_start3A_135] : memref<40x128xi32, #tpu.memory_space<vmem>> -> memref<1x128xi32, #tpu.memory_space<vmem>>
        %dma_start3A_137 = tpu.memref_squeeze %dma_start3A_136 : memref<1x128xi32, #tpu.memory_space<vmem>> -> memref<128xi32, #tpu.memory_space<vmem>>
        %dma_start3A_138 = arith.constant 0 : i32
        %dma_start3A_139 = arith.constant 0 : i32
        %dma_start3A_140 = tpu.memref_slice %arg11[%dma_start3A_138, %dma_start3A_139] : memref<10112x128xf32, #tpu.memory_space<vmem_shared>> -> memref<10112x128xf32, #tpu.memory_space<vmem_shared>>
        tpu.enqueue_indirect_dma source(%arg9 : memref<128x128xf32, #tpu.memory_space<vmem>>) target(%dma_start3A_140 : memref<10112x128xf32, #tpu.memory_space<vmem_shared>>) offsets(%dma_start3A_137 : memref<128xi32, #tpu.memory_space<vmem>>) semaphore(%run_scoped3A_134 : memref<!tpu.dma_semaphore, #tpu.memory_space<semaphore_mem>>) {add = true}
        %dma_wait3A_141 = arith.constant 0 : i32
        %dma_wait3A_142 = tpu.memref_slice %arg8[%add3A_104, %dma_wait3A_141] : memref<40x128xi32, #tpu.memory_space<vmem>> -> memref<1x128xi32, #tpu.memory_space<vmem>>
        %dma_wait3A_143 = tpu.memref_squeeze %dma_wait3A_142 : memref<1x128xi32, #tpu.memory_space<vmem>> -> memref<128xi32, #tpu.memory_space<vmem>>
        %dma_wait3A_144 = arith.constant 0 : i32
        %dma_wait3A_145 = arith.constant 0 : i32
        %dma_wait3A_146 = tpu.memref_slice %arg11[%dma_wait3A_144, %dma_wait3A_145] : memref<10112x128xf32, #tpu.memory_space<vmem_shared>> -> memref<10112x128xf32, #tpu.memory_space<vmem_shared>>
        tpu.wait_indirect_dma semaphore(%run_scoped3A_134 : memref<!tpu.dma_semaphore, #tpu.memory_space<semaphore_mem>>) src(%arg9 : memref<128x128xf32, #tpu.memory_space<vmem>>) dst(%dma_wait3A_146 : memref<10112x128xf32, #tpu.memory_space<vmem_shared>>)
        tpu.yield
      }) : () -> ()
      %add3A_105 = arith.constant 2 : i32
      %add3A_106 = arith.addi %mul3A_95, %add3A_105 : i32
      %add3A_107 = arith.constant 0 : i32
      %add3A_108 = arith.addi %add3A_106, %add3A_107 : i32
      %dma_start3A_109 = arith.constant 0 : i32
      %dma_start3A_110 = tpu.memref_slice %arg7[%add3A_108, %dma_start3A_109] : memref<40x128xi32, #tpu.memory_space<vmem>> -> memref<1x128xi32, #tpu.memory_space<vmem>>
      %dma_start3A_111 = tpu.memref_squeeze %dma_start3A_110 : memref<1x128xi32, #tpu.memory_space<vmem>> -> memref<128xi32, #tpu.memory_space<vmem>>
      %dma_start3A_112 = arith.constant 0 : i32
      %dma_start3A_113 = arith.constant 0 : i32
      %dma_start3A_114 = tpu.memref_slice %arg2[%dma_start3A_112, %dma_start3A_113] : memref<20000x128xf32, #tpu.memory_space<hbm>> -> memref<20000x128xf32, #tpu.memory_space<hbm>>
      tpu.enqueue_indirect_dma source(%dma_start3A_114 : memref<20000x128xf32, #tpu.memory_space<hbm>>) target(%arg9 : memref<128x128xf32, #tpu.memory_space<vmem>>) offsets(%dma_start3A_111 : memref<128xi32, #tpu.memory_space<vmem>>) semaphore(%arg12 : memref<!tpu.dma_semaphore, #tpu.memory_space<semaphore_mem>>)
      %dma_wait3A_115 = arith.constant 0 : i32
      %dma_wait3A_116 = arith.constant 0 : i32
      %dma_wait3A_117 = tpu.memref_slice %arg7[%dma_wait3A_115, %dma_wait3A_116] : memref<40x128xi32, #tpu.memory_space<vmem>> -> memref<1x128xi32, #tpu.memory_space<vmem>>
      %dma_wait3A_118 = tpu.memref_squeeze %dma_wait3A_117 : memref<1x128xi32, #tpu.memory_space<vmem>> -> memref<128xi32, #tpu.memory_space<vmem>>
      %dma_wait3A_119 = arith.constant 0 : i32
      %dma_wait3A_120 = arith.constant 0 : i32
      %dma_wait3A_121 = tpu.memref_slice %arg2[%dma_wait3A_119, %dma_wait3A_120] : memref<20000x128xf32, #tpu.memory_space<hbm>> -> memref<20000x128xf32, #tpu.memory_space<hbm>>
      tpu.wait_indirect_dma semaphore(%arg13 : memref<!tpu.dma_semaphore, #tpu.memory_space<semaphore_mem>>) src(%dma_wait3A_121 : memref<20000x128xf32, #tpu.memory_space<hbm>>) dst(%arg10 : memref<128x128xf32, #tpu.memory_space<vmem>>)
      %add3A_122 = arith.constant 1 : i32
      %add3A_123 = arith.addi %mul3A_95, %add3A_122 : i32
      "tpu.region"() ({
        %run_scoped3A_134 = tpu.sem_alloc : memref<!tpu.dma_semaphore, #tpu.memory_space<semaphore_mem>>
        %dma_start3A_135 = arith.constant 0 : i32
        %dma_start3A_136 = tpu.memref_slice %arg8[%add3A_123, %dma_start3A_135] : memref<40x128xi32, #tpu.memory_space<vmem>> -> memref<1x128xi32, #tpu.memory_space<vmem>>
        %dma_start3A_137 = tpu.memref_squeeze %dma_start3A_136 : memref<1x128xi32, #tpu.memory_space<vmem>> -> memref<128xi32, #tpu.memory_space<vmem>>
        %dma_start3A_138 = arith.constant 0 : i32
        %dma_start3A_139 = arith.constant 0 : i32
        %dma_start3A_140 = tpu.memref_slice %arg11[%dma_start3A_138, %dma_start3A_139] : memref<10112x128xf32, #tpu.memory_space<vmem_shared>> -> memref<10112x128xf32, #tpu.memory_space<vmem_shared>>
        tpu.enqueue_indirect_dma source(%arg10 : memref<128x128xf32, #tpu.memory_space<vmem>>) target(%dma_start3A_140 : memref<10112x128xf32, #tpu.memory_space<vmem_shared>>) offsets(%dma_start3A_137 : memref<128xi32, #tpu.memory_space<vmem>>) semaphore(%run_scoped3A_134 : memref<!tpu.dma_semaphore, #tpu.memory_space<semaphore_mem>>) {add = true}
        %dma_wait3A_141 = arith.constant 0 : i32
        %dma_wait3A_142 = tpu.memref_slice %arg8[%add3A_123, %dma_wait3A_141] : memref<40x128xi32, #tpu.memory_space<vmem>> -> memref<1x128xi32, #tpu.memory_space<vmem>>
        %dma_wait3A_143 = tpu.memref_squeeze %dma_wait3A_142 : memref<1x128xi32, #tpu.memory_space<vmem>> -> memref<128xi32, #tpu.memory_space<vmem>>
        %dma_wait3A_144 = arith.constant 0 : i32
        %dma_wait3A_145 = arith.constant 0 : i32
        %dma_wait3A_146 = tpu.memref_slice %arg11[%dma_wait3A_144, %dma_wait3A_145] : memref<10112x128xf32, #tpu.memory_space<vmem_shared>> -> memref<10112x128xf32, #tpu.memory_space<vmem_shared>>
        tpu.wait_indirect_dma semaphore(%run_scoped3A_134 : memref<!tpu.dma_semaphore, #tpu.memory_space<semaphore_mem>>) src(%arg10 : memref<128x128xf32, #tpu.memory_space<vmem>>) dst(%dma_wait3A_146 : memref<10112x128xf32, #tpu.memory_space<vmem_shared>>)
        tpu.yield
      }) : () -> ()
      %add3A_124 = arith.constant 2 : i32
      %add3A_125 = arith.addi %mul3A_95, %add3A_124 : i32
      %add3A_126 = arith.constant 1 : i32
      %add3A_127 = arith.addi %add3A_125, %add3A_126 : i32
      %dma_start3A_128 = arith.constant 0 : i32
      %dma_start3A_129 = tpu.memref_slice %arg7[%add3A_127, %dma_start3A_128] : memref<40x128xi32, #tpu.memory_space<vmem>> -> memref<1x128xi32, #tpu.memory_space<vmem>>
      %dma_start3A_130 = tpu.memref_squeeze %dma_start3A_129 : memref<1x128xi32, #tpu.memory_space<vmem>> -> memref<128xi32, #tpu.memory_space<vmem>>
      %dma_start3A_131 = arith.constant 0 : i32
      %dma_start3A_132 = arith.constant 0 : i32
      %dma_start3A_133 = tpu.memref_slice %arg2[%dma_start3A_131, %dma_start3A_132] : memref<20000x128xf32, #tpu.memory_space<hbm>> -> memref<20000x128xf32, #tpu.memory_space<hbm>>
      tpu.enqueue_indirect_dma source(%dma_start3A_133 : memref<20000x128xf32, #tpu.memory_space<hbm>>) target(%arg10 : memref<128x128xf32, #tpu.memory_space<vmem>>) offsets(%dma_start3A_130 : memref<128xi32, #tpu.memory_space<vmem>>) semaphore(%arg13 : memref<!tpu.dma_semaphore, #tpu.memory_space<semaphore_mem>>)
    }
    %scan3A_32 = arith.constant 19 : i32
    %dma_wait3A = arith.constant 0 : i32
    %dma_wait3A_33 = arith.constant 0 : i32
    %dma_wait3A_34 = tpu.memref_slice %arg7[%dma_wait3A, %dma_wait3A_33] : memref<40x128xi32, #tpu.memory_space<vmem>> -> memref<1x128xi32, #tpu.memory_space<vmem>>
    %dma_wait3A_35 = tpu.memref_squeeze %dma_wait3A_34 : memref<1x128xi32, #tpu.memory_space<vmem>> -> memref<128xi32, #tpu.memory_space<vmem>>
    %dma_wait3A_36 = arith.constant 0 : i32
    %dma_wait3A_37 = arith.constant 0 : i32
    %dma_wait3A_38 = tpu.memref_slice %arg2[%dma_wait3A_36, %dma_wait3A_37] : memref<20000x128xf32, #tpu.memory_space<hbm>> -> memref<20000x128xf32, #tpu.memory_space<hbm>>
    tpu.wait_indirect_dma semaphore(%arg12 : memref<!tpu.dma_semaphore, #tpu.memory_space<semaphore_mem>>) src(%dma_wait3A_38 : memref<20000x128xf32, #tpu.memory_space<hbm>>) dst(%arg9 : memref<128x128xf32, #tpu.memory_space<vmem>>)
    %run_scoped3A = arith.constant 38 : i32
    "tpu.region"() ({
      %run_scoped3A_93 = tpu.sem_alloc : memref<!tpu.dma_semaphore, #tpu.memory_space<semaphore_mem>>
      %dma_start3A_94 = arith.constant 0 : i32
      %dma_start3A_95 = tpu.memref_slice %arg8[%run_scoped3A, %dma_start3A_94] : memref<40x128xi32, #tpu.memory_space<vmem>> -> memref<1x128xi32, #tpu.memory_space<vmem>>
      %dma_start3A_96 = tpu.memref_squeeze %dma_start3A_95 : memref<1x128xi32, #tpu.memory_space<vmem>> -> memref<128xi32, #tpu.memory_space<vmem>>
      %dma_start3A_97 = arith.constant 0 : i32
      %dma_start3A_98 = arith.constant 0 : i32
      %dma_start3A_99 = tpu.memref_slice %arg11[%dma_start3A_97, %dma_start3A_98] : memref<10112x128xf32, #tpu.memory_space<vmem_shared>> -> memref<10112x128xf32, #tpu.memory_space<vmem_shared>>
      tpu.enqueue_indirect_dma source(%arg9 : memref<128x128xf32, #tpu.memory_space<vmem>>) target(%dma_start3A_99 : memref<10112x128xf32, #tpu.memory_space<vmem_shared>>) offsets(%dma_start3A_96 : memref<128xi32, #tpu.memory_space<vmem>>) semaphore(%run_scoped3A_93 : memref<!tpu.dma_semaphore, #tpu.memory_space<semaphore_mem>>) {add = true}
      %dma_wait3A_100 = arith.constant 0 : i32
      %dma_wait3A_101 = tpu.memref_slice %arg8[%run_scoped3A, %dma_wait3A_100] : memref<40x128xi32, #tpu.memory_space<vmem>> -> memref<1x128xi32, #tpu.memory_space<vmem>>
      %dma_wait3A_102 = tpu.memref_squeeze %dma_wait3A_101 : memref<1x128xi32, #tpu.memory_space<vmem>> -> memref<128xi32, #tpu.memory_space<vmem>>
      %dma_wait3A_103 = arith.constant 0 : i32
      %dma_wait3A_104 = arith.constant 0 : i32
      %dma_wait3A_105 = tpu.memref_slice %arg11[%dma_wait3A_103, %dma_wait3A_104] : memref<10112x128xf32, #tpu.memory_space<vmem_shared>> -> memref<10112x128xf32, #tpu.memory_space<vmem_shared>>
      tpu.wait_indirect_dma semaphore(%run_scoped3A_93 : memref<!tpu.dma_semaphore, #tpu.memory_space<semaphore_mem>>) src(%arg9 : memref<128x128xf32, #tpu.memory_space<vmem>>) dst(%dma_wait3A_105 : memref<10112x128xf32, #tpu.memory_space<vmem_shared>>)
      tpu.yield
    }) : () -> ()
    %dma_wait3A_39 = arith.constant 0 : i32
    %dma_wait3A_40 = arith.constant 0 : i32
    %dma_wait3A_41 = tpu.memref_slice %arg7[%dma_wait3A_39, %dma_wait3A_40] : memref<40x128xi32, #tpu.memory_space<vmem>> -> memref<1x128xi32, #tpu.memory_space<vmem>>
    %dma_wait3A_42 = tpu.memref_squeeze %dma_wait3A_41 : memref<1x128xi32, #tpu.memory_space<vmem>> -> memref<128xi32, #tpu.memory_space<vmem>>
    %dma_wait3A_43 = arith.constant 0 : i32
    %dma_wait3A_44 = arith.constant 0 : i32
    %dma_wait3A_45 = tpu.memref_slice %arg2[%dma_wait3A_43, %dma_wait3A_44] : memref<20000x128xf32, #tpu.memory_space<hbm>> -> memref<20000x128xf32, #tpu.memory_space<hbm>>
    tpu.wait_indirect_dma semaphore(%arg13 : memref<!tpu.dma_semaphore, #tpu.memory_space<semaphore_mem>>) src(%dma_wait3A_45 : memref<20000x128xf32, #tpu.memory_space<hbm>>) dst(%arg10 : memref<128x128xf32, #tpu.memory_space<vmem>>)
    %run_scoped3A_46 = arith.constant 39 : i32
    "tpu.region"() ({
      %run_scoped3A_93 = tpu.sem_alloc : memref<!tpu.dma_semaphore, #tpu.memory_space<semaphore_mem>>
      %dma_start3A_94 = arith.constant 0 : i32
      %dma_start3A_95 = tpu.memref_slice %arg8[%run_scoped3A_46, %dma_start3A_94] : memref<40x128xi32, #tpu.memory_space<vmem>> -> memref<1x128xi32, #tpu.memory_space<vmem>>
      %dma_start3A_96 = tpu.memref_squeeze %dma_start3A_95 : memref<1x128xi32, #tpu.memory_space<vmem>> -> memref<128xi32, #tpu.memory_space<vmem>>
      %dma_start3A_97 = arith.constant 0 : i32
      %dma_start3A_98 = arith.constant 0 : i32
      %dma_start3A_99 = tpu.memref_slice %arg11[%dma_start3A_97, %dma_start3A_98] : memref<10112x128xf32, #tpu.memory_space<vmem_shared>> -> memref<10112x128xf32, #tpu.memory_space<vmem_shared>>
      tpu.enqueue_indirect_dma source(%arg10 : memref<128x128xf32, #tpu.memory_space<vmem>>) target(%dma_start3A_99 : memref<10112x128xf32, #tpu.memory_space<vmem_shared>>) offsets(%dma_start3A_96 : memref<128xi32, #tpu.memory_space<vmem>>) semaphore(%run_scoped3A_93 : memref<!tpu.dma_semaphore, #tpu.memory_space<semaphore_mem>>) {add = true}
      %dma_wait3A_100 = arith.constant 0 : i32
      %dma_wait3A_101 = tpu.memref_slice %arg8[%run_scoped3A_46, %dma_wait3A_100] : memref<40x128xi32, #tpu.memory_space<vmem>> -> memref<1x128xi32, #tpu.memory_space<vmem>>
      %dma_wait3A_102 = tpu.memref_squeeze %dma_wait3A_101 : memref<1x128xi32, #tpu.memory_space<vmem>> -> memref<128xi32, #tpu.memory_space<vmem>>
      %dma_wait3A_103 = arith.constant 0 : i32
      %dma_wait3A_104 = arith.constant 0 : i32
      %dma_wait3A_105 = tpu.memref_slice %arg11[%dma_wait3A_103, %dma_wait3A_104] : memref<10112x128xf32, #tpu.memory_space<vmem_shared>> -> memref<10112x128xf32, #tpu.memory_space<vmem_shared>>
      tpu.wait_indirect_dma semaphore(%run_scoped3A_93 : memref<!tpu.dma_semaphore, #tpu.memory_space<semaphore_mem>>) src(%arg10 : memref<128x128xf32, #tpu.memory_space<vmem>>) dst(%dma_wait3A_105 : memref<10112x128xf32, #tpu.memory_space<vmem_shared>>)
      tpu.yield
    }) : () -> ()
    %multiple_of3A_47 = arith.constant 40 : i32
    %multiple_of3A_48 = tpu.assume_multiple %multiple_of3A_47, 8 : i32
    "tpu.region"() ({
      %run_scoped3A_93 = tpu.sem_alloc : memref<!tpu.dma_semaphore, #tpu.memory_space<semaphore_mem>>
      %dma_start3A_94 = arith.constant 0 : i32
      %dma_start3A_95 = tpu.memref_slice %arg3[%arg1, %multiple_of3A_48, %dma_start3A_94] : memref<16x80x128xi32, #tpu.memory_space<hbm>> -> memref<1x40x128xi32, #tpu.memory_space<hbm>>
      %dma_start3A_96 = tpu.memref_squeeze %dma_start3A_95 : memref<1x40x128xi32, #tpu.memory_space<hbm>> -> memref<40x128xi32, #tpu.memory_space<hbm>>
      %dma_start3A_97 = arith.constant 0 : i32
      %dma_start3A_98 = tpu.memref_slice %arg3[%arg1, %multiple_of3A_48, %dma_start3A_97] : memref<16x80x128xi32, #tpu.memory_space<hbm>> -> memref<1x40x128xi32, #tpu.memory_space<hbm>>
      %dma_start3A_99 = tpu.memref_squeeze %dma_start3A_98 : memref<1x40x128xi32, #tpu.memory_space<hbm>> -> memref<40x128xi32, #tpu.memory_space<hbm>>
      tpu.enqueue_dma source(%dma_start3A_99 : memref<40x128xi32, #tpu.memory_space<hbm>>) target(%arg7 : memref<40x128xi32, #tpu.memory_space<vmem>>) target_semaphore(%run_scoped3A_93 : memref<!tpu.dma_semaphore, #tpu.memory_space<semaphore_mem>>)
      %dma_wait3A_100 = arith.constant 0 : i32
      %dma_wait3A_101 = tpu.memref_slice %arg3[%arg1, %multiple_of3A_48, %dma_wait3A_100] : memref<16x80x128xi32, #tpu.memory_space<hbm>> -> memref<1x40x128xi32, #tpu.memory_space<hbm>>
      %dma_wait3A_102 = tpu.memref_squeeze %dma_wait3A_101 : memref<1x40x128xi32, #tpu.memory_space<hbm>> -> memref<40x128xi32, #tpu.memory_space<hbm>>
      %dma_wait3A_103 = arith.constant 0 : i32
      %dma_wait3A_104 = tpu.memref_slice %arg3[%arg1, %multiple_of3A_48, %dma_wait3A_103] : memref<16x80x128xi32, #tpu.memory_space<hbm>> -> memref<1x40x128xi32, #tpu.memory_space<hbm>>
      %dma_wait3A_105 = tpu.memref_squeeze %dma_wait3A_104 : memref<1x40x128xi32, #tpu.memory_space<hbm>> -> memref<40x128xi32, #tpu.memory_space<hbm>>
      tpu.wait_dma2 semaphore(%run_scoped3A_93 : memref<!tpu.dma_semaphore, #tpu.memory_space<semaphore_mem>>) src(%dma_wait3A_105 : memref<40x128xi32, #tpu.memory_space<hbm>>) dst(%arg7 : memref<40x128xi32, #tpu.memory_space<vmem>>)
      tpu.yield
    }) : () -> ()
    "tpu.region"() ({
      %run_scoped3A_93 = tpu.sem_alloc : memref<!tpu.dma_semaphore, #tpu.memory_space<semaphore_mem>>
      %dma_start3A_94 = arith.constant 0 : i32
      %dma_start3A_95 = tpu.memref_slice %arg4[%arg1, %multiple_of3A_48, %dma_start3A_94] : memref<16x80x128xi32, #tpu.memory_space<hbm>> -> memref<1x40x128xi32, #tpu.memory_space<hbm>>
      %dma_start3A_96 = tpu.memref_squeeze %dma_start3A_95 : memref<1x40x128xi32, #tpu.memory_space<hbm>> -> memref<40x128xi32, #tpu.memory_space<hbm>>
      %dma_start3A_97 = arith.constant 0 : i32
      %dma_start3A_98 = tpu.memref_slice %arg4[%arg1, %multiple_of3A_48, %dma_start3A_97] : memref<16x80x128xi32, #tpu.memory_space<hbm>> -> memref<1x40x128xi32, #tpu.memory_space<hbm>>
      %dma_start3A_99 = tpu.memref_squeeze %dma_start3A_98 : memref<1x40x128xi32, #tpu.memory_space<hbm>> -> memref<40x128xi32, #tpu.memory_space<hbm>>
      tpu.enqueue_dma source(%dma_start3A_99 : memref<40x128xi32, #tpu.memory_space<hbm>>) target(%arg8 : memref<40x128xi32, #tpu.memory_space<vmem>>) target_semaphore(%run_scoped3A_93 : memref<!tpu.dma_semaphore, #tpu.memory_space<semaphore_mem>>)
      %dma_wait3A_100 = arith.constant 0 : i32
      %dma_wait3A_101 = tpu.memref_slice %arg4[%arg1, %multiple_of3A_48, %dma_wait3A_100] : memref<16x80x128xi32, #tpu.memory_space<hbm>> -> memref<1x40x128xi32, #tpu.memory_space<hbm>>
      %dma_wait3A_102 = tpu.memref_squeeze %dma_wait3A_101 : memref<1x40x128xi32, #tpu.memory_space<hbm>> -> memref<40x128xi32, #tpu.memory_space<hbm>>
      %dma_wait3A_103 = arith.constant 0 : i32
      %dma_wait3A_104 = tpu.memref_slice %arg4[%arg1, %multiple_of3A_48, %dma_wait3A_103] : memref<16x80x128xi32, #tpu.memory_space<hbm>> -> memref<1x40x128xi32, #tpu.memory_space<hbm>>
      %dma_wait3A_105 = tpu.memref_squeeze %dma_wait3A_104 : memref<1x40x128xi32, #tpu.memory_space<hbm>> -> memref<40x128xi32, #tpu.memory_space<hbm>>
      tpu.wait_dma2 semaphore(%run_scoped3A_93 : memref<!tpu.dma_semaphore, #tpu.memory_space<semaphore_mem>>) src(%dma_wait3A_105 : memref<40x128xi32, #tpu.memory_space<hbm>>) dst(%arg8 : memref<40x128xi32, #tpu.memory_space<vmem>>)
      tpu.yield
    }) : () -> ()
    %scan3A_49 = arith.constant 0 : i32
    %scan3A_50 = arith.constant 0 : i32
    %scan3A_51 = arith.constant 40 : i32
    %scan3A_52 = arith.addi %scan3A_50, %scan3A_51 : i32
    %scan3A_53 = arith.constant 1 : i32
    scf.for %scan3A_93 = %scan3A_50 to %scan3A_52 step %scan3A_53  : i32 {
      %get3A = arith.index_cast %scan3A_93 : i32 to index
      %get3A_94 = arith.constant 0 : index
      %get3A_95 = tpu.vector_load %arg7[%get3A, %get3A_94] {strides = array<i32>} : memref<40x128xi32, #tpu.memory_space<vmem>>, vector<1x16xi32>,
      %get3A_96 = vector.shape_cast %get3A_95 : vector<1x16xi32> to vector<16xi32>
      %mul3A_97 = arith.constant 2 : i32
      %mul3A_98 = vector.broadcast %mul3A_97 : i32 to vector<16xi32>
      %mul3A_99 = arith.muli %get3A_96, %mul3A_98 : vector<16xi32>
      %add3A_100 = vector.broadcast %add3A_3 : i32 to vector<16xi32>
      %add3A_101 = arith.addi %mul3A_99, %add3A_100 : vector<16xi32>
      %swap3A = arith.index_cast %scan3A_93 : i32 to index
      %swap3A_102 = arith.constant 0 : index
      %swap3A_103 = tpu.vector_load %arg7[%swap3A, %swap3A_102] {strides = array<i32>} : memref<40x128xi32, #tpu.memory_space<vmem>>, vector<1x16xi32>,
      %swap3A_104 = vector.shape_cast %swap3A_103 : vector<1x16xi32> to vector<16xi32>
      %swap3A_105 = vector.shape_cast %add3A_101 : vector<16xi32> to vector<1x16xi32>
      tpu.vector_store %arg7[%swap3A, %swap3A_102], %swap3A_105 {strides = array<i32>} : memref<40x128xi32, #tpu.memory_space<vmem>>, vector<1x16xi32>,
      %get3A_106 = arith.index_cast %scan3A_93 : i32 to index
      %get3A_107 = arith.constant 16 : index
      %get3A_108 = tpu.vector_load %arg7[%get3A_106, %get3A_107] {strides = array<i32>} : memref<40x128xi32, #tpu.memory_space<vmem>>, vector<1x16xi32>,
      %get3A_109 = vector.shape_cast %get3A_108 : vector<1x16xi32> to vector<16xi32>
      %mul3A_110 = arith.constant 2 : i32
      %mul3A_111 = vector.broadcast %mul3A_110 : i32 to vector<16xi32>
      %mul3A_112 = arith.muli %get3A_109, %mul3A_111 : vector<16xi32>
      %add3A_113 = vector.broadcast %add3A_3 : i32 to vector<16xi32>
      %add3A_114 = arith.addi %mul3A_112, %add3A_113 : vector<16xi32>
      %swap3A_115 = arith.index_cast %scan3A_93 : i32 to index
      %swap3A_116 = arith.constant 16 : index
      %swap3A_117 = tpu.vector_load %arg7[%swap3A_115, %swap3A_116] {strides = array<i32>} : memref<40x128xi32, #tpu.memory_space<vmem>>, vector<1x16xi32>,
      %swap3A_118 = vector.shape_cast %swap3A_117 : vector<1x16xi32> to vector<16xi32>
      %swap3A_119 = vector.shape_cast %add3A_114 : vector<16xi32> to vector<1x16xi32>
      tpu.vector_store %arg7[%swap3A_115, %swap3A_116], %swap3A_119 {strides = array<i32>} : memref<40x128xi32, #tpu.memory_space<vmem>>, vector<1x16xi32>,
      %get3A_120 = arith.index_cast %scan3A_93 : i32 to index
      %get3A_121 = arith.constant 32 : index
      %get3A_122 = tpu.vector_load %arg7[%get3A_120, %get3A_121] {strides = array<i32>} : memref<40x128xi32, #tpu.memory_space<vmem>>, vector<1x16xi32>,
      %get3A_123 = vector.shape_cast %get3A_122 : vector<1x16xi32> to vector<16xi32>
      %mul3A_124 = arith.constant 2 : i32
      %mul3A_125 = vector.broadcast %mul3A_124 : i32 to vector<16xi32>
      %mul3A_126 = arith.muli %get3A_123, %mul3A_125 : vector<16xi32>
      %add3A_127 = vector.broadcast %add3A_3 : i32 to vector<16xi32>
      %add3A_128 = arith.addi %mul3A_126, %add3A_127 : vector<16xi32>
      %swap3A_129 = arith.index_cast %scan3A_93 : i32 to index
      %swap3A_130 = arith.constant 32 : index
      %swap3A_131 = tpu.vector_load %arg7[%swap3A_129, %swap3A_130] {strides = array<i32>} : memref<40x128xi32, #tpu.memory_space<vmem>>, vector<1x16xi32>,
      %swap3A_132 = vector.shape_cast %swap3A_131 : vector<1x16xi32> to vector<16xi32>
      %swap3A_133 = vector.shape_cast %add3A_128 : vector<16xi32> to vector<1x16xi32>
      tpu.vector_store %arg7[%swap3A_129, %swap3A_130], %swap3A_133 {strides = array<i32>} : memref<40x128xi32, #tpu.memory_space<vmem>>, vector<1x16xi32>,
      %get3A_134 = arith.index_cast %scan3A_93 : i32 to index
      %get3A_135 = arith.constant 48 : index
      %get3A_136 = tpu.vector_load %arg7[%get3A_134, %get3A_135] {strides = array<i32>} : memref<40x128xi32, #tpu.memory_space<vmem>>, vector<1x16xi32>,
      %get3A_137 = vector.shape_cast %get3A_136 : vector<1x16xi32> to vector<16xi32>
      %mul3A_138 = arith.constant 2 : i32
      %mul3A_139 = vector.broadcast %mul3A_138 : i32 to vector<16xi32>
      %mul3A_140 = arith.muli %get3A_137, %mul3A_139 : vector<16xi32>
      %add3A_141 = vector.broadcast %add3A_3 : i32 to vector<16xi32>
      %add3A_142 = arith.addi %mul3A_140, %add3A_141 : vector<16xi32>
      %swap3A_143 = arith.index_cast %scan3A_93 : i32 to index
      %swap3A_144 = arith.constant 48 : index
      %swap3A_145 = tpu.vector_load %arg7[%swap3A_143, %swap3A_144] {strides = array<i32>} : memref<40x128xi32, #tpu.memory_space<vmem>>, vector<1x16xi32>,
      %swap3A_146 = vector.shape_cast %swap3A_145 : vector<1x16xi32> to vector<16xi32>
      %swap3A_147 = vector.shape_cast %add3A_142 : vector<16xi32> to vector<1x16xi32>
      tpu.vector_store %arg7[%swap3A_143, %swap3A_144], %swap3A_147 {strides = array<i32>} : memref<40x128xi32, #tpu.memory_space<vmem>>, vector<1x16xi32>,
      %get3A_148 = arith.index_cast %scan3A_93 : i32 to index
      %get3A_149 = arith.constant 64 : index
      %get3A_150 = tpu.vector_load %arg7[%get3A_148, %get3A_149] {strides = array<i32>} : memref<40x128xi32, #tpu.memory_space<vmem>>, vector<1x16xi32>,
      %get3A_151 = vector.shape_cast %get3A_150 : vector<1x16xi32> to vector<16xi32>
      %mul3A_152 = arith.constant 2 : i32
      %mul3A_153 = vector.broadcast %mul3A_152 : i32 to vector<16xi32>
      %mul3A_154 = arith.muli %get3A_151, %mul3A_153 : vector<16xi32>
      %add3A_155 = vector.broadcast %add3A_3 : i32 to vector<16xi32>
      %add3A_156 = arith.addi %mul3A_154, %add3A_155 : vector<16xi32>
      %swap3A_157 = arith.index_cast %scan3A_93 : i32 to index
      %swap3A_158 = arith.constant 64 : index
      %swap3A_159 = tpu.vector_load %arg7[%swap3A_157, %swap3A_158] {strides = array<i32>} : memref<40x128xi32, #tpu.memory_space<vmem>>, vector<1x16xi32>,
      %swap3A_160 = vector.shape_cast %swap3A_159 : vector<1x16xi32> to vector<16xi32>
      %swap3A_161 = vector.shape_cast %add3A_156 : vector<16xi32> to vector<1x16xi32>
      tpu.vector_store %arg7[%swap3A_157, %swap3A_158], %swap3A_161 {strides = array<i32>} : memref<40x128xi32, #tpu.memory_space<vmem>>, vector<1x16xi32>,
      %get3A_162 = arith.index_cast %scan3A_93 : i32 to index
      %get3A_163 = arith.constant 80 : index
      %get3A_164 = tpu.vector_load %arg7[%get3A_162, %get3A_163] {strides = array<i32>} : memref<40x128xi32, #tpu.memory_space<vmem>>, vector<1x16xi32>,
      %get3A_165 = vector.shape_cast %get3A_164 : vector<1x16xi32> to vector<16xi32>
      %mul3A_166 = arith.constant 2 : i32
      %mul3A_167 = vector.broadcast %mul3A_166 : i32 to vector<16xi32>
      %mul3A_168 = arith.muli %get3A_165, %mul3A_167 : vector<16xi32>
      %add3A_169 = vector.broadcast %add3A_3 : i32 to vector<16xi32>
      %add3A_170 = arith.addi %mul3A_168, %add3A_169 : vector<16xi32>
      %swap3A_171 = arith.index_cast %scan3A_93 : i32 to index
      %swap3A_172 = arith.constant 80 : index
      %swap3A_173 = tpu.vector_load %arg7[%swap3A_171, %swap3A_172] {strides = array<i32>} : memref<40x128xi32, #tpu.memory_space<vmem>>, vector<1x16xi32>,
      %swap3A_174 = vector.shape_cast %swap3A_173 : vector<1x16xi32> to vector<16xi32>
      %swap3A_175 = vector.shape_cast %add3A_170 : vector<16xi32> to vector<1x16xi32>
      tpu.vector_store %arg7[%swap3A_171, %swap3A_172], %swap3A_175 {strides = array<i32>} : memref<40x128xi32, #tpu.memory_space<vmem>>, vector<1x16xi32>,
      %get3A_176 = arith.index_cast %scan3A_93 : i32 to index
      %get3A_177 = arith.constant 96 : index
      %get3A_178 = tpu.vector_load %arg7[%get3A_176, %get3A_177] {strides = array<i32>} : memref<40x128xi32, #tpu.memory_space<vmem>>, vector<1x16xi32>,
      %get3A_179 = vector.shape_cast %get3A_178 : vector<1x16xi32> to vector<16xi32>
      %mul3A_180 = arith.constant 2 : i32
      %mul3A_181 = vector.broadcast %mul3A_180 : i32 to vector<16xi32>
      %mul3A_182 = arith.muli %get3A_179, %mul3A_181 : vector<16xi32>
      %add3A_183 = vector.broadcast %add3A_3 : i32 to vector<16xi32>
      %add3A_184 = arith.addi %mul3A_182, %add3A_183 : vector<16xi32>
      %swap3A_185 = arith.index_cast %scan3A_93 : i32 to index
      %swap3A_186 = arith.constant 96 : index
      %swap3A_187 = tpu.vector_load %arg7[%swap3A_185, %swap3A_186] {strides = array<i32>} : memref<40x128xi32, #tpu.memory_space<vmem>>, vector<1x16xi32>,
      %swap3A_188 = vector.shape_cast %swap3A_187 : vector<1x16xi32> to vector<16xi32>
      %swap3A_189 = vector.shape_cast %add3A_184 : vector<16xi32> to vector<1x16xi32>
      tpu.vector_store %arg7[%swap3A_185, %swap3A_186], %swap3A_189 {strides = array<i32>} : memref<40x128xi32, #tpu.memory_space<vmem>>, vector<1x16xi32>,
      %get3A_190 = arith.index_cast %scan3A_93 : i32 to index
      %get3A_191 = arith.constant 112 : index
      %get3A_192 = tpu.vector_load %arg7[%get3A_190, %get3A_191] {strides = array<i32>} : memref<40x128xi32, #tpu.memory_space<vmem>>, vector<1x16xi32>,
      %get3A_193 = vector.shape_cast %get3A_192 : vector<1x16xi32> to vector<16xi32>
      %mul3A_194 = arith.constant 2 : i32
      %mul3A_195 = vector.broadcast %mul3A_194 : i32 to vector<16xi32>
      %mul3A_196 = arith.muli %get3A_193, %mul3A_195 : vector<16xi32>
      %add3A_197 = vector.broadcast %add3A_3 : i32 to vector<16xi32>
      %add3A_198 = arith.addi %mul3A_196, %add3A_197 : vector<16xi32>
      %swap3A_199 = arith.index_cast %scan3A_93 : i32 to index
      %swap3A_200 = arith.constant 112 : index
      %swap3A_201 = tpu.vector_load %arg7[%swap3A_199, %swap3A_200] {strides = array<i32>} : memref<40x128xi32, #tpu.memory_space<vmem>>, vector<1x16xi32>,
      %swap3A_202 = vector.shape_cast %swap3A_201 : vector<1x16xi32> to vector<16xi32>
      %swap3A_203 = vector.shape_cast %add3A_198 : vector<16xi32> to vector<1x16xi32>
      tpu.vector_store %arg7[%swap3A_199, %swap3A_200], %swap3A_203 {strides = array<i32>} : memref<40x128xi32, #tpu.memory_space<vmem>>, vector<1x16xi32>,
    }
    %scan3A_54 = arith.constant 40 : i32
    %dma_start3A_55 = arith.constant 0 : i32
    %dma_start3A_56 = arith.constant 0 : i32
    %dma_start3A_57 = tpu.memref_slice %arg7[%dma_start3A_55, %dma_start3A_56] : memref<40x128xi32, #tpu.memory_space<vmem>> -> memref<1x128xi32, #tpu.memory_space<vmem>>
    %dma_start3A_58 = tpu.memref_squeeze %dma_start3A_57 : memref<1x128xi32, #tpu.memory_space<vmem>> -> memref<128xi32, #tpu.memory_space<vmem>>
    %dma_start3A_59 = arith.constant 0 : i32
    %dma_start3A_60 = arith.constant 0 : i32
    %dma_start3A_61 = tpu.memref_slice %arg2[%dma_start3A_59, %dma_start3A_60] : memref<20000x128xf32, #tpu.memory_space<hbm>> -> memref<20000x128xf32, #tpu.memory_space<hbm>>
    tpu.enqueue_indirect_dma source(%dma_start3A_61 : memref<20000x128xf32, #tpu.memory_space<hbm>>) target(%arg9 : memref<128x128xf32, #tpu.memory_space<vmem>>) offsets(%dma_start3A_58 : memref<128xi32, #tpu.memory_space<vmem>>) semaphore(%arg12 : memref<!tpu.dma_semaphore, #tpu.memory_space<semaphore_mem>>)
    %dma_start3A_62 = arith.constant 1 : i32
    %dma_start3A_63 = arith.constant 0 : i32
    %dma_start3A_64 = tpu.memref_slice %arg7[%dma_start3A_62, %dma_start3A_63] : memref<40x128xi32, #tpu.memory_space<vmem>> -> memref<1x128xi32, #tpu.memory_space<vmem>>
    %dma_start3A_65 = tpu.memref_squeeze %dma_start3A_64 : memref<1x128xi32, #tpu.memory_space<vmem>> -> memref<128xi32, #tpu.memory_space<vmem>>
    %dma_start3A_66 = arith.constant 0 : i32
    %dma_start3A_67 = arith.constant 0 : i32
    %dma_start3A_68 = tpu.memref_slice %arg2[%dma_start3A_66, %dma_start3A_67] : memref<20000x128xf32, #tpu.memory_space<hbm>> -> memref<20000x128xf32, #tpu.memory_space<hbm>>
    tpu.enqueue_indirect_dma source(%dma_start3A_68 : memref<20000x128xf32, #tpu.memory_space<hbm>>) target(%arg10 : memref<128x128xf32, #tpu.memory_space<vmem>>) offsets(%dma_start3A_65 : memref<128xi32, #tpu.memory_space<vmem>>) semaphore(%arg13 : memref<!tpu.dma_semaphore, #tpu.memory_space<semaphore_mem>>)
    %scan3A_69 = arith.constant 0 : i32
    %scan3A_70 = arith.constant 0 : i32
    %scan3A_71 = arith.constant 19 : i32
    %scan3A_72 = arith.addi %scan3A_70, %scan3A_71 : i32
    %scan3A_73 = arith.constant 1 : i32
    scf.for %scan3A_93 = %scan3A_70 to %scan3A_72 step %scan3A_73  : i32 {
      %mul3A_94 = arith.constant 2 : i32
      %mul3A_95 = arith.muli %scan3A_93, %mul3A_94 : i32
      %dma_wait3A_96 = arith.constant 0 : i32
      %dma_wait3A_97 = arith.constant 0 : i32
      %dma_wait3A_98 = tpu.memref_slice %arg7[%dma_wait3A_96, %dma_wait3A_97] : memref<40x128xi32, #tpu.memory_space<vmem>> -> memref<1x128xi32, #tpu.memory_space<vmem>>
      %dma_wait3A_99 = tpu.memref_squeeze %dma_wait3A_98 : memref<1x128xi32, #tpu.memory_space<vmem>> -> memref<128xi32, #tpu.memory_space<vmem>>
      %dma_wait3A_100 = arith.constant 0 : i32
      %dma_wait3A_101 = arith.constant 0 : i32
      %dma_wait3A_102 = tpu.memref_slice %arg2[%dma_wait3A_100, %dma_wait3A_101] : memref<20000x128xf32, #tpu.memory_space<hbm>> -> memref<20000x128xf32, #tpu.memory_space<hbm>>
      tpu.wait_indirect_dma semaphore(%arg12 : memref<!tpu.dma_semaphore, #tpu.memory_space<semaphore_mem>>) src(%dma_wait3A_102 : memref<20000x128xf32, #tpu.memory_space<hbm>>) dst(%arg9 : memref<128x128xf32, #tpu.memory_space<vmem>>)
      %add3A_103 = arith.constant 0 : i32
      %add3A_104 = arith.addi %mul3A_95, %add3A_103 : i32
      "tpu.region"() ({
        %run_scoped3A_134 = tpu.sem_alloc : memref<!tpu.dma_semaphore, #tpu.memory_space<semaphore_mem>>
        %dma_start3A_135 = arith.constant 0 : i32
        %dma_start3A_136 = tpu.memref_slice %arg8[%add3A_104, %dma_start3A_135] : memref<40x128xi32, #tpu.memory_space<vmem>> -> memref<1x128xi32, #tpu.memory_space<vmem>>
        %dma_start3A_137 = tpu.memref_squeeze %dma_start3A_136 : memref<1x128xi32, #tpu.memory_space<vmem>> -> memref<128xi32, #tpu.memory_space<vmem>>
        %dma_start3A_138 = arith.constant 0 : i32
        %dma_start3A_139 = arith.constant 0 : i32
        %dma_start3A_140 = tpu.memref_slice %arg11[%dma_start3A_138, %dma_start3A_139] : memref<10112x128xf32, #tpu.memory_space<vmem_shared>> -> memref<10112x128xf32, #tpu.memory_space<vmem_shared>>
        tpu.enqueue_indirect_dma source(%arg9 : memref<128x128xf32, #tpu.memory_space<vmem>>) target(%dma_start3A_140 : memref<10112x128xf32, #tpu.memory_space<vmem_shared>>) offsets(%dma_start3A_137 : memref<128xi32, #tpu.memory_space<vmem>>) semaphore(%run_scoped3A_134 : memref<!tpu.dma_semaphore, #tpu.memory_space<semaphore_mem>>) {add = true}
        %dma_wait3A_141 = arith.constant 0 : i32
        %dma_wait3A_142 = tpu.memref_slice %arg8[%add3A_104, %dma_wait3A_141] : memref<40x128xi32, #tpu.memory_space<vmem>> -> memref<1x128xi32, #tpu.memory_space<vmem>>
        %dma_wait3A_143 = tpu.memref_squeeze %dma_wait3A_142 : memref<1x128xi32, #tpu.memory_space<vmem>> -> memref<128xi32, #tpu.memory_space<vmem>>
        %dma_wait3A_144 = arith.constant 0 : i32
        %dma_wait3A_145 = arith.constant 0 : i32
        %dma_wait3A_146 = tpu.memref_slice %arg11[%dma_wait3A_144, %dma_wait3A_145] : memref<10112x128xf32, #tpu.memory_space<vmem_shared>> -> memref<10112x128xf32, #tpu.memory_space<vmem_shared>>
        tpu.wait_indirect_dma semaphore(%run_scoped3A_134 : memref<!tpu.dma_semaphore, #tpu.memory_space<semaphore_mem>>) src(%arg9 : memref<128x128xf32, #tpu.memory_space<vmem>>) dst(%dma_wait3A_146 : memref<10112x128xf32, #tpu.memory_space<vmem_shared>>)
        tpu.yield
      }) : () -> ()
      %add3A_105 = arith.constant 2 : i32
      %add3A_106 = arith.addi %mul3A_95, %add3A_105 : i32
      %add3A_107 = arith.constant 0 : i32
      %add3A_108 = arith.addi %add3A_106, %add3A_107 : i32
      %dma_start3A_109 = arith.constant 0 : i32
      %dma_start3A_110 = tpu.memref_slice %arg7[%add3A_108, %dma_start3A_109] : memref<40x128xi32, #tpu.memory_space<vmem>> -> memref<1x128xi32, #tpu.memory_space<vmem>>
      %dma_start3A_111 = tpu.memref_squeeze %dma_start3A_110 : memref<1x128xi32, #tpu.memory_space<vmem>> -> memref<128xi32, #tpu.memory_space<vmem>>
      %dma_start3A_112 = arith.constant 0 : i32
      %dma_start3A_113 = arith.constant 0 : i32
      %dma_start3A_114 = tpu.memref_slice %arg2[%dma_start3A_112, %dma_start3A_113] : memref<20000x128xf32, #tpu.memory_space<hbm>> -> memref<20000x128xf32, #tpu.memory_space<hbm>>
      tpu.enqueue_indirect_dma source(%dma_start3A_114 : memref<20000x128xf32, #tpu.memory_space<hbm>>) target(%arg9 : memref<128x128xf32, #tpu.memory_space<vmem>>) offsets(%dma_start3A_111 : memref<128xi32, #tpu.memory_space<vmem>>) semaphore(%arg12 : memref<!tpu.dma_semaphore, #tpu.memory_space<semaphore_mem>>)
      %dma_wait3A_115 = arith.constant 0 : i32
      %dma_wait3A_116 = arith.constant 0 : i32
      %dma_wait3A_117 = tpu.memref_slice %arg7[%dma_wait3A_115, %dma_wait3A_116] : memref<40x128xi32, #tpu.memory_space<vmem>> -> memref<1x128xi32, #tpu.memory_space<vmem>>
      %dma_wait3A_118 = tpu.memref_squeeze %dma_wait3A_117 : memref<1x128xi32, #tpu.memory_space<vmem>> -> memref<128xi32, #tpu.memory_space<vmem>>
      %dma_wait3A_119 = arith.constant 0 : i32
      %dma_wait3A_120 = arith.constant 0 : i32
      %dma_wait3A_121 = tpu.memref_slice %arg2[%dma_wait3A_119, %dma_wait3A_120] : memref<20000x128xf32, #tpu.memory_space<hbm>> -> memref<20000x128xf32, #tpu.memory_space<hbm>>
      tpu.wait_indirect_dma semaphore(%arg13 : memref<!tpu.dma_semaphore, #tpu.memory_space<semaphore_mem>>) src(%dma_wait3A_121 : memref<20000x128xf32, #tpu.memory_space<hbm>>) dst(%arg10 : memref<128x128xf32, #tpu.memory_space<vmem>>)
      %add3A_122 = arith.constant 1 : i32
      %add3A_123 = arith.addi %mul3A_95, %add3A_122 : i32
      "tpu.region"() ({
        %run_scoped3A_134 = tpu.sem_alloc : memref<!tpu.dma_semaphore, #tpu.memory_space<semaphore_mem>>
        %dma_start3A_135 = arith.constant 0 : i32
        %dma_start3A_136 = tpu.memref_slice %arg8[%add3A_123, %dma_start3A_135] : memref<40x128xi32, #tpu.memory_space<vmem>> -> memref<1x128xi32, #tpu.memory_space<vmem>>
        %dma_start3A_137 = tpu.memref_squeeze %dma_start3A_136 : memref<1x128xi32, #tpu.memory_space<vmem>> -> memref<128xi32, #tpu.memory_space<vmem>>
        %dma_start3A_138 = arith.constant 0 : i32
        %dma_start3A_139 = arith.constant 0 : i32
        %dma_start3A_140 = tpu.memref_slice %arg11[%dma_start3A_138, %dma_start3A_139] : memref<10112x128xf32, #tpu.memory_space<vmem_shared>> -> memref<10112x128xf32, #tpu.memory_space<vmem_shared>>
        tpu.enqueue_indirect_dma source(%arg10 : memref<128x128xf32, #tpu.memory_space<vmem>>) target(%dma_start3A_140 : memref<10112x128xf32, #tpu.memory_space<vmem_shared>>) offsets(%dma_start3A_137 : memref<128xi32, #tpu.memory_space<vmem>>) semaphore(%run_scoped3A_134 : memref<!tpu.dma_semaphore, #tpu.memory_space<semaphore_mem>>) {add = true}
        %dma_wait3A_141 = arith.constant 0 : i32
        %dma_wait3A_142 = tpu.memref_slice %arg8[%add3A_123, %dma_wait3A_141] : memref<40x128xi32, #tpu.memory_space<vmem>> -> memref<1x128xi32, #tpu.memory_space<vmem>>
        %dma_wait3A_143 = tpu.memref_squeeze %dma_wait3A_142 : memref<1x128xi32, #tpu.memory_space<vmem>> -> memref<128xi32, #tpu.memory_space<vmem>>
        %dma_wait3A_144 = arith.constant 0 : i32
        %dma_wait3A_145 = arith.constant 0 : i32
        %dma_wait3A_146 = tpu.memref_slice %arg11[%dma_wait3A_144, %dma_wait3A_145] : memref<10112x128xf32, #tpu.memory_space<vmem_shared>> -> memref<10112x128xf32, #tpu.memory_space<vmem_shared>>
        tpu.wait_indirect_dma semaphore(%run_scoped3A_134 : memref<!tpu.dma_semaphore, #tpu.memory_space<semaphore_mem>>) src(%arg10 : memref<128x128xf32, #tpu.memory_space<vmem>>) dst(%dma_wait3A_146 : memref<10112x128xf32, #tpu.memory_space<vmem_shared>>)
        tpu.yield
      }) : () -> ()
      %add3A_124 = arith.constant 2 : i32
      %add3A_125 = arith.addi %mul3A_95, %add3A_124 : i32
      %add3A_126 = arith.constant 1 : i32
      %add3A_127 = arith.addi %add3A_125, %add3A_126 : i32
      %dma_start3A_128 = arith.constant 0 : i32
      %dma_start3A_129 = tpu.memref_slice %arg7[%add3A_127, %dma_start3A_128] : memref<40x128xi32, #tpu.memory_space<vmem>> -> memref<1x128xi32, #tpu.memory_space<vmem>>
      %dma_start3A_130 = tpu.memref_squeeze %dma_start3A_129 : memref<1x128xi32, #tpu.memory_space<vmem>> -> memref<128xi32, #tpu.memory_space<vmem>>
      %dma_start3A_131 = arith.constant 0 : i32
      %dma_start3A_132 = arith.constant 0 : i32
      %dma_start3A_133 = tpu.memref_slice %arg2[%dma_start3A_131, %dma_start3A_132] : memref<20000x128xf32, #tpu.memory_space<hbm>> -> memref<20000x128xf32, #tpu.memory_space<hbm>>
      tpu.enqueue_indirect_dma source(%dma_start3A_133 : memref<20000x128xf32, #tpu.memory_space<hbm>>) target(%arg10 : memref<128x128xf32, #tpu.memory_space<vmem>>) offsets(%dma_start3A_130 : memref<128xi32, #tpu.memory_space<vmem>>) semaphore(%arg13 : memref<!tpu.dma_semaphore, #tpu.memory_space<semaphore_mem>>)
    }
    %scan3A_74 = arith.constant 19 : i32
    %dma_wait3A_75 = arith.constant 0 : i32
    %dma_wait3A_76 = arith.constant 0 : i32
    %dma_wait3A_77 = tpu.memref_slice %arg7[%dma_wait3A_75, %dma_wait3A_76] : memref<40x128xi32, #tpu.memory_space<vmem>> -> memref<1x128xi32, #tpu.memory_space<vmem>>
    %dma_wait3A_78 = tpu.memref_squeeze %dma_wait3A_77 : memref<1x128xi32, #tpu.memory_space<vmem>> -> memref<128xi32, #tpu.memory_space<vmem>>
    %dma_wait3A_79 = arith.constant 0 : i32
    %dma_wait3A_80 = arith.constant 0 : i32
    %dma_wait3A_81 = tpu.memref_slice %arg2[%dma_wait3A_79, %dma_wait3A_80] : memref<20000x128xf32, #tpu.memory_space<hbm>> -> memref<20000x128xf32, #tpu.memory_space<hbm>>
    tpu.wait_indirect_dma semaphore(%arg12 : memref<!tpu.dma_semaphore, #tpu.memory_space<semaphore_mem>>) src(%dma_wait3A_81 : memref<20000x128xf32, #tpu.memory_space<hbm>>) dst(%arg9 : memref<128x128xf32, #tpu.memory_space<vmem>>)
    %run_scoped3A_82 = arith.constant 38 : i32
    "tpu.region"() ({
      %run_scoped3A_93 = tpu.sem_alloc : memref<!tpu.dma_semaphore, #tpu.memory_space<semaphore_mem>>
      %dma_start3A_94 = arith.constant 0 : i32
      %dma_start3A_95 = tpu.memref_slice %arg8[%run_scoped3A_82, %dma_start3A_94] : memref<40x128xi32, #tpu.memory_space<vmem>> -> memref<1x128xi32, #tpu.memory_space<vmem>>
      %dma_start3A_96 = tpu.memref_squeeze %dma_start3A_95 : memref<1x128xi32, #tpu.memory_space<vmem>> -> memref<128xi32, #tpu.memory_space<vmem>>
      %dma_start3A_97 = arith.constant 0 : i32
      %dma_start3A_98 = arith.constant 0 : i32
      %dma_start3A_99 = tpu.memref_slice %arg11[%dma_start3A_97, %dma_start3A_98] : memref<10112x128xf32, #tpu.memory_space<vmem_shared>> -> memref<10112x128xf32, #tpu.memory_space<vmem_shared>>
      tpu.enqueue_indirect_dma source(%arg9 : memref<128x128xf32, #tpu.memory_space<vmem>>) target(%dma_start3A_99 : memref<10112x128xf32, #tpu.memory_space<vmem_shared>>) offsets(%dma_start3A_96 : memref<128xi32, #tpu.memory_space<vmem>>) semaphore(%run_scoped3A_93 : memref<!tpu.dma_semaphore, #tpu.memory_space<semaphore_mem>>) {add = true}
      %dma_wait3A_100 = arith.constant 0 : i32
      %dma_wait3A_101 = tpu.memref_slice %arg8[%run_scoped3A_82, %dma_wait3A_100] : memref<40x128xi32, #tpu.memory_space<vmem>> -> memref<1x128xi32, #tpu.memory_space<vmem>>
      %dma_wait3A_102 = tpu.memref_squeeze %dma_wait3A_101 : memref<1x128xi32, #tpu.memory_space<vmem>> -> memref<128xi32, #tpu.memory_space<vmem>>
      %dma_wait3A_103 = arith.constant 0 : i32
      %dma_wait3A_104 = arith.constant 0 : i32
      %dma_wait3A_105 = tpu.memref_slice %arg11[%dma_wait3A_103, %dma_wait3A_104] : memref<10112x128xf32, #tpu.memory_space<vmem_shared>> -> memref<10112x128xf32, #tpu.memory_space<vmem_shared>>
      tpu.wait_indirect_dma semaphore(%run_scoped3A_93 : memref<!tpu.dma_semaphore, #tpu.memory_space<semaphore_mem>>) src(%arg9 : memref<128x128xf32, #tpu.memory_space<vmem>>) dst(%dma_wait3A_105 : memref<10112x128xf32, #tpu.memory_space<vmem_shared>>)
      tpu.yield
    }) : () -> ()
    %dma_wait3A_83 = arith.constant 0 : i32
    %dma_wait3A_84 = arith.constant 0 : i32
    %dma_wait3A_85 = tpu.memref_slice %arg7[%dma_wait3A_83, %dma_wait3A_84] : memref<40x128xi32, #tpu.memory_space<vmem>> -> memref<1x128xi32, #tpu.memory_space<vmem>>
    %dma_wait3A_86 = tpu.memref_squeeze %dma_wait3A_85 : memref<1x128xi32, #tpu.memory_space<vmem>> -> memref<128xi32, #tpu.memory_space<vmem>>
    %dma_wait3A_87 = arith.constant 0 : i32
    %dma_wait3A_88 = arith.constant 0 : i32
    %dma_wait3A_89 = tpu.memref_slice %arg2[%dma_wait3A_87, %dma_wait3A_88] : memref<20000x128xf32, #tpu.memory_space<hbm>> -> memref<20000x128xf32, #tpu.memory_space<hbm>>
    tpu.wait_indirect_dma semaphore(%arg13 : memref<!tpu.dma_semaphore, #tpu.memory_space<semaphore_mem>>) src(%dma_wait3A_89 : memref<20000x128xf32, #tpu.memory_space<hbm>>) dst(%arg10 : memref<128x128xf32, #tpu.memory_space<vmem>>)
    %run_scoped3A_90 = arith.constant 39 : i32
    "tpu.region"() ({
      %run_scoped3A_93 = tpu.sem_alloc : memref<!tpu.dma_semaphore, #tpu.memory_space<semaphore_mem>>
      %dma_start3A_94 = arith.constant 0 : i32
      %dma_start3A_95 = tpu.memref_slice %arg8[%run_scoped3A_90, %dma_start3A_94] : memref<40x128xi32, #tpu.memory_space<vmem>> -> memref<1x128xi32, #tpu.memory_space<vmem>>
      %dma_start3A_96 = tpu.memref_squeeze %dma_start3A_95 : memref<1x128xi32, #tpu.memory_space<vmem>> -> memref<128xi32, #tpu.memory_space<vmem>>
      %dma_start3A_97 = arith.constant 0 : i32
      %dma_start3A_98 = arith.constant 0 : i32
      %dma_start3A_99 = tpu.memref_slice %arg11[%dma_start3A_97, %dma_start3A_98] : memref<10112x128xf32, #tpu.memory_space<vmem_shared>> -> memref<10112x128xf32, #tpu.memory_space<vmem_shared>>
      tpu.enqueue_indirect_dma source(%arg10 : memref<128x128xf32, #tpu.memory_space<vmem>>) target(%dma_start3A_99 : memref<10112x128xf32, #tpu.memory_space<vmem_shared>>) offsets(%dma_start3A_96 : memref<128xi32, #tpu.memory_space<vmem>>) semaphore(%run_scoped3A_93 : memref<!tpu.dma_semaphore, #tpu.memory_space<semaphore_mem>>) {add = true}
      %dma_wait3A_100 = arith.constant 0 : i32
      %dma_wait3A_101 = tpu.memref_slice %arg8[%run_scoped3A_90, %dma_wait3A_100] : memref<40x128xi32, #tpu.memory_space<vmem>> -> memref<1x128xi32, #tpu.memory_space<vmem>>
      %dma_wait3A_102 = tpu.memref_squeeze %dma_wait3A_101 : memref<1x128xi32, #tpu.memory_space<vmem>> -> memref<128xi32, #tpu.memory_space<vmem>>
      %dma_wait3A_103 = arith.constant 0 : i32
      %dma_wait3A_104 = arith.constant 0 : i32
      %dma_wait3A_105 = tpu.memref_slice %arg11[%dma_wait3A_103, %dma_wait3A_104] : memref<10112x128xf32, #tpu.memory_space<vmem_shared>> -> memref<10112x128xf32, #tpu.memory_space<vmem_shared>>
      tpu.wait_indirect_dma semaphore(%run_scoped3A_93 : memref<!tpu.dma_semaphore, #tpu.memory_space<semaphore_mem>>) src(%arg10 : memref<128x128xf32, #tpu.memory_space<vmem>>) dst(%dma_wait3A_105 : memref<10112x128xf32, #tpu.memory_space<vmem_shared>>)
      tpu.yield
    }) : () -> ()
    %barrier3A_91 = arith.constant 0 : index
    tpu.barrier barrier_id(%barrier3A_91)
    "tpu.region"() ({
      %run_scoped3A_93 = tpu.sem_alloc : memref<!tpu.dma_semaphore, #tpu.memory_space<semaphore_mem>>
      %dma_start3A_94 = tpu.memref_slice %arg6[%multiple_of3A, %multiple_of3A_6] : memref<10112x256xf32, #tpu.memory_space<hbm>> -> memref<632x128xf32, #tpu.memory_space<hbm>>
      %dma_start3A_95 = arith.constant 0 : i32
      %dma_start3A_96 = tpu.memref_slice %arg11[%multiple_of3A, %dma_start3A_95] : memref<10112x128xf32, #tpu.memory_space<vmem_shared>> -> memref<632x128xf32, #tpu.memory_space<vmem_shared>>
      tpu.enqueue_dma source(%dma_start3A_96 : memref<632x128xf32, #tpu.memory_space<vmem_shared>>) target(%dma_start3A_94 : memref<632x128xf32, #tpu.memory_space<hbm>>) target_semaphore(%run_scoped3A_93 : memref<!tpu.dma_semaphore, #tpu.memory_space<semaphore_mem>>)
      %dma_wait3A_97 = tpu.memref_slice %arg6[%multiple_of3A, %multiple_of3A_6] : memref<10112x256xf32, #tpu.memory_space<hbm>> -> memref<632x128xf32, #tpu.memory_space<hbm>>
      %dma_wait3A_98 = arith.constant 0 : i32
      %dma_wait3A_99 = tpu.memref_slice %arg11[%multiple_of3A, %dma_wait3A_98] : memref<10112x128xf32, #tpu.memory_space<vmem_shared>> -> memref<632x128xf32, #tpu.memory_space<vmem_shared>>
      tpu.wait_dma2 semaphore(%run_scoped3A_93 : memref<!tpu.dma_semaphore, #tpu.memory_space<semaphore_mem>>) src(%dma_wait3A_99 : memref<632x128xf32, #tpu.memory_space<vmem_shared>>) dst(%dma_wait3A_97 : memref<632x128xf32, #tpu.memory_space<hbm>>)
      tpu.yield
    }) : () -> ()
    %barrier3A_92 = arith.constant 0 : index
    tpu.barrier barrier_id(%barrier3A_92)
    return
  }
}

#map = affine_map<(d0, d1) -> (0, 0)>
#map1 = affine_map<(d0, d1) -> (0, 0, 0)>
module attributes {stable_mosaic.version = 14 : i64} {
  func.func @_spmm_body(%arg0: i32, %arg1: i32, %arg2: memref<40000x128xf32, #tpu.memory_space<hbm>>, %arg3: memref<16x80x128xi32, #tpu.memory_space<hbm>>, %arg4: memref<16x80x128xi32, #tpu.memory_space<hbm>>, %arg5: memref<10112x128xf32, #tpu.memory_space<hbm>>, %arg6: memref<10112x512xf32, #tpu.memory_space<hbm>>, %arg7: memref<40x128xi32, #tpu.memory_space<vmem>>, %arg8: memref<40x128xi32, #tpu.memory_space<vmem>>, %arg9: memref<128x128xf32, #tpu.memory_space<vmem>>, %arg10: memref<128x128xf32, #tpu.memory_space<vmem>>, %arg11: memref<10112x128xf32, #tpu.memory_space<vmem_shared>>, %arg12: memref<!tpu.dma_semaphore, #tpu.memory_space<semaphore_mem>>, %arg13: memref<!tpu.dma_semaphore, #tpu.memory_space<semaphore_mem>>) attributes {dimension_semantics = [#tpu.dimension_semantics<core_parallel>, #tpu.dimension_semantics<subcore_parallel>], iteration_bounds = array<i64: 2, 16>, scalar_prefetch = 0 : i64, scratch_operands = 7 : i64, tpu.core_type = #tpu.core_type<sc_vector_subcore>, window_params = [{transform_indices = #map}, {transform_indices = #map1}, {transform_indices = #map1}, {transform_indices = #map}, {transform_indices = #map}]} {
    %mul3A = arith.constant 632 : i32
    %mul3A_0 = arith.muli %arg1, %mul3A : i32
    %multiple_of3A = tpu.assume_multiple %mul3A_0, 8 : i32
    %mul3A_1 = arith.constant 2 : i32
    %mul3A_2 = arith.muli %arg0, %mul3A_1 : i32
    %add3A = arith.constant 0 : i32
    %add3A_3 = arith.addi %mul3A_2, %add3A : i32
    %mul3A_4 = arith.constant 128 : i32
    %mul3A_5 = arith.muli %add3A_3, %mul3A_4 : i32
    %multiple_of3A_6 = tpu.assume_multiple %mul3A_5, 128 : i32
    "tpu.region"() ({
      %run_scoped3A_191 = tpu.sem_alloc : memref<!tpu.dma_semaphore, #tpu.memory_space<semaphore_mem>>
      %dma_start3A_192 = arith.constant 0 : i32
      %dma_start3A_193 = tpu.memref_slice %arg11[%multiple_of3A, %dma_start3A_192] : memref<10112x128xf32, #tpu.memory_space<vmem_shared>> -> memref<632x128xf32, #tpu.memory_space<vmem_shared>>
      %dma_start3A_194 = arith.constant 0 : i32
      %dma_start3A_195 = tpu.memref_slice %arg5[%multiple_of3A, %dma_start3A_194] : memref<10112x128xf32, #tpu.memory_space<hbm>> -> memref<632x128xf32, #tpu.memory_space<hbm>>
      tpu.enqueue_dma source(%dma_start3A_195 : memref<632x128xf32, #tpu.memory_space<hbm>>) target(%dma_start3A_193 : memref<632x128xf32, #tpu.memory_space<vmem_shared>>) target_semaphore(%run_scoped3A_191 : memref<!tpu.dma_semaphore, #tpu.memory_space<semaphore_mem>>)
      %dma_wait3A_196 = arith.constant 0 : i32
      %dma_wait3A_197 = tpu.memref_slice %arg11[%multiple_of3A, %dma_wait3A_196] : memref<10112x128xf32, #tpu.memory_space<vmem_shared>> -> memref<632x128xf32, #tpu.memory_space<vmem_shared>>
      %dma_wait3A_198 = arith.constant 0 : i32
      %dma_wait3A_199 = tpu.memref_slice %arg5[%multiple_of3A, %dma_wait3A_198] : memref<10112x128xf32, #tpu.memory_space<hbm>> -> memref<632x128xf32, #tpu.memory_space<hbm>>
      tpu.wait_dma2 semaphore(%run_scoped3A_191 : memref<!tpu.dma_semaphore, #tpu.memory_space<semaphore_mem>>) src(%dma_wait3A_199 : memref<632x128xf32, #tpu.memory_space<hbm>>) dst(%dma_wait3A_197 : memref<632x128xf32, #tpu.memory_space<vmem_shared>>)
      tpu.yield
    }) : () -> ()
    %barrier3A = arith.constant 0 : index
    tpu.barrier barrier_id(%barrier3A)
    %multiple_of3A_7 = arith.constant 0 : i32
    %multiple_of3A_8 = tpu.assume_multiple %multiple_of3A_7, 8 : i32
    "tpu.region"() ({
      %run_scoped3A_191 = tpu.sem_alloc : memref<!tpu.dma_semaphore, #tpu.memory_space<semaphore_mem>>
      %dma_start3A_192 = arith.constant 0 : i32
      %dma_start3A_193 = tpu.memref_slice %arg3[%arg1, %multiple_of3A_8, %dma_start3A_192] : memref<16x80x128xi32, #tpu.memory_space<hbm>> -> memref<1x40x128xi32, #tpu.memory_space<hbm>>
      %dma_start3A_194 = tpu.memref_squeeze %dma_start3A_193 : memref<1x40x128xi32, #tpu.memory_space<hbm>> -> memref<40x128xi32, #tpu.memory_space<hbm>>
      %dma_start3A_195 = arith.constant 0 : i32
      %dma_start3A_196 = tpu.memref_slice %arg3[%arg1, %multiple_of3A_8, %dma_start3A_195] : memref<16x80x128xi32, #tpu.memory_space<hbm>> -> memref<1x40x128xi32, #tpu.memory_space<hbm>>
      %dma_start3A_197 = tpu.memref_squeeze %dma_start3A_196 : memref<1x40x128xi32, #tpu.memory_space<hbm>> -> memref<40x128xi32, #tpu.memory_space<hbm>>
      tpu.enqueue_dma source(%dma_start3A_197 : memref<40x128xi32, #tpu.memory_space<hbm>>) target(%arg7 : memref<40x128xi32, #tpu.memory_space<vmem>>) target_semaphore(%run_scoped3A_191 : memref<!tpu.dma_semaphore, #tpu.memory_space<semaphore_mem>>)
      %dma_wait3A_198 = arith.constant 0 : i32
      %dma_wait3A_199 = tpu.memref_slice %arg3[%arg1, %multiple_of3A_8, %dma_wait3A_198] : memref<16x80x128xi32, #tpu.memory_space<hbm>> -> memref<1x40x128xi32, #tpu.memory_space<hbm>>
      %dma_wait3A_200 = tpu.memref_squeeze %dma_wait3A_199 : memref<1x40x128xi32, #tpu.memory_space<hbm>> -> memref<40x128xi32, #tpu.memory_space<hbm>>
      %dma_wait3A_201 = arith.constant 0 : i32
      %dma_wait3A_202 = tpu.memref_slice %arg3[%arg1, %multiple_of3A_8, %dma_wait3A_201] : memref<16x80x128xi32, #tpu.memory_space<hbm>> -> memref<1x40x128xi32, #tpu.memory_space<hbm>>
      %dma_wait3A_203 = tpu.memref_squeeze %dma_wait3A_202 : memref<1x40x128xi32, #tpu.memory_space<hbm>> -> memref<40x128xi32, #tpu.memory_space<hbm>>
      tpu.wait_dma2 semaphore(%run_scoped3A_191 : memref<!tpu.dma_semaphore, #tpu.memory_space<semaphore_mem>>) src(%dma_wait3A_203 : memref<40x128xi32, #tpu.memory_space<hbm>>) dst(%arg7 : memref<40x128xi32, #tpu.memory_space<vmem>>)
      tpu.yield
    }) : () -> ()
    "tpu.region"() ({
      %run_scoped3A_191 = tpu.sem_alloc : memref<!tpu.dma_semaphore, #tpu.memory_space<semaphore_mem>>
      %dma_start3A_192 = arith.constant 0 : i32
      %dma_start3A_193 = tpu.memref_slice %arg4[%arg1, %multiple_of3A_8, %dma_start3A_192] : memref<16x80x128xi32, #tpu.memory_space<hbm>> -> memref<1x40x128xi32, #tpu.memory_space<hbm>>
      %dma_start3A_194 = tpu.memref_squeeze %dma_start3A_193 : memref<1x40x128xi32, #tpu.memory_space<hbm>> -> memref<40x128xi32, #tpu.memory_space<hbm>>
      %dma_start3A_195 = arith.constant 0 : i32
      %dma_start3A_196 = tpu.memref_slice %arg4[%arg1, %multiple_of3A_8, %dma_start3A_195] : memref<16x80x128xi32, #tpu.memory_space<hbm>> -> memref<1x40x128xi32, #tpu.memory_space<hbm>>
      %dma_start3A_197 = tpu.memref_squeeze %dma_start3A_196 : memref<1x40x128xi32, #tpu.memory_space<hbm>> -> memref<40x128xi32, #tpu.memory_space<hbm>>
      tpu.enqueue_dma source(%dma_start3A_197 : memref<40x128xi32, #tpu.memory_space<hbm>>) target(%arg8 : memref<40x128xi32, #tpu.memory_space<vmem>>) target_semaphore(%run_scoped3A_191 : memref<!tpu.dma_semaphore, #tpu.memory_space<semaphore_mem>>)
      %dma_wait3A_198 = arith.constant 0 : i32
      %dma_wait3A_199 = tpu.memref_slice %arg4[%arg1, %multiple_of3A_8, %dma_wait3A_198] : memref<16x80x128xi32, #tpu.memory_space<hbm>> -> memref<1x40x128xi32, #tpu.memory_space<hbm>>
      %dma_wait3A_200 = tpu.memref_squeeze %dma_wait3A_199 : memref<1x40x128xi32, #tpu.memory_space<hbm>> -> memref<40x128xi32, #tpu.memory_space<hbm>>
      %dma_wait3A_201 = arith.constant 0 : i32
      %dma_wait3A_202 = tpu.memref_slice %arg4[%arg1, %multiple_of3A_8, %dma_wait3A_201] : memref<16x80x128xi32, #tpu.memory_space<hbm>> -> memref<1x40x128xi32, #tpu.memory_space<hbm>>
      %dma_wait3A_203 = tpu.memref_squeeze %dma_wait3A_202 : memref<1x40x128xi32, #tpu.memory_space<hbm>> -> memref<40x128xi32, #tpu.memory_space<hbm>>
      tpu.wait_dma2 semaphore(%run_scoped3A_191 : memref<!tpu.dma_semaphore, #tpu.memory_space<semaphore_mem>>) src(%dma_wait3A_203 : memref<40x128xi32, #tpu.memory_space<hbm>>) dst(%arg8 : memref<40x128xi32, #tpu.memory_space<vmem>>)
      tpu.yield
    }) : () -> ()
    %scan3A = arith.constant 0 : i32
    %scan3A_9 = arith.constant 0 : i32
    %scan3A_10 = arith.constant 40 : i32
    %scan3A_11 = arith.addi %scan3A_9, %scan3A_10 : i32
    %scan3A_12 = arith.constant 1 : i32
    scf.for %scan3A_191 = %scan3A_9 to %scan3A_11 step %scan3A_12  : i32 {
      %get3A = arith.index_cast %scan3A_191 : i32 to index
      %get3A_192 = arith.constant 0 : index
      %get3A_193 = tpu.vector_load %arg7[%get3A, %get3A_192] {strides = array<i32>} : memref<40x128xi32, #tpu.memory_space<vmem>>, vector<1x16xi32>,
      %get3A_194 = vector.shape_cast %get3A_193 : vector<1x16xi32> to vector<16xi32>
      %mul3A_195 = arith.constant 4 : i32
      %mul3A_196 = vector.broadcast %mul3A_195 : i32 to vector<16xi32>
      %mul3A_197 = arith.muli %get3A_194, %mul3A_196 : vector<16xi32>
      %add3A_198 = vector.broadcast %add3A_3 : i32 to vector<16xi32>
      %add3A_199 = arith.addi %mul3A_197, %add3A_198 : vector<16xi32>
      %swap3A = arith.index_cast %scan3A_191 : i32 to index
      %swap3A_200 = arith.constant 0 : index
      %swap3A_201 = tpu.vector_load %arg7[%swap3A, %swap3A_200] {strides = array<i32>} : memref<40x128xi32, #tpu.memory_space<vmem>>, vector<1x16xi32>,
      %swap3A_202 = vector.shape_cast %swap3A_201 : vector<1x16xi32> to vector<16xi32>
      %swap3A_203 = vector.shape_cast %add3A_199 : vector<16xi32> to vector<1x16xi32>
      tpu.vector_store %arg7[%swap3A, %swap3A_200], %swap3A_203 {strides = array<i32>} : memref<40x128xi32, #tpu.memory_space<vmem>>, vector<1x16xi32>,
      %get3A_204 = arith.index_cast %scan3A_191 : i32 to index
      %get3A_205 = arith.constant 16 : index
      %get3A_206 = tpu.vector_load %arg7[%get3A_204, %get3A_205] {strides = array<i32>} : memref<40x128xi32, #tpu.memory_space<vmem>>, vector<1x16xi32>,
      %get3A_207 = vector.shape_cast %get3A_206 : vector<1x16xi32> to vector<16xi32>
      %mul3A_208 = arith.constant 4 : i32
      %mul3A_209 = vector.broadcast %mul3A_208 : i32 to vector<16xi32>
      %mul3A_210 = arith.muli %get3A_207, %mul3A_209 : vector<16xi32>
      %add3A_211 = vector.broadcast %add3A_3 : i32 to vector<16xi32>
      %add3A_212 = arith.addi %mul3A_210, %add3A_211 : vector<16xi32>
      %swap3A_213 = arith.index_cast %scan3A_191 : i32 to index
      %swap3A_214 = arith.constant 16 : index
      %swap3A_215 = tpu.vector_load %arg7[%swap3A_213, %swap3A_214] {strides = array<i32>} : memref<40x128xi32, #tpu.memory_space<vmem>>, vector<1x16xi32>,
      %swap3A_216 = vector.shape_cast %swap3A_215 : vector<1x16xi32> to vector<16xi32>
      %swap3A_217 = vector.shape_cast %add3A_212 : vector<16xi32> to vector<1x16xi32>
      tpu.vector_store %arg7[%swap3A_213, %swap3A_214], %swap3A_217 {strides = array<i32>} : memref<40x128xi32, #tpu.memory_space<vmem>>, vector<1x16xi32>,
      %get3A_218 = arith.index_cast %scan3A_191 : i32 to index
      %get3A_219 = arith.constant 32 : index
      %get3A_220 = tpu.vector_load %arg7[%get3A_218, %get3A_219] {strides = array<i32>} : memref<40x128xi32, #tpu.memory_space<vmem>>, vector<1x16xi32>,
      %get3A_221 = vector.shape_cast %get3A_220 : vector<1x16xi32> to vector<16xi32>
      %mul3A_222 = arith.constant 4 : i32
      %mul3A_223 = vector.broadcast %mul3A_222 : i32 to vector<16xi32>
      %mul3A_224 = arith.muli %get3A_221, %mul3A_223 : vector<16xi32>
      %add3A_225 = vector.broadcast %add3A_3 : i32 to vector<16xi32>
      %add3A_226 = arith.addi %mul3A_224, %add3A_225 : vector<16xi32>
      %swap3A_227 = arith.index_cast %scan3A_191 : i32 to index
      %swap3A_228 = arith.constant 32 : index
      %swap3A_229 = tpu.vector_load %arg7[%swap3A_227, %swap3A_228] {strides = array<i32>} : memref<40x128xi32, #tpu.memory_space<vmem>>, vector<1x16xi32>,
      %swap3A_230 = vector.shape_cast %swap3A_229 : vector<1x16xi32> to vector<16xi32>
      %swap3A_231 = vector.shape_cast %add3A_226 : vector<16xi32> to vector<1x16xi32>
      tpu.vector_store %arg7[%swap3A_227, %swap3A_228], %swap3A_231 {strides = array<i32>} : memref<40x128xi32, #tpu.memory_space<vmem>>, vector<1x16xi32>,
      %get3A_232 = arith.index_cast %scan3A_191 : i32 to index
      %get3A_233 = arith.constant 48 : index
      %get3A_234 = tpu.vector_load %arg7[%get3A_232, %get3A_233] {strides = array<i32>} : memref<40x128xi32, #tpu.memory_space<vmem>>, vector<1x16xi32>,
      %get3A_235 = vector.shape_cast %get3A_234 : vector<1x16xi32> to vector<16xi32>
      %mul3A_236 = arith.constant 4 : i32
      %mul3A_237 = vector.broadcast %mul3A_236 : i32 to vector<16xi32>
      %mul3A_238 = arith.muli %get3A_235, %mul3A_237 : vector<16xi32>
      %add3A_239 = vector.broadcast %add3A_3 : i32 to vector<16xi32>
      %add3A_240 = arith.addi %mul3A_238, %add3A_239 : vector<16xi32>
      %swap3A_241 = arith.index_cast %scan3A_191 : i32 to index
      %swap3A_242 = arith.constant 48 : index
      %swap3A_243 = tpu.vector_load %arg7[%swap3A_241, %swap3A_242] {strides = array<i32>} : memref<40x128xi32, #tpu.memory_space<vmem>>, vector<1x16xi32>,
      %swap3A_244 = vector.shape_cast %swap3A_243 : vector<1x16xi32> to vector<16xi32>
      %swap3A_245 = vector.shape_cast %add3A_240 : vector<16xi32> to vector<1x16xi32>
      tpu.vector_store %arg7[%swap3A_241, %swap3A_242], %swap3A_245 {strides = array<i32>} : memref<40x128xi32, #tpu.memory_space<vmem>>, vector<1x16xi32>,
      %get3A_246 = arith.index_cast %scan3A_191 : i32 to index
      %get3A_247 = arith.constant 64 : index
      %get3A_248 = tpu.vector_load %arg7[%get3A_246, %get3A_247] {strides = array<i32>} : memref<40x128xi32, #tpu.memory_space<vmem>>, vector<1x16xi32>,
      %get3A_249 = vector.shape_cast %get3A_248 : vector<1x16xi32> to vector<16xi32>
      %mul3A_250 = arith.constant 4 : i32
      %mul3A_251 = vector.broadcast %mul3A_250 : i32 to vector<16xi32>
      %mul3A_252 = arith.muli %get3A_249, %mul3A_251 : vector<16xi32>
      %add3A_253 = vector.broadcast %add3A_3 : i32 to vector<16xi32>
      %add3A_254 = arith.addi %mul3A_252, %add3A_253 : vector<16xi32>
      %swap3A_255 = arith.index_cast %scan3A_191 : i32 to index
      %swap3A_256 = arith.constant 64 : index
      %swap3A_257 = tpu.vector_load %arg7[%swap3A_255, %swap3A_256] {strides = array<i32>} : memref<40x128xi32, #tpu.memory_space<vmem>>, vector<1x16xi32>,
      %swap3A_258 = vector.shape_cast %swap3A_257 : vector<1x16xi32> to vector<16xi32>
      %swap3A_259 = vector.shape_cast %add3A_254 : vector<16xi32> to vector<1x16xi32>
      tpu.vector_store %arg7[%swap3A_255, %swap3A_256], %swap3A_259 {strides = array<i32>} : memref<40x128xi32, #tpu.memory_space<vmem>>, vector<1x16xi32>,
      %get3A_260 = arith.index_cast %scan3A_191 : i32 to index
      %get3A_261 = arith.constant 80 : index
      %get3A_262 = tpu.vector_load %arg7[%get3A_260, %get3A_261] {strides = array<i32>} : memref<40x128xi32, #tpu.memory_space<vmem>>, vector<1x16xi32>,
      %get3A_263 = vector.shape_cast %get3A_262 : vector<1x16xi32> to vector<16xi32>
      %mul3A_264 = arith.constant 4 : i32
      %mul3A_265 = vector.broadcast %mul3A_264 : i32 to vector<16xi32>
      %mul3A_266 = arith.muli %get3A_263, %mul3A_265 : vector<16xi32>
      %add3A_267 = vector.broadcast %add3A_3 : i32 to vector<16xi32>
      %add3A_268 = arith.addi %mul3A_266, %add3A_267 : vector<16xi32>
      %swap3A_269 = arith.index_cast %scan3A_191 : i32 to index
      %swap3A_270 = arith.constant 80 : index
      %swap3A_271 = tpu.vector_load %arg7[%swap3A_269, %swap3A_270] {strides = array<i32>} : memref<40x128xi32, #tpu.memory_space<vmem>>, vector<1x16xi32>,
      %swap3A_272 = vector.shape_cast %swap3A_271 : vector<1x16xi32> to vector<16xi32>
      %swap3A_273 = vector.shape_cast %add3A_268 : vector<16xi32> to vector<1x16xi32>
      tpu.vector_store %arg7[%swap3A_269, %swap3A_270], %swap3A_273 {strides = array<i32>} : memref<40x128xi32, #tpu.memory_space<vmem>>, vector<1x16xi32>,
      %get3A_274 = arith.index_cast %scan3A_191 : i32 to index
      %get3A_275 = arith.constant 96 : index
      %get3A_276 = tpu.vector_load %arg7[%get3A_274, %get3A_275] {strides = array<i32>} : memref<40x128xi32, #tpu.memory_space<vmem>>, vector<1x16xi32>,
      %get3A_277 = vector.shape_cast %get3A_276 : vector<1x16xi32> to vector<16xi32>
      %mul3A_278 = arith.constant 4 : i32
      %mul3A_279 = vector.broadcast %mul3A_278 : i32 to vector<16xi32>
      %mul3A_280 = arith.muli %get3A_277, %mul3A_279 : vector<16xi32>
      %add3A_281 = vector.broadcast %add3A_3 : i32 to vector<16xi32>
      %add3A_282 = arith.addi %mul3A_280, %add3A_281 : vector<16xi32>
      %swap3A_283 = arith.index_cast %scan3A_191 : i32 to index
      %swap3A_284 = arith.constant 96 : index
      %swap3A_285 = tpu.vector_load %arg7[%swap3A_283, %swap3A_284] {strides = array<i32>} : memref<40x128xi32, #tpu.memory_space<vmem>>, vector<1x16xi32>,
      %swap3A_286 = vector.shape_cast %swap3A_285 : vector<1x16xi32> to vector<16xi32>
      %swap3A_287 = vector.shape_cast %add3A_282 : vector<16xi32> to vector<1x16xi32>
      tpu.vector_store %arg7[%swap3A_283, %swap3A_284], %swap3A_287 {strides = array<i32>} : memref<40x128xi32, #tpu.memory_space<vmem>>, vector<1x16xi32>,
      %get3A_288 = arith.index_cast %scan3A_191 : i32 to index
      %get3A_289 = arith.constant 112 : index
      %get3A_290 = tpu.vector_load %arg7[%get3A_288, %get3A_289] {strides = array<i32>} : memref<40x128xi32, #tpu.memory_space<vmem>>, vector<1x16xi32>,
      %get3A_291 = vector.shape_cast %get3A_290 : vector<1x16xi32> to vector<16xi32>
      %mul3A_292 = arith.constant 4 : i32
      %mul3A_293 = vector.broadcast %mul3A_292 : i32 to vector<16xi32>
      %mul3A_294 = arith.muli %get3A_291, %mul3A_293 : vector<16xi32>
      %add3A_295 = vector.broadcast %add3A_3 : i32 to vector<16xi32>
      %add3A_296 = arith.addi %mul3A_294, %add3A_295 : vector<16xi32>
      %swap3A_297 = arith.index_cast %scan3A_191 : i32 to index
      %swap3A_298 = arith.constant 112 : index
      %swap3A_299 = tpu.vector_load %arg7[%swap3A_297, %swap3A_298] {strides = array<i32>} : memref<40x128xi32, #tpu.memory_space<vmem>>, vector<1x16xi32>,
      %swap3A_300 = vector.shape_cast %swap3A_299 : vector<1x16xi32> to vector<16xi32>
      %swap3A_301 = vector.shape_cast %add3A_296 : vector<16xi32> to vector<1x16xi32>
      tpu.vector_store %arg7[%swap3A_297, %swap3A_298], %swap3A_301 {strides = array<i32>} : memref<40x128xi32, #tpu.memory_space<vmem>>, vector<1x16xi32>,
    }
    %scan3A_13 = arith.constant 40 : i32
    %dma_start3A = arith.constant 0 : i32
    %dma_start3A_14 = arith.constant 0 : i32
    %dma_start3A_15 = tpu.memref_slice %arg7[%dma_start3A, %dma_start3A_14] : memref<40x128xi32, #tpu.memory_space<vmem>> -> memref<1x128xi32, #tpu.memory_space<vmem>>
    %dma_start3A_16 = tpu.memref_squeeze %dma_start3A_15 : memref<1x128xi32, #tpu.memory_space<vmem>> -> memref<128xi32, #tpu.memory_space<vmem>>
    %dma_start3A_17 = arith.constant 0 : i32
    %dma_start3A_18 = arith.constant 0 : i32
    %dma_start3A_19 = tpu.memref_slice %arg2[%dma_start3A_17, %dma_start3A_18] : memref<40000x128xf32, #tpu.memory_space<hbm>> -> memref<40000x128xf32, #tpu.memory_space<hbm>>
    tpu.enqueue_indirect_dma source(%dma_start3A_19 : memref<40000x128xf32, #tpu.memory_space<hbm>>) target(%arg9 : memref<128x128xf32, #tpu.memory_space<vmem>>) offsets(%dma_start3A_16 : memref<128xi32, #tpu.memory_space<vmem>>) semaphore(%arg12 : memref<!tpu.dma_semaphore, #tpu.memory_space<semaphore_mem>>)
    %dma_start3A_20 = arith.constant 1 : i32
    %dma_start3A_21 = arith.constant 0 : i32
    %dma_start3A_22 = tpu.memref_slice %arg7[%dma_start3A_20, %dma_start3A_21] : memref<40x128xi32, #tpu.memory_space<vmem>> -> memref<1x128xi32, #tpu.memory_space<vmem>>
    %dma_start3A_23 = tpu.memref_squeeze %dma_start3A_22 : memref<1x128xi32, #tpu.memory_space<vmem>> -> memref<128xi32, #tpu.memory_space<vmem>>
    %dma_start3A_24 = arith.constant 0 : i32
    %dma_start3A_25 = arith.constant 0 : i32
    %dma_start3A_26 = tpu.memref_slice %arg2[%dma_start3A_24, %dma_start3A_25] : memref<40000x128xf32, #tpu.memory_space<hbm>> -> memref<40000x128xf32, #tpu.memory_space<hbm>>
    tpu.enqueue_indirect_dma source(%dma_start3A_26 : memref<40000x128xf32, #tpu.memory_space<hbm>>) target(%arg10 : memref<128x128xf32, #tpu.memory_space<vmem>>) offsets(%dma_start3A_23 : memref<128xi32, #tpu.memory_space<vmem>>) semaphore(%arg13 : memref<!tpu.dma_semaphore, #tpu.memory_space<semaphore_mem>>)
    %scan3A_27 = arith.constant 0 : i32
    %scan3A_28 = arith.constant 0 : i32
    %scan3A_29 = arith.constant 19 : i32
    %scan3A_30 = arith.addi %scan3A_28, %scan3A_29 : i32
    %scan3A_31 = arith.constant 1 : i32
    scf.for %scan3A_191 = %scan3A_28 to %scan3A_30 step %scan3A_31  : i32 {
      %mul3A_192 = arith.constant 2 : i32
      %mul3A_193 = arith.muli %scan3A_191, %mul3A_192 : i32
      %dma_wait3A_194 = arith.constant 0 : i32
      %dma_wait3A_195 = arith.constant 0 : i32
      %dma_wait3A_196 = tpu.memref_slice %arg7[%dma_wait3A_194, %dma_wait3A_195] : memref<40x128xi32, #tpu.memory_space<vmem>> -> memref<1x128xi32, #tpu.memory_space<vmem>>
      %dma_wait3A_197 = tpu.memref_squeeze %dma_wait3A_196 : memref<1x128xi32, #tpu.memory_space<vmem>> -> memref<128xi32, #tpu.memory_space<vmem>>
      %dma_wait3A_198 = arith.constant 0 : i32
      %dma_wait3A_199 = arith.constant 0 : i32
      %dma_wait3A_200 = tpu.memref_slice %arg2[%dma_wait3A_198, %dma_wait3A_199] : memref<40000x128xf32, #tpu.memory_space<hbm>> -> memref<40000x128xf32, #tpu.memory_space<hbm>>
      tpu.wait_indirect_dma semaphore(%arg12 : memref<!tpu.dma_semaphore, #tpu.memory_space<semaphore_mem>>) src(%dma_wait3A_200 : memref<40000x128xf32, #tpu.memory_space<hbm>>) dst(%arg9 : memref<128x128xf32, #tpu.memory_space<vmem>>)
      %add3A_201 = arith.constant 0 : i32
      %add3A_202 = arith.addi %mul3A_193, %add3A_201 : i32
      "tpu.region"() ({
        %run_scoped3A_232 = tpu.sem_alloc : memref<!tpu.dma_semaphore, #tpu.memory_space<semaphore_mem>>
        %dma_start3A_233 = arith.constant 0 : i32
        %dma_start3A_234 = tpu.memref_slice %arg8[%add3A_202, %dma_start3A_233] : memref<40x128xi32, #tpu.memory_space<vmem>> -> memref<1x128xi32, #tpu.memory_space<vmem>>
        %dma_start3A_235 = tpu.memref_squeeze %dma_start3A_234 : memref<1x128xi32, #tpu.memory_space<vmem>> -> memref<128xi32, #tpu.memory_space<vmem>>
        %dma_start3A_236 = arith.constant 0 : i32
        %dma_start3A_237 = arith.constant 0 : i32
        %dma_start3A_238 = tpu.memref_slice %arg11[%dma_start3A_236, %dma_start3A_237] : memref<10112x128xf32, #tpu.memory_space<vmem_shared>> -> memref<10112x128xf32, #tpu.memory_space<vmem_shared>>
        tpu.enqueue_indirect_dma source(%arg9 : memref<128x128xf32, #tpu.memory_space<vmem>>) target(%dma_start3A_238 : memref<10112x128xf32, #tpu.memory_space<vmem_shared>>) offsets(%dma_start3A_235 : memref<128xi32, #tpu.memory_space<vmem>>) semaphore(%run_scoped3A_232 : memref<!tpu.dma_semaphore, #tpu.memory_space<semaphore_mem>>) {add = true}
        %dma_wait3A_239 = arith.constant 0 : i32
        %dma_wait3A_240 = tpu.memref_slice %arg8[%add3A_202, %dma_wait3A_239] : memref<40x128xi32, #tpu.memory_space<vmem>> -> memref<1x128xi32, #tpu.memory_space<vmem>>
        %dma_wait3A_241 = tpu.memref_squeeze %dma_wait3A_240 : memref<1x128xi32, #tpu.memory_space<vmem>> -> memref<128xi32, #tpu.memory_space<vmem>>
        %dma_wait3A_242 = arith.constant 0 : i32
        %dma_wait3A_243 = arith.constant 0 : i32
        %dma_wait3A_244 = tpu.memref_slice %arg11[%dma_wait3A_242, %dma_wait3A_243] : memref<10112x128xf32, #tpu.memory_space<vmem_shared>> -> memref<10112x128xf32, #tpu.memory_space<vmem_shared>>
        tpu.wait_indirect_dma semaphore(%run_scoped3A_232 : memref<!tpu.dma_semaphore, #tpu.memory_space<semaphore_mem>>) src(%arg9 : memref<128x128xf32, #tpu.memory_space<vmem>>) dst(%dma_wait3A_244 : memref<10112x128xf32, #tpu.memory_space<vmem_shared>>)
        tpu.yield
      }) : () -> ()
      %add3A_203 = arith.constant 2 : i32
      %add3A_204 = arith.addi %mul3A_193, %add3A_203 : i32
      %add3A_205 = arith.constant 0 : i32
      %add3A_206 = arith.addi %add3A_204, %add3A_205 : i32
      %dma_start3A_207 = arith.constant 0 : i32
      %dma_start3A_208 = tpu.memref_slice %arg7[%add3A_206, %dma_start3A_207] : memref<40x128xi32, #tpu.memory_space<vmem>> -> memref<1x128xi32, #tpu.memory_space<vmem>>
      %dma_start3A_209 = tpu.memref_squeeze %dma_start3A_208 : memref<1x128xi32, #tpu.memory_space<vmem>> -> memref<128xi32, #tpu.memory_space<vmem>>
      %dma_start3A_210 = arith.constant 0 : i32
      %dma_start3A_211 = arith.constant 0 : i32
      %dma_start3A_212 = tpu.memref_slice %arg2[%dma_start3A_210, %dma_start3A_211] : memref<40000x128xf32, #tpu.memory_space<hbm>> -> memref<40000x128xf32, #tpu.memory_space<hbm>>
      tpu.enqueue_indirect_dma source(%dma_start3A_212 : memref<40000x128xf32, #tpu.memory_space<hbm>>) target(%arg9 : memref<128x128xf32, #tpu.memory_space<vmem>>) offsets(%dma_start3A_209 : memref<128xi32, #tpu.memory_space<vmem>>) semaphore(%arg12 : memref<!tpu.dma_semaphore, #tpu.memory_space<semaphore_mem>>)
      %dma_wait3A_213 = arith.constant 0 : i32
      %dma_wait3A_214 = arith.constant 0 : i32
      %dma_wait3A_215 = tpu.memref_slice %arg7[%dma_wait3A_213, %dma_wait3A_214] : memref<40x128xi32, #tpu.memory_space<vmem>> -> memref<1x128xi32, #tpu.memory_space<vmem>>
      %dma_wait3A_216 = tpu.memref_squeeze %dma_wait3A_215 : memref<1x128xi32, #tpu.memory_space<vmem>> -> memref<128xi32, #tpu.memory_space<vmem>>
      %dma_wait3A_217 = arith.constant 0 : i32
      %dma_wait3A_218 = arith.constant 0 : i32
      %dma_wait3A_219 = tpu.memref_slice %arg2[%dma_wait3A_217, %dma_wait3A_218] : memref<40000x128xf32, #tpu.memory_space<hbm>> -> memref<40000x128xf32, #tpu.memory_space<hbm>>
      tpu.wait_indirect_dma semaphore(%arg13 : memref<!tpu.dma_semaphore, #tpu.memory_space<semaphore_mem>>) src(%dma_wait3A_219 : memref<40000x128xf32, #tpu.memory_space<hbm>>) dst(%arg10 : memref<128x128xf32, #tpu.memory_space<vmem>>)
      %add3A_220 = arith.constant 1 : i32
      %add3A_221 = arith.addi %mul3A_193, %add3A_220 : i32
      "tpu.region"() ({
        %run_scoped3A_232 = tpu.sem_alloc : memref<!tpu.dma_semaphore, #tpu.memory_space<semaphore_mem>>
        %dma_start3A_233 = arith.constant 0 : i32
        %dma_start3A_234 = tpu.memref_slice %arg8[%add3A_221, %dma_start3A_233] : memref<40x128xi32, #tpu.memory_space<vmem>> -> memref<1x128xi32, #tpu.memory_space<vmem>>
        %dma_start3A_235 = tpu.memref_squeeze %dma_start3A_234 : memref<1x128xi32, #tpu.memory_space<vmem>> -> memref<128xi32, #tpu.memory_space<vmem>>
        %dma_start3A_236 = arith.constant 0 : i32
        %dma_start3A_237 = arith.constant 0 : i32
        %dma_start3A_238 = tpu.memref_slice %arg11[%dma_start3A_236, %dma_start3A_237] : memref<10112x128xf32, #tpu.memory_space<vmem_shared>> -> memref<10112x128xf32, #tpu.memory_space<vmem_shared>>
        tpu.enqueue_indirect_dma source(%arg10 : memref<128x128xf32, #tpu.memory_space<vmem>>) target(%dma_start3A_238 : memref<10112x128xf32, #tpu.memory_space<vmem_shared>>) offsets(%dma_start3A_235 : memref<128xi32, #tpu.memory_space<vmem>>) semaphore(%run_scoped3A_232 : memref<!tpu.dma_semaphore, #tpu.memory_space<semaphore_mem>>) {add = true}
        %dma_wait3A_239 = arith.constant 0 : i32
        %dma_wait3A_240 = tpu.memref_slice %arg8[%add3A_221, %dma_wait3A_239] : memref<40x128xi32, #tpu.memory_space<vmem>> -> memref<1x128xi32, #tpu.memory_space<vmem>>
        %dma_wait3A_241 = tpu.memref_squeeze %dma_wait3A_240 : memref<1x128xi32, #tpu.memory_space<vmem>> -> memref<128xi32, #tpu.memory_space<vmem>>
        %dma_wait3A_242 = arith.constant 0 : i32
        %dma_wait3A_243 = arith.constant 0 : i32
        %dma_wait3A_244 = tpu.memref_slice %arg11[%dma_wait3A_242, %dma_wait3A_243] : memref<10112x128xf32, #tpu.memory_space<vmem_shared>> -> memref<10112x128xf32, #tpu.memory_space<vmem_shared>>
        tpu.wait_indirect_dma semaphore(%run_scoped3A_232 : memref<!tpu.dma_semaphore, #tpu.memory_space<semaphore_mem>>) src(%arg10 : memref<128x128xf32, #tpu.memory_space<vmem>>) dst(%dma_wait3A_244 : memref<10112x128xf32, #tpu.memory_space<vmem_shared>>)
        tpu.yield
      }) : () -> ()
      %add3A_222 = arith.constant 2 : i32
      %add3A_223 = arith.addi %mul3A_193, %add3A_222 : i32
      %add3A_224 = arith.constant 1 : i32
      %add3A_225 = arith.addi %add3A_223, %add3A_224 : i32
      %dma_start3A_226 = arith.constant 0 : i32
      %dma_start3A_227 = tpu.memref_slice %arg7[%add3A_225, %dma_start3A_226] : memref<40x128xi32, #tpu.memory_space<vmem>> -> memref<1x128xi32, #tpu.memory_space<vmem>>
      %dma_start3A_228 = tpu.memref_squeeze %dma_start3A_227 : memref<1x128xi32, #tpu.memory_space<vmem>> -> memref<128xi32, #tpu.memory_space<vmem>>
      %dma_start3A_229 = arith.constant 0 : i32
      %dma_start3A_230 = arith.constant 0 : i32
      %dma_start3A_231 = tpu.memref_slice %arg2[%dma_start3A_229, %dma_start3A_230] : memref<40000x128xf32, #tpu.memory_space<hbm>> -> memref<40000x128xf32, #tpu.memory_space<hbm>>
      tpu.enqueue_indirect_dma source(%dma_start3A_231 : memref<40000x128xf32, #tpu.memory_space<hbm>>) target(%arg10 : memref<128x128xf32, #tpu.memory_space<vmem>>) offsets(%dma_start3A_228 : memref<128xi32, #tpu.memory_space<vmem>>) semaphore(%arg13 : memref<!tpu.dma_semaphore, #tpu.memory_space<semaphore_mem>>)
    }
    %scan3A_32 = arith.constant 19 : i32
    %dma_wait3A = arith.constant 0 : i32
    %dma_wait3A_33 = arith.constant 0 : i32
    %dma_wait3A_34 = tpu.memref_slice %arg7[%dma_wait3A, %dma_wait3A_33] : memref<40x128xi32, #tpu.memory_space<vmem>> -> memref<1x128xi32, #tpu.memory_space<vmem>>
    %dma_wait3A_35 = tpu.memref_squeeze %dma_wait3A_34 : memref<1x128xi32, #tpu.memory_space<vmem>> -> memref<128xi32, #tpu.memory_space<vmem>>
    %dma_wait3A_36 = arith.constant 0 : i32
    %dma_wait3A_37 = arith.constant 0 : i32
    %dma_wait3A_38 = tpu.memref_slice %arg2[%dma_wait3A_36, %dma_wait3A_37] : memref<40000x128xf32, #tpu.memory_space<hbm>> -> memref<40000x128xf32, #tpu.memory_space<hbm>>
    tpu.wait_indirect_dma semaphore(%arg12 : memref<!tpu.dma_semaphore, #tpu.memory_space<semaphore_mem>>) src(%dma_wait3A_38 : memref<40000x128xf32, #tpu.memory_space<hbm>>) dst(%arg9 : memref<128x128xf32, #tpu.memory_space<vmem>>)
    %run_scoped3A = arith.constant 38 : i32
    "tpu.region"() ({
      %run_scoped3A_191 = tpu.sem_alloc : memref<!tpu.dma_semaphore, #tpu.memory_space<semaphore_mem>>
      %dma_start3A_192 = arith.constant 0 : i32
      %dma_start3A_193 = tpu.memref_slice %arg8[%run_scoped3A, %dma_start3A_192] : memref<40x128xi32, #tpu.memory_space<vmem>> -> memref<1x128xi32, #tpu.memory_space<vmem>>
      %dma_start3A_194 = tpu.memref_squeeze %dma_start3A_193 : memref<1x128xi32, #tpu.memory_space<vmem>> -> memref<128xi32, #tpu.memory_space<vmem>>
      %dma_start3A_195 = arith.constant 0 : i32
      %dma_start3A_196 = arith.constant 0 : i32
      %dma_start3A_197 = tpu.memref_slice %arg11[%dma_start3A_195, %dma_start3A_196] : memref<10112x128xf32, #tpu.memory_space<vmem_shared>> -> memref<10112x128xf32, #tpu.memory_space<vmem_shared>>
      tpu.enqueue_indirect_dma source(%arg9 : memref<128x128xf32, #tpu.memory_space<vmem>>) target(%dma_start3A_197 : memref<10112x128xf32, #tpu.memory_space<vmem_shared>>) offsets(%dma_start3A_194 : memref<128xi32, #tpu.memory_space<vmem>>) semaphore(%run_scoped3A_191 : memref<!tpu.dma_semaphore, #tpu.memory_space<semaphore_mem>>) {add = true}
      %dma_wait3A_198 = arith.constant 0 : i32
      %dma_wait3A_199 = tpu.memref_slice %arg8[%run_scoped3A, %dma_wait3A_198] : memref<40x128xi32, #tpu.memory_space<vmem>> -> memref<1x128xi32, #tpu.memory_space<vmem>>
      %dma_wait3A_200 = tpu.memref_squeeze %dma_wait3A_199 : memref<1x128xi32, #tpu.memory_space<vmem>> -> memref<128xi32, #tpu.memory_space<vmem>>
      %dma_wait3A_201 = arith.constant 0 : i32
      %dma_wait3A_202 = arith.constant 0 : i32
      %dma_wait3A_203 = tpu.memref_slice %arg11[%dma_wait3A_201, %dma_wait3A_202] : memref<10112x128xf32, #tpu.memory_space<vmem_shared>> -> memref<10112x128xf32, #tpu.memory_space<vmem_shared>>
      tpu.wait_indirect_dma semaphore(%run_scoped3A_191 : memref<!tpu.dma_semaphore, #tpu.memory_space<semaphore_mem>>) src(%arg9 : memref<128x128xf32, #tpu.memory_space<vmem>>) dst(%dma_wait3A_203 : memref<10112x128xf32, #tpu.memory_space<vmem_shared>>)
      tpu.yield
    }) : () -> ()
    %dma_wait3A_39 = arith.constant 0 : i32
    %dma_wait3A_40 = arith.constant 0 : i32
    %dma_wait3A_41 = tpu.memref_slice %arg7[%dma_wait3A_39, %dma_wait3A_40] : memref<40x128xi32, #tpu.memory_space<vmem>> -> memref<1x128xi32, #tpu.memory_space<vmem>>
    %dma_wait3A_42 = tpu.memref_squeeze %dma_wait3A_41 : memref<1x128xi32, #tpu.memory_space<vmem>> -> memref<128xi32, #tpu.memory_space<vmem>>
    %dma_wait3A_43 = arith.constant 0 : i32
    %dma_wait3A_44 = arith.constant 0 : i32
    %dma_wait3A_45 = tpu.memref_slice %arg2[%dma_wait3A_43, %dma_wait3A_44] : memref<40000x128xf32, #tpu.memory_space<hbm>> -> memref<40000x128xf32, #tpu.memory_space<hbm>>
    tpu.wait_indirect_dma semaphore(%arg13 : memref<!tpu.dma_semaphore, #tpu.memory_space<semaphore_mem>>) src(%dma_wait3A_45 : memref<40000x128xf32, #tpu.memory_space<hbm>>) dst(%arg10 : memref<128x128xf32, #tpu.memory_space<vmem>>)
    %run_scoped3A_46 = arith.constant 39 : i32
    "tpu.region"() ({
      %run_scoped3A_191 = tpu.sem_alloc : memref<!tpu.dma_semaphore, #tpu.memory_space<semaphore_mem>>
      %dma_start3A_192 = arith.constant 0 : i32
      %dma_start3A_193 = tpu.memref_slice %arg8[%run_scoped3A_46, %dma_start3A_192] : memref<40x128xi32, #tpu.memory_space<vmem>> -> memref<1x128xi32, #tpu.memory_space<vmem>>
      %dma_start3A_194 = tpu.memref_squeeze %dma_start3A_193 : memref<1x128xi32, #tpu.memory_space<vmem>> -> memref<128xi32, #tpu.memory_space<vmem>>
      %dma_start3A_195 = arith.constant 0 : i32
      %dma_start3A_196 = arith.constant 0 : i32
      %dma_start3A_197 = tpu.memref_slice %arg11[%dma_start3A_195, %dma_start3A_196] : memref<10112x128xf32, #tpu.memory_space<vmem_shared>> -> memref<10112x128xf32, #tpu.memory_space<vmem_shared>>
      tpu.enqueue_indirect_dma source(%arg10 : memref<128x128xf32, #tpu.memory_space<vmem>>) target(%dma_start3A_197 : memref<10112x128xf32, #tpu.memory_space<vmem_shared>>) offsets(%dma_start3A_194 : memref<128xi32, #tpu.memory_space<vmem>>) semaphore(%run_scoped3A_191 : memref<!tpu.dma_semaphore, #tpu.memory_space<semaphore_mem>>) {add = true}
      %dma_wait3A_198 = arith.constant 0 : i32
      %dma_wait3A_199 = tpu.memref_slice %arg8[%run_scoped3A_46, %dma_wait3A_198] : memref<40x128xi32, #tpu.memory_space<vmem>> -> memref<1x128xi32, #tpu.memory_space<vmem>>
      %dma_wait3A_200 = tpu.memref_squeeze %dma_wait3A_199 : memref<1x128xi32, #tpu.memory_space<vmem>> -> memref<128xi32, #tpu.memory_space<vmem>>
      %dma_wait3A_201 = arith.constant 0 : i32
      %dma_wait3A_202 = arith.constant 0 : i32
      %dma_wait3A_203 = tpu.memref_slice %arg11[%dma_wait3A_201, %dma_wait3A_202] : memref<10112x128xf32, #tpu.memory_space<vmem_shared>> -> memref<10112x128xf32, #tpu.memory_space<vmem_shared>>
      tpu.wait_indirect_dma semaphore(%run_scoped3A_191 : memref<!tpu.dma_semaphore, #tpu.memory_space<semaphore_mem>>) src(%arg10 : memref<128x128xf32, #tpu.memory_space<vmem>>) dst(%dma_wait3A_203 : memref<10112x128xf32, #tpu.memory_space<vmem_shared>>)
      tpu.yield
    }) : () -> ()
    %multiple_of3A_47 = arith.constant 40 : i32
    %multiple_of3A_48 = tpu.assume_multiple %multiple_of3A_47, 8 : i32
    "tpu.region"() ({
      %run_scoped3A_191 = tpu.sem_alloc : memref<!tpu.dma_semaphore, #tpu.memory_space<semaphore_mem>>
      %dma_start3A_192 = arith.constant 0 : i32
      %dma_start3A_193 = tpu.memref_slice %arg3[%arg1, %multiple_of3A_48, %dma_start3A_192] : memref<16x80x128xi32, #tpu.memory_space<hbm>> -> memref<1x40x128xi32, #tpu.memory_space<hbm>>
      %dma_start3A_194 = tpu.memref_squeeze %dma_start3A_193 : memref<1x40x128xi32, #tpu.memory_space<hbm>> -> memref<40x128xi32, #tpu.memory_space<hbm>>
      %dma_start3A_195 = arith.constant 0 : i32
      %dma_start3A_196 = tpu.memref_slice %arg3[%arg1, %multiple_of3A_48, %dma_start3A_195] : memref<16x80x128xi32, #tpu.memory_space<hbm>> -> memref<1x40x128xi32, #tpu.memory_space<hbm>>
      %dma_start3A_197 = tpu.memref_squeeze %dma_start3A_196 : memref<1x40x128xi32, #tpu.memory_space<hbm>> -> memref<40x128xi32, #tpu.memory_space<hbm>>
      tpu.enqueue_dma source(%dma_start3A_197 : memref<40x128xi32, #tpu.memory_space<hbm>>) target(%arg7 : memref<40x128xi32, #tpu.memory_space<vmem>>) target_semaphore(%run_scoped3A_191 : memref<!tpu.dma_semaphore, #tpu.memory_space<semaphore_mem>>)
      %dma_wait3A_198 = arith.constant 0 : i32
      %dma_wait3A_199 = tpu.memref_slice %arg3[%arg1, %multiple_of3A_48, %dma_wait3A_198] : memref<16x80x128xi32, #tpu.memory_space<hbm>> -> memref<1x40x128xi32, #tpu.memory_space<hbm>>
      %dma_wait3A_200 = tpu.memref_squeeze %dma_wait3A_199 : memref<1x40x128xi32, #tpu.memory_space<hbm>> -> memref<40x128xi32, #tpu.memory_space<hbm>>
      %dma_wait3A_201 = arith.constant 0 : i32
      %dma_wait3A_202 = tpu.memref_slice %arg3[%arg1, %multiple_of3A_48, %dma_wait3A_201] : memref<16x80x128xi32, #tpu.memory_space<hbm>> -> memref<1x40x128xi32, #tpu.memory_space<hbm>>
      %dma_wait3A_203 = tpu.memref_squeeze %dma_wait3A_202 : memref<1x40x128xi32, #tpu.memory_space<hbm>> -> memref<40x128xi32, #tpu.memory_space<hbm>>
      tpu.wait_dma2 semaphore(%run_scoped3A_191 : memref<!tpu.dma_semaphore, #tpu.memory_space<semaphore_mem>>) src(%dma_wait3A_203 : memref<40x128xi32, #tpu.memory_space<hbm>>) dst(%arg7 : memref<40x128xi32, #tpu.memory_space<vmem>>)
      tpu.yield
    }) : () -> ()
    "tpu.region"() ({
      %run_scoped3A_191 = tpu.sem_alloc : memref<!tpu.dma_semaphore, #tpu.memory_space<semaphore_mem>>
      %dma_start3A_192 = arith.constant 0 : i32
      %dma_start3A_193 = tpu.memref_slice %arg4[%arg1, %multiple_of3A_48, %dma_start3A_192] : memref<16x80x128xi32, #tpu.memory_space<hbm>> -> memref<1x40x128xi32, #tpu.memory_space<hbm>>
      %dma_start3A_194 = tpu.memref_squeeze %dma_start3A_193 : memref<1x40x128xi32, #tpu.memory_space<hbm>> -> memref<40x128xi32, #tpu.memory_space<hbm>>
      %dma_start3A_195 = arith.constant 0 : i32
      %dma_start3A_196 = tpu.memref_slice %arg4[%arg1, %multiple_of3A_48, %dma_start3A_195] : memref<16x80x128xi32, #tpu.memory_space<hbm>> -> memref<1x40x128xi32, #tpu.memory_space<hbm>>
      %dma_start3A_197 = tpu.memref_squeeze %dma_start3A_196 : memref<1x40x128xi32, #tpu.memory_space<hbm>> -> memref<40x128xi32, #tpu.memory_space<hbm>>
      tpu.enqueue_dma source(%dma_start3A_197 : memref<40x128xi32, #tpu.memory_space<hbm>>) target(%arg8 : memref<40x128xi32, #tpu.memory_space<vmem>>) target_semaphore(%run_scoped3A_191 : memref<!tpu.dma_semaphore, #tpu.memory_space<semaphore_mem>>)
      %dma_wait3A_198 = arith.constant 0 : i32
      %dma_wait3A_199 = tpu.memref_slice %arg4[%arg1, %multiple_of3A_48, %dma_wait3A_198] : memref<16x80x128xi32, #tpu.memory_space<hbm>> -> memref<1x40x128xi32, #tpu.memory_space<hbm>>
      %dma_wait3A_200 = tpu.memref_squeeze %dma_wait3A_199 : memref<1x40x128xi32, #tpu.memory_space<hbm>> -> memref<40x128xi32, #tpu.memory_space<hbm>>
      %dma_wait3A_201 = arith.constant 0 : i32
      %dma_wait3A_202 = tpu.memref_slice %arg4[%arg1, %multiple_of3A_48, %dma_wait3A_201] : memref<16x80x128xi32, #tpu.memory_space<hbm>> -> memref<1x40x128xi32, #tpu.memory_space<hbm>>
      %dma_wait3A_203 = tpu.memref_squeeze %dma_wait3A_202 : memref<1x40x128xi32, #tpu.memory_space<hbm>> -> memref<40x128xi32, #tpu.memory_space<hbm>>
      tpu.wait_dma2 semaphore(%run_scoped3A_191 : memref<!tpu.dma_semaphore, #tpu.memory_space<semaphore_mem>>) src(%dma_wait3A_203 : memref<40x128xi32, #tpu.memory_space<hbm>>) dst(%arg8 : memref<40x128xi32, #tpu.memory_space<vmem>>)
      tpu.yield
    }) : () -> ()
    %scan3A_49 = arith.constant 0 : i32
    %scan3A_50 = arith.constant 0 : i32
    %scan3A_51 = arith.constant 40 : i32
    %scan3A_52 = arith.addi %scan3A_50, %scan3A_51 : i32
    %scan3A_53 = arith.constant 1 : i32
    scf.for %scan3A_191 = %scan3A_50 to %scan3A_52 step %scan3A_53  : i32 {
      %get3A = arith.index_cast %scan3A_191 : i32 to index
      %get3A_192 = arith.constant 0 : index
      %get3A_193 = tpu.vector_load %arg7[%get3A, %get3A_192] {strides = array<i32>} : memref<40x128xi32, #tpu.memory_space<vmem>>, vector<1x16xi32>,
      %get3A_194 = vector.shape_cast %get3A_193 : vector<1x16xi32> to vector<16xi32>
      %mul3A_195 = arith.constant 4 : i32
      %mul3A_196 = vector.broadcast %mul3A_195 : i32 to vector<16xi32>
      %mul3A_197 = arith.muli %get3A_194, %mul3A_196 : vector<16xi32>
      %add3A_198 = vector.broadcast %add3A_3 : i32 to vector<16xi32>
      %add3A_199 = arith.addi %mul3A_197, %add3A_198 : vector<16xi32>
      %swap3A = arith.index_cast %scan3A_191 : i32 to index
      %swap3A_200 = arith.constant 0 : index
      %swap3A_201 = tpu.vector_load %arg7[%swap3A, %swap3A_200] {strides = array<i32>} : memref<40x128xi32, #tpu.memory_space<vmem>>, vector<1x16xi32>,
      %swap3A_202 = vector.shape_cast %swap3A_201 : vector<1x16xi32> to vector<16xi32>
      %swap3A_203 = vector.shape_cast %add3A_199 : vector<16xi32> to vector<1x16xi32>
      tpu.vector_store %arg7[%swap3A, %swap3A_200], %swap3A_203 {strides = array<i32>} : memref<40x128xi32, #tpu.memory_space<vmem>>, vector<1x16xi32>,
      %get3A_204 = arith.index_cast %scan3A_191 : i32 to index
      %get3A_205 = arith.constant 16 : index
      %get3A_206 = tpu.vector_load %arg7[%get3A_204, %get3A_205] {strides = array<i32>} : memref<40x128xi32, #tpu.memory_space<vmem>>, vector<1x16xi32>,
      %get3A_207 = vector.shape_cast %get3A_206 : vector<1x16xi32> to vector<16xi32>
      %mul3A_208 = arith.constant 4 : i32
      %mul3A_209 = vector.broadcast %mul3A_208 : i32 to vector<16xi32>
      %mul3A_210 = arith.muli %get3A_207, %mul3A_209 : vector<16xi32>
      %add3A_211 = vector.broadcast %add3A_3 : i32 to vector<16xi32>
      %add3A_212 = arith.addi %mul3A_210, %add3A_211 : vector<16xi32>
      %swap3A_213 = arith.index_cast %scan3A_191 : i32 to index
      %swap3A_214 = arith.constant 16 : index
      %swap3A_215 = tpu.vector_load %arg7[%swap3A_213, %swap3A_214] {strides = array<i32>} : memref<40x128xi32, #tpu.memory_space<vmem>>, vector<1x16xi32>,
      %swap3A_216 = vector.shape_cast %swap3A_215 : vector<1x16xi32> to vector<16xi32>
      %swap3A_217 = vector.shape_cast %add3A_212 : vector<16xi32> to vector<1x16xi32>
      tpu.vector_store %arg7[%swap3A_213, %swap3A_214], %swap3A_217 {strides = array<i32>} : memref<40x128xi32, #tpu.memory_space<vmem>>, vector<1x16xi32>,
      %get3A_218 = arith.index_cast %scan3A_191 : i32 to index
      %get3A_219 = arith.constant 32 : index
      %get3A_220 = tpu.vector_load %arg7[%get3A_218, %get3A_219] {strides = array<i32>} : memref<40x128xi32, #tpu.memory_space<vmem>>, vector<1x16xi32>,
      %get3A_221 = vector.shape_cast %get3A_220 : vector<1x16xi32> to vector<16xi32>
      %mul3A_222 = arith.constant 4 : i32
      %mul3A_223 = vector.broadcast %mul3A_222 : i32 to vector<16xi32>
      %mul3A_224 = arith.muli %get3A_221, %mul3A_223 : vector<16xi32>
      %add3A_225 = vector.broadcast %add3A_3 : i32 to vector<16xi32>
      %add3A_226 = arith.addi %mul3A_224, %add3A_225 : vector<16xi32>
      %swap3A_227 = arith.index_cast %scan3A_191 : i32 to index
      %swap3A_228 = arith.constant 32 : index
      %swap3A_229 = tpu.vector_load %arg7[%swap3A_227, %swap3A_228] {strides = array<i32>} : memref<40x128xi32, #tpu.memory_space<vmem>>, vector<1x16xi32>,
      %swap3A_230 = vector.shape_cast %swap3A_229 : vector<1x16xi32> to vector<16xi32>
      %swap3A_231 = vector.shape_cast %add3A_226 : vector<16xi32> to vector<1x16xi32>
      tpu.vector_store %arg7[%swap3A_227, %swap3A_228], %swap3A_231 {strides = array<i32>} : memref<40x128xi32, #tpu.memory_space<vmem>>, vector<1x16xi32>,
      %get3A_232 = arith.index_cast %scan3A_191 : i32 to index
      %get3A_233 = arith.constant 48 : index
      %get3A_234 = tpu.vector_load %arg7[%get3A_232, %get3A_233] {strides = array<i32>} : memref<40x128xi32, #tpu.memory_space<vmem>>, vector<1x16xi32>,
      %get3A_235 = vector.shape_cast %get3A_234 : vector<1x16xi32> to vector<16xi32>
      %mul3A_236 = arith.constant 4 : i32
      %mul3A_237 = vector.broadcast %mul3A_236 : i32 to vector<16xi32>
      %mul3A_238 = arith.muli %get3A_235, %mul3A_237 : vector<16xi32>
      %add3A_239 = vector.broadcast %add3A_3 : i32 to vector<16xi32>
      %add3A_240 = arith.addi %mul3A_238, %add3A_239 : vector<16xi32>
      %swap3A_241 = arith.index_cast %scan3A_191 : i32 to index
      %swap3A_242 = arith.constant 48 : index
      %swap3A_243 = tpu.vector_load %arg7[%swap3A_241, %swap3A_242] {strides = array<i32>} : memref<40x128xi32, #tpu.memory_space<vmem>>, vector<1x16xi32>,
      %swap3A_244 = vector.shape_cast %swap3A_243 : vector<1x16xi32> to vector<16xi32>
      %swap3A_245 = vector.shape_cast %add3A_240 : vector<16xi32> to vector<1x16xi32>
      tpu.vector_store %arg7[%swap3A_241, %swap3A_242], %swap3A_245 {strides = array<i32>} : memref<40x128xi32, #tpu.memory_space<vmem>>, vector<1x16xi32>,
      %get3A_246 = arith.index_cast %scan3A_191 : i32 to index
      %get3A_247 = arith.constant 64 : index
      %get3A_248 = tpu.vector_load %arg7[%get3A_246, %get3A_247] {strides = array<i32>} : memref<40x128xi32, #tpu.memory_space<vmem>>, vector<1x16xi32>,
      %get3A_249 = vector.shape_cast %get3A_248 : vector<1x16xi32> to vector<16xi32>
      %mul3A_250 = arith.constant 4 : i32
      %mul3A_251 = vector.broadcast %mul3A_250 : i32 to vector<16xi32>
      %mul3A_252 = arith.muli %get3A_249, %mul3A_251 : vector<16xi32>
      %add3A_253 = vector.broadcast %add3A_3 : i32 to vector<16xi32>
      %add3A_254 = arith.addi %mul3A_252, %add3A_253 : vector<16xi32>
      %swap3A_255 = arith.index_cast %scan3A_191 : i32 to index
      %swap3A_256 = arith.constant 64 : index
      %swap3A_257 = tpu.vector_load %arg7[%swap3A_255, %swap3A_256] {strides = array<i32>} : memref<40x128xi32, #tpu.memory_space<vmem>>, vector<1x16xi32>,
      %swap3A_258 = vector.shape_cast %swap3A_257 : vector<1x16xi32> to vector<16xi32>
      %swap3A_259 = vector.shape_cast %add3A_254 : vector<16xi32> to vector<1x16xi32>
      tpu.vector_store %arg7[%swap3A_255, %swap3A_256], %swap3A_259 {strides = array<i32>} : memref<40x128xi32, #tpu.memory_space<vmem>>, vector<1x16xi32>,
      %get3A_260 = arith.index_cast %scan3A_191 : i32 to index
      %get3A_261 = arith.constant 80 : index
      %get3A_262 = tpu.vector_load %arg7[%get3A_260, %get3A_261] {strides = array<i32>} : memref<40x128xi32, #tpu.memory_space<vmem>>, vector<1x16xi32>,
      %get3A_263 = vector.shape_cast %get3A_262 : vector<1x16xi32> to vector<16xi32>
      %mul3A_264 = arith.constant 4 : i32
      %mul3A_265 = vector.broadcast %mul3A_264 : i32 to vector<16xi32>
      %mul3A_266 = arith.muli %get3A_263, %mul3A_265 : vector<16xi32>
      %add3A_267 = vector.broadcast %add3A_3 : i32 to vector<16xi32>
      %add3A_268 = arith.addi %mul3A_266, %add3A_267 : vector<16xi32>
      %swap3A_269 = arith.index_cast %scan3A_191 : i32 to index
      %swap3A_270 = arith.constant 80 : index
      %swap3A_271 = tpu.vector_load %arg7[%swap3A_269, %swap3A_270] {strides = array<i32>} : memref<40x128xi32, #tpu.memory_space<vmem>>, vector<1x16xi32>,
      %swap3A_272 = vector.shape_cast %swap3A_271 : vector<1x16xi32> to vector<16xi32>
      %swap3A_273 = vector.shape_cast %add3A_268 : vector<16xi32> to vector<1x16xi32>
      tpu.vector_store %arg7[%swap3A_269, %swap3A_270], %swap3A_273 {strides = array<i32>} : memref<40x128xi32, #tpu.memory_space<vmem>>, vector<1x16xi32>,
      %get3A_274 = arith.index_cast %scan3A_191 : i32 to index
      %get3A_275 = arith.constant 96 : index
      %get3A_276 = tpu.vector_load %arg7[%get3A_274, %get3A_275] {strides = array<i32>} : memref<40x128xi32, #tpu.memory_space<vmem>>, vector<1x16xi32>,
      %get3A_277 = vector.shape_cast %get3A_276 : vector<1x16xi32> to vector<16xi32>
      %mul3A_278 = arith.constant 4 : i32
      %mul3A_279 = vector.broadcast %mul3A_278 : i32 to vector<16xi32>
      %mul3A_280 = arith.muli %get3A_277, %mul3A_279 : vector<16xi32>
      %add3A_281 = vector.broadcast %add3A_3 : i32 to vector<16xi32>
      %add3A_282 = arith.addi %mul3A_280, %add3A_281 : vector<16xi32>
      %swap3A_283 = arith.index_cast %scan3A_191 : i32 to index
      %swap3A_284 = arith.constant 96 : index
      %swap3A_285 = tpu.vector_load %arg7[%swap3A_283, %swap3A_284] {strides = array<i32>} : memref<40x128xi32, #tpu.memory_space<vmem>>, vector<1x16xi32>,
      %swap3A_286 = vector.shape_cast %swap3A_285 : vector<1x16xi32> to vector<16xi32>
      %swap3A_287 = vector.shape_cast %add3A_282 : vector<16xi32> to vector<1x16xi32>
      tpu.vector_store %arg7[%swap3A_283, %swap3A_284], %swap3A_287 {strides = array<i32>} : memref<40x128xi32, #tpu.memory_space<vmem>>, vector<1x16xi32>,
      %get3A_288 = arith.index_cast %scan3A_191 : i32 to index
      %get3A_289 = arith.constant 112 : index
      %get3A_290 = tpu.vector_load %arg7[%get3A_288, %get3A_289] {strides = array<i32>} : memref<40x128xi32, #tpu.memory_space<vmem>>, vector<1x16xi32>,
      %get3A_291 = vector.shape_cast %get3A_290 : vector<1x16xi32> to vector<16xi32>
      %mul3A_292 = arith.constant 4 : i32
      %mul3A_293 = vector.broadcast %mul3A_292 : i32 to vector<16xi32>
      %mul3A_294 = arith.muli %get3A_291, %mul3A_293 : vector<16xi32>
      %add3A_295 = vector.broadcast %add3A_3 : i32 to vector<16xi32>
      %add3A_296 = arith.addi %mul3A_294, %add3A_295 : vector<16xi32>
      %swap3A_297 = arith.index_cast %scan3A_191 : i32 to index
      %swap3A_298 = arith.constant 112 : index
      %swap3A_299 = tpu.vector_load %arg7[%swap3A_297, %swap3A_298] {strides = array<i32>} : memref<40x128xi32, #tpu.memory_space<vmem>>, vector<1x16xi32>,
      %swap3A_300 = vector.shape_cast %swap3A_299 : vector<1x16xi32> to vector<16xi32>
      %swap3A_301 = vector.shape_cast %add3A_296 : vector<16xi32> to vector<1x16xi32>
      tpu.vector_store %arg7[%swap3A_297, %swap3A_298], %swap3A_301 {strides = array<i32>} : memref<40x128xi32, #tpu.memory_space<vmem>>, vector<1x16xi32>,
    }
    %scan3A_54 = arith.constant 40 : i32
    %dma_start3A_55 = arith.constant 0 : i32
    %dma_start3A_56 = arith.constant 0 : i32
    %dma_start3A_57 = tpu.memref_slice %arg7[%dma_start3A_55, %dma_start3A_56] : memref<40x128xi32, #tpu.memory_space<vmem>> -> memref<1x128xi32, #tpu.memory_space<vmem>>
    %dma_start3A_58 = tpu.memref_squeeze %dma_start3A_57 : memref<1x128xi32, #tpu.memory_space<vmem>> -> memref<128xi32, #tpu.memory_space<vmem>>
    %dma_start3A_59 = arith.constant 0 : i32
    %dma_start3A_60 = arith.constant 0 : i32
    %dma_start3A_61 = tpu.memref_slice %arg2[%dma_start3A_59, %dma_start3A_60] : memref<40000x128xf32, #tpu.memory_space<hbm>> -> memref<40000x128xf32, #tpu.memory_space<hbm>>
    tpu.enqueue_indirect_dma source(%dma_start3A_61 : memref<40000x128xf32, #tpu.memory_space<hbm>>) target(%arg9 : memref<128x128xf32, #tpu.memory_space<vmem>>) offsets(%dma_start3A_58 : memref<128xi32, #tpu.memory_space<vmem>>) semaphore(%arg12 : memref<!tpu.dma_semaphore, #tpu.memory_space<semaphore_mem>>)
    %dma_start3A_62 = arith.constant 1 : i32
    %dma_start3A_63 = arith.constant 0 : i32
    %dma_start3A_64 = tpu.memref_slice %arg7[%dma_start3A_62, %dma_start3A_63] : memref<40x128xi32, #tpu.memory_space<vmem>> -> memref<1x128xi32, #tpu.memory_space<vmem>>
    %dma_start3A_65 = tpu.memref_squeeze %dma_start3A_64 : memref<1x128xi32, #tpu.memory_space<vmem>> -> memref<128xi32, #tpu.memory_space<vmem>>
    %dma_start3A_66 = arith.constant 0 : i32
    %dma_start3A_67 = arith.constant 0 : i32
    %dma_start3A_68 = tpu.memref_slice %arg2[%dma_start3A_66, %dma_start3A_67] : memref<40000x128xf32, #tpu.memory_space<hbm>> -> memref<40000x128xf32, #tpu.memory_space<hbm>>
    tpu.enqueue_indirect_dma source(%dma_start3A_68 : memref<40000x128xf32, #tpu.memory_space<hbm>>) target(%arg10 : memref<128x128xf32, #tpu.memory_space<vmem>>) offsets(%dma_start3A_65 : memref<128xi32, #tpu.memory_space<vmem>>) semaphore(%arg13 : memref<!tpu.dma_semaphore, #tpu.memory_space<semaphore_mem>>)
    %scan3A_69 = arith.constant 0 : i32
    %scan3A_70 = arith.constant 0 : i32
    %scan3A_71 = arith.constant 19 : i32
    %scan3A_72 = arith.addi %scan3A_70, %scan3A_71 : i32
    %scan3A_73 = arith.constant 1 : i32
    scf.for %scan3A_191 = %scan3A_70 to %scan3A_72 step %scan3A_73  : i32 {
      %mul3A_192 = arith.constant 2 : i32
      %mul3A_193 = arith.muli %scan3A_191, %mul3A_192 : i32
      %dma_wait3A_194 = arith.constant 0 : i32
      %dma_wait3A_195 = arith.constant 0 : i32
      %dma_wait3A_196 = tpu.memref_slice %arg7[%dma_wait3A_194, %dma_wait3A_195] : memref<40x128xi32, #tpu.memory_space<vmem>> -> memref<1x128xi32, #tpu.memory_space<vmem>>
      %dma_wait3A_197 = tpu.memref_squeeze %dma_wait3A_196 : memref<1x128xi32, #tpu.memory_space<vmem>> -> memref<128xi32, #tpu.memory_space<vmem>>
      %dma_wait3A_198 = arith.constant 0 : i32
      %dma_wait3A_199 = arith.constant 0 : i32
      %dma_wait3A_200 = tpu.memref_slice %arg2[%dma_wait3A_198, %dma_wait3A_199] : memref<40000x128xf32, #tpu.memory_space<hbm>> -> memref<40000x128xf32, #tpu.memory_space<hbm>>
      tpu.wait_indirect_dma semaphore(%arg12 : memref<!tpu.dma_semaphore, #tpu.memory_space<semaphore_mem>>) src(%dma_wait3A_200 : memref<40000x128xf32, #tpu.memory_space<hbm>>) dst(%arg9 : memref<128x128xf32, #tpu.memory_space<vmem>>)
      %add3A_201 = arith.constant 0 : i32
      %add3A_202 = arith.addi %mul3A_193, %add3A_201 : i32
      "tpu.region"() ({
        %run_scoped3A_232 = tpu.sem_alloc : memref<!tpu.dma_semaphore, #tpu.memory_space<semaphore_mem>>
        %dma_start3A_233 = arith.constant 0 : i32
        %dma_start3A_234 = tpu.memref_slice %arg8[%add3A_202, %dma_start3A_233] : memref<40x128xi32, #tpu.memory_space<vmem>> -> memref<1x128xi32, #tpu.memory_space<vmem>>
        %dma_start3A_235 = tpu.memref_squeeze %dma_start3A_234 : memref<1x128xi32, #tpu.memory_space<vmem>> -> memref<128xi32, #tpu.memory_space<vmem>>
        %dma_start3A_236 = arith.constant 0 : i32
        %dma_start3A_237 = arith.constant 0 : i32
        %dma_start3A_238 = tpu.memref_slice %arg11[%dma_start3A_236, %dma_start3A_237] : memref<10112x128xf32, #tpu.memory_space<vmem_shared>> -> memref<10112x128xf32, #tpu.memory_space<vmem_shared>>
        tpu.enqueue_indirect_dma source(%arg9 : memref<128x128xf32, #tpu.memory_space<vmem>>) target(%dma_start3A_238 : memref<10112x128xf32, #tpu.memory_space<vmem_shared>>) offsets(%dma_start3A_235 : memref<128xi32, #tpu.memory_space<vmem>>) semaphore(%run_scoped3A_232 : memref<!tpu.dma_semaphore, #tpu.memory_space<semaphore_mem>>) {add = true}
        %dma_wait3A_239 = arith.constant 0 : i32
        %dma_wait3A_240 = tpu.memref_slice %arg8[%add3A_202, %dma_wait3A_239] : memref<40x128xi32, #tpu.memory_space<vmem>> -> memref<1x128xi32, #tpu.memory_space<vmem>>
        %dma_wait3A_241 = tpu.memref_squeeze %dma_wait3A_240 : memref<1x128xi32, #tpu.memory_space<vmem>> -> memref<128xi32, #tpu.memory_space<vmem>>
        %dma_wait3A_242 = arith.constant 0 : i32
        %dma_wait3A_243 = arith.constant 0 : i32
        %dma_wait3A_244 = tpu.memref_slice %arg11[%dma_wait3A_242, %dma_wait3A_243] : memref<10112x128xf32, #tpu.memory_space<vmem_shared>> -> memref<10112x128xf32, #tpu.memory_space<vmem_shared>>
        tpu.wait_indirect_dma semaphore(%run_scoped3A_232 : memref<!tpu.dma_semaphore, #tpu.memory_space<semaphore_mem>>) src(%arg9 : memref<128x128xf32, #tpu.memory_space<vmem>>) dst(%dma_wait3A_244 : memref<10112x128xf32, #tpu.memory_space<vmem_shared>>)
        tpu.yield
      }) : () -> ()
      %add3A_203 = arith.constant 2 : i32
      %add3A_204 = arith.addi %mul3A_193, %add3A_203 : i32
      %add3A_205 = arith.constant 0 : i32
      %add3A_206 = arith.addi %add3A_204, %add3A_205 : i32
      %dma_start3A_207 = arith.constant 0 : i32
      %dma_start3A_208 = tpu.memref_slice %arg7[%add3A_206, %dma_start3A_207] : memref<40x128xi32, #tpu.memory_space<vmem>> -> memref<1x128xi32, #tpu.memory_space<vmem>>
      %dma_start3A_209 = tpu.memref_squeeze %dma_start3A_208 : memref<1x128xi32, #tpu.memory_space<vmem>> -> memref<128xi32, #tpu.memory_space<vmem>>
      %dma_start3A_210 = arith.constant 0 : i32
      %dma_start3A_211 = arith.constant 0 : i32
      %dma_start3A_212 = tpu.memref_slice %arg2[%dma_start3A_210, %dma_start3A_211] : memref<40000x128xf32, #tpu.memory_space<hbm>> -> memref<40000x128xf32, #tpu.memory_space<hbm>>
      tpu.enqueue_indirect_dma source(%dma_start3A_212 : memref<40000x128xf32, #tpu.memory_space<hbm>>) target(%arg9 : memref<128x128xf32, #tpu.memory_space<vmem>>) offsets(%dma_start3A_209 : memref<128xi32, #tpu.memory_space<vmem>>) semaphore(%arg12 : memref<!tpu.dma_semaphore, #tpu.memory_space<semaphore_mem>>)
      %dma_wait3A_213 = arith.constant 0 : i32
      %dma_wait3A_214 = arith.constant 0 : i32
      %dma_wait3A_215 = tpu.memref_slice %arg7[%dma_wait3A_213, %dma_wait3A_214] : memref<40x128xi32, #tpu.memory_space<vmem>> -> memref<1x128xi32, #tpu.memory_space<vmem>>
      %dma_wait3A_216 = tpu.memref_squeeze %dma_wait3A_215 : memref<1x128xi32, #tpu.memory_space<vmem>> -> memref<128xi32, #tpu.memory_space<vmem>>
      %dma_wait3A_217 = arith.constant 0 : i32
      %dma_wait3A_218 = arith.constant 0 : i32
      %dma_wait3A_219 = tpu.memref_slice %arg2[%dma_wait3A_217, %dma_wait3A_218] : memref<40000x128xf32, #tpu.memory_space<hbm>> -> memref<40000x128xf32, #tpu.memory_space<hbm>>
      tpu.wait_indirect_dma semaphore(%arg13 : memref<!tpu.dma_semaphore, #tpu.memory_space<semaphore_mem>>) src(%dma_wait3A_219 : memref<40000x128xf32, #tpu.memory_space<hbm>>) dst(%arg10 : memref<128x128xf32, #tpu.memory_space<vmem>>)
      %add3A_220 = arith.constant 1 : i32
      %add3A_221 = arith.addi %mul3A_193, %add3A_220 : i32
      "tpu.region"() ({
        %run_scoped3A_232 = tpu.sem_alloc : memref<!tpu.dma_semaphore, #tpu.memory_space<semaphore_mem>>
        %dma_start3A_233 = arith.constant 0 : i32
        %dma_start3A_234 = tpu.memref_slice %arg8[%add3A_221, %dma_start3A_233] : memref<40x128xi32, #tpu.memory_space<vmem>> -> memref<1x128xi32, #tpu.memory_space<vmem>>
        %dma_start3A_235 = tpu.memref_squeeze %dma_start3A_234 : memref<1x128xi32, #tpu.memory_space<vmem>> -> memref<128xi32, #tpu.memory_space<vmem>>
        %dma_start3A_236 = arith.constant 0 : i32
        %dma_start3A_237 = arith.constant 0 : i32
        %dma_start3A_238 = tpu.memref_slice %arg11[%dma_start3A_236, %dma_start3A_237] : memref<10112x128xf32, #tpu.memory_space<vmem_shared>> -> memref<10112x128xf32, #tpu.memory_space<vmem_shared>>
        tpu.enqueue_indirect_dma source(%arg10 : memref<128x128xf32, #tpu.memory_space<vmem>>) target(%dma_start3A_238 : memref<10112x128xf32, #tpu.memory_space<vmem_shared>>) offsets(%dma_start3A_235 : memref<128xi32, #tpu.memory_space<vmem>>) semaphore(%run_scoped3A_232 : memref<!tpu.dma_semaphore, #tpu.memory_space<semaphore_mem>>) {add = true}
        %dma_wait3A_239 = arith.constant 0 : i32
        %dma_wait3A_240 = tpu.memref_slice %arg8[%add3A_221, %dma_wait3A_239] : memref<40x128xi32, #tpu.memory_space<vmem>> -> memref<1x128xi32, #tpu.memory_space<vmem>>
        %dma_wait3A_241 = tpu.memref_squeeze %dma_wait3A_240 : memref<1x128xi32, #tpu.memory_space<vmem>> -> memref<128xi32, #tpu.memory_space<vmem>>
        %dma_wait3A_242 = arith.constant 0 : i32
        %dma_wait3A_243 = arith.constant 0 : i32
        %dma_wait3A_244 = tpu.memref_slice %arg11[%dma_wait3A_242, %dma_wait3A_243] : memref<10112x128xf32, #tpu.memory_space<vmem_shared>> -> memref<10112x128xf32, #tpu.memory_space<vmem_shared>>
        tpu.wait_indirect_dma semaphore(%run_scoped3A_232 : memref<!tpu.dma_semaphore, #tpu.memory_space<semaphore_mem>>) src(%arg10 : memref<128x128xf32, #tpu.memory_space<vmem>>) dst(%dma_wait3A_244 : memref<10112x128xf32, #tpu.memory_space<vmem_shared>>)
        tpu.yield
      }) : () -> ()
      %add3A_222 = arith.constant 2 : i32
      %add3A_223 = arith.addi %mul3A_193, %add3A_222 : i32
      %add3A_224 = arith.constant 1 : i32
      %add3A_225 = arith.addi %add3A_223, %add3A_224 : i32
      %dma_start3A_226 = arith.constant 0 : i32
      %dma_start3A_227 = tpu.memref_slice %arg7[%add3A_225, %dma_start3A_226] : memref<40x128xi32, #tpu.memory_space<vmem>> -> memref<1x128xi32, #tpu.memory_space<vmem>>
      %dma_start3A_228 = tpu.memref_squeeze %dma_start3A_227 : memref<1x128xi32, #tpu.memory_space<vmem>> -> memref<128xi32, #tpu.memory_space<vmem>>
      %dma_start3A_229 = arith.constant 0 : i32
      %dma_start3A_230 = arith.constant 0 : i32
      %dma_start3A_231 = tpu.memref_slice %arg2[%dma_start3A_229, %dma_start3A_230] : memref<40000x128xf32, #tpu.memory_space<hbm>> -> memref<40000x128xf32, #tpu.memory_space<hbm>>
      tpu.enqueue_indirect_dma source(%dma_start3A_231 : memref<40000x128xf32, #tpu.memory_space<hbm>>) target(%arg10 : memref<128x128xf32, #tpu.memory_space<vmem>>) offsets(%dma_start3A_228 : memref<128xi32, #tpu.memory_space<vmem>>) semaphore(%arg13 : memref<!tpu.dma_semaphore, #tpu.memory_space<semaphore_mem>>)
    }
    %scan3A_74 = arith.constant 19 : i32
    %dma_wait3A_75 = arith.constant 0 : i32
    %dma_wait3A_76 = arith.constant 0 : i32
    %dma_wait3A_77 = tpu.memref_slice %arg7[%dma_wait3A_75, %dma_wait3A_76] : memref<40x128xi32, #tpu.memory_space<vmem>> -> memref<1x128xi32, #tpu.memory_space<vmem>>
    %dma_wait3A_78 = tpu.memref_squeeze %dma_wait3A_77 : memref<1x128xi32, #tpu.memory_space<vmem>> -> memref<128xi32, #tpu.memory_space<vmem>>
    %dma_wait3A_79 = arith.constant 0 : i32
    %dma_wait3A_80 = arith.constant 0 : i32
    %dma_wait3A_81 = tpu.memref_slice %arg2[%dma_wait3A_79, %dma_wait3A_80] : memref<40000x128xf32, #tpu.memory_space<hbm>> -> memref<40000x128xf32, #tpu.memory_space<hbm>>
    tpu.wait_indirect_dma semaphore(%arg12 : memref<!tpu.dma_semaphore, #tpu.memory_space<semaphore_mem>>) src(%dma_wait3A_81 : memref<40000x128xf32, #tpu.memory_space<hbm>>) dst(%arg9 : memref<128x128xf32, #tpu.memory_space<vmem>>)
    %run_scoped3A_82 = arith.constant 38 : i32
    "tpu.region"() ({
      %run_scoped3A_191 = tpu.sem_alloc : memref<!tpu.dma_semaphore, #tpu.memory_space<semaphore_mem>>
      %dma_start3A_192 = arith.constant 0 : i32
      %dma_start3A_193 = tpu.memref_slice %arg8[%run_scoped3A_82, %dma_start3A_192] : memref<40x128xi32, #tpu.memory_space<vmem>> -> memref<1x128xi32, #tpu.memory_space<vmem>>
      %dma_start3A_194 = tpu.memref_squeeze %dma_start3A_193 : memref<1x128xi32, #tpu.memory_space<vmem>> -> memref<128xi32, #tpu.memory_space<vmem>>
      %dma_start3A_195 = arith.constant 0 : i32
      %dma_start3A_196 = arith.constant 0 : i32
      %dma_start3A_197 = tpu.memref_slice %arg11[%dma_start3A_195, %dma_start3A_196] : memref<10112x128xf32, #tpu.memory_space<vmem_shared>> -> memref<10112x128xf32, #tpu.memory_space<vmem_shared>>
      tpu.enqueue_indirect_dma source(%arg9 : memref<128x128xf32, #tpu.memory_space<vmem>>) target(%dma_start3A_197 : memref<10112x128xf32, #tpu.memory_space<vmem_shared>>) offsets(%dma_start3A_194 : memref<128xi32, #tpu.memory_space<vmem>>) semaphore(%run_scoped3A_191 : memref<!tpu.dma_semaphore, #tpu.memory_space<semaphore_mem>>) {add = true}
      %dma_wait3A_198 = arith.constant 0 : i32
      %dma_wait3A_199 = tpu.memref_slice %arg8[%run_scoped3A_82, %dma_wait3A_198] : memref<40x128xi32, #tpu.memory_space<vmem>> -> memref<1x128xi32, #tpu.memory_space<vmem>>
      %dma_wait3A_200 = tpu.memref_squeeze %dma_wait3A_199 : memref<1x128xi32, #tpu.memory_space<vmem>> -> memref<128xi32, #tpu.memory_space<vmem>>
      %dma_wait3A_201 = arith.constant 0 : i32
      %dma_wait3A_202 = arith.constant 0 : i32
      %dma_wait3A_203 = tpu.memref_slice %arg11[%dma_wait3A_201, %dma_wait3A_202] : memref<10112x128xf32, #tpu.memory_space<vmem_shared>> -> memref<10112x128xf32, #tpu.memory_space<vmem_shared>>
      tpu.wait_indirect_dma semaphore(%run_scoped3A_191 : memref<!tpu.dma_semaphore, #tpu.memory_space<semaphore_mem>>) src(%arg9 : memref<128x128xf32, #tpu.memory_space<vmem>>) dst(%dma_wait3A_203 : memref<10112x128xf32, #tpu.memory_space<vmem_shared>>)
      tpu.yield
    }) : () -> ()
    %dma_wait3A_83 = arith.constant 0 : i32
    %dma_wait3A_84 = arith.constant 0 : i32
    %dma_wait3A_85 = tpu.memref_slice %arg7[%dma_wait3A_83, %dma_wait3A_84] : memref<40x128xi32, #tpu.memory_space<vmem>> -> memref<1x128xi32, #tpu.memory_space<vmem>>
    %dma_wait3A_86 = tpu.memref_squeeze %dma_wait3A_85 : memref<1x128xi32, #tpu.memory_space<vmem>> -> memref<128xi32, #tpu.memory_space<vmem>>
    %dma_wait3A_87 = arith.constant 0 : i32
    %dma_wait3A_88 = arith.constant 0 : i32
    %dma_wait3A_89 = tpu.memref_slice %arg2[%dma_wait3A_87, %dma_wait3A_88] : memref<40000x128xf32, #tpu.memory_space<hbm>> -> memref<40000x128xf32, #tpu.memory_space<hbm>>
    tpu.wait_indirect_dma semaphore(%arg13 : memref<!tpu.dma_semaphore, #tpu.memory_space<semaphore_mem>>) src(%dma_wait3A_89 : memref<40000x128xf32, #tpu.memory_space<hbm>>) dst(%arg10 : memref<128x128xf32, #tpu.memory_space<vmem>>)
    %run_scoped3A_90 = arith.constant 39 : i32
    "tpu.region"() ({
      %run_scoped3A_191 = tpu.sem_alloc : memref<!tpu.dma_semaphore, #tpu.memory_space<semaphore_mem>>
      %dma_start3A_192 = arith.constant 0 : i32
      %dma_start3A_193 = tpu.memref_slice %arg8[%run_scoped3A_90, %dma_start3A_192] : memref<40x128xi32, #tpu.memory_space<vmem>> -> memref<1x128xi32, #tpu.memory_space<vmem>>
      %dma_start3A_194 = tpu.memref_squeeze %dma_start3A_193 : memref<1x128xi32, #tpu.memory_space<vmem>> -> memref<128xi32, #tpu.memory_space<vmem>>
      %dma_start3A_195 = arith.constant 0 : i32
      %dma_start3A_196 = arith.constant 0 : i32
      %dma_start3A_197 = tpu.memref_slice %arg11[%dma_start3A_195, %dma_start3A_196] : memref<10112x128xf32, #tpu.memory_space<vmem_shared>> -> memref<10112x128xf32, #tpu.memory_space<vmem_shared>>
      tpu.enqueue_indirect_dma source(%arg10 : memref<128x128xf32, #tpu.memory_space<vmem>>) target(%dma_start3A_197 : memref<10112x128xf32, #tpu.memory_space<vmem_shared>>) offsets(%dma_start3A_194 : memref<128xi32, #tpu.memory_space<vmem>>) semaphore(%run_scoped3A_191 : memref<!tpu.dma_semaphore, #tpu.memory_space<semaphore_mem>>) {add = true}
      %dma_wait3A_198 = arith.constant 0 : i32
      %dma_wait3A_199 = tpu.memref_slice %arg8[%run_scoped3A_90, %dma_wait3A_198] : memref<40x128xi32, #tpu.memory_space<vmem>> -> memref<1x128xi32, #tpu.memory_space<vmem>>
      %dma_wait3A_200 = tpu.memref_squeeze %dma_wait3A_199 : memref<1x128xi32, #tpu.memory_space<vmem>> -> memref<128xi32, #tpu.memory_space<vmem>>
      %dma_wait3A_201 = arith.constant 0 : i32
      %dma_wait3A_202 = arith.constant 0 : i32
      %dma_wait3A_203 = tpu.memref_slice %arg11[%dma_wait3A_201, %dma_wait3A_202] : memref<10112x128xf32, #tpu.memory_space<vmem_shared>> -> memref<10112x128xf32, #tpu.memory_space<vmem_shared>>
      tpu.wait_indirect_dma semaphore(%run_scoped3A_191 : memref<!tpu.dma_semaphore, #tpu.memory_space<semaphore_mem>>) src(%arg10 : memref<128x128xf32, #tpu.memory_space<vmem>>) dst(%dma_wait3A_203 : memref<10112x128xf32, #tpu.memory_space<vmem_shared>>)
      tpu.yield
    }) : () -> ()
    %barrier3A_91 = arith.constant 0 : index
    tpu.barrier barrier_id(%barrier3A_91)
    "tpu.region"() ({
      %run_scoped3A_191 = tpu.sem_alloc : memref<!tpu.dma_semaphore, #tpu.memory_space<semaphore_mem>>
      %dma_start3A_192 = tpu.memref_slice %arg6[%multiple_of3A, %multiple_of3A_6] : memref<10112x512xf32, #tpu.memory_space<hbm>> -> memref<632x128xf32, #tpu.memory_space<hbm>>
      %dma_start3A_193 = arith.constant 0 : i32
      %dma_start3A_194 = tpu.memref_slice %arg11[%multiple_of3A, %dma_start3A_193] : memref<10112x128xf32, #tpu.memory_space<vmem_shared>> -> memref<632x128xf32, #tpu.memory_space<vmem_shared>>
      tpu.enqueue_dma source(%dma_start3A_194 : memref<632x128xf32, #tpu.memory_space<vmem_shared>>) target(%dma_start3A_192 : memref<632x128xf32, #tpu.memory_space<hbm>>) target_semaphore(%run_scoped3A_191 : memref<!tpu.dma_semaphore, #tpu.memory_space<semaphore_mem>>)
      %dma_wait3A_195 = tpu.memref_slice %arg6[%multiple_of3A, %multiple_of3A_6] : memref<10112x512xf32, #tpu.memory_space<hbm>> -> memref<632x128xf32, #tpu.memory_space<hbm>>
      %dma_wait3A_196 = arith.constant 0 : i32
      %dma_wait3A_197 = tpu.memref_slice %arg11[%multiple_of3A, %dma_wait3A_196] : memref<10112x128xf32, #tpu.memory_space<vmem_shared>> -> memref<632x128xf32, #tpu.memory_space<vmem_shared>>
      tpu.wait_dma2 semaphore(%run_scoped3A_191 : memref<!tpu.dma_semaphore, #tpu.memory_space<semaphore_mem>>) src(%dma_wait3A_197 : memref<632x128xf32, #tpu.memory_space<vmem_shared>>) dst(%dma_wait3A_195 : memref<632x128xf32, #tpu.memory_space<hbm>>)
      tpu.yield
    }) : () -> ()
    %barrier3A_92 = arith.constant 0 : index
    tpu.barrier barrier_id(%barrier3A_92)
    %mul3A_93 = arith.constant 2 : i32
    %mul3A_94 = arith.muli %arg0, %mul3A_93 : i32
    %add3A_95 = arith.constant 1 : i32
    %add3A_96 = arith.addi %mul3A_94, %add3A_95 : i32
    %mul3A_97 = arith.constant 128 : i32
    %mul3A_98 = arith.muli %add3A_96, %mul3A_97 : i32
    %multiple_of3A_99 = tpu.assume_multiple %mul3A_98, 128 : i32
    "tpu.region"() ({
      %run_scoped3A_191 = tpu.sem_alloc : memref<!tpu.dma_semaphore, #tpu.memory_space<semaphore_mem>>
      %dma_start3A_192 = arith.constant 0 : i32
      %dma_start3A_193 = tpu.memref_slice %arg11[%multiple_of3A, %dma_start3A_192] : memref<10112x128xf32, #tpu.memory_space<vmem_shared>> -> memref<632x128xf32, #tpu.memory_space<vmem_shared>>
      %dma_start3A_194 = arith.constant 0 : i32
      %dma_start3A_195 = tpu.memref_slice %arg5[%multiple_of3A, %dma_start3A_194] : memref<10112x128xf32, #tpu.memory_space<hbm>> -> memref<632x128xf32, #tpu.memory_space<hbm>>
      tpu.enqueue_dma source(%dma_start3A_195 : memref<632x128xf32, #tpu.memory_space<hbm>>) target(%dma_start3A_193 : memref<632x128xf32, #tpu.memory_space<vmem_shared>>) target_semaphore(%run_scoped3A_191 : memref<!tpu.dma_semaphore, #tpu.memory_space<semaphore_mem>>)
      %dma_wait3A_196 = arith.constant 0 : i32
      %dma_wait3A_197 = tpu.memref_slice %arg11[%multiple_of3A, %dma_wait3A_196] : memref<10112x128xf32, #tpu.memory_space<vmem_shared>> -> memref<632x128xf32, #tpu.memory_space<vmem_shared>>
      %dma_wait3A_198 = arith.constant 0 : i32
      %dma_wait3A_199 = tpu.memref_slice %arg5[%multiple_of3A, %dma_wait3A_198] : memref<10112x128xf32, #tpu.memory_space<hbm>> -> memref<632x128xf32, #tpu.memory_space<hbm>>
      tpu.wait_dma2 semaphore(%run_scoped3A_191 : memref<!tpu.dma_semaphore, #tpu.memory_space<semaphore_mem>>) src(%dma_wait3A_199 : memref<632x128xf32, #tpu.memory_space<hbm>>) dst(%dma_wait3A_197 : memref<632x128xf32, #tpu.memory_space<vmem_shared>>)
      tpu.yield
    }) : () -> ()
    %barrier3A_100 = arith.constant 0 : index
    tpu.barrier barrier_id(%barrier3A_100)
    %multiple_of3A_101 = arith.constant 0 : i32
    %multiple_of3A_102 = tpu.assume_multiple %multiple_of3A_101, 8 : i32
    "tpu.region"() ({
      %run_scoped3A_191 = tpu.sem_alloc : memref<!tpu.dma_semaphore, #tpu.memory_space<semaphore_mem>>
      %dma_start3A_192 = arith.constant 0 : i32
      %dma_start3A_193 = tpu.memref_slice %arg3[%arg1, %multiple_of3A_102, %dma_start3A_192] : memref<16x80x128xi32, #tpu.memory_space<hbm>> -> memref<1x40x128xi32, #tpu.memory_space<hbm>>
      %dma_start3A_194 = tpu.memref_squeeze %dma_start3A_193 : memref<1x40x128xi32, #tpu.memory_space<hbm>> -> memref<40x128xi32, #tpu.memory_space<hbm>>
      %dma_start3A_195 = arith.constant 0 : i32
      %dma_start3A_196 = tpu.memref_slice %arg3[%arg1, %multiple_of3A_102, %dma_start3A_195] : memref<16x80x128xi32, #tpu.memory_space<hbm>> -> memref<1x40x128xi32, #tpu.memory_space<hbm>>
      %dma_start3A_197 = tpu.memref_squeeze %dma_start3A_196 : memref<1x40x128xi32, #tpu.memory_space<hbm>> -> memref<40x128xi32, #tpu.memory_space<hbm>>
      tpu.enqueue_dma source(%dma_start3A_197 : memref<40x128xi32, #tpu.memory_space<hbm>>) target(%arg7 : memref<40x128xi32, #tpu.memory_space<vmem>>) target_semaphore(%run_scoped3A_191 : memref<!tpu.dma_semaphore, #tpu.memory_space<semaphore_mem>>)
      %dma_wait3A_198 = arith.constant 0 : i32
      %dma_wait3A_199 = tpu.memref_slice %arg3[%arg1, %multiple_of3A_102, %dma_wait3A_198] : memref<16x80x128xi32, #tpu.memory_space<hbm>> -> memref<1x40x128xi32, #tpu.memory_space<hbm>>
      %dma_wait3A_200 = tpu.memref_squeeze %dma_wait3A_199 : memref<1x40x128xi32, #tpu.memory_space<hbm>> -> memref<40x128xi32, #tpu.memory_space<hbm>>
      %dma_wait3A_201 = arith.constant 0 : i32
      %dma_wait3A_202 = tpu.memref_slice %arg3[%arg1, %multiple_of3A_102, %dma_wait3A_201] : memref<16x80x128xi32, #tpu.memory_space<hbm>> -> memref<1x40x128xi32, #tpu.memory_space<hbm>>
      %dma_wait3A_203 = tpu.memref_squeeze %dma_wait3A_202 : memref<1x40x128xi32, #tpu.memory_space<hbm>> -> memref<40x128xi32, #tpu.memory_space<hbm>>
      tpu.wait_dma2 semaphore(%run_scoped3A_191 : memref<!tpu.dma_semaphore, #tpu.memory_space<semaphore_mem>>) src(%dma_wait3A_203 : memref<40x128xi32, #tpu.memory_space<hbm>>) dst(%arg7 : memref<40x128xi32, #tpu.memory_space<vmem>>)
      tpu.yield
    }) : () -> ()
    "tpu.region"() ({
      %run_scoped3A_191 = tpu.sem_alloc : memref<!tpu.dma_semaphore, #tpu.memory_space<semaphore_mem>>
      %dma_start3A_192 = arith.constant 0 : i32
      %dma_start3A_193 = tpu.memref_slice %arg4[%arg1, %multiple_of3A_102, %dma_start3A_192] : memref<16x80x128xi32, #tpu.memory_space<hbm>> -> memref<1x40x128xi32, #tpu.memory_space<hbm>>
      %dma_start3A_194 = tpu.memref_squeeze %dma_start3A_193 : memref<1x40x128xi32, #tpu.memory_space<hbm>> -> memref<40x128xi32, #tpu.memory_space<hbm>>
      %dma_start3A_195 = arith.constant 0 : i32
      %dma_start3A_196 = tpu.memref_slice %arg4[%arg1, %multiple_of3A_102, %dma_start3A_195] : memref<16x80x128xi32, #tpu.memory_space<hbm>> -> memref<1x40x128xi32, #tpu.memory_space<hbm>>
      %dma_start3A_197 = tpu.memref_squeeze %dma_start3A_196 : memref<1x40x128xi32, #tpu.memory_space<hbm>> -> memref<40x128xi32, #tpu.memory_space<hbm>>
      tpu.enqueue_dma source(%dma_start3A_197 : memref<40x128xi32, #tpu.memory_space<hbm>>) target(%arg8 : memref<40x128xi32, #tpu.memory_space<vmem>>) target_semaphore(%run_scoped3A_191 : memref<!tpu.dma_semaphore, #tpu.memory_space<semaphore_mem>>)
      %dma_wait3A_198 = arith.constant 0 : i32
      %dma_wait3A_199 = tpu.memref_slice %arg4[%arg1, %multiple_of3A_102, %dma_wait3A_198] : memref<16x80x128xi32, #tpu.memory_space<hbm>> -> memref<1x40x128xi32, #tpu.memory_space<hbm>>
      %dma_wait3A_200 = tpu.memref_squeeze %dma_wait3A_199 : memref<1x40x128xi32, #tpu.memory_space<hbm>> -> memref<40x128xi32, #tpu.memory_space<hbm>>
      %dma_wait3A_201 = arith.constant 0 : i32
      %dma_wait3A_202 = tpu.memref_slice %arg4[%arg1, %multiple_of3A_102, %dma_wait3A_201] : memref<16x80x128xi32, #tpu.memory_space<hbm>> -> memref<1x40x128xi32, #tpu.memory_space<hbm>>
      %dma_wait3A_203 = tpu.memref_squeeze %dma_wait3A_202 : memref<1x40x128xi32, #tpu.memory_space<hbm>> -> memref<40x128xi32, #tpu.memory_space<hbm>>
      tpu.wait_dma2 semaphore(%run_scoped3A_191 : memref<!tpu.dma_semaphore, #tpu.memory_space<semaphore_mem>>) src(%dma_wait3A_203 : memref<40x128xi32, #tpu.memory_space<hbm>>) dst(%arg8 : memref<40x128xi32, #tpu.memory_space<vmem>>)
      tpu.yield
    }) : () -> ()
    %scan3A_103 = arith.constant 0 : i32
    %scan3A_104 = arith.constant 0 : i32
    %scan3A_105 = arith.constant 40 : i32
    %scan3A_106 = arith.addi %scan3A_104, %scan3A_105 : i32
    %scan3A_107 = arith.constant 1 : i32
    scf.for %scan3A_191 = %scan3A_104 to %scan3A_106 step %scan3A_107  : i32 {
      %get3A = arith.index_cast %scan3A_191 : i32 to index
      %get3A_192 = arith.constant 0 : index
      %get3A_193 = tpu.vector_load %arg7[%get3A, %get3A_192] {strides = array<i32>} : memref<40x128xi32, #tpu.memory_space<vmem>>, vector<1x16xi32>,
      %get3A_194 = vector.shape_cast %get3A_193 : vector<1x16xi32> to vector<16xi32>
      %mul3A_195 = arith.constant 4 : i32
      %mul3A_196 = vector.broadcast %mul3A_195 : i32 to vector<16xi32>
      %mul3A_197 = arith.muli %get3A_194, %mul3A_196 : vector<16xi32>
      %add3A_198 = vector.broadcast %add3A_96 : i32 to vector<16xi32>
      %add3A_199 = arith.addi %mul3A_197, %add3A_198 : vector<16xi32>
      %swap3A = arith.index_cast %scan3A_191 : i32 to index
      %swap3A_200 = arith.constant 0 : index
      %swap3A_201 = tpu.vector_load %arg7[%swap3A, %swap3A_200] {strides = array<i32>} : memref<40x128xi32, #tpu.memory_space<vmem>>, vector<1x16xi32>,
      %swap3A_202 = vector.shape_cast %swap3A_201 : vector<1x16xi32> to vector<16xi32>
      %swap3A_203 = vector.shape_cast %add3A_199 : vector<16xi32> to vector<1x16xi32>
      tpu.vector_store %arg7[%swap3A, %swap3A_200], %swap3A_203 {strides = array<i32>} : memref<40x128xi32, #tpu.memory_space<vmem>>, vector<1x16xi32>,
      %get3A_204 = arith.index_cast %scan3A_191 : i32 to index
      %get3A_205 = arith.constant 16 : index
      %get3A_206 = tpu.vector_load %arg7[%get3A_204, %get3A_205] {strides = array<i32>} : memref<40x128xi32, #tpu.memory_space<vmem>>, vector<1x16xi32>,
      %get3A_207 = vector.shape_cast %get3A_206 : vector<1x16xi32> to vector<16xi32>
      %mul3A_208 = arith.constant 4 : i32
      %mul3A_209 = vector.broadcast %mul3A_208 : i32 to vector<16xi32>
      %mul3A_210 = arith.muli %get3A_207, %mul3A_209 : vector<16xi32>
      %add3A_211 = vector.broadcast %add3A_96 : i32 to vector<16xi32>
      %add3A_212 = arith.addi %mul3A_210, %add3A_211 : vector<16xi32>
      %swap3A_213 = arith.index_cast %scan3A_191 : i32 to index
      %swap3A_214 = arith.constant 16 : index
      %swap3A_215 = tpu.vector_load %arg7[%swap3A_213, %swap3A_214] {strides = array<i32>} : memref<40x128xi32, #tpu.memory_space<vmem>>, vector<1x16xi32>,
      %swap3A_216 = vector.shape_cast %swap3A_215 : vector<1x16xi32> to vector<16xi32>
      %swap3A_217 = vector.shape_cast %add3A_212 : vector<16xi32> to vector<1x16xi32>
      tpu.vector_store %arg7[%swap3A_213, %swap3A_214], %swap3A_217 {strides = array<i32>} : memref<40x128xi32, #tpu.memory_space<vmem>>, vector<1x16xi32>,
      %get3A_218 = arith.index_cast %scan3A_191 : i32 to index
      %get3A_219 = arith.constant 32 : index
      %get3A_220 = tpu.vector_load %arg7[%get3A_218, %get3A_219] {strides = array<i32>} : memref<40x128xi32, #tpu.memory_space<vmem>>, vector<1x16xi32>,
      %get3A_221 = vector.shape_cast %get3A_220 : vector<1x16xi32> to vector<16xi32>
      %mul3A_222 = arith.constant 4 : i32
      %mul3A_223 = vector.broadcast %mul3A_222 : i32 to vector<16xi32>
      %mul3A_224 = arith.muli %get3A_221, %mul3A_223 : vector<16xi32>
      %add3A_225 = vector.broadcast %add3A_96 : i32 to vector<16xi32>
      %add3A_226 = arith.addi %mul3A_224, %add3A_225 : vector<16xi32>
      %swap3A_227 = arith.index_cast %scan3A_191 : i32 to index
      %swap3A_228 = arith.constant 32 : index
      %swap3A_229 = tpu.vector_load %arg7[%swap3A_227, %swap3A_228] {strides = array<i32>} : memref<40x128xi32, #tpu.memory_space<vmem>>, vector<1x16xi32>,
      %swap3A_230 = vector.shape_cast %swap3A_229 : vector<1x16xi32> to vector<16xi32>
      %swap3A_231 = vector.shape_cast %add3A_226 : vector<16xi32> to vector<1x16xi32>
      tpu.vector_store %arg7[%swap3A_227, %swap3A_228], %swap3A_231 {strides = array<i32>} : memref<40x128xi32, #tpu.memory_space<vmem>>, vector<1x16xi32>,
      %get3A_232 = arith.index_cast %scan3A_191 : i32 to index
      %get3A_233 = arith.constant 48 : index
      %get3A_234 = tpu.vector_load %arg7[%get3A_232, %get3A_233] {strides = array<i32>} : memref<40x128xi32, #tpu.memory_space<vmem>>, vector<1x16xi32>,
      %get3A_235 = vector.shape_cast %get3A_234 : vector<1x16xi32> to vector<16xi32>
      %mul3A_236 = arith.constant 4 : i32
      %mul3A_237 = vector.broadcast %mul3A_236 : i32 to vector<16xi32>
      %mul3A_238 = arith.muli %get3A_235, %mul3A_237 : vector<16xi32>
      %add3A_239 = vector.broadcast %add3A_96 : i32 to vector<16xi32>
      %add3A_240 = arith.addi %mul3A_238, %add3A_239 : vector<16xi32>
      %swap3A_241 = arith.index_cast %scan3A_191 : i32 to index
      %swap3A_242 = arith.constant 48 : index
      %swap3A_243 = tpu.vector_load %arg7[%swap3A_241, %swap3A_242] {strides = array<i32>} : memref<40x128xi32, #tpu.memory_space<vmem>>, vector<1x16xi32>,
      %swap3A_244 = vector.shape_cast %swap3A_243 : vector<1x16xi32> to vector<16xi32>
      %swap3A_245 = vector.shape_cast %add3A_240 : vector<16xi32> to vector<1x16xi32>
      tpu.vector_store %arg7[%swap3A_241, %swap3A_242], %swap3A_245 {strides = array<i32>} : memref<40x128xi32, #tpu.memory_space<vmem>>, vector<1x16xi32>,
      %get3A_246 = arith.index_cast %scan3A_191 : i32 to index
      %get3A_247 = arith.constant 64 : index
      %get3A_248 = tpu.vector_load %arg7[%get3A_246, %get3A_247] {strides = array<i32>} : memref<40x128xi32, #tpu.memory_space<vmem>>, vector<1x16xi32>,
      %get3A_249 = vector.shape_cast %get3A_248 : vector<1x16xi32> to vector<16xi32>
      %mul3A_250 = arith.constant 4 : i32
      %mul3A_251 = vector.broadcast %mul3A_250 : i32 to vector<16xi32>
      %mul3A_252 = arith.muli %get3A_249, %mul3A_251 : vector<16xi32>
      %add3A_253 = vector.broadcast %add3A_96 : i32 to vector<16xi32>
      %add3A_254 = arith.addi %mul3A_252, %add3A_253 : vector<16xi32>
      %swap3A_255 = arith.index_cast %scan3A_191 : i32 to index
      %swap3A_256 = arith.constant 64 : index
      %swap3A_257 = tpu.vector_load %arg7[%swap3A_255, %swap3A_256] {strides = array<i32>} : memref<40x128xi32, #tpu.memory_space<vmem>>, vector<1x16xi32>,
      %swap3A_258 = vector.shape_cast %swap3A_257 : vector<1x16xi32> to vector<16xi32>
      %swap3A_259 = vector.shape_cast %add3A_254 : vector<16xi32> to vector<1x16xi32>
      tpu.vector_store %arg7[%swap3A_255, %swap3A_256], %swap3A_259 {strides = array<i32>} : memref<40x128xi32, #tpu.memory_space<vmem>>, vector<1x16xi32>,
      %get3A_260 = arith.index_cast %scan3A_191 : i32 to index
      %get3A_261 = arith.constant 80 : index
      %get3A_262 = tpu.vector_load %arg7[%get3A_260, %get3A_261] {strides = array<i32>} : memref<40x128xi32, #tpu.memory_space<vmem>>, vector<1x16xi32>,
      %get3A_263 = vector.shape_cast %get3A_262 : vector<1x16xi32> to vector<16xi32>
      %mul3A_264 = arith.constant 4 : i32
      %mul3A_265 = vector.broadcast %mul3A_264 : i32 to vector<16xi32>
      %mul3A_266 = arith.muli %get3A_263, %mul3A_265 : vector<16xi32>
      %add3A_267 = vector.broadcast %add3A_96 : i32 to vector<16xi32>
      %add3A_268 = arith.addi %mul3A_266, %add3A_267 : vector<16xi32>
      %swap3A_269 = arith.index_cast %scan3A_191 : i32 to index
      %swap3A_270 = arith.constant 80 : index
      %swap3A_271 = tpu.vector_load %arg7[%swap3A_269, %swap3A_270] {strides = array<i32>} : memref<40x128xi32, #tpu.memory_space<vmem>>, vector<1x16xi32>,
      %swap3A_272 = vector.shape_cast %swap3A_271 : vector<1x16xi32> to vector<16xi32>
      %swap3A_273 = vector.shape_cast %add3A_268 : vector<16xi32> to vector<1x16xi32>
      tpu.vector_store %arg7[%swap3A_269, %swap3A_270], %swap3A_273 {strides = array<i32>} : memref<40x128xi32, #tpu.memory_space<vmem>>, vector<1x16xi32>,
      %get3A_274 = arith.index_cast %scan3A_191 : i32 to index
      %get3A_275 = arith.constant 96 : index
      %get3A_276 = tpu.vector_load %arg7[%get3A_274, %get3A_275] {strides = array<i32>} : memref<40x128xi32, #tpu.memory_space<vmem>>, vector<1x16xi32>,
      %get3A_277 = vector.shape_cast %get3A_276 : vector<1x16xi32> to vector<16xi32>
      %mul3A_278 = arith.constant 4 : i32
      %mul3A_279 = vector.broadcast %mul3A_278 : i32 to vector<16xi32>
      %mul3A_280 = arith.muli %get3A_277, %mul3A_279 : vector<16xi32>
      %add3A_281 = vector.broadcast %add3A_96 : i32 to vector<16xi32>
      %add3A_282 = arith.addi %mul3A_280, %add3A_281 : vector<16xi32>
      %swap3A_283 = arith.index_cast %scan3A_191 : i32 to index
      %swap3A_284 = arith.constant 96 : index
      %swap3A_285 = tpu.vector_load %arg7[%swap3A_283, %swap3A_284] {strides = array<i32>} : memref<40x128xi32, #tpu.memory_space<vmem>>, vector<1x16xi32>,
      %swap3A_286 = vector.shape_cast %swap3A_285 : vector<1x16xi32> to vector<16xi32>
      %swap3A_287 = vector.shape_cast %add3A_282 : vector<16xi32> to vector<1x16xi32>
      tpu.vector_store %arg7[%swap3A_283, %swap3A_284], %swap3A_287 {strides = array<i32>} : memref<40x128xi32, #tpu.memory_space<vmem>>, vector<1x16xi32>,
      %get3A_288 = arith.index_cast %scan3A_191 : i32 to index
      %get3A_289 = arith.constant 112 : index
      %get3A_290 = tpu.vector_load %arg7[%get3A_288, %get3A_289] {strides = array<i32>} : memref<40x128xi32, #tpu.memory_space<vmem>>, vector<1x16xi32>,
      %get3A_291 = vector.shape_cast %get3A_290 : vector<1x16xi32> to vector<16xi32>
      %mul3A_292 = arith.constant 4 : i32
      %mul3A_293 = vector.broadcast %mul3A_292 : i32 to vector<16xi32>
      %mul3A_294 = arith.muli %get3A_291, %mul3A_293 : vector<16xi32>
      %add3A_295 = vector.broadcast %add3A_96 : i32 to vector<16xi32>
      %add3A_296 = arith.addi %mul3A_294, %add3A_295 : vector<16xi32>
      %swap3A_297 = arith.index_cast %scan3A_191 : i32 to index
      %swap3A_298 = arith.constant 112 : index
      %swap3A_299 = tpu.vector_load %arg7[%swap3A_297, %swap3A_298] {strides = array<i32>} : memref<40x128xi32, #tpu.memory_space<vmem>>, vector<1x16xi32>,
      %swap3A_300 = vector.shape_cast %swap3A_299 : vector<1x16xi32> to vector<16xi32>
      %swap3A_301 = vector.shape_cast %add3A_296 : vector<16xi32> to vector<1x16xi32>
      tpu.vector_store %arg7[%swap3A_297, %swap3A_298], %swap3A_301 {strides = array<i32>} : memref<40x128xi32, #tpu.memory_space<vmem>>, vector<1x16xi32>,
    }
    %scan3A_108 = arith.constant 40 : i32
    %dma_start3A_109 = arith.constant 0 : i32
    %dma_start3A_110 = arith.constant 0 : i32
    %dma_start3A_111 = tpu.memref_slice %arg7[%dma_start3A_109, %dma_start3A_110] : memref<40x128xi32, #tpu.memory_space<vmem>> -> memref<1x128xi32, #tpu.memory_space<vmem>>
    %dma_start3A_112 = tpu.memref_squeeze %dma_start3A_111 : memref<1x128xi32, #tpu.memory_space<vmem>> -> memref<128xi32, #tpu.memory_space<vmem>>
    %dma_start3A_113 = arith.constant 0 : i32
    %dma_start3A_114 = arith.constant 0 : i32
    %dma_start3A_115 = tpu.memref_slice %arg2[%dma_start3A_113, %dma_start3A_114] : memref<40000x128xf32, #tpu.memory_space<hbm>> -> memref<40000x128xf32, #tpu.memory_space<hbm>>
    tpu.enqueue_indirect_dma source(%dma_start3A_115 : memref<40000x128xf32, #tpu.memory_space<hbm>>) target(%arg9 : memref<128x128xf32, #tpu.memory_space<vmem>>) offsets(%dma_start3A_112 : memref<128xi32, #tpu.memory_space<vmem>>) semaphore(%arg12 : memref<!tpu.dma_semaphore, #tpu.memory_space<semaphore_mem>>)
    %dma_start3A_116 = arith.constant 1 : i32
    %dma_start3A_117 = arith.constant 0 : i32
    %dma_start3A_118 = tpu.memref_slice %arg7[%dma_start3A_116, %dma_start3A_117] : memref<40x128xi32, #tpu.memory_space<vmem>> -> memref<1x128xi32, #tpu.memory_space<vmem>>
    %dma_start3A_119 = tpu.memref_squeeze %dma_start3A_118 : memref<1x128xi32, #tpu.memory_space<vmem>> -> memref<128xi32, #tpu.memory_space<vmem>>
    %dma_start3A_120 = arith.constant 0 : i32
    %dma_start3A_121 = arith.constant 0 : i32
    %dma_start3A_122 = tpu.memref_slice %arg2[%dma_start3A_120, %dma_start3A_121] : memref<40000x128xf32, #tpu.memory_space<hbm>> -> memref<40000x128xf32, #tpu.memory_space<hbm>>
    tpu.enqueue_indirect_dma source(%dma_start3A_122 : memref<40000x128xf32, #tpu.memory_space<hbm>>) target(%arg10 : memref<128x128xf32, #tpu.memory_space<vmem>>) offsets(%dma_start3A_119 : memref<128xi32, #tpu.memory_space<vmem>>) semaphore(%arg13 : memref<!tpu.dma_semaphore, #tpu.memory_space<semaphore_mem>>)
    %scan3A_123 = arith.constant 0 : i32
    %scan3A_124 = arith.constant 0 : i32
    %scan3A_125 = arith.constant 19 : i32
    %scan3A_126 = arith.addi %scan3A_124, %scan3A_125 : i32
    %scan3A_127 = arith.constant 1 : i32
    scf.for %scan3A_191 = %scan3A_124 to %scan3A_126 step %scan3A_127  : i32 {
      %mul3A_192 = arith.constant 2 : i32
      %mul3A_193 = arith.muli %scan3A_191, %mul3A_192 : i32
      %dma_wait3A_194 = arith.constant 0 : i32
      %dma_wait3A_195 = arith.constant 0 : i32
      %dma_wait3A_196 = tpu.memref_slice %arg7[%dma_wait3A_194, %dma_wait3A_195] : memref<40x128xi32, #tpu.memory_space<vmem>> -> memref<1x128xi32, #tpu.memory_space<vmem>>
      %dma_wait3A_197 = tpu.memref_squeeze %dma_wait3A_196 : memref<1x128xi32, #tpu.memory_space<vmem>> -> memref<128xi32, #tpu.memory_space<vmem>>
      %dma_wait3A_198 = arith.constant 0 : i32
      %dma_wait3A_199 = arith.constant 0 : i32
      %dma_wait3A_200 = tpu.memref_slice %arg2[%dma_wait3A_198, %dma_wait3A_199] : memref<40000x128xf32, #tpu.memory_space<hbm>> -> memref<40000x128xf32, #tpu.memory_space<hbm>>
      tpu.wait_indirect_dma semaphore(%arg12 : memref<!tpu.dma_semaphore, #tpu.memory_space<semaphore_mem>>) src(%dma_wait3A_200 : memref<40000x128xf32, #tpu.memory_space<hbm>>) dst(%arg9 : memref<128x128xf32, #tpu.memory_space<vmem>>)
      %add3A_201 = arith.constant 0 : i32
      %add3A_202 = arith.addi %mul3A_193, %add3A_201 : i32
      "tpu.region"() ({
        %run_scoped3A_232 = tpu.sem_alloc : memref<!tpu.dma_semaphore, #tpu.memory_space<semaphore_mem>>
        %dma_start3A_233 = arith.constant 0 : i32
        %dma_start3A_234 = tpu.memref_slice %arg8[%add3A_202, %dma_start3A_233] : memref<40x128xi32, #tpu.memory_space<vmem>> -> memref<1x128xi32, #tpu.memory_space<vmem>>
        %dma_start3A_235 = tpu.memref_squeeze %dma_start3A_234 : memref<1x128xi32, #tpu.memory_space<vmem>> -> memref<128xi32, #tpu.memory_space<vmem>>
        %dma_start3A_236 = arith.constant 0 : i32
        %dma_start3A_237 = arith.constant 0 : i32
        %dma_start3A_238 = tpu.memref_slice %arg11[%dma_start3A_236, %dma_start3A_237] : memref<10112x128xf32, #tpu.memory_space<vmem_shared>> -> memref<10112x128xf32, #tpu.memory_space<vmem_shared>>
        tpu.enqueue_indirect_dma source(%arg9 : memref<128x128xf32, #tpu.memory_space<vmem>>) target(%dma_start3A_238 : memref<10112x128xf32, #tpu.memory_space<vmem_shared>>) offsets(%dma_start3A_235 : memref<128xi32, #tpu.memory_space<vmem>>) semaphore(%run_scoped3A_232 : memref<!tpu.dma_semaphore, #tpu.memory_space<semaphore_mem>>) {add = true}
        %dma_wait3A_239 = arith.constant 0 : i32
        %dma_wait3A_240 = tpu.memref_slice %arg8[%add3A_202, %dma_wait3A_239] : memref<40x128xi32, #tpu.memory_space<vmem>> -> memref<1x128xi32, #tpu.memory_space<vmem>>
        %dma_wait3A_241 = tpu.memref_squeeze %dma_wait3A_240 : memref<1x128xi32, #tpu.memory_space<vmem>> -> memref<128xi32, #tpu.memory_space<vmem>>
        %dma_wait3A_242 = arith.constant 0 : i32
        %dma_wait3A_243 = arith.constant 0 : i32
        %dma_wait3A_244 = tpu.memref_slice %arg11[%dma_wait3A_242, %dma_wait3A_243] : memref<10112x128xf32, #tpu.memory_space<vmem_shared>> -> memref<10112x128xf32, #tpu.memory_space<vmem_shared>>
        tpu.wait_indirect_dma semaphore(%run_scoped3A_232 : memref<!tpu.dma_semaphore, #tpu.memory_space<semaphore_mem>>) src(%arg9 : memref<128x128xf32, #tpu.memory_space<vmem>>) dst(%dma_wait3A_244 : memref<10112x128xf32, #tpu.memory_space<vmem_shared>>)
        tpu.yield
      }) : () -> ()
      %add3A_203 = arith.constant 2 : i32
      %add3A_204 = arith.addi %mul3A_193, %add3A_203 : i32
      %add3A_205 = arith.constant 0 : i32
      %add3A_206 = arith.addi %add3A_204, %add3A_205 : i32
      %dma_start3A_207 = arith.constant 0 : i32
      %dma_start3A_208 = tpu.memref_slice %arg7[%add3A_206, %dma_start3A_207] : memref<40x128xi32, #tpu.memory_space<vmem>> -> memref<1x128xi32, #tpu.memory_space<vmem>>
      %dma_start3A_209 = tpu.memref_squeeze %dma_start3A_208 : memref<1x128xi32, #tpu.memory_space<vmem>> -> memref<128xi32, #tpu.memory_space<vmem>>
      %dma_start3A_210 = arith.constant 0 : i32
      %dma_start3A_211 = arith.constant 0 : i32
      %dma_start3A_212 = tpu.memref_slice %arg2[%dma_start3A_210, %dma_start3A_211] : memref<40000x128xf32, #tpu.memory_space<hbm>> -> memref<40000x128xf32, #tpu.memory_space<hbm>>
      tpu.enqueue_indirect_dma source(%dma_start3A_212 : memref<40000x128xf32, #tpu.memory_space<hbm>>) target(%arg9 : memref<128x128xf32, #tpu.memory_space<vmem>>) offsets(%dma_start3A_209 : memref<128xi32, #tpu.memory_space<vmem>>) semaphore(%arg12 : memref<!tpu.dma_semaphore, #tpu.memory_space<semaphore_mem>>)
      %dma_wait3A_213 = arith.constant 0 : i32
      %dma_wait3A_214 = arith.constant 0 : i32
      %dma_wait3A_215 = tpu.memref_slice %arg7[%dma_wait3A_213, %dma_wait3A_214] : memref<40x128xi32, #tpu.memory_space<vmem>> -> memref<1x128xi32, #tpu.memory_space<vmem>>
      %dma_wait3A_216 = tpu.memref_squeeze %dma_wait3A_215 : memref<1x128xi32, #tpu.memory_space<vmem>> -> memref<128xi32, #tpu.memory_space<vmem>>
      %dma_wait3A_217 = arith.constant 0 : i32
      %dma_wait3A_218 = arith.constant 0 : i32
      %dma_wait3A_219 = tpu.memref_slice %arg2[%dma_wait3A_217, %dma_wait3A_218] : memref<40000x128xf32, #tpu.memory_space<hbm>> -> memref<40000x128xf32, #tpu.memory_space<hbm>>
      tpu.wait_indirect_dma semaphore(%arg13 : memref<!tpu.dma_semaphore, #tpu.memory_space<semaphore_mem>>) src(%dma_wait3A_219 : memref<40000x128xf32, #tpu.memory_space<hbm>>) dst(%arg10 : memref<128x128xf32, #tpu.memory_space<vmem>>)
      %add3A_220 = arith.constant 1 : i32
      %add3A_221 = arith.addi %mul3A_193, %add3A_220 : i32
      "tpu.region"() ({
        %run_scoped3A_232 = tpu.sem_alloc : memref<!tpu.dma_semaphore, #tpu.memory_space<semaphore_mem>>
        %dma_start3A_233 = arith.constant 0 : i32
        %dma_start3A_234 = tpu.memref_slice %arg8[%add3A_221, %dma_start3A_233] : memref<40x128xi32, #tpu.memory_space<vmem>> -> memref<1x128xi32, #tpu.memory_space<vmem>>
        %dma_start3A_235 = tpu.memref_squeeze %dma_start3A_234 : memref<1x128xi32, #tpu.memory_space<vmem>> -> memref<128xi32, #tpu.memory_space<vmem>>
        %dma_start3A_236 = arith.constant 0 : i32
        %dma_start3A_237 = arith.constant 0 : i32
        %dma_start3A_238 = tpu.memref_slice %arg11[%dma_start3A_236, %dma_start3A_237] : memref<10112x128xf32, #tpu.memory_space<vmem_shared>> -> memref<10112x128xf32, #tpu.memory_space<vmem_shared>>
        tpu.enqueue_indirect_dma source(%arg10 : memref<128x128xf32, #tpu.memory_space<vmem>>) target(%dma_start3A_238 : memref<10112x128xf32, #tpu.memory_space<vmem_shared>>) offsets(%dma_start3A_235 : memref<128xi32, #tpu.memory_space<vmem>>) semaphore(%run_scoped3A_232 : memref<!tpu.dma_semaphore, #tpu.memory_space<semaphore_mem>>) {add = true}
        %dma_wait3A_239 = arith.constant 0 : i32
        %dma_wait3A_240 = tpu.memref_slice %arg8[%add3A_221, %dma_wait3A_239] : memref<40x128xi32, #tpu.memory_space<vmem>> -> memref<1x128xi32, #tpu.memory_space<vmem>>
        %dma_wait3A_241 = tpu.memref_squeeze %dma_wait3A_240 : memref<1x128xi32, #tpu.memory_space<vmem>> -> memref<128xi32, #tpu.memory_space<vmem>>
        %dma_wait3A_242 = arith.constant 0 : i32
        %dma_wait3A_243 = arith.constant 0 : i32
        %dma_wait3A_244 = tpu.memref_slice %arg11[%dma_wait3A_242, %dma_wait3A_243] : memref<10112x128xf32, #tpu.memory_space<vmem_shared>> -> memref<10112x128xf32, #tpu.memory_space<vmem_shared>>
        tpu.wait_indirect_dma semaphore(%run_scoped3A_232 : memref<!tpu.dma_semaphore, #tpu.memory_space<semaphore_mem>>) src(%arg10 : memref<128x128xf32, #tpu.memory_space<vmem>>) dst(%dma_wait3A_244 : memref<10112x128xf32, #tpu.memory_space<vmem_shared>>)
        tpu.yield
      }) : () -> ()
      %add3A_222 = arith.constant 2 : i32
      %add3A_223 = arith.addi %mul3A_193, %add3A_222 : i32
      %add3A_224 = arith.constant 1 : i32
      %add3A_225 = arith.addi %add3A_223, %add3A_224 : i32
      %dma_start3A_226 = arith.constant 0 : i32
      %dma_start3A_227 = tpu.memref_slice %arg7[%add3A_225, %dma_start3A_226] : memref<40x128xi32, #tpu.memory_space<vmem>> -> memref<1x128xi32, #tpu.memory_space<vmem>>
      %dma_start3A_228 = tpu.memref_squeeze %dma_start3A_227 : memref<1x128xi32, #tpu.memory_space<vmem>> -> memref<128xi32, #tpu.memory_space<vmem>>
      %dma_start3A_229 = arith.constant 0 : i32
      %dma_start3A_230 = arith.constant 0 : i32
      %dma_start3A_231 = tpu.memref_slice %arg2[%dma_start3A_229, %dma_start3A_230] : memref<40000x128xf32, #tpu.memory_space<hbm>> -> memref<40000x128xf32, #tpu.memory_space<hbm>>
      tpu.enqueue_indirect_dma source(%dma_start3A_231 : memref<40000x128xf32, #tpu.memory_space<hbm>>) target(%arg10 : memref<128x128xf32, #tpu.memory_space<vmem>>) offsets(%dma_start3A_228 : memref<128xi32, #tpu.memory_space<vmem>>) semaphore(%arg13 : memref<!tpu.dma_semaphore, #tpu.memory_space<semaphore_mem>>)
    }
    %scan3A_128 = arith.constant 19 : i32
    %dma_wait3A_129 = arith.constant 0 : i32
    %dma_wait3A_130 = arith.constant 0 : i32
    %dma_wait3A_131 = tpu.memref_slice %arg7[%dma_wait3A_129, %dma_wait3A_130] : memref<40x128xi32, #tpu.memory_space<vmem>> -> memref<1x128xi32, #tpu.memory_space<vmem>>
    %dma_wait3A_132 = tpu.memref_squeeze %dma_wait3A_131 : memref<1x128xi32, #tpu.memory_space<vmem>> -> memref<128xi32, #tpu.memory_space<vmem>>
    %dma_wait3A_133 = arith.constant 0 : i32
    %dma_wait3A_134 = arith.constant 0 : i32
    %dma_wait3A_135 = tpu.memref_slice %arg2[%dma_wait3A_133, %dma_wait3A_134] : memref<40000x128xf32, #tpu.memory_space<hbm>> -> memref<40000x128xf32, #tpu.memory_space<hbm>>
    tpu.wait_indirect_dma semaphore(%arg12 : memref<!tpu.dma_semaphore, #tpu.memory_space<semaphore_mem>>) src(%dma_wait3A_135 : memref<40000x128xf32, #tpu.memory_space<hbm>>) dst(%arg9 : memref<128x128xf32, #tpu.memory_space<vmem>>)
    %run_scoped3A_136 = arith.constant 38 : i32
    "tpu.region"() ({
      %run_scoped3A_191 = tpu.sem_alloc : memref<!tpu.dma_semaphore, #tpu.memory_space<semaphore_mem>>
      %dma_start3A_192 = arith.constant 0 : i32
      %dma_start3A_193 = tpu.memref_slice %arg8[%run_scoped3A_136, %dma_start3A_192] : memref<40x128xi32, #tpu.memory_space<vmem>> -> memref<1x128xi32, #tpu.memory_space<vmem>>
      %dma_start3A_194 = tpu.memref_squeeze %dma_start3A_193 : memref<1x128xi32, #tpu.memory_space<vmem>> -> memref<128xi32, #tpu.memory_space<vmem>>
      %dma_start3A_195 = arith.constant 0 : i32
      %dma_start3A_196 = arith.constant 0 : i32
      %dma_start3A_197 = tpu.memref_slice %arg11[%dma_start3A_195, %dma_start3A_196] : memref<10112x128xf32, #tpu.memory_space<vmem_shared>> -> memref<10112x128xf32, #tpu.memory_space<vmem_shared>>
      tpu.enqueue_indirect_dma source(%arg9 : memref<128x128xf32, #tpu.memory_space<vmem>>) target(%dma_start3A_197 : memref<10112x128xf32, #tpu.memory_space<vmem_shared>>) offsets(%dma_start3A_194 : memref<128xi32, #tpu.memory_space<vmem>>) semaphore(%run_scoped3A_191 : memref<!tpu.dma_semaphore, #tpu.memory_space<semaphore_mem>>) {add = true}
      %dma_wait3A_198 = arith.constant 0 : i32
      %dma_wait3A_199 = tpu.memref_slice %arg8[%run_scoped3A_136, %dma_wait3A_198] : memref<40x128xi32, #tpu.memory_space<vmem>> -> memref<1x128xi32, #tpu.memory_space<vmem>>
      %dma_wait3A_200 = tpu.memref_squeeze %dma_wait3A_199 : memref<1x128xi32, #tpu.memory_space<vmem>> -> memref<128xi32, #tpu.memory_space<vmem>>
      %dma_wait3A_201 = arith.constant 0 : i32
      %dma_wait3A_202 = arith.constant 0 : i32
      %dma_wait3A_203 = tpu.memref_slice %arg11[%dma_wait3A_201, %dma_wait3A_202] : memref<10112x128xf32, #tpu.memory_space<vmem_shared>> -> memref<10112x128xf32, #tpu.memory_space<vmem_shared>>
      tpu.wait_indirect_dma semaphore(%run_scoped3A_191 : memref<!tpu.dma_semaphore, #tpu.memory_space<semaphore_mem>>) src(%arg9 : memref<128x128xf32, #tpu.memory_space<vmem>>) dst(%dma_wait3A_203 : memref<10112x128xf32, #tpu.memory_space<vmem_shared>>)
      tpu.yield
    }) : () -> ()
    %dma_wait3A_137 = arith.constant 0 : i32
    %dma_wait3A_138 = arith.constant 0 : i32
    %dma_wait3A_139 = tpu.memref_slice %arg7[%dma_wait3A_137, %dma_wait3A_138] : memref<40x128xi32, #tpu.memory_space<vmem>> -> memref<1x128xi32, #tpu.memory_space<vmem>>
    %dma_wait3A_140 = tpu.memref_squeeze %dma_wait3A_139 : memref<1x128xi32, #tpu.memory_space<vmem>> -> memref<128xi32, #tpu.memory_space<vmem>>
    %dma_wait3A_141 = arith.constant 0 : i32
    %dma_wait3A_142 = arith.constant 0 : i32
    %dma_wait3A_143 = tpu.memref_slice %arg2[%dma_wait3A_141, %dma_wait3A_142] : memref<40000x128xf32, #tpu.memory_space<hbm>> -> memref<40000x128xf32, #tpu.memory_space<hbm>>
    tpu.wait_indirect_dma semaphore(%arg13 : memref<!tpu.dma_semaphore, #tpu.memory_space<semaphore_mem>>) src(%dma_wait3A_143 : memref<40000x128xf32, #tpu.memory_space<hbm>>) dst(%arg10 : memref<128x128xf32, #tpu.memory_space<vmem>>)
    %run_scoped3A_144 = arith.constant 39 : i32
    "tpu.region"() ({
      %run_scoped3A_191 = tpu.sem_alloc : memref<!tpu.dma_semaphore, #tpu.memory_space<semaphore_mem>>
      %dma_start3A_192 = arith.constant 0 : i32
      %dma_start3A_193 = tpu.memref_slice %arg8[%run_scoped3A_144, %dma_start3A_192] : memref<40x128xi32, #tpu.memory_space<vmem>> -> memref<1x128xi32, #tpu.memory_space<vmem>>
      %dma_start3A_194 = tpu.memref_squeeze %dma_start3A_193 : memref<1x128xi32, #tpu.memory_space<vmem>> -> memref<128xi32, #tpu.memory_space<vmem>>
      %dma_start3A_195 = arith.constant 0 : i32
      %dma_start3A_196 = arith.constant 0 : i32
      %dma_start3A_197 = tpu.memref_slice %arg11[%dma_start3A_195, %dma_start3A_196] : memref<10112x128xf32, #tpu.memory_space<vmem_shared>> -> memref<10112x128xf32, #tpu.memory_space<vmem_shared>>
      tpu.enqueue_indirect_dma source(%arg10 : memref<128x128xf32, #tpu.memory_space<vmem>>) target(%dma_start3A_197 : memref<10112x128xf32, #tpu.memory_space<vmem_shared>>) offsets(%dma_start3A_194 : memref<128xi32, #tpu.memory_space<vmem>>) semaphore(%run_scoped3A_191 : memref<!tpu.dma_semaphore, #tpu.memory_space<semaphore_mem>>) {add = true}
      %dma_wait3A_198 = arith.constant 0 : i32
      %dma_wait3A_199 = tpu.memref_slice %arg8[%run_scoped3A_144, %dma_wait3A_198] : memref<40x128xi32, #tpu.memory_space<vmem>> -> memref<1x128xi32, #tpu.memory_space<vmem>>
      %dma_wait3A_200 = tpu.memref_squeeze %dma_wait3A_199 : memref<1x128xi32, #tpu.memory_space<vmem>> -> memref<128xi32, #tpu.memory_space<vmem>>
      %dma_wait3A_201 = arith.constant 0 : i32
      %dma_wait3A_202 = arith.constant 0 : i32
      %dma_wait3A_203 = tpu.memref_slice %arg11[%dma_wait3A_201, %dma_wait3A_202] : memref<10112x128xf32, #tpu.memory_space<vmem_shared>> -> memref<10112x128xf32, #tpu.memory_space<vmem_shared>>
      tpu.wait_indirect_dma semaphore(%run_scoped3A_191 : memref<!tpu.dma_semaphore, #tpu.memory_space<semaphore_mem>>) src(%arg10 : memref<128x128xf32, #tpu.memory_space<vmem>>) dst(%dma_wait3A_203 : memref<10112x128xf32, #tpu.memory_space<vmem_shared>>)
      tpu.yield
    }) : () -> ()
    %multiple_of3A_145 = arith.constant 40 : i32
    %multiple_of3A_146 = tpu.assume_multiple %multiple_of3A_145, 8 : i32
    "tpu.region"() ({
      %run_scoped3A_191 = tpu.sem_alloc : memref<!tpu.dma_semaphore, #tpu.memory_space<semaphore_mem>>
      %dma_start3A_192 = arith.constant 0 : i32
      %dma_start3A_193 = tpu.memref_slice %arg3[%arg1, %multiple_of3A_146, %dma_start3A_192] : memref<16x80x128xi32, #tpu.memory_space<hbm>> -> memref<1x40x128xi32, #tpu.memory_space<hbm>>
      %dma_start3A_194 = tpu.memref_squeeze %dma_start3A_193 : memref<1x40x128xi32, #tpu.memory_space<hbm>> -> memref<40x128xi32, #tpu.memory_space<hbm>>
      %dma_start3A_195 = arith.constant 0 : i32
      %dma_start3A_196 = tpu.memref_slice %arg3[%arg1, %multiple_of3A_146, %dma_start3A_195] : memref<16x80x128xi32, #tpu.memory_space<hbm>> -> memref<1x40x128xi32, #tpu.memory_space<hbm>>
      %dma_start3A_197 = tpu.memref_squeeze %dma_start3A_196 : memref<1x40x128xi32, #tpu.memory_space<hbm>> -> memref<40x128xi32, #tpu.memory_space<hbm>>
      tpu.enqueue_dma source(%dma_start3A_197 : memref<40x128xi32, #tpu.memory_space<hbm>>) target(%arg7 : memref<40x128xi32, #tpu.memory_space<vmem>>) target_semaphore(%run_scoped3A_191 : memref<!tpu.dma_semaphore, #tpu.memory_space<semaphore_mem>>)
      %dma_wait3A_198 = arith.constant 0 : i32
      %dma_wait3A_199 = tpu.memref_slice %arg3[%arg1, %multiple_of3A_146, %dma_wait3A_198] : memref<16x80x128xi32, #tpu.memory_space<hbm>> -> memref<1x40x128xi32, #tpu.memory_space<hbm>>
      %dma_wait3A_200 = tpu.memref_squeeze %dma_wait3A_199 : memref<1x40x128xi32, #tpu.memory_space<hbm>> -> memref<40x128xi32, #tpu.memory_space<hbm>>
      %dma_wait3A_201 = arith.constant 0 : i32
      %dma_wait3A_202 = tpu.memref_slice %arg3[%arg1, %multiple_of3A_146, %dma_wait3A_201] : memref<16x80x128xi32, #tpu.memory_space<hbm>> -> memref<1x40x128xi32, #tpu.memory_space<hbm>>
      %dma_wait3A_203 = tpu.memref_squeeze %dma_wait3A_202 : memref<1x40x128xi32, #tpu.memory_space<hbm>> -> memref<40x128xi32, #tpu.memory_space<hbm>>
      tpu.wait_dma2 semaphore(%run_scoped3A_191 : memref<!tpu.dma_semaphore, #tpu.memory_space<semaphore_mem>>) src(%dma_wait3A_203 : memref<40x128xi32, #tpu.memory_space<hbm>>) dst(%arg7 : memref<40x128xi32, #tpu.memory_space<vmem>>)
      tpu.yield
    }) : () -> ()
    "tpu.region"() ({
      %run_scoped3A_191 = tpu.sem_alloc : memref<!tpu.dma_semaphore, #tpu.memory_space<semaphore_mem>>
      %dma_start3A_192 = arith.constant 0 : i32
      %dma_start3A_193 = tpu.memref_slice %arg4[%arg1, %multiple_of3A_146, %dma_start3A_192] : memref<16x80x128xi32, #tpu.memory_space<hbm>> -> memref<1x40x128xi32, #tpu.memory_space<hbm>>
      %dma_start3A_194 = tpu.memref_squeeze %dma_start3A_193 : memref<1x40x128xi32, #tpu.memory_space<hbm>> -> memref<40x128xi32, #tpu.memory_space<hbm>>
      %dma_start3A_195 = arith.constant 0 : i32
      %dma_start3A_196 = tpu.memref_slice %arg4[%arg1, %multiple_of3A_146, %dma_start3A_195] : memref<16x80x128xi32, #tpu.memory_space<hbm>> -> memref<1x40x128xi32, #tpu.memory_space<hbm>>
      %dma_start3A_197 = tpu.memref_squeeze %dma_start3A_196 : memref<1x40x128xi32, #tpu.memory_space<hbm>> -> memref<40x128xi32, #tpu.memory_space<hbm>>
      tpu.enqueue_dma source(%dma_start3A_197 : memref<40x128xi32, #tpu.memory_space<hbm>>) target(%arg8 : memref<40x128xi32, #tpu.memory_space<vmem>>) target_semaphore(%run_scoped3A_191 : memref<!tpu.dma_semaphore, #tpu.memory_space<semaphore_mem>>)
      %dma_wait3A_198 = arith.constant 0 : i32
      %dma_wait3A_199 = tpu.memref_slice %arg4[%arg1, %multiple_of3A_146, %dma_wait3A_198] : memref<16x80x128xi32, #tpu.memory_space<hbm>> -> memref<1x40x128xi32, #tpu.memory_space<hbm>>
      %dma_wait3A_200 = tpu.memref_squeeze %dma_wait3A_199 : memref<1x40x128xi32, #tpu.memory_space<hbm>> -> memref<40x128xi32, #tpu.memory_space<hbm>>
      %dma_wait3A_201 = arith.constant 0 : i32
      %dma_wait3A_202 = tpu.memref_slice %arg4[%arg1, %multiple_of3A_146, %dma_wait3A_201] : memref<16x80x128xi32, #tpu.memory_space<hbm>> -> memref<1x40x128xi32, #tpu.memory_space<hbm>>
      %dma_wait3A_203 = tpu.memref_squeeze %dma_wait3A_202 : memref<1x40x128xi32, #tpu.memory_space<hbm>> -> memref<40x128xi32, #tpu.memory_space<hbm>>
      tpu.wait_dma2 semaphore(%run_scoped3A_191 : memref<!tpu.dma_semaphore, #tpu.memory_space<semaphore_mem>>) src(%dma_wait3A_203 : memref<40x128xi32, #tpu.memory_space<hbm>>) dst(%arg8 : memref<40x128xi32, #tpu.memory_space<vmem>>)
      tpu.yield
    }) : () -> ()
    %scan3A_147 = arith.constant 0 : i32
    %scan3A_148 = arith.constant 0 : i32
    %scan3A_149 = arith.constant 40 : i32
    %scan3A_150 = arith.addi %scan3A_148, %scan3A_149 : i32
    %scan3A_151 = arith.constant 1 : i32
    scf.for %scan3A_191 = %scan3A_148 to %scan3A_150 step %scan3A_151  : i32 {
      %get3A = arith.index_cast %scan3A_191 : i32 to index
      %get3A_192 = arith.constant 0 : index
      %get3A_193 = tpu.vector_load %arg7[%get3A, %get3A_192] {strides = array<i32>} : memref<40x128xi32, #tpu.memory_space<vmem>>, vector<1x16xi32>,
      %get3A_194 = vector.shape_cast %get3A_193 : vector<1x16xi32> to vector<16xi32>
      %mul3A_195 = arith.constant 4 : i32
      %mul3A_196 = vector.broadcast %mul3A_195 : i32 to vector<16xi32>
      %mul3A_197 = arith.muli %get3A_194, %mul3A_196 : vector<16xi32>
      %add3A_198 = vector.broadcast %add3A_96 : i32 to vector<16xi32>
      %add3A_199 = arith.addi %mul3A_197, %add3A_198 : vector<16xi32>
      %swap3A = arith.index_cast %scan3A_191 : i32 to index
      %swap3A_200 = arith.constant 0 : index
      %swap3A_201 = tpu.vector_load %arg7[%swap3A, %swap3A_200] {strides = array<i32>} : memref<40x128xi32, #tpu.memory_space<vmem>>, vector<1x16xi32>,
      %swap3A_202 = vector.shape_cast %swap3A_201 : vector<1x16xi32> to vector<16xi32>
      %swap3A_203 = vector.shape_cast %add3A_199 : vector<16xi32> to vector<1x16xi32>
      tpu.vector_store %arg7[%swap3A, %swap3A_200], %swap3A_203 {strides = array<i32>} : memref<40x128xi32, #tpu.memory_space<vmem>>, vector<1x16xi32>,
      %get3A_204 = arith.index_cast %scan3A_191 : i32 to index
      %get3A_205 = arith.constant 16 : index
      %get3A_206 = tpu.vector_load %arg7[%get3A_204, %get3A_205] {strides = array<i32>} : memref<40x128xi32, #tpu.memory_space<vmem>>, vector<1x16xi32>,
      %get3A_207 = vector.shape_cast %get3A_206 : vector<1x16xi32> to vector<16xi32>
      %mul3A_208 = arith.constant 4 : i32
      %mul3A_209 = vector.broadcast %mul3A_208 : i32 to vector<16xi32>
      %mul3A_210 = arith.muli %get3A_207, %mul3A_209 : vector<16xi32>
      %add3A_211 = vector.broadcast %add3A_96 : i32 to vector<16xi32>
      %add3A_212 = arith.addi %mul3A_210, %add3A_211 : vector<16xi32>
      %swap3A_213 = arith.index_cast %scan3A_191 : i32 to index
      %swap3A_214 = arith.constant 16 : index
      %swap3A_215 = tpu.vector_load %arg7[%swap3A_213, %swap3A_214] {strides = array<i32>} : memref<40x128xi32, #tpu.memory_space<vmem>>, vector<1x16xi32>,
      %swap3A_216 = vector.shape_cast %swap3A_215 : vector<1x16xi32> to vector<16xi32>
      %swap3A_217 = vector.shape_cast %add3A_212 : vector<16xi32> to vector<1x16xi32>
      tpu.vector_store %arg7[%swap3A_213, %swap3A_214], %swap3A_217 {strides = array<i32>} : memref<40x128xi32, #tpu.memory_space<vmem>>, vector<1x16xi32>,
      %get3A_218 = arith.index_cast %scan3A_191 : i32 to index
      %get3A_219 = arith.constant 32 : index
      %get3A_220 = tpu.vector_load %arg7[%get3A_218, %get3A_219] {strides = array<i32>} : memref<40x128xi32, #tpu.memory_space<vmem>>, vector<1x16xi32>,
      %get3A_221 = vector.shape_cast %get3A_220 : vector<1x16xi32> to vector<16xi32>
      %mul3A_222 = arith.constant 4 : i32
      %mul3A_223 = vector.broadcast %mul3A_222 : i32 to vector<16xi32>
      %mul3A_224 = arith.muli %get3A_221, %mul3A_223 : vector<16xi32>
      %add3A_225 = vector.broadcast %add3A_96 : i32 to vector<16xi32>
      %add3A_226 = arith.addi %mul3A_224, %add3A_225 : vector<16xi32>
      %swap3A_227 = arith.index_cast %scan3A_191 : i32 to index
      %swap3A_228 = arith.constant 32 : index
      %swap3A_229 = tpu.vector_load %arg7[%swap3A_227, %swap3A_228] {strides = array<i32>} : memref<40x128xi32, #tpu.memory_space<vmem>>, vector<1x16xi32>,
      %swap3A_230 = vector.shape_cast %swap3A_229 : vector<1x16xi32> to vector<16xi32>
      %swap3A_231 = vector.shape_cast %add3A_226 : vector<16xi32> to vector<1x16xi32>
      tpu.vector_store %arg7[%swap3A_227, %swap3A_228], %swap3A_231 {strides = array<i32>} : memref<40x128xi32, #tpu.memory_space<vmem>>, vector<1x16xi32>,
      %get3A_232 = arith.index_cast %scan3A_191 : i32 to index
      %get3A_233 = arith.constant 48 : index
      %get3A_234 = tpu.vector_load %arg7[%get3A_232, %get3A_233] {strides = array<i32>} : memref<40x128xi32, #tpu.memory_space<vmem>>, vector<1x16xi32>,
      %get3A_235 = vector.shape_cast %get3A_234 : vector<1x16xi32> to vector<16xi32>
      %mul3A_236 = arith.constant 4 : i32
      %mul3A_237 = vector.broadcast %mul3A_236 : i32 to vector<16xi32>
      %mul3A_238 = arith.muli %get3A_235, %mul3A_237 : vector<16xi32>
      %add3A_239 = vector.broadcast %add3A_96 : i32 to vector<16xi32>
      %add3A_240 = arith.addi %mul3A_238, %add3A_239 : vector<16xi32>
      %swap3A_241 = arith.index_cast %scan3A_191 : i32 to index
      %swap3A_242 = arith.constant 48 : index
      %swap3A_243 = tpu.vector_load %arg7[%swap3A_241, %swap3A_242] {strides = array<i32>} : memref<40x128xi32, #tpu.memory_space<vmem>>, vector<1x16xi32>,
      %swap3A_244 = vector.shape_cast %swap3A_243 : vector<1x16xi32> to vector<16xi32>
      %swap3A_245 = vector.shape_cast %add3A_240 : vector<16xi32> to vector<1x16xi32>
      tpu.vector_store %arg7[%swap3A_241, %swap3A_242], %swap3A_245 {strides = array<i32>} : memref<40x128xi32, #tpu.memory_space<vmem>>, vector<1x16xi32>,
      %get3A_246 = arith.index_cast %scan3A_191 : i32 to index
      %get3A_247 = arith.constant 64 : index
      %get3A_248 = tpu.vector_load %arg7[%get3A_246, %get3A_247] {strides = array<i32>} : memref<40x128xi32, #tpu.memory_space<vmem>>, vector<1x16xi32>,
      %get3A_249 = vector.shape_cast %get3A_248 : vector<1x16xi32> to vector<16xi32>
      %mul3A_250 = arith.constant 4 : i32
      %mul3A_251 = vector.broadcast %mul3A_250 : i32 to vector<16xi32>
      %mul3A_252 = arith.muli %get3A_249, %mul3A_251 : vector<16xi32>
      %add3A_253 = vector.broadcast %add3A_96 : i32 to vector<16xi32>
      %add3A_254 = arith.addi %mul3A_252, %add3A_253 : vector<16xi32>
      %swap3A_255 = arith.index_cast %scan3A_191 : i32 to index
      %swap3A_256 = arith.constant 64 : index
      %swap3A_257 = tpu.vector_load %arg7[%swap3A_255, %swap3A_256] {strides = array<i32>} : memref<40x128xi32, #tpu.memory_space<vmem>>, vector<1x16xi32>,
      %swap3A_258 = vector.shape_cast %swap3A_257 : vector<1x16xi32> to vector<16xi32>
      %swap3A_259 = vector.shape_cast %add3A_254 : vector<16xi32> to vector<1x16xi32>
      tpu.vector_store %arg7[%swap3A_255, %swap3A_256], %swap3A_259 {strides = array<i32>} : memref<40x128xi32, #tpu.memory_space<vmem>>, vector<1x16xi32>,
      %get3A_260 = arith.index_cast %scan3A_191 : i32 to index
      %get3A_261 = arith.constant 80 : index
      %get3A_262 = tpu.vector_load %arg7[%get3A_260, %get3A_261] {strides = array<i32>} : memref<40x128xi32, #tpu.memory_space<vmem>>, vector<1x16xi32>,
      %get3A_263 = vector.shape_cast %get3A_262 : vector<1x16xi32> to vector<16xi32>
      %mul3A_264 = arith.constant 4 : i32
      %mul3A_265 = vector.broadcast %mul3A_264 : i32 to vector<16xi32>
      %mul3A_266 = arith.muli %get3A_263, %mul3A_265 : vector<16xi32>
      %add3A_267 = vector.broadcast %add3A_96 : i32 to vector<16xi32>
      %add3A_268 = arith.addi %mul3A_266, %add3A_267 : vector<16xi32>
      %swap3A_269 = arith.index_cast %scan3A_191 : i32 to index
      %swap3A_270 = arith.constant 80 : index
      %swap3A_271 = tpu.vector_load %arg7[%swap3A_269, %swap3A_270] {strides = array<i32>} : memref<40x128xi32, #tpu.memory_space<vmem>>, vector<1x16xi32>,
      %swap3A_272 = vector.shape_cast %swap3A_271 : vector<1x16xi32> to vector<16xi32>
      %swap3A_273 = vector.shape_cast %add3A_268 : vector<16xi32> to vector<1x16xi32>
      tpu.vector_store %arg7[%swap3A_269, %swap3A_270], %swap3A_273 {strides = array<i32>} : memref<40x128xi32, #tpu.memory_space<vmem>>, vector<1x16xi32>,
      %get3A_274 = arith.index_cast %scan3A_191 : i32 to index
      %get3A_275 = arith.constant 96 : index
      %get3A_276 = tpu.vector_load %arg7[%get3A_274, %get3A_275] {strides = array<i32>} : memref<40x128xi32, #tpu.memory_space<vmem>>, vector<1x16xi32>,
      %get3A_277 = vector.shape_cast %get3A_276 : vector<1x16xi32> to vector<16xi32>
      %mul3A_278 = arith.constant 4 : i32
      %mul3A_279 = vector.broadcast %mul3A_278 : i32 to vector<16xi32>
      %mul3A_280 = arith.muli %get3A_277, %mul3A_279 : vector<16xi32>
      %add3A_281 = vector.broadcast %add3A_96 : i32 to vector<16xi32>
      %add3A_282 = arith.addi %mul3A_280, %add3A_281 : vector<16xi32>
      %swap3A_283 = arith.index_cast %scan3A_191 : i32 to index
      %swap3A_284 = arith.constant 96 : index
      %swap3A_285 = tpu.vector_load %arg7[%swap3A_283, %swap3A_284] {strides = array<i32>} : memref<40x128xi32, #tpu.memory_space<vmem>>, vector<1x16xi32>,
      %swap3A_286 = vector.shape_cast %swap3A_285 : vector<1x16xi32> to vector<16xi32>
      %swap3A_287 = vector.shape_cast %add3A_282 : vector<16xi32> to vector<1x16xi32>
      tpu.vector_store %arg7[%swap3A_283, %swap3A_284], %swap3A_287 {strides = array<i32>} : memref<40x128xi32, #tpu.memory_space<vmem>>, vector<1x16xi32>,
      %get3A_288 = arith.index_cast %scan3A_191 : i32 to index
      %get3A_289 = arith.constant 112 : index
      %get3A_290 = tpu.vector_load %arg7[%get3A_288, %get3A_289] {strides = array<i32>} : memref<40x128xi32, #tpu.memory_space<vmem>>, vector<1x16xi32>,
      %get3A_291 = vector.shape_cast %get3A_290 : vector<1x16xi32> to vector<16xi32>
      %mul3A_292 = arith.constant 4 : i32
      %mul3A_293 = vector.broadcast %mul3A_292 : i32 to vector<16xi32>
      %mul3A_294 = arith.muli %get3A_291, %mul3A_293 : vector<16xi32>
      %add3A_295 = vector.broadcast %add3A_96 : i32 to vector<16xi32>
      %add3A_296 = arith.addi %mul3A_294, %add3A_295 : vector<16xi32>
      %swap3A_297 = arith.index_cast %scan3A_191 : i32 to index
      %swap3A_298 = arith.constant 112 : index
      %swap3A_299 = tpu.vector_load %arg7[%swap3A_297, %swap3A_298] {strides = array<i32>} : memref<40x128xi32, #tpu.memory_space<vmem>>, vector<1x16xi32>,
      %swap3A_300 = vector.shape_cast %swap3A_299 : vector<1x16xi32> to vector<16xi32>
      %swap3A_301 = vector.shape_cast %add3A_296 : vector<16xi32> to vector<1x16xi32>
      tpu.vector_store %arg7[%swap3A_297, %swap3A_298], %swap3A_301 {strides = array<i32>} : memref<40x128xi32, #tpu.memory_space<vmem>>, vector<1x16xi32>,
    }
    %scan3A_152 = arith.constant 40 : i32
    %dma_start3A_153 = arith.constant 0 : i32
    %dma_start3A_154 = arith.constant 0 : i32
    %dma_start3A_155 = tpu.memref_slice %arg7[%dma_start3A_153, %dma_start3A_154] : memref<40x128xi32, #tpu.memory_space<vmem>> -> memref<1x128xi32, #tpu.memory_space<vmem>>
    %dma_start3A_156 = tpu.memref_squeeze %dma_start3A_155 : memref<1x128xi32, #tpu.memory_space<vmem>> -> memref<128xi32, #tpu.memory_space<vmem>>
    %dma_start3A_157 = arith.constant 0 : i32
    %dma_start3A_158 = arith.constant 0 : i32
    %dma_start3A_159 = tpu.memref_slice %arg2[%dma_start3A_157, %dma_start3A_158] : memref<40000x128xf32, #tpu.memory_space<hbm>> -> memref<40000x128xf32, #tpu.memory_space<hbm>>
    tpu.enqueue_indirect_dma source(%dma_start3A_159 : memref<40000x128xf32, #tpu.memory_space<hbm>>) target(%arg9 : memref<128x128xf32, #tpu.memory_space<vmem>>) offsets(%dma_start3A_156 : memref<128xi32, #tpu.memory_space<vmem>>) semaphore(%arg12 : memref<!tpu.dma_semaphore, #tpu.memory_space<semaphore_mem>>)
    %dma_start3A_160 = arith.constant 1 : i32
    %dma_start3A_161 = arith.constant 0 : i32
    %dma_start3A_162 = tpu.memref_slice %arg7[%dma_start3A_160, %dma_start3A_161] : memref<40x128xi32, #tpu.memory_space<vmem>> -> memref<1x128xi32, #tpu.memory_space<vmem>>
    %dma_start3A_163 = tpu.memref_squeeze %dma_start3A_162 : memref<1x128xi32, #tpu.memory_space<vmem>> -> memref<128xi32, #tpu.memory_space<vmem>>
    %dma_start3A_164 = arith.constant 0 : i32
    %dma_start3A_165 = arith.constant 0 : i32
    %dma_start3A_166 = tpu.memref_slice %arg2[%dma_start3A_164, %dma_start3A_165] : memref<40000x128xf32, #tpu.memory_space<hbm>> -> memref<40000x128xf32, #tpu.memory_space<hbm>>
    tpu.enqueue_indirect_dma source(%dma_start3A_166 : memref<40000x128xf32, #tpu.memory_space<hbm>>) target(%arg10 : memref<128x128xf32, #tpu.memory_space<vmem>>) offsets(%dma_start3A_163 : memref<128xi32, #tpu.memory_space<vmem>>) semaphore(%arg13 : memref<!tpu.dma_semaphore, #tpu.memory_space<semaphore_mem>>)
    %scan3A_167 = arith.constant 0 : i32
    %scan3A_168 = arith.constant 0 : i32
    %scan3A_169 = arith.constant 19 : i32
    %scan3A_170 = arith.addi %scan3A_168, %scan3A_169 : i32
    %scan3A_171 = arith.constant 1 : i32
    scf.for %scan3A_191 = %scan3A_168 to %scan3A_170 step %scan3A_171  : i32 {
      %mul3A_192 = arith.constant 2 : i32
      %mul3A_193 = arith.muli %scan3A_191, %mul3A_192 : i32
      %dma_wait3A_194 = arith.constant 0 : i32
      %dma_wait3A_195 = arith.constant 0 : i32
      %dma_wait3A_196 = tpu.memref_slice %arg7[%dma_wait3A_194, %dma_wait3A_195] : memref<40x128xi32, #tpu.memory_space<vmem>> -> memref<1x128xi32, #tpu.memory_space<vmem>>
      %dma_wait3A_197 = tpu.memref_squeeze %dma_wait3A_196 : memref<1x128xi32, #tpu.memory_space<vmem>> -> memref<128xi32, #tpu.memory_space<vmem>>
      %dma_wait3A_198 = arith.constant 0 : i32
      %dma_wait3A_199 = arith.constant 0 : i32
      %dma_wait3A_200 = tpu.memref_slice %arg2[%dma_wait3A_198, %dma_wait3A_199] : memref<40000x128xf32, #tpu.memory_space<hbm>> -> memref<40000x128xf32, #tpu.memory_space<hbm>>
      tpu.wait_indirect_dma semaphore(%arg12 : memref<!tpu.dma_semaphore, #tpu.memory_space<semaphore_mem>>) src(%dma_wait3A_200 : memref<40000x128xf32, #tpu.memory_space<hbm>>) dst(%arg9 : memref<128x128xf32, #tpu.memory_space<vmem>>)
      %add3A_201 = arith.constant 0 : i32
      %add3A_202 = arith.addi %mul3A_193, %add3A_201 : i32
      "tpu.region"() ({
        %run_scoped3A_232 = tpu.sem_alloc : memref<!tpu.dma_semaphore, #tpu.memory_space<semaphore_mem>>
        %dma_start3A_233 = arith.constant 0 : i32
        %dma_start3A_234 = tpu.memref_slice %arg8[%add3A_202, %dma_start3A_233] : memref<40x128xi32, #tpu.memory_space<vmem>> -> memref<1x128xi32, #tpu.memory_space<vmem>>
        %dma_start3A_235 = tpu.memref_squeeze %dma_start3A_234 : memref<1x128xi32, #tpu.memory_space<vmem>> -> memref<128xi32, #tpu.memory_space<vmem>>
        %dma_start3A_236 = arith.constant 0 : i32
        %dma_start3A_237 = arith.constant 0 : i32
        %dma_start3A_238 = tpu.memref_slice %arg11[%dma_start3A_236, %dma_start3A_237] : memref<10112x128xf32, #tpu.memory_space<vmem_shared>> -> memref<10112x128xf32, #tpu.memory_space<vmem_shared>>
        tpu.enqueue_indirect_dma source(%arg9 : memref<128x128xf32, #tpu.memory_space<vmem>>) target(%dma_start3A_238 : memref<10112x128xf32, #tpu.memory_space<vmem_shared>>) offsets(%dma_start3A_235 : memref<128xi32, #tpu.memory_space<vmem>>) semaphore(%run_scoped3A_232 : memref<!tpu.dma_semaphore, #tpu.memory_space<semaphore_mem>>) {add = true}
        %dma_wait3A_239 = arith.constant 0 : i32
        %dma_wait3A_240 = tpu.memref_slice %arg8[%add3A_202, %dma_wait3A_239] : memref<40x128xi32, #tpu.memory_space<vmem>> -> memref<1x128xi32, #tpu.memory_space<vmem>>
        %dma_wait3A_241 = tpu.memref_squeeze %dma_wait3A_240 : memref<1x128xi32, #tpu.memory_space<vmem>> -> memref<128xi32, #tpu.memory_space<vmem>>
        %dma_wait3A_242 = arith.constant 0 : i32
        %dma_wait3A_243 = arith.constant 0 : i32
        %dma_wait3A_244 = tpu.memref_slice %arg11[%dma_wait3A_242, %dma_wait3A_243] : memref<10112x128xf32, #tpu.memory_space<vmem_shared>> -> memref<10112x128xf32, #tpu.memory_space<vmem_shared>>
        tpu.wait_indirect_dma semaphore(%run_scoped3A_232 : memref<!tpu.dma_semaphore, #tpu.memory_space<semaphore_mem>>) src(%arg9 : memref<128x128xf32, #tpu.memory_space<vmem>>) dst(%dma_wait3A_244 : memref<10112x128xf32, #tpu.memory_space<vmem_shared>>)
        tpu.yield
      }) : () -> ()
      %add3A_203 = arith.constant 2 : i32
      %add3A_204 = arith.addi %mul3A_193, %add3A_203 : i32
      %add3A_205 = arith.constant 0 : i32
      %add3A_206 = arith.addi %add3A_204, %add3A_205 : i32
      %dma_start3A_207 = arith.constant 0 : i32
      %dma_start3A_208 = tpu.memref_slice %arg7[%add3A_206, %dma_start3A_207] : memref<40x128xi32, #tpu.memory_space<vmem>> -> memref<1x128xi32, #tpu.memory_space<vmem>>
      %dma_start3A_209 = tpu.memref_squeeze %dma_start3A_208 : memref<1x128xi32, #tpu.memory_space<vmem>> -> memref<128xi32, #tpu.memory_space<vmem>>
      %dma_start3A_210 = arith.constant 0 : i32
      %dma_start3A_211 = arith.constant 0 : i32
      %dma_start3A_212 = tpu.memref_slice %arg2[%dma_start3A_210, %dma_start3A_211] : memref<40000x128xf32, #tpu.memory_space<hbm>> -> memref<40000x128xf32, #tpu.memory_space<hbm>>
      tpu.enqueue_indirect_dma source(%dma_start3A_212 : memref<40000x128xf32, #tpu.memory_space<hbm>>) target(%arg9 : memref<128x128xf32, #tpu.memory_space<vmem>>) offsets(%dma_start3A_209 : memref<128xi32, #tpu.memory_space<vmem>>) semaphore(%arg12 : memref<!tpu.dma_semaphore, #tpu.memory_space<semaphore_mem>>)
      %dma_wait3A_213 = arith.constant 0 : i32
      %dma_wait3A_214 = arith.constant 0 : i32
      %dma_wait3A_215 = tpu.memref_slice %arg7[%dma_wait3A_213, %dma_wait3A_214] : memref<40x128xi32, #tpu.memory_space<vmem>> -> memref<1x128xi32, #tpu.memory_space<vmem>>
      %dma_wait3A_216 = tpu.memref_squeeze %dma_wait3A_215 : memref<1x128xi32, #tpu.memory_space<vmem>> -> memref<128xi32, #tpu.memory_space<vmem>>
      %dma_wait3A_217 = arith.constant 0 : i32
      %dma_wait3A_218 = arith.constant 0 : i32
      %dma_wait3A_219 = tpu.memref_slice %arg2[%dma_wait3A_217, %dma_wait3A_218] : memref<40000x128xf32, #tpu.memory_space<hbm>> -> memref<40000x128xf32, #tpu.memory_space<hbm>>
      tpu.wait_indirect_dma semaphore(%arg13 : memref<!tpu.dma_semaphore, #tpu.memory_space<semaphore_mem>>) src(%dma_wait3A_219 : memref<40000x128xf32, #tpu.memory_space<hbm>>) dst(%arg10 : memref<128x128xf32, #tpu.memory_space<vmem>>)
      %add3A_220 = arith.constant 1 : i32
      %add3A_221 = arith.addi %mul3A_193, %add3A_220 : i32
      "tpu.region"() ({
        %run_scoped3A_232 = tpu.sem_alloc : memref<!tpu.dma_semaphore, #tpu.memory_space<semaphore_mem>>
        %dma_start3A_233 = arith.constant 0 : i32
        %dma_start3A_234 = tpu.memref_slice %arg8[%add3A_221, %dma_start3A_233] : memref<40x128xi32, #tpu.memory_space<vmem>> -> memref<1x128xi32, #tpu.memory_space<vmem>>
        %dma_start3A_235 = tpu.memref_squeeze %dma_start3A_234 : memref<1x128xi32, #tpu.memory_space<vmem>> -> memref<128xi32, #tpu.memory_space<vmem>>
        %dma_start3A_236 = arith.constant 0 : i32
        %dma_start3A_237 = arith.constant 0 : i32
        %dma_start3A_238 = tpu.memref_slice %arg11[%dma_start3A_236, %dma_start3A_237] : memref<10112x128xf32, #tpu.memory_space<vmem_shared>> -> memref<10112x128xf32, #tpu.memory_space<vmem_shared>>
        tpu.enqueue_indirect_dma source(%arg10 : memref<128x128xf32, #tpu.memory_space<vmem>>) target(%dma_start3A_238 : memref<10112x128xf32, #tpu.memory_space<vmem_shared>>) offsets(%dma_start3A_235 : memref<128xi32, #tpu.memory_space<vmem>>) semaphore(%run_scoped3A_232 : memref<!tpu.dma_semaphore, #tpu.memory_space<semaphore_mem>>) {add = true}
        %dma_wait3A_239 = arith.constant 0 : i32
        %dma_wait3A_240 = tpu.memref_slice %arg8[%add3A_221, %dma_wait3A_239] : memref<40x128xi32, #tpu.memory_space<vmem>> -> memref<1x128xi32, #tpu.memory_space<vmem>>
        %dma_wait3A_241 = tpu.memref_squeeze %dma_wait3A_240 : memref<1x128xi32, #tpu.memory_space<vmem>> -> memref<128xi32, #tpu.memory_space<vmem>>
        %dma_wait3A_242 = arith.constant 0 : i32
        %dma_wait3A_243 = arith.constant 0 : i32
        %dma_wait3A_244 = tpu.memref_slice %arg11[%dma_wait3A_242, %dma_wait3A_243] : memref<10112x128xf32, #tpu.memory_space<vmem_shared>> -> memref<10112x128xf32, #tpu.memory_space<vmem_shared>>
        tpu.wait_indirect_dma semaphore(%run_scoped3A_232 : memref<!tpu.dma_semaphore, #tpu.memory_space<semaphore_mem>>) src(%arg10 : memref<128x128xf32, #tpu.memory_space<vmem>>) dst(%dma_wait3A_244 : memref<10112x128xf32, #tpu.memory_space<vmem_shared>>)
        tpu.yield
      }) : () -> ()
      %add3A_222 = arith.constant 2 : i32
      %add3A_223 = arith.addi %mul3A_193, %add3A_222 : i32
      %add3A_224 = arith.constant 1 : i32
      %add3A_225 = arith.addi %add3A_223, %add3A_224 : i32
      %dma_start3A_226 = arith.constant 0 : i32
      %dma_start3A_227 = tpu.memref_slice %arg7[%add3A_225, %dma_start3A_226] : memref<40x128xi32, #tpu.memory_space<vmem>> -> memref<1x128xi32, #tpu.memory_space<vmem>>
      %dma_start3A_228 = tpu.memref_squeeze %dma_start3A_227 : memref<1x128xi32, #tpu.memory_space<vmem>> -> memref<128xi32, #tpu.memory_space<vmem>>
      %dma_start3A_229 = arith.constant 0 : i32
      %dma_start3A_230 = arith.constant 0 : i32
      %dma_start3A_231 = tpu.memref_slice %arg2[%dma_start3A_229, %dma_start3A_230] : memref<40000x128xf32, #tpu.memory_space<hbm>> -> memref<40000x128xf32, #tpu.memory_space<hbm>>
      tpu.enqueue_indirect_dma source(%dma_start3A_231 : memref<40000x128xf32, #tpu.memory_space<hbm>>) target(%arg10 : memref<128x128xf32, #tpu.memory_space<vmem>>) offsets(%dma_start3A_228 : memref<128xi32, #tpu.memory_space<vmem>>) semaphore(%arg13 : memref<!tpu.dma_semaphore, #tpu.memory_space<semaphore_mem>>)
    }
    %scan3A_172 = arith.constant 19 : i32
    %dma_wait3A_173 = arith.constant 0 : i32
    %dma_wait3A_174 = arith.constant 0 : i32
    %dma_wait3A_175 = tpu.memref_slice %arg7[%dma_wait3A_173, %dma_wait3A_174] : memref<40x128xi32, #tpu.memory_space<vmem>> -> memref<1x128xi32, #tpu.memory_space<vmem>>
    %dma_wait3A_176 = tpu.memref_squeeze %dma_wait3A_175 : memref<1x128xi32, #tpu.memory_space<vmem>> -> memref<128xi32, #tpu.memory_space<vmem>>
    %dma_wait3A_177 = arith.constant 0 : i32
    %dma_wait3A_178 = arith.constant 0 : i32
    %dma_wait3A_179 = tpu.memref_slice %arg2[%dma_wait3A_177, %dma_wait3A_178] : memref<40000x128xf32, #tpu.memory_space<hbm>> -> memref<40000x128xf32, #tpu.memory_space<hbm>>
    tpu.wait_indirect_dma semaphore(%arg12 : memref<!tpu.dma_semaphore, #tpu.memory_space<semaphore_mem>>) src(%dma_wait3A_179 : memref<40000x128xf32, #tpu.memory_space<hbm>>) dst(%arg9 : memref<128x128xf32, #tpu.memory_space<vmem>>)
    %run_scoped3A_180 = arith.constant 38 : i32
    "tpu.region"() ({
      %run_scoped3A_191 = tpu.sem_alloc : memref<!tpu.dma_semaphore, #tpu.memory_space<semaphore_mem>>
      %dma_start3A_192 = arith.constant 0 : i32
      %dma_start3A_193 = tpu.memref_slice %arg8[%run_scoped3A_180, %dma_start3A_192] : memref<40x128xi32, #tpu.memory_space<vmem>> -> memref<1x128xi32, #tpu.memory_space<vmem>>
      %dma_start3A_194 = tpu.memref_squeeze %dma_start3A_193 : memref<1x128xi32, #tpu.memory_space<vmem>> -> memref<128xi32, #tpu.memory_space<vmem>>
      %dma_start3A_195 = arith.constant 0 : i32
      %dma_start3A_196 = arith.constant 0 : i32
      %dma_start3A_197 = tpu.memref_slice %arg11[%dma_start3A_195, %dma_start3A_196] : memref<10112x128xf32, #tpu.memory_space<vmem_shared>> -> memref<10112x128xf32, #tpu.memory_space<vmem_shared>>
      tpu.enqueue_indirect_dma source(%arg9 : memref<128x128xf32, #tpu.memory_space<vmem>>) target(%dma_start3A_197 : memref<10112x128xf32, #tpu.memory_space<vmem_shared>>) offsets(%dma_start3A_194 : memref<128xi32, #tpu.memory_space<vmem>>) semaphore(%run_scoped3A_191 : memref<!tpu.dma_semaphore, #tpu.memory_space<semaphore_mem>>) {add = true}
      %dma_wait3A_198 = arith.constant 0 : i32
      %dma_wait3A_199 = tpu.memref_slice %arg8[%run_scoped3A_180, %dma_wait3A_198] : memref<40x128xi32, #tpu.memory_space<vmem>> -> memref<1x128xi32, #tpu.memory_space<vmem>>
      %dma_wait3A_200 = tpu.memref_squeeze %dma_wait3A_199 : memref<1x128xi32, #tpu.memory_space<vmem>> -> memref<128xi32, #tpu.memory_space<vmem>>
      %dma_wait3A_201 = arith.constant 0 : i32
      %dma_wait3A_202 = arith.constant 0 : i32
      %dma_wait3A_203 = tpu.memref_slice %arg11[%dma_wait3A_201, %dma_wait3A_202] : memref<10112x128xf32, #tpu.memory_space<vmem_shared>> -> memref<10112x128xf32, #tpu.memory_space<vmem_shared>>
      tpu.wait_indirect_dma semaphore(%run_scoped3A_191 : memref<!tpu.dma_semaphore, #tpu.memory_space<semaphore_mem>>) src(%arg9 : memref<128x128xf32, #tpu.memory_space<vmem>>) dst(%dma_wait3A_203 : memref<10112x128xf32, #tpu.memory_space<vmem_shared>>)
      tpu.yield
    }) : () -> ()
    %dma_wait3A_181 = arith.constant 0 : i32
    %dma_wait3A_182 = arith.constant 0 : i32
    %dma_wait3A_183 = tpu.memref_slice %arg7[%dma_wait3A_181, %dma_wait3A_182] : memref<40x128xi32, #tpu.memory_space<vmem>> -> memref<1x128xi32, #tpu.memory_space<vmem>>
    %dma_wait3A_184 = tpu.memref_squeeze %dma_wait3A_183 : memref<1x128xi32, #tpu.memory_space<vmem>> -> memref<128xi32, #tpu.memory_space<vmem>>
    %dma_wait3A_185 = arith.constant 0 : i32
    %dma_wait3A_186 = arith.constant 0 : i32
    %dma_wait3A_187 = tpu.memref_slice %arg2[%dma_wait3A_185, %dma_wait3A_186] : memref<40000x128xf32, #tpu.memory_space<hbm>> -> memref<40000x128xf32, #tpu.memory_space<hbm>>
    tpu.wait_indirect_dma semaphore(%arg13 : memref<!tpu.dma_semaphore, #tpu.memory_space<semaphore_mem>>) src(%dma_wait3A_187 : memref<40000x128xf32, #tpu.memory_space<hbm>>) dst(%arg10 : memref<128x128xf32, #tpu.memory_space<vmem>>)
    %run_scoped3A_188 = arith.constant 39 : i32
    "tpu.region"() ({
      %run_scoped3A_191 = tpu.sem_alloc : memref<!tpu.dma_semaphore, #tpu.memory_space<semaphore_mem>>
      %dma_start3A_192 = arith.constant 0 : i32
      %dma_start3A_193 = tpu.memref_slice %arg8[%run_scoped3A_188, %dma_start3A_192] : memref<40x128xi32, #tpu.memory_space<vmem>> -> memref<1x128xi32, #tpu.memory_space<vmem>>
      %dma_start3A_194 = tpu.memref_squeeze %dma_start3A_193 : memref<1x128xi32, #tpu.memory_space<vmem>> -> memref<128xi32, #tpu.memory_space<vmem>>
      %dma_start3A_195 = arith.constant 0 : i32
      %dma_start3A_196 = arith.constant 0 : i32
      %dma_start3A_197 = tpu.memref_slice %arg11[%dma_start3A_195, %dma_start3A_196] : memref<10112x128xf32, #tpu.memory_space<vmem_shared>> -> memref<10112x128xf32, #tpu.memory_space<vmem_shared>>
      tpu.enqueue_indirect_dma source(%arg10 : memref<128x128xf32, #tpu.memory_space<vmem>>) target(%dma_start3A_197 : memref<10112x128xf32, #tpu.memory_space<vmem_shared>>) offsets(%dma_start3A_194 : memref<128xi32, #tpu.memory_space<vmem>>) semaphore(%run_scoped3A_191 : memref<!tpu.dma_semaphore, #tpu.memory_space<semaphore_mem>>) {add = true}
      %dma_wait3A_198 = arith.constant 0 : i32
      %dma_wait3A_199 = tpu.memref_slice %arg8[%run_scoped3A_188, %dma_wait3A_198] : memref<40x128xi32, #tpu.memory_space<vmem>> -> memref<1x128xi32, #tpu.memory_space<vmem>>
      %dma_wait3A_200 = tpu.memref_squeeze %dma_wait3A_199 : memref<1x128xi32, #tpu.memory_space<vmem>> -> memref<128xi32, #tpu.memory_space<vmem>>
      %dma_wait3A_201 = arith.constant 0 : i32
      %dma_wait3A_202 = arith.constant 0 : i32
      %dma_wait3A_203 = tpu.memref_slice %arg11[%dma_wait3A_201, %dma_wait3A_202] : memref<10112x128xf32, #tpu.memory_space<vmem_shared>> -> memref<10112x128xf32, #tpu.memory_space<vmem_shared>>
      tpu.wait_indirect_dma semaphore(%run_scoped3A_191 : memref<!tpu.dma_semaphore, #tpu.memory_space<semaphore_mem>>) src(%arg10 : memref<128x128xf32, #tpu.memory_space<vmem>>) dst(%dma_wait3A_203 : memref<10112x128xf32, #tpu.memory_space<vmem_shared>>)
      tpu.yield
    }) : () -> ()
    %barrier3A_189 = arith.constant 0 : index
    tpu.barrier barrier_id(%barrier3A_189)
    "tpu.region"() ({
      %run_scoped3A_191 = tpu.sem_alloc : memref<!tpu.dma_semaphore, #tpu.memory_space<semaphore_mem>>
      %dma_start3A_192 = tpu.memref_slice %arg6[%multiple_of3A, %multiple_of3A_99] : memref<10112x512xf32, #tpu.memory_space<hbm>> -> memref<632x128xf32, #tpu.memory_space<hbm>>
      %dma_start3A_193 = arith.constant 0 : i32
      %dma_start3A_194 = tpu.memref_slice %arg11[%multiple_of3A, %dma_start3A_193] : memref<10112x128xf32, #tpu.memory_space<vmem_shared>> -> memref<632x128xf32, #tpu.memory_space<vmem_shared>>
      tpu.enqueue_dma source(%dma_start3A_194 : memref<632x128xf32, #tpu.memory_space<vmem_shared>>) target(%dma_start3A_192 : memref<632x128xf32, #tpu.memory_space<hbm>>) target_semaphore(%run_scoped3A_191 : memref<!tpu.dma_semaphore, #tpu.memory_space<semaphore_mem>>)
      %dma_wait3A_195 = tpu.memref_slice %arg6[%multiple_of3A, %multiple_of3A_99] : memref<10112x512xf32, #tpu.memory_space<hbm>> -> memref<632x128xf32, #tpu.memory_space<hbm>>
      %dma_wait3A_196 = arith.constant 0 : i32
      %dma_wait3A_197 = tpu.memref_slice %arg11[%multiple_of3A, %dma_wait3A_196] : memref<10112x128xf32, #tpu.memory_space<vmem_shared>> -> memref<632x128xf32, #tpu.memory_space<vmem_shared>>
      tpu.wait_dma2 semaphore(%run_scoped3A_191 : memref<!tpu.dma_semaphore, #tpu.memory_space<semaphore_mem>>) src(%dma_wait3A_197 : memref<632x128xf32, #tpu.memory_space<vmem_shared>>) dst(%dma_wait3A_195 : memref<632x128xf32, #tpu.memory_space<hbm>>)
      tpu.yield
    }) : () -> ()
    %barrier3A_190 = arith.constant 0 : index
    tpu.barrier barrier_id(%barrier3A_190)
    return
  }
}

module attributes {stable_mosaic.version = 14 : i64} {
  func.func @_tc0_body(%arg0: i32, %arg1: memref<2000x256xf32, #tpu.memory_space<vmem>>, %arg2: memref<2000x256xf32, #tpu.memory_space<vmem>>, %arg3: memref<256x512xf32, #tpu.memory_space<vmem>>, %arg4: memref<1x512xf32, #tpu.memory_space<vmem>>, %arg5: memref<512x512xf32, #tpu.memory_space<vmem>>, %arg6: memref<2000x512xf32, #tpu.memory_space<vmem>>, %arg7: memref<2000x512xf32, #tpu.memory_space<vmem>>) attributes {dimension_semantics = [#tpu.dimension_semantics<arbitrary>], iteration_bounds = array<i64: 5>, scalar_prefetch = 0 : i64, scratch_operands = 0 : i64, tpu.core_type = #tpu.core_type<tc>, window_params = [{transform_indices = @transform_0, window_bounds = array<i64: 2000, 256>}, {transform_indices = @transform_1, window_bounds = array<i64: 2000, 256>}, {pipeline_mode = #tpu.pipeline_mode<synchronous>, transform_indices = @transform_2, window_bounds = array<i64: 256, 512>}, {pipeline_mode = #tpu.pipeline_mode<synchronous>, transform_indices = @transform_3, window_bounds = array<i64: 1, 512>}, {pipeline_mode = #tpu.pipeline_mode<synchronous>, transform_indices = @transform_4, window_bounds = array<i64: 512, 512>}, {transform_indices = @transform_5, window_bounds = array<i64: 2000, 512>}, {transform_indices = @transform_6, window_bounds = array<i64: 2000, 512>}]} {
    %get3A = arith.constant 0 : index
    %get3A_0 = arith.constant 0 : index
    %get3A_1 = vector.load %arg1[%get3A, %get3A_0] : memref<2000x256xf32, #tpu.memory_space<vmem>>, vector<2000x256xf32>
    %get3A_2 = arith.constant 0 : index
    %get3A_3 = arith.constant 0 : index
    %get3A_4 = vector.load %arg2[%get3A_2, %get3A_3] : memref<2000x256xf32, #tpu.memory_space<vmem>>, vector<2000x1xf32>
    %get3A_5 = arith.constant 0 : index
    %get3A_6 = arith.constant 128 : index
    %get3A_7 = vector.load %arg2[%get3A_5, %get3A_6] : memref<2000x256xf32, #tpu.memory_space<vmem>>, vector<2000x1xf32>
    %add3A = arith.addf %get3A_4, %get3A_7 : vector<2000x1xf32>
    %max3A = arith.constant 1.000000e+00 : f32
    %max3A_8 = vector.broadcast %max3A : f32 to vector<2000x1xf32>
    %max3A_9 = arith.maximumf %add3A, %max3A_8 : vector<2000x1xf32>
    %div3A = vector.broadcast %max3A_9 : vector<2000x1xf32> to vector<2000x256xf32>
    %div3A_10 = arith.divf %get3A_1, %div3A : vector<2000x256xf32>
    %get3A_11 = arith.constant 0 : index
    %get3A_12 = arith.constant 0 : index
    %get3A_13 = vector.load %arg3[%get3A_11, %get3A_12] : memref<256x512xf32, #tpu.memory_space<vmem>>, vector<256x512xf32>
    %dot_general3A = arith.constant dense<0.000000e+00> : vector<2000x512xf32>
    %dot_general3A_14 = tpu.matmul %div3A_10, %get3A_13, %dot_general3A {dimension_numbers = #tpu.dot_dimension_numbers<[1], [0], [0], [1], [0, 0, 1, 1], [], []>, transpose_lhs_hint = false} : vector<2000x256xf32>, vector<256x512xf32>, vector<2000x512xf32> -> vector<2000x512xf32>
    %get3A_15 = arith.constant 0 : index
    %get3A_16 = arith.constant 0 : index
    %get3A_17 = vector.load %arg4[%get3A_15, %get3A_16] : memref<1x512xf32, #tpu.memory_space<vmem>>, vector<1x512xf32>
    %add3A_18 = vector.broadcast %get3A_17 : vector<1x512xf32> to vector<2000x512xf32>
    %add3A_19 = arith.addf %dot_general3A_14, %add3A_18 : vector<2000x512xf32>
    %max3A_20 = arith.constant 0.000000e+00 : f32
    %max3A_21 = vector.broadcast %max3A_20 : f32 to vector<2000x512xf32>
    %max3A_22 = arith.maximumf %add3A_19, %max3A_21 : vector<2000x512xf32>
    %swap3A = arith.constant 0 : index
    %swap3A_23 = arith.constant 0 : index
    %swap3A_24 = vector.load %arg6[%swap3A, %swap3A_23] : memref<2000x512xf32, #tpu.memory_space<vmem>>, vector<2000x512xf32>
    tpu.vector_store %arg6[%swap3A, %swap3A_23], %max3A_22 {strides = array<i32>} : memref<2000x512xf32, #tpu.memory_space<vmem>>, vector<2000x512xf32>,
    %get3A_25 = arith.constant 0 : index
    %get3A_26 = arith.constant 0 : index
    %get3A_27 = vector.load %arg5[%get3A_25, %get3A_26] : memref<512x512xf32, #tpu.memory_space<vmem>>, vector<512x512xf32>
    %dot_general3A_28 = arith.constant dense<0.000000e+00> : vector<2000x512xf32>
    %dot_general3A_29 = tpu.matmul %max3A_22, %get3A_27, %dot_general3A_28 {dimension_numbers = #tpu.dot_dimension_numbers<[1], [0], [0], [1], [0, 0, 1, 1], [], []>, transpose_lhs_hint = false} : vector<2000x512xf32>, vector<512x512xf32>, vector<2000x512xf32> -> vector<2000x512xf32>
    %swap3A_30 = arith.constant 0 : index
    %swap3A_31 = arith.constant 0 : index
    %swap3A_32 = vector.load %arg7[%swap3A_30, %swap3A_31] : memref<2000x512xf32, #tpu.memory_space<vmem>>, vector<2000x512xf32>
    tpu.vector_store %arg7[%swap3A_30, %swap3A_31], %dot_general3A_29 {strides = array<i32>} : memref<2000x512xf32, #tpu.memory_space<vmem>>, vector<2000x512xf32>,
    return
  }
  func.func @transform_0(%arg0: i32) -> (i32, i32) {
    %c0_i32 = arith.constant 0 : i32
    %c0_i32_0 = arith.constant 0 : i32
    return %arg0, %c0_i32 : i32, i32
  }
  func.func @transform_1(%arg0: i32) -> (i32, i32) {
    %c0_i32 = arith.constant 0 : i32
    %c0_i32_0 = arith.constant 0 : i32
    return %arg0, %c0_i32 : i32, i32
  }
  func.func @transform_2(%arg0: i32) -> (i32, i32) {
    %c0_i32 = arith.constant 0 : i32
    %c0_i32_0 = arith.constant 0 : i32
    %c0_i32_1 = arith.constant 0 : i32
    return %c0_i32, %c0_i32_0 : i32, i32
  }
  func.func @transform_3(%arg0: i32) -> (i32, i32) {
    %c0_i32 = arith.constant 0 : i32
    %c0_i32_0 = arith.constant 0 : i32
    %c0_i32_1 = arith.constant 0 : i32
    return %c0_i32, %c0_i32_0 : i32, i32
  }
  func.func @transform_4(%arg0: i32) -> (i32, i32) {
    %c0_i32 = arith.constant 0 : i32
    %c0_i32_0 = arith.constant 0 : i32
    %c0_i32_1 = arith.constant 0 : i32
    return %c0_i32, %c0_i32_0 : i32, i32
  }
  func.func @transform_5(%arg0: i32) -> (i32, i32) {
    %c0_i32 = arith.constant 0 : i32
    %c0_i32_0 = arith.constant 0 : i32
    return %arg0, %c0_i32 : i32, i32
  }
  func.func @transform_6(%arg0: i32) -> (i32, i32) {
    %c0_i32 = arith.constant 0 : i32
    %c0_i32_0 = arith.constant 0 : i32
    return %arg0, %c0_i32 : i32, i32
  }
}

module attributes {stable_mosaic.version = 14 : i64} {
  func.func @_tc1_body(%arg0: i32, %arg1: memref<2000x512xf32, #tpu.memory_space<vmem>>, %arg2: memref<2000x256xf32, #tpu.memory_space<vmem>>, %arg3: memref<1x512xf32, #tpu.memory_space<vmem>>, %arg4: memref<2000x512xf32, #tpu.memory_space<vmem>>, %arg5: memref<512x256xf32, #tpu.memory_space<vmem>>, %arg6: memref<2000x256xf32, #tpu.memory_space<vmem>>) attributes {dimension_semantics = [#tpu.dimension_semantics<arbitrary>], iteration_bounds = array<i64: 5>, scalar_prefetch = 0 : i64, scratch_operands = 0 : i64, tpu.core_type = #tpu.core_type<tc>, window_params = [{transform_indices = @transform_0, window_bounds = array<i64: 2000, 512>}, {transform_indices = @transform_1, window_bounds = array<i64: 2000, 256>}, {pipeline_mode = #tpu.pipeline_mode<synchronous>, transform_indices = @transform_2, window_bounds = array<i64: 1, 512>}, {transform_indices = @transform_3, window_bounds = array<i64: 2000, 512>}, {pipeline_mode = #tpu.pipeline_mode<synchronous>, transform_indices = @transform_4, window_bounds = array<i64: 512, 256>}, {transform_indices = @transform_5, window_bounds = array<i64: 2000, 256>}]} {
    %get3A = arith.constant 0 : index
    %get3A_0 = arith.constant 0 : index
    %get3A_1 = vector.load %arg1[%get3A, %get3A_0] : memref<2000x512xf32, #tpu.memory_space<vmem>>, vector<2000x512xf32>
    %get3A_2 = arith.constant 0 : index
    %get3A_3 = arith.constant 0 : index
    %get3A_4 = vector.load %arg2[%get3A_2, %get3A_3] : memref<2000x256xf32, #tpu.memory_space<vmem>>, vector<2000x1xf32>
    %get3A_5 = arith.constant 0 : index
    %get3A_6 = arith.constant 128 : index
    %get3A_7 = vector.load %arg2[%get3A_5, %get3A_6] : memref<2000x256xf32, #tpu.memory_space<vmem>>, vector<2000x1xf32>
    %add3A = arith.addf %get3A_4, %get3A_7 : vector<2000x1xf32>
    %max3A = arith.constant 1.000000e+00 : f32
    %max3A_8 = vector.broadcast %max3A : f32 to vector<2000x1xf32>
    %max3A_9 = arith.maximumf %add3A, %max3A_8 : vector<2000x1xf32>
    %div3A = vector.broadcast %max3A_9 : vector<2000x1xf32> to vector<2000x512xf32>
    %div3A_10 = arith.divf %get3A_1, %div3A : vector<2000x512xf32>
    %get3A_11 = arith.constant 0 : index
    %get3A_12 = arith.constant 0 : index
    %get3A_13 = vector.load %arg3[%get3A_11, %get3A_12] : memref<1x512xf32, #tpu.memory_space<vmem>>, vector<1x512xf32>
    %add3A_14 = vector.broadcast %get3A_13 : vector<1x512xf32> to vector<2000x512xf32>
    %add3A_15 = arith.addf %div3A_10, %add3A_14 : vector<2000x512xf32>
    %max3A_16 = arith.constant 0.000000e+00 : f32
    %max3A_17 = vector.broadcast %max3A_16 : f32 to vector<2000x512xf32>
    %max3A_18 = arith.maximumf %add3A_15, %max3A_17 : vector<2000x512xf32>
    %get3A_19 = arith.constant 0 : index
    %get3A_20 = arith.constant 0 : index
    %get3A_21 = vector.load %arg4[%get3A_19, %get3A_20] : memref<2000x512xf32, #tpu.memory_space<vmem>>, vector<2000x512xf32>
    %add3A_22 = arith.addf %max3A_18, %get3A_21 : vector<2000x512xf32>
    %get3A_23 = arith.constant 0 : index
    %get3A_24 = arith.constant 0 : index
    %get3A_25 = vector.load %arg5[%get3A_23, %get3A_24] : memref<512x256xf32, #tpu.memory_space<vmem>>, vector<512x256xf32>
    %dot_general3A = arith.constant dense<0.000000e+00> : vector<2000x256xf32>
    %dot_general3A_26 = tpu.matmul %add3A_22, %get3A_25, %dot_general3A {dimension_numbers = #tpu.dot_dimension_numbers<[1], [0], [0], [1], [0, 0, 1, 1], [], []>, transpose_lhs_hint = false} : vector<2000x512xf32>, vector<512x256xf32>, vector<2000x256xf32> -> vector<2000x256xf32>
    %swap3A = arith.constant 0 : index
    %swap3A_27 = arith.constant 0 : index
    %swap3A_28 = vector.load %arg6[%swap3A, %swap3A_27] : memref<2000x256xf32, #tpu.memory_space<vmem>>, vector<2000x256xf32>
    tpu.vector_store %arg6[%swap3A, %swap3A_27], %dot_general3A_26 {strides = array<i32>} : memref<2000x256xf32, #tpu.memory_space<vmem>>, vector<2000x256xf32>,
    return
  }
  func.func @transform_0(%arg0: i32) -> (i32, i32) {
    %c0_i32 = arith.constant 0 : i32
    %c0_i32_0 = arith.constant 0 : i32
    return %arg0, %c0_i32 : i32, i32
  }
  func.func @transform_1(%arg0: i32) -> (i32, i32) {
    %c0_i32 = arith.constant 0 : i32
    %c0_i32_0 = arith.constant 0 : i32
    return %arg0, %c0_i32 : i32, i32
  }
  func.func @transform_2(%arg0: i32) -> (i32, i32) {
    %c0_i32 = arith.constant 0 : i32
    %c0_i32_0 = arith.constant 0 : i32
    %c0_i32_1 = arith.constant 0 : i32
    return %c0_i32, %c0_i32_0 : i32, i32
  }
  func.func @transform_3(%arg0: i32) -> (i32, i32) {
    %c0_i32 = arith.constant 0 : i32
    %c0_i32_0 = arith.constant 0 : i32
    return %arg0, %c0_i32 : i32, i32
  }
  func.func @transform_4(%arg0: i32) -> (i32, i32) {
    %c0_i32 = arith.constant 0 : i32
    %c0_i32_0 = arith.constant 0 : i32
    %c0_i32_1 = arith.constant 0 : i32
    return %c0_i32, %c0_i32_0 : i32, i32
  }
  func.func @transform_5(%arg0: i32) -> (i32, i32) {
    %c0_i32 = arith.constant 0 : i32
    %c0_i32_0 = arith.constant 0 : i32
    return %arg0, %c0_i32 : i32, i32
  }
}

module attributes {stable_mosaic.version = 14 : i64} {
  func.func @_tc2_body(%arg0: i32, %arg1: memref<2000x256xf32, #tpu.memory_space<vmem>>, %arg2: memref<2000x256xf32, #tpu.memory_space<vmem>>, %arg3: memref<1x256xf32, #tpu.memory_space<vmem>>, %arg4: memref<2000x256xf32, #tpu.memory_space<vmem>>) attributes {dimension_semantics = [#tpu.dimension_semantics<arbitrary>], iteration_bounds = array<i64: 5>, scalar_prefetch = 0 : i64, scratch_operands = 0 : i64, tpu.core_type = #tpu.core_type<tc>, window_params = [{transform_indices = @transform_0, window_bounds = array<i64: 2000, 256>}, {transform_indices = @transform_1, window_bounds = array<i64: 2000, 256>}, {pipeline_mode = #tpu.pipeline_mode<synchronous>, transform_indices = @transform_2, window_bounds = array<i64: 1, 256>}, {transform_indices = @transform_3, window_bounds = array<i64: 2000, 256>}]} {
    %get3A = arith.constant 0 : index
    %get3A_0 = arith.constant 0 : index
    %get3A_1 = vector.load %arg1[%get3A, %get3A_0] : memref<2000x256xf32, #tpu.memory_space<vmem>>, vector<2000x256xf32>
    %get3A_2 = arith.constant 0 : index
    %get3A_3 = arith.constant 0 : index
    %get3A_4 = vector.load %arg2[%get3A_2, %get3A_3] : memref<2000x256xf32, #tpu.memory_space<vmem>>, vector<2000x1xf32>
    %get3A_5 = arith.constant 0 : index
    %get3A_6 = arith.constant 128 : index
    %get3A_7 = vector.load %arg2[%get3A_5, %get3A_6] : memref<2000x256xf32, #tpu.memory_space<vmem>>, vector<2000x1xf32>
    %add3A = arith.addf %get3A_4, %get3A_7 : vector<2000x1xf32>
    %max3A = arith.constant 1.000000e+00 : f32
    %max3A_8 = vector.broadcast %max3A : f32 to vector<2000x1xf32>
    %max3A_9 = arith.maximumf %add3A, %max3A_8 : vector<2000x1xf32>
    %div3A = vector.broadcast %max3A_9 : vector<2000x1xf32> to vector<2000x256xf32>
    %div3A_10 = arith.divf %get3A_1, %div3A : vector<2000x256xf32>
    %get3A_11 = arith.constant 0 : index
    %get3A_12 = arith.constant 0 : index
    %get3A_13 = vector.load %arg3[%get3A_11, %get3A_12] : memref<1x256xf32, #tpu.memory_space<vmem>>, vector<1x256xf32>
    %add3A_14 = vector.broadcast %get3A_13 : vector<1x256xf32> to vector<2000x256xf32>
    %add3A_15 = arith.addf %div3A_10, %add3A_14 : vector<2000x256xf32>
    %swap3A = arith.constant 0 : index
    %swap3A_16 = arith.constant 0 : index
    %swap3A_17 = vector.load %arg4[%swap3A, %swap3A_16] : memref<2000x256xf32, #tpu.memory_space<vmem>>, vector<2000x256xf32>
    tpu.vector_store %arg4[%swap3A, %swap3A_16], %add3A_15 {strides = array<i32>} : memref<2000x256xf32, #tpu.memory_space<vmem>>, vector<2000x256xf32>,
    return
  }
  func.func @transform_0(%arg0: i32) -> (i32, i32) {
    %c0_i32 = arith.constant 0 : i32
    %c0_i32_0 = arith.constant 0 : i32
    return %arg0, %c0_i32 : i32, i32
  }
  func.func @transform_1(%arg0: i32) -> (i32, i32) {
    %c0_i32 = arith.constant 0 : i32
    %c0_i32_0 = arith.constant 0 : i32
    return %arg0, %c0_i32 : i32, i32
  }
  func.func @transform_2(%arg0: i32) -> (i32, i32) {
    %c0_i32 = arith.constant 0 : i32
    %c0_i32_0 = arith.constant 0 : i32
    %c0_i32_1 = arith.constant 0 : i32
    return %c0_i32, %c0_i32_0 : i32, i32
  }
  func.func @transform_3(%arg0: i32) -> (i32, i32) {
    %c0_i32 = arith.constant 0 : i32
    %c0_i32_0 = arith.constant 0 : i32
    return %arg0, %c0_i32 : i32, i32
  }
}

</mosaic_0001>

<sc_bundles>
// kernel: kernel.11.cloned.1.call-start
scs
__scs_entry_jumppad:
0x0: {  	(pc) =	sbr.rel $0x88, $3  }
0x1: {  	(tag) =	ssettag $0x0;
	lr =	simm.s32 $0x1  }
0x2: {  	[smem:$0x3F99] =	sst lr;
	_ =	strace $0xD0000000  }
0x3: {  	_ = 	snop  }
0x4: {  	_ = 	snop  }
0x5: {  	_ = 	snop  }
0x6: {  	_ = 	snop  }
0x7: {  	_ = 	snop  }
__scs_overlays_trampoline_lowered:
0x8: {  	[smem:$0x3FA8] =	sst s0  }
0x9: {  	[smem:$0x3FA9] =	sst s1  }
0xa: {  	[smem:$0x3FAA] =	sst s2  }
0xb: {  	[smem:$0x3FAB] =	sst s3  }
0xc: {  	[smem:$0x3FAC] =	sst s4  }
0xd: {  	[smem:$0x3FAD] =	sst s5  }
0xe: {  	[smem:$0x3FAE] =	sst s6  }
0xf: {  	[smem:$0x3FAF] =	sst s7  }
0x10: {  	[smem:$0x3FB0] =	sst s8  }
0x11: {  	[smem:$0x3FB1] =	sst s9;
	s0 =	simm.s32 @!p0 $0x0  }
0x12: {  	s1 =	sld [smem:$0x3F97];
	s0 =	simm.s32 @p0 $0x1  }
0x13: {  	[smem:$0x3FB2] =	sst s0;
	s0 =	simm.s32 @!p1 $0x0  }
0x14: {  	s2 =	sld [smem:$0x3F96];
	s0 =	simm.s32 @p1 $0x1  }
0x15: {  	[smem:$0x3FB3] =	sst s0;
	s0 =	simm.s32 @!p2 $0x0  }
0x16: {  	s3 =	sld [smem:$0x3FDB];
	s0 =	simm.s32 @p2 $0x1  }
0x17: {  	s4 =	simm.s32 $0x1BF5;
	[smem:$0x3FB5] =	sst s0  }
0x18: {  	s0 =	sld [smem:$0x3F98];
	_ =	swait.ge [sflag:s4], $0x0  }
0x19: {  	s7 =	sld [smem:$0x3F99]  }
0x1a: {  	s8 =	sadd.s32 $0xFFFFE003, lr  }
0x1b: {  	s9 =	sadd.s32 $0xFFFFFEF7, lr;
	s5 =	simm.s32 $0xFFFFFFFF;
	p2 =	slt.u32 s8, $0xFFFFF086  }
0x1c: {  	p1 =	slt.u32 s9, $0xF7A;
	s5 =	simm.s32 @!p2 $0x0  }
0x1d: {  	s5 =	simm.s32 @p1 $0x1;
	p0 =	seq.s32 s7, s2  }
0x1e: {  	s7 =	smul.u32 @!p0 $0xF7A, s2;
	p2 =	seq.s32 @!p0 s5, $0x0  }
0x1f: {  	s9 =	smul.u32 $0xF7A, s1;
	s8 =	simm.s32 @!p0 $0x1BF5;
	p2 =	por !p2, p0  }
0x20: {  	[sflag:s8] =	ssyncset.s32 @!p0 $0xFFFFF086;
	s6 =	sadd.s32 @!p0 s3, s7;
	s7 =	simm.s32 @!p0 $0x108  }
0x21: {  	s3 =	sadd.s32 s3, s9;
	s6 =	sadd.s32 @!p0 $0x88, s6;
	s7 =	simm.s32 @p2 $0x1082  }
0x22: {  	[simem:s7], [sflag:s8] =	dma.local @!p0 [hbm:s6], $0xF7A  }
0x23: {  	s9 =	sor.u32 $0xD0000000, s2;
	s6 =	simm.s32 $0x108;
	_ =	swait.ge @!p0 [sflag:s8], $0x0  }
0x24: {  	s3 =	sadd.s32 $0x88, s3;
	s6 =	simm.s32 @!p1 $0x1082;
	[sflag:s4] =	ssyncset.s32 $0xFFFFF086  }
0x25: {  	[simem:s6], [sflag:s4] =	dma.local [hbm:s3], $0xF7A  }
0x26: {  	[smem:$0x3F99] =	sst s1;
	(tag) =	ssettag s2;
	_ =	strace s9  }
0x27: {  	s1 =	sld [smem:$0x3FA9]  }
0x28: {  	s2 =	sld [smem:$0x3FAA]  }
0x29: {  	s4 =	sld [smem:$0x3FAC]  }
0x2a: {  	p0 =	seq.s32 s5, $0x0;
	s5 =	sld [smem:$0x3FAD]  }
0x2b: {  	s6 =	sld [smem:$0x3FAE]  }
0x2c: {  	s7 =	sld [smem:$0x3FAF]  }
0x2d: {  	s3 =	simm.s32 $0x108;
	s8 =	sld [smem:$0x3FB0]  }
0x2e: {  	s3 =	simm.s32 @!p0 $0x1082;
	s9 =	sld [smem:$0x3FB1]  }
0x2f: {  	lr =	sadd.s32 s0, s3;
	s0 =	sld [smem:$0x3FA8]  }
0x30: {  	s3 =	sld [smem:$0x3FAB]  }
0x31: {  	[smem:$0x3FB4] =	sst s10  }
0x32: {  	s10 =	sld [smem:$0x3FB2];
	_ =	sdelay $0x3  }
0x33: {  	p0 =	seq.s32 s10, $0x1;
	s10 =	sld [smem:$0x3FB4];
	_ =	sdelay $0x3  }
0x34: {  	[smem:$0x3FB4] =	sst s10  }
0x35: {  	s10 =	sld [smem:$0x3FB3];
	_ =	sdelay $0x3  }
0x36: {  	p1 =	seq.s32 s10, $0x1;
	s10 =	sld [smem:$0x3FB4];
	_ =	sdelay $0x3  }
0x37: {  	[smem:$0x3FB4] =	sst s10  }
0x38: {  	s10 =	sld [smem:$0x3FB5]  }
0x39: {  	_ = 	snop;
	(pc) =	sbr.ind lr, $3  }
0x3a: {  	_ = 	snop  }
0x3b: {  	_ = 	snop  }
0x3c: {  	p2 =	seq.s32 s10, $0x1;
	s10 =	sld [smem:$0x3FB4]  }
0x3d: {  	_ =	shalt  }
0x3e: {  	_ =	shalt  }
0x3f: {  	_ =	shalt  }
0x40: {  	_ =	shalt  }
0x41: {  	_ =	shalt  }
0x42: {  	_ =	shalt  }
0x43: {  	_ =	shalt  }
0x44: {  	_ =	shalt  }
0x45: {  	_ =	shalt  }
0x46: {  	_ =	shalt  }
0x47: {  	_ =	shalt  }
0x48: {  	_ =	shalt  }
0x49: {  	_ =	shalt  }
0x4a: {  	_ =	shalt  }
0x4b: {  	_ =	shalt  }
0x4c: {  	_ =	shalt  }
0x4d: {  	_ =	shalt  }
0x4e: {  	_ =	shalt  }
0x4f: {  	_ =	shalt  }
0x50: {  	_ =	shalt  }
0x51: {  	_ =	shalt  }
0x52: {  	_ =	shalt  }
0x53: {  	_ =	shalt  }
0x54: {  	_ =	shalt  }
0x55: {  	_ =	shalt  }
0x56: {  	_ =	shalt  }
0x57: {  	_ =	shalt  }
0x58: {  	_ =	shalt  }
0x59: {  	_ =	shalt  }
0x5a: {  	_ =	shalt  }
0x5b: {  	_ =	shalt  }
0x5c: {  	_ =	shalt  }
0x5d: {  	_ =	shalt  }
0x5e: {  	_ =	shalt  }
0x5f: {  	_ =	shalt  }
0x60: {  	_ =	shalt  }
0x61: {  	_ =	shalt  }
0x62: {  	_ =	shalt  }
0x63: {  	_ =	shalt  }
0x64: {  	_ =	shalt  }
0x65: {  	_ =	shalt  }
0x66: {  	_ =	shalt  }
0x67: {  	_ =	shalt  }
0x68: {  	_ =	shalt  }
0x69: {  	_ =	shalt  }
0x6a: {  	_ =	shalt  }
0x6b: {  	_ =	shalt  }
0x6c: {  	_ =	shalt  }
0x6d: {  	_ =	shalt  }
0x6e: {  	_ =	shalt  }
0x6f: {  	_ =	shalt  }
0x70: {  	_ =	shalt  }
0x71: {  	_ =	shalt  }
0x72: {  	_ =	shalt  }
0x73: {  	_ =	shalt  }
0x74: {  	_ =	shalt  }
0x75: {  	_ =	shalt  }
0x76: {  	_ =	shalt  }
0x77: {  	_ =	shalt  }
0x78: {  	_ =	shalt  }
0x79: {  	_ =	shalt  }
0x7a: {  	_ =	shalt  }
0x7b: {  	_ =	shalt  }
0x7c: {  	_ =	shalt  }
0x7d: {  	_ =	shalt  }
0x7e: {  	_ =	shalt  }
0x7f: {  	_ =	shalt  }
0x80: {  	_ =	shalt  }
0x81: {  	_ =	shalt  }
0x82: {  	_ =	shalt  }
0x83: {  	_ =	shalt  }
0x84: {  	_ =	shalt  }
0x85: {  	_ =	shalt  }
0x86: {  	_ =	shalt  }
0x87: {  	_ =	shalt  }
.Lfunc_end0:
.L_simem_size_0:
called_computation.1_lowered:
.L_overlay_start_0:
0x88: {  	s2 =	sld [smem:$0x3FD9]  }
0x89: {  	s3 =	sld [smem:$0x3FFE];
	_ =	sdelay $0x1  }
0x8a: {  	s1 =	srdreg.scid  }
0x8b: {  	s0 =	sand.u32 $0x1, s1  }
0x8c: {  	s16 =	sshll.u32 s0, $0xA;
	s2 =	sadd.s32 s3, s2  }
0x8d: {  	s2 =	sadd.s32 s2, s16  }
0x8e: {  	[smem:$0x3FC0] =	sst s2  }
0x8f: {  	_ = 	snop  }
0x90: {  	(tm) =	ssettm $0x1  }
0x91: {  	s17 =	sld [smem:$0x3FFB];
	_ =	sdelay $0x3  }
0x92: {  	_ =	strace s17  }
0x93: {  	s2 =	sld [smem:$0x3FFC];
	_ =	sdelay $0x3  }
0x94: {  	_ =	strace s2  }
0x95: {  	s2 =	sld [smem:$0x3FFD];
	_ =	sdelay $0x3  }
0x96: {  	_ =	strace s2  }
0x97: {  	_ =	strace $0x8FFFFFFF  }
0x98: {  	s18 =	sld [smem:$0x3FDB];
	_ =	sdelay $0x1  }
0x99: {  	s19 =	simm.s32 $_scs_section_size  }
0x9a: {  	s4 =	simm.s32 $_size__tile_overlayer_lowered;
	s5 =	simm.s32 $_tile_overlayer_lowered  }
0x9b: {  	s22 =	simm.s32 $0x1BFF;
	s21 =	sshll.u32 s5, $0x1;
	s2 =	sadd.s32 s19, s18  }
0x9c: {  	s6 =	simm.s32 $0x0;
	s20 =	sshll.u32 s4, $0x1;
	s4 =	sadd.s32 s21, s2  }
0x9d: {  	[timem:s6], [sflag:s22] =	dma.local [hbm:s4], s20  }
0x9e: {  	_ =	swait.ge [sflag:s22], s20  }
0x9f: {  	s3 =	ssub.s32 $0x0, s20;
	[sflag:s22] =	ssyncset.done $0x0  }
0xa0: {  	[sflag:s22] =	ssyncadd.s32 s3;
	_ =	sdelay $0x1  }
0xa1: {  	s23 =	simm.s32 $0x1B8B  }
0xa2: {  	_ =	swait.ge [sflag:s23], $0x1  }
0xa3: {  	[sflag:s23] =	ssyncset.done $0x0  }
0xa4: {  	s25 =	simm.s32 $0x1B8E;
	s24 =	sld [smem:$0x3FFE];
	[sflag:s23] =	ssyncadd.s32 $0xFFFFFFFF  }
0xa5: {  	s26 =	simm.s32 $execute0_lowered;
	[smem:$0x3FD2] =	sst s25  }
0xa6: {  	s4 =	sshll.u32 s26, $0x1;
	_ =	strace $0x80000049;
	[dreg:$0x1] =	wrdreg $0xFFFFFFFF  }
0xa7: {  	s28 =	simm.s32 $_size_execute0_lowered;
	s2 =	sadd.s32 s2, s4;
	[dreg:$0x0] =	wrdreg $0x0  }
0xa8: {  	s4 =	sshll.u32 s28, $0x1;
	[dreg:$0x2] =	wrdreg s2  }
0xa9: {  	[dreg:$0x3] =	wrdreg s4  }
0xaa: {  	[dreg:$0x4] =	wrdreg $0xC0  }
0xab: {  	_ =	task [dreg:s6], $0x5FFFF  }
0xac: {  	[dreg:$0x1] =	wrdreg $0xFFFFFFFF  }
0xad: {  	[dreg:$0x0] =	wrdreg $0x60  }
0xae: {  	[dreg:$0x2] =	wrdreg s24  }
0xaf: {  	[dreg:$0x3] =	wrdreg $0xA8000  }
0xb0: {  	[dreg:$0x4] =	wrdreg $0x9  }
0xb1: {  	_ =	task.clear_ibuf [dreg:s6], $0x5FFFF;
	_ =	strace $0x90000049  }
0xb2: {  	s29 =	simm.s32 $0x9;
	_ =	strace $0x8000004B  }
0xb3: {  	_ =	swait.ge [sflag:s29], $0x1  }
0xb4: {  	[sflag:s29] =	ssyncadd.s32 $0xFFFFFFFF  }
0xb5: {  	_ =	strace $0x9000004B  }
0xb6: {  	_ =	sfence  }
0xb7: {  	s30 =	sld [smem:$0x0];
	_ =	sdelay $0x2  }
0xb8: {  	s31 =	sshll.u32 s1, $0xD;
	s1 =	sshrl.u32 s1, $0x2  }
0xb9: {  	s3 =	sand.u32 $0x4000, s31;
	s1 =	sadd.s32 s1, s30  }
0xba: {  	s0 =	sor.u32 s3, s0;
	s1 =	sshll.u32 s1, $0x11  }
0xbb: {  	s0 =	sor.u32 s1, s0  }
0xbc: {  	s0 =	sadd.s32 $0x8F2B, s0  }
0xbd: {  	[sflag:s0] =	ssyncadd.remote.s32 $0x1  }
0xbe: {  	_ =	sfence.sel $0xFFFF  }
0xbf: {  	[dreg:$0x0] =	wrdreg $0xFFFFFFFF;
	(pc) =	sbr.abs _section_cstart, $3  }
0xc0: {  	[dreg:$0x1] =	wrdreg $0xFFFFFFFF  }
0xc1: {  	_ =	task.clear_ibuf [dreg:s6], $0x2FFFF;
	_ =	strace $0x9FFFFFFF  }
0xc2: {  	(tm) =	ssettm $0x7FFFFFFF  }
0xc3: {  	_ =	shalt  }
tec
execute0_lowered:
.L_overlay_start_1:
0x0: {  	(tag) =	ssettag $0x1  }
0x1: {  	s5 =	rddreg [dreg:$0x0]  }
0x2: {  	s1 =	rddreg [dreg:$0x1]  }
0x3: {  	s0 =	rddreg [dreg:$0x2];
	s3 =	simm.s32 $0x0  }
0x4: {  	s2 =	stileid.u32;
	s7 =	srdreg.scid;
	s18 =	simm.s32 $0x2800  }
0x5: {  	s19 =	simm.s32 $0x6800;
	s20 =	simm.s32 $0x1;
	s21 =	simm.s32 $0x2  }
0x6: {  	s22 =	simm.s32 $0x2700;
	s23 =	simm.s32 $0x2780;
	[smem:$0x7FF] =	sst s3  }
0x7: {  	s4 =	sadd.s32 $0x20AA00, s5;
	s6 =	smul.u32 $0x2780, s2;
	s9 =	sadd.s32 $0x2A00, s5  }
0x8: {  	s10 =	sadd.s32 $0x7A00, s5;
	s11 =	sand.u32 $0x1, s7;
	s12 =	smul.u32 $0x4F000, s2  }
0x9: {  	s13 =	sadd.s32 $0x2A6E00, s5;
	s8 =	smul.u32 $0x2800, s2;
	s28 =	sshll.u32 s2, $0x6  }
0xa: {  	_ =	strace $0x8000004A;
	s7 =	ssub.s32 $0x2, s11;
	s24 =	sshll.u32 s11, $0x1  }
0xb: {  	s17 =	sshll.u32 s11, $0xB;
	s6 =	sadd.s32 s6, s5;
	s25 =	sshrl.u32 s7, $0x1  }
0xc: {  	s26 =	sshrl.u32 s12, $0x2;
	s16 =	sshrl.u32 s8, $0x3;
	s30 =	sor.u32 s17, s12  }
0xd: {  	s17 =	simm.s32 $0x80;
	v0 =	vmov s24;
	s24 =	simm.s32 $0x8;
	s14 =	ssub.s32 s7, s25  }
0xe: {  	s15 =	sadd.s32 s26, s1;
	s5 =	sadd.s32 $0xCA00, s6;
	s6 =	sor.u32 $0x1C03, s28  }
0xf: {  	s7 =	sadd.s32 s9, s16;
	s8 =	sadd.s32 s10, s16;
	s25 =	sshllo.u32 s11, $0x1  }
0x10: {  	s29 =	sadd.s32 $0x280, s16;
	s16 =	sshrl.u32 s30, $0x3;
	s31 =	sshll.u32 s25, $0xA  }
0x11: {  	s26 =	simm.s32 $0x0;
	s9 =	sadd.s32 s9, s29;
	s12 =	sor.u32 s12, s31  }
0x12: {  	s10 =	sadd.s32 s10, s29;
	s11 =	sadd.s32 s13, s16;
	s12 =	sshrl.u32 s12, $0x3  }
0x13: {  	s16 =	simm.s32 $0x1400;
	v1 =	vmov s25;
	s25 =	simm.s32 $0x200;
	s12 =	sadd.s32 s13, s12  }
0x14: {  	s13 =	smax.u32 s14, $0x1;
	s14 =	sshrl.u32 s15, $0x3;
	s15 =	simm.s32 $0x3  }
.LBB2_1:
0x15: {  	[spmem:s14], [sflag:s6] =	dma.local [hbm:s5], $0x2780  }
0x16: {  	_ =	swait.ge [sflag:s15], $0x2780  }
0x17: {  	[sflag:s15] =	ssyncset.done $0x0  }
0x18: {  	[sflag:s15] =	ssyncadd.s32 $0xFFFFD880  }
0x19: {  	[bflag:$0x0] =	sbarrier.arrive $0xFFFF  }
0x1a: {  	[tilespmem:s3], [sflag:$0x3] =	stream.linear.gather [hbm4b:s7+s3], $0x1400, $0x38;
	[tilespmem:$0x1E400] =	vst v63  }
0x1b: {  	_ =	swait.ge [sflag:s15], $0x1400  }
0x1c: {  	[sflag:s15] =	ssyncset.done $0x0  }
0x1d: {  	[sflag:s15] =	ssyncadd.s32 $0xFFFFEC00  }
0x1e: {  	[tilespmem:s16], [sflag:$0x3] =	stream.linear.gather [hbm4b:s8+s3], $0x1400, $0x38;
	[tilespmem:$0x1E400] =	vst v63  }
0x1f: {  	_ =	swait.ge [sflag:s15], $0x1400  }
0x20: {  	[sflag:s15] =	ssyncset.done $0x0  }
0x21: {  	s28 =	simm.s32 $0x0;
	[sflag:s15] =	ssyncadd.s32 $0xFFFFEC00  }
0x22: {  	v3 =	vld [tilespmem:s28+$0x0]  }
0x23: {  	v4 =	vld [tilespmem:s28+$0x10]  }
0x24: {  	v6 =	vld [tilespmem:s28+$0x20]  }
0x25: {  	v5 =	vld [tilespmem:s28+$0x30]  }
0x26: {  	v2 =	vld [tilespmem:s28+$0x40]  }
0x27: {  	v7 =	vshll.u32 v3, $0x2;
	v3 =	vld [tilespmem:s28+$0x50]  }
0x28: {  	s29 =	simm.s32 $0x200;
	v8 =	vshll.u32 v4, $0x2;
	v4 =	vld [tilespmem:s28+$0x60];
	v7 =	vor.u32 v0, v7  }
.LBB2_2:
0x29: {  	s30 =	sshra.s32 s29, $0x2;
	p0 =	sne.s32 s29, $0x4E00;
	[tilespmem:s28+$0x0] =	vst v7;
	v7 =	vor.u32 v0, v8;
	v6 =	vshll.u32 v6, $0x2;
	v8 =	vld [tilespmem:s28+$0x70]  }
0x2a: {  	v9 =	vld [tilespmem:s30+$0x0];
	[tilespmem:s28+$0x10] =	vst v7;
	v6 =	vor.u32 v0, v6;
	v5 =	vshll.u32 v5, $0x2  }
0x2b: {  	v10 =	vld [tilespmem:s30+$0x10];
	[tilespmem:s28+$0x20] =	vst v6;
	v5 =	vor.u32 v0, v5;
	v2 =	vshll.u32 v2, $0x2  }
.Ltmp0:
0x2c: {  	v6 =	vld [tilespmem:s30+$0x20];
	[tilespmem:s28+$0x30] =	vst v5;
	v2 =	vor.u32 v0, v2;
	v3 =	vshll.u32 v3, $0x2;
	(pc) =	sbr.rel @p0 .LBB2_2-.Ltmp0, $4  }
0x2d: {  	v5 =	vld [tilespmem:s30+$0x30];
	[tilespmem:s28+$0x40] =	vst v2;
	v3 =	vor.u32 v0, v3;
	v4 =	vshll.u32 v4, $0x2  }
0x2e: {  	v2 =	vld [tilespmem:s30+$0x40];
	[tilespmem:s28+$0x50] =	vst v3;
	v4 =	vor.u32 v0, v4;
	v7 =	vshll.u32 v8, $0x2  }
0x2f: {  	v8 =	vshll.u32 v9, $0x2;
	v3 =	vld [tilespmem:s30+$0x50];
	[tilespmem:s28+$0x60] =	vst v4;
	v9 =	vor.u32 v0, v7  }
0x30: {  	s29 =	sadd.s32 $0x200, s29;
	v7 =	vor.u32 v0, v8;
	v8 =	vshll.u32 v10, $0x2;
	v4 =	vld [tilespmem:s30+$0x60];
	[tilespmem:s28+$0x70] =	vst v9;
	s28 =	smov.u32 s30  }
0x31: {  	[tilespmem:s28+$0x0] =	vst v7;
	v62 =	vor.u32 v0, v8;
	v6 =	vshll.u32 v6, $0x2;
	v63 =	vld [tilespmem:s28+$0x70]  }
0x32: {  	[tilespmem:s28+$0x10] =	vst v62;
	v6 =	vor.u32 v0, v6;
	v5 =	vshll.u32 v5, $0x2  }
0x33: {  	[tilespmem:s28+$0x20] =	vst v6;
	v5 =	vor.u32 v0, v5;
	v2 =	vshll.u32 v2, $0x2  }
0x34: {  	[tilespmem:s28+$0x30] =	vst v5;
	v2 =	vor.u32 v0, v2;
	v3 =	vshll.u32 v3, $0x2  }
0x35: {  	[tilespmem:s28+$0x40] =	vst v2;
	v2 =	vor.u32 v0, v3;
	v3 =	vshll.u32 v4, $0x2  }
0x36: {  	[tilespmem:s28+$0x50] =	vst v2;
	v2 =	vor.u32 v0, v3;
	v3 =	vshll.u32 v63, $0x2  }
0x37: {  	[tilespmem:s28+$0x60] =	vst v2;
	v2 =	vor.u32 v0, v3  }
0x38: {  	[tilespmem:s28+$0x70] =	vst v2;
	s28 =	simm.s32 $0x0  }
0x39: {  	[tilespmem:s18], [sflag:$0x1] =	stream.indirect.gather [hbm4b:s4+s17], $0x80, s28, s17, $0xb8;
	[tilespmem:$0x1E400] =	vst v63  }
0x3a: {  	_ = 	snop  }
0x3b: {  	[tilespmem:s19], [sflag:$0x2] =	stream.indirect.gather [hbm4b:s4+s17], $0x80, s17, s17, $0xb8;
	[tilespmem:$0x1E400] =	vst v63  }
0x3c: {  	_ =	swait.ge [sflag:s20], $0x4000  }
0x3d: {  	[sflag:s20] =	ssyncset.done $0x0  }
0x3e: {  	s28 =	simm.s32 $0x1400;
	[sflag:s20] =	ssyncadd.s32 $0xFFFFC000  }
0x3f: {  	[spmem:s1] =	stream.indirect.scatter.add.f32 [tilespmem:s18], [sflag:$0x3], $0x80, s28, s17, $0xb8;
	[tilespmem:$0x1E400] =	vst v63  }
0x40: {  	_ =	swait.ge [sflag:s15], $0x4000  }
0x41: {  	[sflag:s15] =	ssyncset.done $0x0  }
0x42: {  	s28 =	simm.s32 $0x100;
	[sflag:s15] =	ssyncadd.s32 $0xFFFFC000  }
0x43: {  	[tilespmem:s18], [sflag:$0x1] =	stream.indirect.gather [hbm4b:s4+s17], $0x80, s28, s17, $0xb8;
	[tilespmem:$0x1E400] =	vst v63  }
0x44: {  	_ =	swait.ge [sflag:s21], $0x4000  }
0x45: {  	[sflag:s21] =	ssyncset.done $0x0  }
0x46: {  	s28 =	simm.s32 $0x1480;
	[sflag:s21] =	ssyncadd.s32 $0xFFFFC000  }
0x47: {  	[spmem:s1] =	stream.indirect.scatter.add.f32 [tilespmem:s19], [sflag:$0x3], $0x80, s28, s17, $0xb8;
	[tilespmem:$0x1E400] =	vst v63  }
0x48: {  	_ =	swait.ge [sflag:s15], $0x4000  }
0x49: {  	[sflag:s15] =	ssyncset.done $0x0  }
0x4a: {  	s29 =	simm.s32 $0x180;
	s28 =	simm.s32 $0x400;
	[sflag:s15] =	ssyncadd.s32 $0xFFFFC000  }
.LBB2_4:
0x4b: {  	[tilespmem:s19], [sflag:$0x2] =	stream.indirect.gather [hbm4b:s4+s17], $0x80, s29, s17, $0xb8;
	[tilespmem:$0x1E400] =	vst v63  }
0x4c: {  	s29 =	smov.u32 s28  }
0x4d: {  	p0 =	sne.s32 s28, $0x4800;
	s28 =	sadd.s32 $0x400, s28;
	_ =	swait.ge [sflag:s20], $0x4000  }
0x4e: {  	s29 =	sshra.s32 s29, $0x2;
	[sflag:s20] =	ssyncset.done $0x0  }
0x4f: {  	s30 =	sadd.s32 $0x1400, s29;
	[sflag:s20] =	ssyncadd.s32 $0xFFFFC000  }
0x50: {  	[spmem:s1] =	stream.indirect.scatter.add.f32 [tilespmem:s18], [sflag:$0x3], $0x80, s30, s17, $0xb8;
	[tilespmem:$0x1E400] =	vst v63  }
0x51: {  	_ =	swait.ge [sflag:s15], $0x4000  }
0x52: {  	[sflag:s15] =	ssyncset.done $0x0  }
0x53: {  	s30 =	sadd.s32 $0x100, s29;
	[sflag:s15] =	ssyncadd.s32 $0xFFFFC000  }
0x54: {  	[tilespmem:s18], [sflag:$0x1] =	stream.indirect.gather [hbm4b:s4+s17], $0x80, s30, s17, $0xb8;
	[tilespmem:$0x1E400] =	vst v63  }
0x55: {  	_ =	swait.ge [sflag:s21], $0x4000  }
0x56: {  	[sflag:s21] =	ssyncset.done $0x0  }
.Ltmp1:
0x57: {  	s30 =	sadd.s32 $0x1480, s29;
	[sflag:s21] =	ssyncadd.s32 $0xFFFFC000;
	(pc) =	sbr.rel @p0 .LBB2_4-.Ltmp1, $4  }
0x58: {  	[spmem:s1] =	stream.indirect.scatter.add.f32 [tilespmem:s19], [sflag:$0x3], $0x80, s30, s17, $0xb8;
	[tilespmem:$0x1E400] =	vst v63  }
0x59: {  	_ =	swait.ge [sflag:s15], $0x4000  }
0x5a: {  	[sflag:s15] =	ssyncset.done $0x0  }
0x5b: {  	s29 =	sadd.s32 $0x180, s29;
	[sflag:s15] =	ssyncadd.s32 $0xFFFFC000  }
0x5c: {  	[tilespmem:s19], [sflag:$0x2] =	stream.indirect.gather [hbm4b:s4+s17], $0x80, s29, s17, $0xb8;
	[tilespmem:$0x1E400] =	vst v63  }
0x5d: {  	_ =	swait.ge [sflag:s20], $0x4000  }
0x5e: {  	[sflag:s20] =	ssyncset.done $0x0  }
0x5f: {  	[sflag:s20] =	ssyncadd.s32 $0xFFFFC000  }
0x60: {  	[spmem:s1] =	stream.indirect.scatter.add.f32 [tilespmem:s18], [sflag:$0x3], $0x80, s22, s17, $0xb8;
	[tilespmem:$0x1E400] =	vst v63  }
0x61: {  	_ =	swait.ge [sflag:s15], $0x4000  }
0x62: {  	[sflag:s15] =	ssyncset.done $0x0  }
0x63: {  	[sflag:s15] =	ssyncadd.s32 $0xFFFFC000  }
0x64: {  	_ =	swait.ge [sflag:s21], $0x4000  }
0x65: {  	[sflag:s21] =	ssyncset.done $0x0  }
0x66: {  	[sflag:s21] =	ssyncadd.s32 $0xFFFFC000  }
0x67: {  	[spmem:s1] =	stream.indirect.scatter.add.f32 [tilespmem:s19], [sflag:$0x3], $0x80, s23, s17, $0xb8;
	[tilespmem:$0x1E400] =	vst v63  }
0x68: {  	_ =	swait.ge [sflag:s15], $0x4000  }
0x69: {  	[sflag:s15] =	ssyncset.done $0x0  }
0x6a: {  	s28 =	simm.s32 $0x0;
	[sflag:s15] =	ssyncadd.s32 $0xFFFFC000  }
0x6b: {  	[tilespmem:s28], [sflag:$0x3] =	stream.linear.gather [hbm4b:s9+s28], $0x1400, $0x38;
	[tilespmem:$0x1E400] =	vst v63  }
0x6c: {  	_ =	swait.ge [sflag:s15], $0x1400  }
0x6d: {  	[sflag:s15] =	ssyncset.done $0x0  }
0x6e: {  	[sflag:s15] =	ssyncadd.s32 $0xFFFFEC00  }
0x6f: {  	[tilespmem:s16], [sflag:$0x3] =	stream.linear.gather [hbm4b:s10+s28], $0x1400, $0x38;
	[tilespmem:$0x1E400] =	vst v63  }
0x70: {  	_ =	swait.ge [sflag:s15], $0x1400  }
0x71: {  	[sflag:s15] =	ssyncset.done $0x0  }
0x72: {  	s28 =	simm.s32 $0x0;
	[sflag:s15] =	ssyncadd.s32 $0xFFFFEC00  }
0x73: {  	v3 =	vld [tilespmem:s28+$0x0]  }
0x74: {  	v4 =	vld [tilespmem:s28+$0x10]  }
0x75: {  	v6 =	vld [tilespmem:s28+$0x20]  }
0x76: {  	v5 =	vld [tilespmem:s28+$0x30]  }
0x77: {  	v2 =	vld [tilespmem:s28+$0x40]  }
0x78: {  	v7 =	vshll.u32 v3, $0x2;
	v3 =	vld [tilespmem:s28+$0x50]  }
0x79: {  	s29 =	simm.s32 $0x200;
	v8 =	vshll.u32 v4, $0x2;
	v4 =	vld [tilespmem:s28+$0x60];
	v7 =	vor.u32 v0, v7  }
.LBB2_6:
0x7a: {  	s30 =	sshra.s32 s29, $0x2;
	p0 =	sne.s32 s29, $0x4E00;
	[tilespmem:s28+$0x0] =	vst v7;
	v7 =	vor.u32 v0, v8;
	v6 =	vshll.u32 v6, $0x2;
	v8 =	vld [tilespmem:s28+$0x70]  }
0x7b: {  	v9 =	vld [tilespmem:s30+$0x0];
	[tilespmem:s28+$0x10] =	vst v7;
	v6 =	vor.u32 v0, v6;
	v5 =	vshll.u32 v5, $0x2  }
0x7c: {  	v10 =	vld [tilespmem:s30+$0x10];
	[tilespmem:s28+$0x20] =	vst v6;
	v5 =	vor.u32 v0, v5;
	v2 =	vshll.u32 v2, $0x2  }
.Ltmp2:
0x7d: {  	v6 =	vld [tilespmem:s30+$0x20];
	[tilespmem:s28+$0x30] =	vst v5;
	v2 =	vor.u32 v0, v2;
	v3 =	vshll.u32 v3, $0x2;
	(pc) =	sbr.rel @p0 .LBB2_6-.Ltmp2, $4  }
0x7e: {  	v5 =	vld [tilespmem:s30+$0x30];
	[tilespmem:s28+$0x40] =	vst v2;
	v3 =	vor.u32 v0, v3;
	v4 =	vshll.u32 v4, $0x2  }
0x7f: {  	v2 =	vld [tilespmem:s30+$0x40];
	[tilespmem:s28+$0x50] =	vst v3;
	v4 =	vor.u32 v0, v4;
	v7 =	vshll.u32 v8, $0x2  }
0x80: {  	v8 =	vshll.u32 v9, $0x2;
	v3 =	vld [tilespmem:s30+$0x50];
	[tilespmem:s28+$0x60] =	vst v4;
	v9 =	vor.u32 v0, v7  }
0x81: {  	s29 =	sadd.s32 $0x200, s29;
	v7 =	vor.u32 v0, v8;
	v8 =	vshll.u32 v10, $0x2;
	v4 =	vld [tilespmem:s30+$0x60];
	[tilespmem:s28+$0x70] =	vst v9;
	s28 =	smov.u32 s30  }
0x82: {  	[tilespmem:s28+$0x0] =	vst v7;
	v62 =	vor.u32 v0, v8;
	v6 =	vshll.u32 v6, $0x2;
	v63 =	vld [tilespmem:s28+$0x70]  }
0x83: {  	[tilespmem:s28+$0x10] =	vst v62;
	v6 =	vor.u32 v0, v6;
	v5 =	vshll.u32 v5, $0x2  }
0x84: {  	[tilespmem:s28+$0x20] =	vst v6;
	v5 =	vor.u32 v0, v5;
	v2 =	vshll.u32 v2, $0x2  }
0x85: {  	[tilespmem:s28+$0x30] =	vst v5;
	v2 =	vor.u32 v0, v2;
	v3 =	vshll.u32 v3, $0x2  }
0x86: {  	[tilespmem:s28+$0x40] =	vst v2;
	v2 =	vor.u32 v0, v3;
	v3 =	vshll.u32 v4, $0x2  }
0x87: {  	[tilespmem:s28+$0x50] =	vst v2;
	v2 =	vor.u32 v0, v3;
	v3 =	vshll.u32 v63, $0x2  }
0x88: {  	[tilespmem:s28+$0x60] =	vst v2;
	v2 =	vor.u32 v0, v3  }
0x89: {  	[tilespmem:s28+$0x70] =	vst v2;
	s28 =	simm.s32 $0x0  }
0x8a: {  	[tilespmem:s18], [sflag:$0x1] =	stream.indirect.gather [hbm4b:s4+s17], $0x80, s28, s17, $0xb8;
	[tilespmem:$0x1E400] =	vst v63  }
0x8b: {  	_ = 	snop  }
0x8c: {  	[tilespmem:s19], [sflag:$0x2] =	stream.indirect.gather [hbm4b:s4+s17], $0x80, s17, s17, $0xb8;
	[tilespmem:$0x1E400] =	vst v63  }
0x8d: {  	_ =	swait.ge [sflag:s20], $0x4000  }
0x8e: {  	[sflag:s20] =	ssyncset.done $0x0  }
0x8f: {  	s28 =	simm.s32 $0x1400;
	[sflag:s20] =	ssyncadd.s32 $0xFFFFC000  }
0x90: {  	[spmem:s1] =	stream.indirect.scatter.add.f32 [tilespmem:s18], [sflag:$0x3], $0x80, s28, s17, $0xb8;
	[tilespmem:$0x1E400] =	vst v63  }
0x91: {  	_ =	swait.ge [sflag:s15], $0x4000  }
0x92: {  	[sflag:s15] =	ssyncset.done $0x0  }
0x93: {  	s28 =	simm.s32 $0x100;
	[sflag:s15] =	ssyncadd.s32 $0xFFFFC000  }
0x94: {  	[tilespmem:s18], [sflag:$0x1] =	stream.indirect.gather [hbm4b:s4+s17], $0x80, s28, s17, $0xb8;
	[tilespmem:$0x1E400] =	vst v63  }
0x95: {  	_ =	swait.ge [sflag:s21], $0x4000  }
0x96: {  	[sflag:s21] =	ssyncset.done $0x0  }
0x97: {  	s28 =	simm.s32 $0x1480;
	[sflag:s21] =	ssyncadd.s32 $0xFFFFC000  }
0x98: {  	[spmem:s1] =	stream.indirect.scatter.add.f32 [tilespmem:s19], [sflag:$0x3], $0x80, s28, s17, $0xb8;
	[tilespmem:$0x1E400] =	vst v63  }
0x99: {  	_ =	swait.ge [sflag:s15], $0x4000  }
0x9a: {  	[sflag:s15] =	ssyncset.done $0x0  }
0x9b: {  	s29 =	simm.s32 $0x180;
	s28 =	simm.s32 $0x400;
	[sflag:s15] =	ssyncadd.s32 $0xFFFFC000  }
.LBB2_8:
0x9c: {  	[tilespmem:s19], [sflag:$0x2] =	stream.indirect.gather [hbm4b:s4+s17], $0x80, s29, s17, $0xb8;
	[tilespmem:$0x1E400] =	vst v63  }
0x9d: {  	s29 =	smov.u32 s28  }
0x9e: {  	p0 =	sne.s32 s28, $0x4800;
	s28 =	sadd.s32 $0x400, s28;
	_ =	swait.ge [sflag:s20], $0x4000  }
0x9f: {  	s29 =	sshra.s32 s29, $0x2;
	[sflag:s20] =	ssyncset.done $0x0  }
0xa0: {  	s30 =	sadd.s32 $0x1400, s29;
	[sflag:s20] =	ssyncadd.s32 $0xFFFFC000  }
0xa1: {  	[spmem:s1] =	stream.indirect.scatter.add.f32 [tilespmem:s18], [sflag:$0x3], $0x80, s30, s17, $0xb8;
	[tilespmem:$0x1E400] =	vst v63  }
0xa2: {  	_ =	swait.ge [sflag:s15], $0x4000  }
0xa3: {  	[sflag:s15] =	ssyncset.done $0x0  }
0xa4: {  	s30 =	sadd.s32 $0x100, s29;
	[sflag:s15] =	ssyncadd.s32 $0xFFFFC000  }
0xa5: {  	[tilespmem:s18], [sflag:$0x1] =	stream.indirect.gather [hbm4b:s4+s17], $0x80, s30, s17, $0xb8;
	[tilespmem:$0x1E400] =	vst v63  }
0xa6: {  	_ =	swait.ge [sflag:s21], $0x4000  }
0xa7: {  	[sflag:s21] =	ssyncset.done $0x0  }
.Ltmp3:
0xa8: {  	s30 =	sadd.s32 $0x1480, s29;
	[sflag:s21] =	ssyncadd.s32 $0xFFFFC000;
	(pc) =	sbr.rel @p0 .LBB2_8-.Ltmp3, $4  }
0xa9: {  	[spmem:s1] =	stream.indirect.scatter.add.f32 [tilespmem:s19], [sflag:$0x3], $0x80, s30, s17, $0xb8;
	[tilespmem:$0x1E400] =	vst v63  }
0xaa: {  	_ =	swait.ge [sflag:s15], $0x4000  }
0xab: {  	[sflag:s15] =	ssyncset.done $0x0  }
0xac: {  	s29 =	sadd.s32 $0x180, s29;
	[sflag:s15] =	ssyncadd.s32 $0xFFFFC000  }
0xad: {  	[tilespmem:s19], [sflag:$0x2] =	stream.indirect.gather [hbm4b:s4+s17], $0x80, s29, s17, $0xb8;
	[tilespmem:$0x1E400] =	vst v63  }
0xae: {  	_ =	swait.ge [sflag:s20], $0x4000  }
0xaf: {  	[sflag:s20] =	ssyncset.done $0x0  }
0xb0: {  	[sflag:s20] =	ssyncadd.s32 $0xFFFFC000  }
0xb1: {  	[spmem:s1] =	stream.indirect.scatter.add.f32 [tilespmem:s18], [sflag:$0x3], $0x80, s22, s17, $0xb8;
	[tilespmem:$0x1E400] =	vst v63  }
0xb2: {  	_ =	swait.ge [sflag:s15], $0x4000  }
0xb3: {  	[sflag:s15] =	ssyncset.done $0x0  }
0xb4: {  	[sflag:s15] =	ssyncadd.s32 $0xFFFFC000  }
0xb5: {  	_ =	swait.ge [sflag:s21], $0x4000  }
0xb6: {  	[sflag:s21] =	ssyncset.done $0x0  }
0xb7: {  	[sflag:s21] =	ssyncadd.s32 $0xFFFFC000  }
0xb8: {  	[spmem:s1] =	stream.indirect.scatter.add.f32 [tilespmem:s19], [sflag:$0x3], $0x80, s23, s17, $0xb8;
	[tilespmem:$0x1E400] =	vst v63  }
0xb9: {  	_ =	swait.ge [sflag:s15], $0x4000  }
0xba: {  	[sflag:s15] =	ssyncset.done $0x0  }
0xbb: {  	[sflag:s15] =	ssyncadd.s32 $0xFFFFC000  }
0xbc: {  	[bflag:$0x0] =	sbarrier.arrive $0xFFFF  }
0xbd: {  	[hbm:s11@s25], [sflag:s6] =	dma.strided [spmem:s14@s17], $0x2780, s24, $0x10   }
0xbe: {  	_ =	swait.ge [sflag:s15], $0x2780  }
0xbf: {  	[sflag:s15] =	ssyncset.done $0x0  }
0xc0: {  	[sflag:s15] =	ssyncadd.s32 $0xFFFFD880  }
0xc1: {  	[bflag:$0x0] =	sbarrier.arrive $0xFFFF  }
0xc2: {  	[spmem:s14], [sflag:s6] =	dma.local [hbm:s5], $0x2780  }
0xc3: {  	_ =	swait.ge [sflag:s15], $0x2780  }
0xc4: {  	[sflag:s15] =	ssyncset.done $0x0  }
0xc5: {  	[sflag:s15] =	ssyncadd.s32 $0xFFFFD880  }
0xc6: {  	s28 =	simm.s32 $0x0;
	[bflag:$0x0] =	sbarrier.arrive $0xFFFF  }
0xc7: {  	[tilespmem:s28], [sflag:$0x3] =	stream.linear.gather [hbm4b:s7+s28], $0x1400, $0x38;
	[tilespmem:$0x1E400] =	vst v63  }
0xc8: {  	_ =	swait.ge [sflag:s15], $0x1400  }
0xc9: {  	[sflag:s15] =	ssyncset.done $0x0  }
0xca: {  	[sflag:s15] =	ssyncadd.s32 $0xFFFFEC00  }
0xcb: {  	[tilespmem:s16], [sflag:$0x3] =	stream.linear.gather [hbm4b:s8+s28], $0x1400, $0x38;
	[tilespmem:$0x1E400] =	vst v63  }
0xcc: {  	_ =	swait.ge [sflag:s15], $0x1400  }
0xcd: {  	[sflag:s15] =	ssyncset.done $0x0  }
0xce: {  	s28 =	simm.s32 $0x0;
	[sflag:s15] =	ssyncadd.s32 $0xFFFFEC00  }
0xcf: {  	v3 =	vld [tilespmem:s28+$0x0]  }
0xd0: {  	v4 =	vld [tilespmem:s28+$0x10]  }
0xd1: {  	v6 =	vld [tilespmem:s28+$0x20]  }
0xd2: {  	v5 =	vld [tilespmem:s28+$0x30]  }
0xd3: {  	v2 =	vld [tilespmem:s28+$0x40]  }
0xd4: {  	v7 =	vshll.u32 v3, $0x2;
	v3 =	vld [tilespmem:s28+$0x50]  }
0xd5: {  	s29 =	simm.s32 $0x200;
	v8 =	vshll.u32 v4, $0x2;
	v4 =	vld [tilespmem:s28+$0x60];
	v7 =	vor.u32 v1, v7  }
.LBB2_10:
0xd6: {  	s30 =	sshra.s32 s29, $0x2;
	p0 =	sne.s32 s29, $0x4E00;
	[tilespmem:s28+$0x0] =	vst v7;
	v7 =	vor.u32 v1, v8;
	v6 =	vshll.u32 v6, $0x2;
	v8 =	vld [tilespmem:s28+$0x70]  }
0xd7: {  	v9 =	vld [tilespmem:s30+$0x0];
	[tilespmem:s28+$0x10] =	vst v7;
	v6 =	vor.u32 v1, v6;
	v5 =	vshll.u32 v5, $0x2  }
0xd8: {  	v10 =	vld [tilespmem:s30+$0x10];
	[tilespmem:s28+$0x20] =	vst v6;
	v5 =	vor.u32 v1, v5;
	v2 =	vshll.u32 v2, $0x2  }
.Ltmp4:
0xd9: {  	v6 =	vld [tilespmem:s30+$0x20];
	[tilespmem:s28+$0x30] =	vst v5;
	v2 =	vor.u32 v1, v2;
	v3 =	vshll.u32 v3, $0x2;
	(pc) =	sbr.rel @p0 .LBB2_10-.Ltmp4, $4  }
0xda: {  	v5 =	vld [tilespmem:s30+$0x30];
	[tilespmem:s28+$0x40] =	vst v2;
	v3 =	vor.u32 v1, v3;
	v4 =	vshll.u32 v4, $0x2  }
0xdb: {  	v2 =	vld [tilespmem:s30+$0x40];
	[tilespmem:s28+$0x50] =	vst v3;
	v4 =	vor.u32 v1, v4;
	v7 =	vshll.u32 v8, $0x2  }
0xdc: {  	v8 =	vshll.u32 v9, $0x2;
	v3 =	vld [tilespmem:s30+$0x50];
	[tilespmem:s28+$0x60] =	vst v4;
	v9 =	vor.u32 v1, v7  }
0xdd: {  	s29 =	sadd.s32 $0x200, s29;
	v7 =	vor.u32 v1, v8;
	v8 =	vshll.u32 v10, $0x2;
	v4 =	vld [tilespmem:s30+$0x60];
	[tilespmem:s28+$0x70] =	vst v9;
	s28 =	smov.u32 s30  }
0xde: {  	[tilespmem:s28+$0x0] =	vst v7;
	v62 =	vor.u32 v1, v8;
	v6 =	vshll.u32 v6, $0x2;
	v63 =	vld [tilespmem:s28+$0x70]  }
0xdf: {  	[tilespmem:s28+$0x10] =	vst v62;
	v6 =	vor.u32 v1, v6;
	v5 =	vshll.u32 v5, $0x2  }
0xe0: {  	[tilespmem:s28+$0x20] =	vst v6;
	v5 =	vor.u32 v1, v5;
	v2 =	vshll.u32 v2, $0x2  }
0xe1: {  	[tilespmem:s28+$0x30] =	vst v5;
	v2 =	vor.u32 v1, v2;
	v3 =	vshll.u32 v3, $0x2  }
0xe2: {  	[tilespmem:s28+$0x40] =	vst v2;
	v2 =	vor.u32 v1, v3;
	v3 =	vshll.u32 v4, $0x2  }
0xe3: {  	[tilespmem:s28+$0x50] =	vst v2;
	v2 =	vor.u32 v1, v3;
	v3 =	vshll.u32 v63, $0x2  }
0xe4: {  	[tilespmem:s28+$0x60] =	vst v2;
	v2 =	vor.u32 v1, v3  }
0xe5: {  	[tilespmem:s28+$0x70] =	vst v2;
	s28 =	simm.s32 $0x0  }
0xe6: {  	[tilespmem:s18], [sflag:$0x1] =	stream.indirect.gather [hbm4b:s4+s17], $0x80, s28, s17, $0xb8;
	[tilespmem:$0x1E400] =	vst v63  }
0xe7: {  	_ = 	snop  }
0xe8: {  	[tilespmem:s19], [sflag:$0x2] =	stream.indirect.gather [hbm4b:s4+s17], $0x80, s17, s17, $0xb8;
	[tilespmem:$0x1E400] =	vst v63  }
0xe9: {  	_ =	swait.ge [sflag:s20], $0x4000  }
0xea: {  	[sflag:s20] =	ssyncset.done $0x0  }
0xeb: {  	s28 =	simm.s32 $0x1400;
	[sflag:s20] =	ssyncadd.s32 $0xFFFFC000  }
0xec: {  	[spmem:s1] =	stream.indirect.scatter.add.f32 [tilespmem:s18], [sflag:$0x3], $0x80, s28, s17, $0xb8;
	[tilespmem:$0x1E400] =	vst v63  }
0xed: {  	_ =	swait.ge [sflag:s15], $0x4000  }
0xee: {  	[sflag:s15] =	ssyncset.done $0x0  }
0xef: {  	s28 =	simm.s32 $0x100;
	[sflag:s15] =	ssyncadd.s32 $0xFFFFC000  }
0xf0: {  	[tilespmem:s18], [sflag:$0x1] =	stream.indirect.gather [hbm4b:s4+s17], $0x80, s28, s17, $0xb8;
	[tilespmem:$0x1E400] =	vst v63  }
0xf1: {  	_ =	swait.ge [sflag:s21], $0x4000  }
0xf2: {  	[sflag:s21] =	ssyncset.done $0x0  }
0xf3: {  	s28 =	simm.s32 $0x1480;
	[sflag:s21] =	ssyncadd.s32 $0xFFFFC000  }
0xf4: {  	[spmem:s1] =	stream.indirect.scatter.add.f32 [tilespmem:s19], [sflag:$0x3], $0x80, s28, s17, $0xb8;
	[tilespmem:$0x1E400] =	vst v63  }
0xf5: {  	_ =	swait.ge [sflag:s15], $0x4000  }
0xf6: {  	[sflag:s15] =	ssyncset.done $0x0  }
0xf7: {  	s29 =	simm.s32 $0x180;
	s28 =	simm.s32 $0x400;
	[sflag:s15] =	ssyncadd.s32 $0xFFFFC000  }
.LBB2_12:
0xf8: {  	[tilespmem:s19], [sflag:$0x2] =	stream.indirect.gather [hbm4b:s4+s17], $0x80, s29, s17, $0xb8;
	[tilespmem:$0x1E400] =	vst v63  }
0xf9: {  	s29 =	smov.u32 s28  }
0xfa: {  	p0 =	sne.s32 s28, $0x4800;
	s28 =	sadd.s32 $0x400, s28;
	_ =	swait.ge [sflag:s20], $0x4000  }
0xfb: {  	s29 =	sshra.s32 s29, $0x2;
	[sflag:s20] =	ssyncset.done $0x0  }
0xfc: {  	s30 =	sadd.s32 $0x1400, s29;
	[sflag:s20] =	ssyncadd.s32 $0xFFFFC000  }
0xfd: {  	[spmem:s1] =	stream.indirect.scatter.add.f32 [tilespmem:s18], [sflag:$0x3], $0x80, s30, s17, $0xb8;
	[tilespmem:$0x1E400] =	vst v63  }
0xfe: {  	_ =	swait.ge [sflag:s15], $0x4000  }
0xff: {  	[sflag:s15] =	ssyncset.done $0x0  }
0x100: {  	s30 =	sadd.s32 $0x100, s29;
	[sflag:s15] =	ssyncadd.s32 $0xFFFFC000  }
0x101: {  	[tilespmem:s18], [sflag:$0x1] =	stream.indirect.gather [hbm4b:s4+s17], $0x80, s30, s17, $0xb8;
	[tilespmem:$0x1E400] =	vst v63  }
0x102: {  	_ =	swait.ge [sflag:s21], $0x4000  }
0x103: {  	[sflag:s21] =	ssyncset.done $0x0  }
.Ltmp5:
0x104: {  	s30 =	sadd.s32 $0x1480, s29;
	[sflag:s21] =	ssyncadd.s32 $0xFFFFC000;
	(pc) =	sbr.rel @p0 .LBB2_12-.Ltmp5, $4  }
0x105: {  	[spmem:s1] =	stream.indirect.scatter.add.f32 [tilespmem:s19], [sflag:$0x3], $0x80, s30, s17, $0xb8;
	[tilespmem:$0x1E400] =	vst v63  }
0x106: {  	_ =	swait.ge [sflag:s15], $0x4000  }
0x107: {  	[sflag:s15] =	ssyncset.done $0x0  }
0x108: {  	s29 =	sadd.s32 $0x180, s29;
	[sflag:s15] =	ssyncadd.s32 $0xFFFFC000  }
0x109: {  	[tilespmem:s19], [sflag:$0x2] =	stream.indirect.gather [hbm4b:s4+s17], $0x80, s29, s17, $0xb8;
	[tilespmem:$0x1E400] =	vst v63  }
0x10a: {  	_ =	swait.ge [sflag:s20], $0x4000  }
0x10b: {  	[sflag:s20] =	ssyncset.done $0x0  }
0x10c: {  	[sflag:s20] =	ssyncadd.s32 $0xFFFFC000  }
0x10d: {  	[spmem:s1] =	stream.indirect.scatter.add.f32 [tilespmem:s18], [sflag:$0x3], $0x80, s22, s17, $0xb8;
	[tilespmem:$0x1E400] =	vst v63  }
0x10e: {  	_ =	swait.ge [sflag:s15], $0x4000  }
0x10f: {  	[sflag:s15] =	ssyncset.done $0x0  }
0x110: {  	[sflag:s15] =	ssyncadd.s32 $0xFFFFC000  }
0x111: {  	_ =	swait.ge [sflag:s21], $0x4000  }
0x112: {  	[sflag:s21] =	ssyncset.done $0x0  }
0x113: {  	[sflag:s21] =	ssyncadd.s32 $0xFFFFC000  }
0x114: {  	[spmem:s1] =	stream.indirect.scatter.add.f32 [tilespmem:s19], [sflag:$0x3], $0x80, s23, s17, $0xb8;
	[tilespmem:$0x1E400] =	vst v63  }
0x115: {  	_ =	swait.ge [sflag:s15], $0x4000  }
0x116: {  	[sflag:s15] =	ssyncset.done $0x0  }
0x117: {  	s28 =	simm.s32 $0x0;
	[sflag:s15] =	ssyncadd.s32 $0xFFFFC000  }
0x118: {  	[tilespmem:s28], [sflag:$0x3] =	stream.linear.gather [hbm4b:s9+s28], $0x1400, $0x38;
	[tilespmem:$0x1E400] =	vst v63  }
0x119: {  	_ =	swait.ge [sflag:s15], $0x1400  }
0x11a: {  	[sflag:s15] =	ssyncset.done $0x0  }
0x11b: {  	[sflag:s15] =	ssyncadd.s32 $0xFFFFEC00  }
0x11c: {  	[tilespmem:s16], [sflag:$0x3] =	stream.linear.gather [hbm4b:s10+s28], $0x1400, $0x38;
	[tilespmem:$0x1E400] =	vst v63  }
0x11d: {  	_ =	swait.ge [sflag:s15], $0x1400  }
0x11e: {  	[sflag:s15] =	ssyncset.done $0x0  }
0x11f: {  	s28 =	simm.s32 $0x0;
	[sflag:s15] =	ssyncadd.s32 $0xFFFFEC00  }
0x120: {  	v3 =	vld [tilespmem:s28+$0x0]  }
0x121: {  	v4 =	vld [tilespmem:s28+$0x10]  }
0x122: {  	v6 =	vld [tilespmem:s28+$0x20]  }
0x123: {  	v5 =	vld [tilespmem:s28+$0x30]  }
0x124: {  	v2 =	vld [tilespmem:s28+$0x40]  }
0x125: {  	v7 =	vshll.u32 v3, $0x2;
	v3 =	vld [tilespmem:s28+$0x50]  }
0x126: {  	s29 =	simm.s32 $0x200;
	v8 =	vshll.u32 v4, $0x2;
	v4 =	vld [tilespmem:s28+$0x60];
	v7 =	vor.u32 v1, v7  }
.LBB2_14:
0x127: {  	s30 =	sshra.s32 s29, $0x2;
	p0 =	sne.s32 s29, $0x4E00;
	[tilespmem:s28+$0x0] =	vst v7;
	v7 =	vor.u32 v1, v8;
	v6 =	vshll.u32 v6, $0x2;
	v8 =	vld [tilespmem:s28+$0x70]  }
0x128: {  	v9 =	vld [tilespmem:s30+$0x0];
	[tilespmem:s28+$0x10] =	vst v7;
	v6 =	vor.u32 v1, v6;
	v5 =	vshll.u32 v5, $0x2  }
0x129: {  	v10 =	vld [tilespmem:s30+$0x10];
	[tilespmem:s28+$0x20] =	vst v6;
	v5 =	vor.u32 v1, v5;
	v2 =	vshll.u32 v2, $0x2  }
.Ltmp6:
0x12a: {  	v6 =	vld [tilespmem:s30+$0x20];
	[tilespmem:s28+$0x30] =	vst v5;
	v2 =	vor.u32 v1, v2;
	v3 =	vshll.u32 v3, $0x2;
	(pc) =	sbr.rel @p0 .LBB2_14-.Ltmp6, $4  }
0x12b: {  	v5 =	vld [tilespmem:s30+$0x30];
	[tilespmem:s28+$0x40] =	vst v2;
	v3 =	vor.u32 v1, v3;
	v4 =	vshll.u32 v4, $0x2  }
0x12c: {  	v2 =	vld [tilespmem:s30+$0x40];
	[tilespmem:s28+$0x50] =	vst v3;
	v4 =	vor.u32 v1, v4;
	v7 =	vshll.u32 v8, $0x2  }
0x12d: {  	v8 =	vshll.u32 v9, $0x2;
	v3 =	vld [tilespmem:s30+$0x50];
	[tilespmem:s28+$0x60] =	vst v4;
	v9 =	vor.u32 v1, v7  }
0x12e: {  	s29 =	sadd.s32 $0x200, s29;
	v7 =	vor.u32 v1, v8;
	v8 =	vshll.u32 v10, $0x2;
	v4 =	vld [tilespmem:s30+$0x60];
	[tilespmem:s28+$0x70] =	vst v9;
	s28 =	smov.u32 s30  }
0x12f: {  	[tilespmem:s28+$0x0] =	vst v7;
	v62 =	vor.u32 v1, v8;
	v6 =	vshll.u32 v6, $0x2;
	v63 =	vld [tilespmem:s28+$0x70]  }
0x130: {  	[tilespmem:s28+$0x10] =	vst v62;
	v6 =	vor.u32 v1, v6;
	v5 =	vshll.u32 v5, $0x2  }
0x131: {  	[tilespmem:s28+$0x20] =	vst v6;
	v5 =	vor.u32 v1, v5;
	v2 =	vshll.u32 v2, $0x2  }
0x132: {  	[tilespmem:s28+$0x30] =	vst v5;
	v2 =	vor.u32 v1, v2;
	v3 =	vshll.u32 v3, $0x2  }
0x133: {  	[tilespmem:s28+$0x40] =	vst v2;
	v2 =	vor.u32 v1, v3;
	v3 =	vshll.u32 v4, $0x2  }
0x134: {  	[tilespmem:s28+$0x50] =	vst v2;
	v2 =	vor.u32 v1, v3;
	v3 =	vshll.u32 v63, $0x2  }
0x135: {  	[tilespmem:s28+$0x60] =	vst v2;
	v2 =	vor.u32 v1, v3  }
0x136: {  	[tilespmem:s28+$0x70] =	vst v2;
	s28 =	simm.s32 $0x0  }
0x137: {  	[tilespmem:s18], [sflag:$0x1] =	stream.indirect.gather [hbm4b:s4+s17], $0x80, s28, s17, $0xb8;
	[tilespmem:$0x1E400] =	vst v63  }
0x138: {  	_ = 	snop  }
0x139: {  	[tilespmem:s19], [sflag:$0x2] =	stream.indirect.gather [hbm4b:s4+s17], $0x80, s17, s17, $0xb8;
	[tilespmem:$0x1E400] =	vst v63  }
0x13a: {  	_ =	swait.ge [sflag:s20], $0x4000  }
0x13b: {  	[sflag:s20] =	ssyncset.done $0x0  }
0x13c: {  	s28 =	simm.s32 $0x1400;
	[sflag:s20] =	ssyncadd.s32 $0xFFFFC000  }
0x13d: {  	[spmem:s1] =	stream.indirect.scatter.add.f32 [tilespmem:s18], [sflag:$0x3], $0x80, s28, s17, $0xb8;
	[tilespmem:$0x1E400] =	vst v63  }
0x13e: {  	_ =	swait.ge [sflag:s15], $0x4000  }
0x13f: {  	[sflag:s15] =	ssyncset.done $0x0  }
0x140: {  	s28 =	simm.s32 $0x100;
	[sflag:s15] =	ssyncadd.s32 $0xFFFFC000  }
0x141: {  	[tilespmem:s18], [sflag:$0x1] =	stream.indirect.gather [hbm4b:s4+s17], $0x80, s28, s17, $0xb8;
	[tilespmem:$0x1E400] =	vst v63  }
0x142: {  	_ =	swait.ge [sflag:s21], $0x4000  }
0x143: {  	[sflag:s21] =	ssyncset.done $0x0  }
0x144: {  	s28 =	simm.s32 $0x1480;
	[sflag:s21] =	ssyncadd.s32 $0xFFFFC000  }
0x145: {  	[spmem:s1] =	stream.indirect.scatter.add.f32 [tilespmem:s19], [sflag:$0x3], $0x80, s28, s17, $0xb8;
	[tilespmem:$0x1E400] =	vst v63  }
0x146: {  	_ =	swait.ge [sflag:s15], $0x4000  }
0x147: {  	[sflag:s15] =	ssyncset.done $0x0  }
0x148: {  	s29 =	simm.s32 $0x180;
	s28 =	simm.s32 $0x400;
	[sflag:s15] =	ssyncadd.s32 $0xFFFFC000  }
.LBB2_16:
0x149: {  	[tilespmem:s19], [sflag:$0x2] =	stream.indirect.gather [hbm4b:s4+s17], $0x80, s29, s17, $0xb8;
	[tilespmem:$0x1E400] =	vst v63  }
0x14a: {  	s29 =	smov.u32 s28  }
0x14b: {  	p0 =	sne.s32 s28, $0x4800;
	s28 =	sadd.s32 $0x400, s28;
	_ =	swait.ge [sflag:s20], $0x4000  }
0x14c: {  	s29 =	sshra.s32 s29, $0x2;
	[sflag:s20] =	ssyncset.done $0x0  }
0x14d: {  	s30 =	sadd.s32 $0x1400, s29;
	[sflag:s20] =	ssyncadd.s32 $0xFFFFC000  }
0x14e: {  	[spmem:s1] =	stream.indirect.scatter.add.f32 [tilespmem:s18], [sflag:$0x3], $0x80, s30, s17, $0xb8;
	[tilespmem:$0x1E400] =	vst v63  }
0x14f: {  	_ =	swait.ge [sflag:s15], $0x4000  }
0x150: {  	[sflag:s15] =	ssyncset.done $0x0  }
0x151: {  	s30 =	sadd.s32 $0x100, s29;
	[sflag:s15] =	ssyncadd.s32 $0xFFFFC000  }
0x152: {  	[tilespmem:s18], [sflag:$0x1] =	stream.indirect.gather [hbm4b:s4+s17], $0x80, s30, s17, $0xb8;
	[tilespmem:$0x1E400] =	vst v63  }
0x153: {  	_ =	swait.ge [sflag:s21], $0x4000  }
0x154: {  	[sflag:s21] =	ssyncset.done $0x0  }
.Ltmp7:
0x155: {  	s30 =	sadd.s32 $0x1480, s29;
	[sflag:s21] =	ssyncadd.s32 $0xFFFFC000;
	(pc) =	sbr.rel @p0 .LBB2_16-.Ltmp7, $4  }
0x156: {  	[spmem:s1] =	stream.indirect.scatter.add.f32 [tilespmem:s19], [sflag:$0x3], $0x80, s30, s17, $0xb8;
	[tilespmem:$0x1E400] =	vst v63  }
0x157: {  	_ =	swait.ge [sflag:s15], $0x4000  }
0x158: {  	[sflag:s15] =	ssyncset.done $0x0  }
0x159: {  	s29 =	sadd.s32 $0x180, s29;
	[sflag:s15] =	ssyncadd.s32 $0xFFFFC000  }
0x15a: {  	[tilespmem:s19], [sflag:$0x2] =	stream.indirect.gather [hbm4b:s4+s17], $0x80, s29, s17, $0xb8;
	[tilespmem:$0x1E400] =	vst v63  }
0x15b: {  	_ =	swait.ge [sflag:s20], $0x4000  }
0x15c: {  	[sflag:s20] =	ssyncset.done $0x0  }
0x15d: {  	[sflag:s20] =	ssyncadd.s32 $0xFFFFC000  }
0x15e: {  	[spmem:s1] =	stream.indirect.scatter.add.f32 [tilespmem:s18], [sflag:$0x3], $0x80, s22, s17, $0xb8;
	[tilespmem:$0x1E400] =	vst v63  }
0x15f: {  	_ =	swait.ge [sflag:s15], $0x4000  }
0x160: {  	[sflag:s15] =	ssyncset.done $0x0  }
0x161: {  	[sflag:s15] =	ssyncadd.s32 $0xFFFFC000  }
0x162: {  	_ =	swait.ge [sflag:s21], $0x4000  }
0x163: {  	[sflag:s21] =	ssyncset.done $0x0  }
0x164: {  	[sflag:s21] =	ssyncadd.s32 $0xFFFFC000  }
0x165: {  	[spmem:s1] =	stream.indirect.scatter.add.f32 [tilespmem:s19], [sflag:$0x3], $0x80, s23, s17, $0xb8;
	[tilespmem:$0x1E400] =	vst v63  }
0x166: {  	_ =	swait.ge [sflag:s15], $0x4000  }
0x167: {  	[sflag:s15] =	ssyncset.done $0x0  }
0x168: {  	s26 =	sadd.s32 $0x1, s26;
	[sflag:s15] =	ssyncadd.s32 $0xFFFFC000  }
0x169: {  	p0 =	sne.s32 s26, s13;
	[bflag:$0x0] =	sbarrier.arrive $0xFFFF  }
0x16a: {  	[hbm:s12@s25], [sflag:s6] =	dma.strided [spmem:s14@s17], $0x2780, s24, $0x10   }
.Ltmp8:
0x16b: {  	_ =	swait.ge [sflag:s15], $0x2780;
	(pc) =	sbr.rel @p0 .LBB2_1-.Ltmp8, $3  }
0x16c: {  	[sflag:s15] =	ssyncset.done $0x0  }
0x16d: {  	[sflag:s15] =	ssyncadd.s32 $0xFFFFD880  }
0x16e: {  	[bflag:$0x0] =	sbarrier.arrive $0xFFFF;
	_ =	sdelay $0x1  }
0x16f: {  	_ =	sfence.sel $0x180000  }
0x170: {  	[bflag:$0x0] =	sbarrier.arrive $0xFFFF  }
0x171: {  	p0 =	sne.s32 s2, $0x0;
	_ =	strace $0x9000004A  }
0x172: {  	s0 =	sadd.s32 @!p0 $0x100000, s0;
	[bflag:$0x2] =	sbarrier.arrive $0xFFFF  }
0x173: {  	[sflag:s0] =	ssyncadd.tile.s32 @!p0 $0x1;
	_ =	shalt  }
.Lfunc_end2:
_tile_overlayer_lowered:
.L_overlay_start_2:
0x174: {  	(tag) =	ssettag $0x2  }
0x175: {  	s0 =	rddreg [dreg:$0x0];
	s2 =	stileid.u32  }
0x176: {  	s1 =	rddreg [dreg:$0x1];
	p0 =	sne.s32 s2, $0x0  }
0x177: {  	s3 =	rddreg [dreg:$0x2];
	[bflag:$0x3] =	sbarrier.arrive $0xFFFF;
	s2 =	simm.s32 @!p0 $0x1C03  }
0x178: {  	[timem:s3], [sflag:s2] =	dma.local @!p0 [hbm:s0], s1  }
0x179: {  	s0 =	simm.s32 @!p0 $0x3  }
0x17a: {  	_ =	swait.ge @!p0 [sflag:s0], s1  }
0x17b: {  	s1 =	ssub.s32 @!p0 $0x0, s1;
	[sflag:s0] =	ssyncset.done @!p0 $0x0  }
0x17c: {  	[sflag:s0] =	ssyncadd.s32 @!p0 s1  }
0x17d: {  	[bflag:$0x3] =	sbarrier.arrive $0xFFFF  }
0x17e: {  	_ =	shalt  }

// kernel: kernel.14.cloned.1.call-start
scs
__scs_entry_jumppad:
0x0: {  	(pc) =	sbr.rel $0x88, $3  }
0x1: {  	(tag) =	ssettag $0x0;
	lr =	simm.s32 $0x1  }
0x2: {  	[smem:$0x3F99] =	sst lr;
	_ =	strace $0xD0000000  }
0x3: {  	_ = 	snop  }
0x4: {  	_ = 	snop  }
0x5: {  	_ = 	snop  }
0x6: {  	_ = 	snop  }
0x7: {  	_ = 	snop  }
__scs_overlays_trampoline_lowered:
0x8: {  	[smem:$0x3FA8] =	sst s0  }
0x9: {  	[smem:$0x3FA9] =	sst s1  }
0xa: {  	[smem:$0x3FAA] =	sst s2  }
0xb: {  	[smem:$0x3FAB] =	sst s3  }
0xc: {  	[smem:$0x3FAC] =	sst s4  }
0xd: {  	[smem:$0x3FAD] =	sst s5  }
0xe: {  	[smem:$0x3FAE] =	sst s6  }
0xf: {  	[smem:$0x3FAF] =	sst s7  }
0x10: {  	[smem:$0x3FB0] =	sst s8  }
0x11: {  	[smem:$0x3FB1] =	sst s9;
	s0 =	simm.s32 @!p0 $0x0  }
0x12: {  	s1 =	sld [smem:$0x3F97];
	s0 =	simm.s32 @p0 $0x1  }
0x13: {  	[smem:$0x3FB2] =	sst s0;
	s0 =	simm.s32 @!p1 $0x0  }
0x14: {  	s2 =	sld [smem:$0x3F96];
	s0 =	simm.s32 @p1 $0x1  }
0x15: {  	[smem:$0x3FB3] =	sst s0;
	s0 =	simm.s32 @!p2 $0x0  }
0x16: {  	s3 =	sld [smem:$0x3FDB];
	s0 =	simm.s32 @p2 $0x1  }
0x17: {  	s4 =	simm.s32 $0x1BF5;
	[smem:$0x3FB5] =	sst s0  }
0x18: {  	s0 =	sld [smem:$0x3F98];
	_ =	swait.ge [sflag:s4], $0x0  }
0x19: {  	s7 =	sld [smem:$0x3F99]  }
0x1a: {  	s8 =	sadd.s32 $0xFFFFE003, lr  }
0x1b: {  	s9 =	sadd.s32 $0xFFFFFEF7, lr;
	s5 =	simm.s32 $0xFFFFFFFF;
	p2 =	slt.u32 s8, $0xFFFFF086  }
0x1c: {  	p1 =	slt.u32 s9, $0xF7A;
	s5 =	simm.s32 @!p2 $0x0  }
0x1d: {  	s5 =	simm.s32 @p1 $0x1;
	p0 =	seq.s32 s7, s2  }
0x1e: {  	s7 =	smul.u32 @!p0 $0xF7A, s2;
	p2 =	seq.s32 @!p0 s5, $0x0  }
0x1f: {  	s9 =	smul.u32 $0xF7A, s1;
	s8 =	simm.s32 @!p0 $0x1BF5;
	p2 =	por !p2, p0  }
0x20: {  	[sflag:s8] =	ssyncset.s32 @!p0 $0xFFFFF086;
	s6 =	sadd.s32 @!p0 s3, s7;
	s7 =	simm.s32 @!p0 $0x108  }
0x21: {  	s3 =	sadd.s32 s3, s9;
	s6 =	sadd.s32 @!p0 $0x88, s6;
	s7 =	simm.s32 @p2 $0x1082  }
0x22: {  	[simem:s7], [sflag:s8] =	dma.local @!p0 [hbm:s6], $0xF7A  }
0x23: {  	s9 =	sor.u32 $0xD0000000, s2;
	s6 =	simm.s32 $0x108;
	_ =	swait.ge @!p0 [sflag:s8], $0x0  }
0x24: {  	s3 =	sadd.s32 $0x88, s3;
	s6 =	simm.s32 @!p1 $0x1082;
	[sflag:s4] =	ssyncset.s32 $0xFFFFF086  }
0x25: {  	[simem:s6], [sflag:s4] =	dma.local [hbm:s3], $0xF7A  }
0x26: {  	[smem:$0x3F99] =	sst s1;
	(tag) =	ssettag s2;
	_ =	strace s9  }
0x27: {  	s1 =	sld [smem:$0x3FA9]  }
0x28: {  	s2 =	sld [smem:$0x3FAA]  }
0x29: {  	s4 =	sld [smem:$0x3FAC]  }
0x2a: {  	p0 =	seq.s32 s5, $0x0;
	s5 =	sld [smem:$0x3FAD]  }
0x2b: {  	s6 =	sld [smem:$0x3FAE]  }
0x2c: {  	s7 =	sld [smem:$0x3FAF]  }
0x2d: {  	s3 =	simm.s32 $0x108;
	s8 =	sld [smem:$0x3FB0]  }
0x2e: {  	s3 =	simm.s32 @!p0 $0x1082;
	s9 =	sld [smem:$0x3FB1]  }
0x2f: {  	lr =	sadd.s32 s0, s3;
	s0 =	sld [smem:$0x3FA8]  }
0x30: {  	s3 =	sld [smem:$0x3FAB]  }
0x31: {  	[smem:$0x3FB4] =	sst s10  }
0x32: {  	s10 =	sld [smem:$0x3FB2];
	_ =	sdelay $0x3  }
0x33: {  	p0 =	seq.s32 s10, $0x1;
	s10 =	sld [smem:$0x3FB4];
	_ =	sdelay $0x3  }
0x34: {  	[smem:$0x3FB4] =	sst s10  }
0x35: {  	s10 =	sld [smem:$0x3FB3];
	_ =	sdelay $0x3  }
0x36: {  	p1 =	seq.s32 s10, $0x1;
	s10 =	sld [smem:$0x3FB4];
	_ =	sdelay $0x3  }
0x37: {  	[smem:$0x3FB4] =	sst s10  }
0x38: {  	s10 =	sld [smem:$0x3FB5]  }
0x39: {  	_ = 	snop;
	(pc) =	sbr.ind lr, $3  }
0x3a: {  	_ = 	snop  }
0x3b: {  	_ = 	snop  }
0x3c: {  	p2 =	seq.s32 s10, $0x1;
	s10 =	sld [smem:$0x3FB4]  }
0x3d: {  	_ =	shalt  }
0x3e: {  	_ =	shalt  }
0x3f: {  	_ =	shalt  }
0x40: {  	_ =	shalt  }
0x41: {  	_ =	shalt  }
0x42: {  	_ =	shalt  }
0x43: {  	_ =	shalt  }
0x44: {  	_ =	shalt  }
0x45: {  	_ =	shalt  }
0x46: {  	_ =	shalt  }
0x47: {  	_ =	shalt  }
0x48: {  	_ =	shalt  }
0x49: {  	_ =	shalt  }
0x4a: {  	_ =	shalt  }
0x4b: {  	_ =	shalt  }
0x4c: {  	_ =	shalt  }
0x4d: {  	_ =	shalt  }
0x4e: {  	_ =	shalt  }
0x4f: {  	_ =	shalt  }
0x50: {  	_ =	shalt  }
0x51: {  	_ =	shalt  }
0x52: {  	_ =	shalt  }
0x53: {  	_ =	shalt  }
0x54: {  	_ =	shalt  }
0x55: {  	_ =	shalt  }
0x56: {  	_ =	shalt  }
0x57: {  	_ =	shalt  }
0x58: {  	_ =	shalt  }
0x59: {  	_ =	shalt  }
0x5a: {  	_ =	shalt  }
0x5b: {  	_ =	shalt  }
0x5c: {  	_ =	shalt  }
0x5d: {  	_ =	shalt  }
0x5e: {  	_ =	shalt  }
0x5f: {  	_ =	shalt  }
0x60: {  	_ =	shalt  }
0x61: {  	_ =	shalt  }
0x62: {  	_ =	shalt  }
0x63: {  	_ =	shalt  }
0x64: {  	_ =	shalt  }
0x65: {  	_ =	shalt  }
0x66: {  	_ =	shalt  }
0x67: {  	_ =	shalt  }
0x68: {  	_ =	shalt  }
0x69: {  	_ =	shalt  }
0x6a: {  	_ =	shalt  }
0x6b: {  	_ =	shalt  }
0x6c: {  	_ =	shalt  }
0x6d: {  	_ =	shalt  }
0x6e: {  	_ =	shalt  }
0x6f: {  	_ =	shalt  }
0x70: {  	_ =	shalt  }
0x71: {  	_ =	shalt  }
0x72: {  	_ =	shalt  }
0x73: {  	_ =	shalt  }
0x74: {  	_ =	shalt  }
0x75: {  	_ =	shalt  }
0x76: {  	_ =	shalt  }
0x77: {  	_ =	shalt  }
0x78: {  	_ =	shalt  }
0x79: {  	_ =	shalt  }
0x7a: {  	_ =	shalt  }
0x7b: {  	_ =	shalt  }
0x7c: {  	_ =	shalt  }
0x7d: {  	_ =	shalt  }
0x7e: {  	_ =	shalt  }
0x7f: {  	_ =	shalt  }
0x80: {  	_ =	shalt  }
0x81: {  	_ =	shalt  }
0x82: {  	_ =	shalt  }
0x83: {  	_ =	shalt  }
0x84: {  	_ =	shalt  }
0x85: {  	_ =	shalt  }
0x86: {  	_ =	shalt  }
0x87: {  	_ =	shalt  }
.Lfunc_end0:
.L_simem_size_0:
called_computation.2_lowered:
.L_overlay_start_0:
0x88: {  	s2 =	sld [smem:$0x3FD9]  }
0x89: {  	s3 =	sld [smem:$0x3FFE];
	_ =	sdelay $0x1  }
0x8a: {  	s1 =	srdreg.scid  }
0x8b: {  	s0 =	sand.u32 $0x1, s1  }
0x8c: {  	s17 =	sshll.u32 s0, $0xA;
	s2 =	sadd.s32 s3, s2  }
0x8d: {  	s2 =	sadd.s32 s2, s17  }
0x8e: {  	[smem:$0x3FC0] =	sst s2  }
0x8f: {  	_ = 	snop  }
0x90: {  	s2 =	sld [smem:$0x3FD0];
	(tm) =	ssettm $0x1  }
0x91: {  	s18 =	sld [smem:$0x3FFB];
	_ =	sdelay $0x3  }
0x92: {  	_ =	strace s18  }
0x93: {  	s3 =	sld [smem:$0x3FFC];
	_ =	sdelay $0x3  }
0x94: {  	_ =	strace s3  }
0x95: {  	s3 =	sld [smem:$0x3FFD];
	_ =	sdelay $0x3  }
0x96: {  	_ =	strace s3  }
0x97: {  	_ =	strace $0x8FFFFFFF  }
0x98: {  	s19 =	sld [smem:$0x3FDB];
	_ =	sdelay $0x1  }
0x99: {  	s4 =	simm.s32 $_scs_section_size  }
0x9a: {  	s5 =	simm.s32 $_size__tile_overlayer_lowered;
	s6 =	simm.s32 $_tile_overlayer_lowered  }
0x9b: {  	s22 =	simm.s32 $0x1BFF;
	s21 =	sshll.u32 s6, $0x1;
	s3 =	sadd.s32 s4, s19  }
0x9c: {  	s7 =	simm.s32 $0x0;
	s20 =	sshll.u32 s5, $0x1;
	s5 =	sadd.s32 s21, s3  }
0x9d: {  	[timem:s7], [sflag:s22] =	dma.local [hbm:s5], s20  }
0x9e: {  	_ =	swait.ge [sflag:s22], s20  }
0x9f: {  	s4 =	ssub.s32 $0x0, s20;
	[sflag:s22] =	ssyncset.done $0x0  }
0xa0: {  	[sflag:s22] =	ssyncadd.s32 s4;
	_ =	sdelay $0x1  }
0xa1: {  	s23 =	simm.s32 $0x1B8B  }
0xa2: {  	_ =	swait.ge [sflag:s23], $0x1  }
0xa3: {  	[sflag:s23] =	ssyncset.done $0x0  }
0xa4: {  	s25 =	simm.s32 $0x1B8E;
	s24 =	sld [smem:$0x3FFE];
	[sflag:s23] =	ssyncadd.s32 $0xFFFFFFFF  }
0xa5: {  	s26 =	simm.s32 $execute0_lowered;
	[smem:$0x3FD2] =	sst s25  }
0xa6: {  	s5 =	sshll.u32 s26, $0x1;
	_ =	strace $0x8000004C;
	[dreg:$0x1] =	wrdreg $0xFFFFFFFF  }
0xa7: {  	s28 =	simm.s32 $_size_execute0_lowered;
	s3 =	sadd.s32 s3, s5;
	[dreg:$0x0] =	wrdreg $0x0  }
0xa8: {  	s5 =	sshll.u32 s28, $0x1;
	[dreg:$0x2] =	wrdreg s3  }
0xa9: {  	[dreg:$0x3] =	wrdreg s5  }
0xaa: {  	[dreg:$0x4] =	wrdreg $0xC0  }
0xab: {  	_ =	task [dreg:s7], $0x5FFFF  }
0xac: {  	[dreg:$0x1] =	wrdreg $0xFFFFFFFF  }
0xad: {  	[dreg:$0x0] =	wrdreg $0x60  }
0xae: {  	[dreg:$0x2] =	wrdreg s2  }
0xaf: {  	[dreg:$0x3] =	wrdreg s24  }
0xb0: {  	[dreg:$0x4] =	wrdreg $0xA8000  }
0xb1: {  	[dreg:$0x5] =	wrdreg $0x9  }
0xb2: {  	_ =	task.clear_ibuf [dreg:s7], $0x6FFFF;
	_ =	strace $0x9000004C  }
0xb3: {  	s29 =	simm.s32 $0x9;
	_ =	strace $0x8000004E  }
0xb4: {  	_ =	swait.ge [sflag:s29], $0x1  }
0xb5: {  	[sflag:s29] =	ssyncadd.s32 $0xFFFFFFFF  }
0xb6: {  	_ =	strace $0x9000004E  }
0xb7: {  	_ =	sfence  }
0xb8: {  	s30 =	sld [smem:$0x0];
	_ =	sdelay $0x2  }
0xb9: {  	s31 =	sshll.u32 s1, $0xD;
	s1 =	sshrl.u32 s1, $0x2  }
0xba: {  	s3 =	sand.u32 $0x4000, s31;
	s1 =	sadd.s32 s1, s30  }
0xbb: {  	s0 =	sor.u32 s3, s0;
	s1 =	sshll.u32 s1, $0x11  }
0xbc: {  	s0 =	sor.u32 s1, s0  }
0xbd: {  	s0 =	sadd.s32 $0x8F2B, s0  }
0xbe: {  	[sflag:s0] =	ssyncadd.remote.s32 $0x1  }
0xbf: {  	_ =	sfence.sel $0xFFFF  }
0xc0: {  	[dreg:$0x0] =	wrdreg $0xFFFFFFFF;
	(pc) =	sbr.abs _section_cstart, $3  }
0xc1: {  	[dreg:$0x1] =	wrdreg $0xFFFFFFFF  }
0xc2: {  	_ =	task.clear_ibuf [dreg:s7], $0x2FFFF;
	_ =	strace $0x9FFFFFFF  }
0xc3: {  	(tm) =	ssettm $0x7FFFFFFF  }
tec
execute0_lowered:
.L_overlay_start_1:
0x0: {  	(tag) =	ssettag $0x1  }
0x1: {  	s1 =	rddreg [dreg:$0x0]  }
0x2: {  	s5 =	rddreg [dreg:$0x1]  }
0x3: {  	s3 =	rddreg [dreg:$0x2]  }
0x4: {  	s0 =	rddreg [dreg:$0x3];
	s4 =	simm.s32 $0x0  }
0x5: {  	s2 =	stileid.u32;
	s6 =	srdreg.scid;
	s16 =	simm.s32 $0x80  }
0x6: {  	s17 =	simm.s32 $0x2800;
	s18 =	simm.s32 $0x6800;
	s19 =	simm.s32 $0x1  }
0x7: {  	s20 =	simm.s32 $0x2;
	s21 =	simm.s32 $0x2700;
	s22 =	simm.s32 $0x2780  }
0x8: {  	s24 =	simm.s32 $0x100;
	s25 =	simm.s32 $0x0;
	s26 =	smul.u32 $0x27800, s2  }
0x9: {  	[smem:$0x7FF] =	sst s4;
	s23 =	sand.u32 $0x1, s6;
	s7 =	smul.u32 $0x2780, s2  }
0xa: {  	s9 =	sadd.s32 $0x2A00, s5;
	s10 =	sadd.s32 $0x7A00, s5;
	s28 =	smul.u32 $0x4F000, s2  }
0xb: {  	s13 =	smul.u32 $0x2800, s2;
	s29 =	sshll.u32 s2, $0x6;
	_ =	strace $0x8000004D  }
0xc: {  	s8 =	sshll.u32 s23, $0xA;
	s11 =	ssub.s32 $0x2, s23;
	v0 =	vmov s23;
	s23 =	simm.s32 $0x8  }
0xd: {  	s6 =	sor.u32 s8, s26;
	s7 =	sadd.s32 s7, s5;
	s12 =	sshrl.u32 s11, $0x1  }
0xe: {  	s8 =	sshrl.u32 s28, $0x2;
	s30 =	sshrl.u32 s13, $0x3;
	s6 =	sshrl.u32 s6, $0x3  }
0xf: {  	s12 =	ssub.s32 s11, s12;
	s15 =	sadd.s32 s8, s3;
	s31 =	sadd.s32 $0x280, s30  }
0x10: {  	s8 =	sadd.s32 s10, s30;
	s14 =	sadd.s32 s6, s5;
	s5 =	sadd.s32 $0xCA00, s7  }
0x11: {  	s6 =	sor.u32 $0x1C03, s29;
	s7 =	sadd.s32 s9, s30;
	s9 =	sadd.s32 s9, s31  }
0x12: {  	s10 =	sadd.s32 s10, s31;
	s12 =	smax.u32 s12, $0x1;
	s13 =	sshrl.u32 s15, $0x3  }
0x13: {  	s15 =	simm.s32 $0x1400;
	s11 =	sadd.s32 $0x34200, s14;
	s14 =	simm.s32 $0x3  }
.LBB2_1:
0x14: {  	[spmem:s13], [sflag:s6] =	dma.local [hbm:s5], $0x2780  }
0x15: {  	_ =	swait.ge [sflag:s14], $0x2780  }
0x16: {  	[sflag:s14] =	ssyncset.done $0x0  }
0x17: {  	[sflag:s14] =	ssyncadd.s32 $0xFFFFD880  }
0x18: {  	[bflag:$0x0] =	sbarrier.arrive $0xFFFF  }
0x19: {  	[tilespmem:s4], [sflag:$0x3] =	stream.linear.gather [hbm4b:s7+s4], $0x1400, $0x38;
	[tilespmem:$0x1E400] =	vst v63  }
0x1a: {  	_ =	swait.ge [sflag:s14], $0x1400  }
0x1b: {  	[sflag:s14] =	ssyncset.done $0x0  }
0x1c: {  	[sflag:s14] =	ssyncadd.s32 $0xFFFFEC00  }
0x1d: {  	[tilespmem:s15], [sflag:$0x3] =	stream.linear.gather [hbm4b:s8+s4], $0x1400, $0x38;
	[tilespmem:$0x1E400] =	vst v63  }
0x1e: {  	_ =	swait.ge [sflag:s14], $0x1400  }
0x1f: {  	[sflag:s14] =	ssyncset.done $0x0  }
0x20: {  	s26 =	simm.s32 $0x0;
	[sflag:s14] =	ssyncadd.s32 $0xFFFFEC00  }
0x21: {  	v2 =	vld [tilespmem:s26+$0x0]  }
0x22: {  	v3 =	vld [tilespmem:s26+$0x10]  }
0x23: {  	v5 =	vld [tilespmem:s26+$0x20]  }
0x24: {  	v4 =	vld [tilespmem:s26+$0x30]  }
0x25: {  	v1 =	vld [tilespmem:s26+$0x40]  }
0x26: {  	v6 =	vshll.u32 v2, $0x1;
	v2 =	vld [tilespmem:s26+$0x50]  }
0x27: {  	s28 =	simm.s32 $0x200;
	v7 =	vshll.u32 v3, $0x1;
	v3 =	vld [tilespmem:s26+$0x60];
	v6 =	vor.u32 v0, v6  }
.LBB2_2:
0x28: {  	s29 =	sshra.s32 s28, $0x2;
	p0 =	sne.s32 s28, $0x4E00;
	[tilespmem:s26+$0x0] =	vst v6;
	v6 =	vor.u32 v0, v7;
	v5 =	vshll.u32 v5, $0x1;
	v7 =	vld [tilespmem:s26+$0x70]  }
0x29: {  	v8 =	vld [tilespmem:s29+$0x0];
	[tilespmem:s26+$0x10] =	vst v6;
	v5 =	vor.u32 v0, v5;
	v4 =	vshll.u32 v4, $0x1  }
0x2a: {  	v9 =	vld [tilespmem:s29+$0x10];
	[tilespmem:s26+$0x20] =	vst v5;
	v4 =	vor.u32 v0, v4;
	v1 =	vshll.u32 v1, $0x1  }
.Ltmp0:
0x2b: {  	v5 =	vld [tilespmem:s29+$0x20];
	[tilespmem:s26+$0x30] =	vst v4;
	v1 =	vor.u32 v0, v1;
	v2 =	vshll.u32 v2, $0x1;
	(pc) =	sbr.rel @p0 .LBB2_2-.Ltmp0, $4  }
0x2c: {  	v4 =	vld [tilespmem:s29+$0x30];
	[tilespmem:s26+$0x40] =	vst v1;
	v2 =	vor.u32 v0, v2;
	v3 =	vshll.u32 v3, $0x1  }
0x2d: {  	v1 =	vld [tilespmem:s29+$0x40];
	[tilespmem:s26+$0x50] =	vst v2;
	v3 =	vor.u32 v0, v3;
	v6 =	vshll.u32 v7, $0x1  }
0x2e: {  	v7 =	vshll.u32 v8, $0x1;
	v2 =	vld [tilespmem:s29+$0x50];
	[tilespmem:s26+$0x60] =	vst v3;
	v8 =	vor.u32 v0, v6  }
0x2f: {  	s28 =	sadd.s32 $0x200, s28;
	v6 =	vor.u32 v0, v7;
	v7 =	vshll.u32 v9, $0x1;
	v3 =	vld [tilespmem:s29+$0x60];
	[tilespmem:s26+$0x70] =	vst v8;
	s26 =	smov.u32 s29  }
0x30: {  	[tilespmem:s26+$0x0] =	vst v6;
	v62 =	vor.u32 v0, v7;
	v5 =	vshll.u32 v5, $0x1;
	v63 =	vld [tilespmem:s26+$0x70]  }
0x31: {  	[tilespmem:s26+$0x10] =	vst v62;
	v5 =	vor.u32 v0, v5;
	v4 =	vshll.u32 v4, $0x1  }
0x32: {  	[tilespmem:s26+$0x20] =	vst v5;
	v4 =	vor.u32 v0, v4;
	v1 =	vshll.u32 v1, $0x1  }
0x33: {  	[tilespmem:s26+$0x30] =	vst v4;
	v1 =	vor.u32 v0, v1;
	v2 =	vshll.u32 v2, $0x1  }
0x34: {  	[tilespmem:s26+$0x40] =	vst v1;
	v1 =	vor.u32 v0, v2;
	v2 =	vshll.u32 v3, $0x1  }
0x35: {  	[tilespmem:s26+$0x50] =	vst v1;
	v1 =	vor.u32 v0, v2;
	v2 =	vshll.u32 v63, $0x1  }
0x36: {  	[tilespmem:s26+$0x60] =	vst v1;
	v1 =	vor.u32 v0, v2  }
0x37: {  	s31 =	simm.s32 $0x0;
	[tilespmem:s26+$0x70] =	vst v1  }
0x38: {  	[tilespmem:s17], [sflag:$0x1] =	stream.indirect.gather [hbm4b:s1+s16], $0x80, s31, s16, $0xb8;
	[tilespmem:$0x1E400] =	vst v63  }
0x39: {  	_ = 	snop  }
0x3a: {  	[tilespmem:s18], [sflag:$0x2] =	stream.indirect.gather [hbm4b:s1+s16], $0x80, s16, s16, $0xb8;
	[tilespmem:$0x1E400] =	vst v63  }
0x3b: {  	_ =	swait.ge [sflag:s19], $0x4000  }
0x3c: {  	[sflag:s19] =	ssyncset.done $0x0  }
0x3d: {  	s29 =	simm.s32 $0x1400;
	[sflag:s19] =	ssyncadd.s32 $0xFFFFC000  }
0x3e: {  	[spmem:s3] =	stream.indirect.scatter.add.f32 [tilespmem:s17], [sflag:$0x3], $0x80, s29, s16, $0xb8;
	[tilespmem:$0x1E400] =	vst v63  }
0x3f: {  	_ =	swait.ge [sflag:s14], $0x4000  }
0x40: {  	[sflag:s14] =	ssyncset.done $0x0  }
0x41: {  	s30 =	simm.s32 $0x100;
	[sflag:s14] =	ssyncadd.s32 $0xFFFFC000  }
0x42: {  	[tilespmem:s17], [sflag:$0x1] =	stream.indirect.gather [hbm4b:s1+s16], $0x80, s30, s16, $0xb8;
	[tilespmem:$0x1E400] =	vst v63  }
0x43: {  	_ =	swait.ge [sflag:s20], $0x4000  }
0x44: {  	[sflag:s20] =	ssyncset.done $0x0  }
0x45: {  	s31 =	simm.s32 $0x1480;
	[sflag:s20] =	ssyncadd.s32 $0xFFFFC000  }
0x46: {  	[spmem:s3] =	stream.indirect.scatter.add.f32 [tilespmem:s18], [sflag:$0x3], $0x80, s31, s16, $0xb8;
	[tilespmem:$0x1E400] =	vst v63  }
0x47: {  	_ =	swait.ge [sflag:s14], $0x4000  }
0x48: {  	[sflag:s14] =	ssyncset.done $0x0  }
0x49: {  	s28 =	simm.s32 $0x180;
	s26 =	simm.s32 $0x400;
	[sflag:s14] =	ssyncadd.s32 $0xFFFFC000  }
.LBB2_4:
0x4a: {  	[tilespmem:s18], [sflag:$0x2] =	stream.indirect.gather [hbm4b:s1+s16], $0x80, s28, s16, $0xb8;
	[tilespmem:$0x1E400] =	vst v63  }
0x4b: {  	s28 =	smov.u32 s26  }
0x4c: {  	p0 =	sne.s32 s26, $0x4800;
	s26 =	sadd.s32 $0x400, s26;
	_ =	swait.ge [sflag:s19], $0x4000  }
0x4d: {  	s28 =	sshra.s32 s28, $0x2;
	[sflag:s19] =	ssyncset.done $0x0  }
0x4e: {  	s29 =	sadd.s32 $0x1400, s28;
	[sflag:s19] =	ssyncadd.s32 $0xFFFFC000  }
0x4f: {  	[spmem:s3] =	stream.indirect.scatter.add.f32 [tilespmem:s17], [sflag:$0x3], $0x80, s29, s16, $0xb8;
	[tilespmem:$0x1E400] =	vst v63  }
0x50: {  	_ =	swait.ge [sflag:s14], $0x4000  }
0x51: {  	[sflag:s14] =	ssyncset.done $0x0  }
0x52: {  	s29 =	sadd.s32 $0x100, s28;
	[sflag:s14] =	ssyncadd.s32 $0xFFFFC000  }
0x53: {  	[tilespmem:s17], [sflag:$0x1] =	stream.indirect.gather [hbm4b:s1+s16], $0x80, s29, s16, $0xb8;
	[tilespmem:$0x1E400] =	vst v63  }
0x54: {  	_ =	swait.ge [sflag:s20], $0x4000  }
0x55: {  	[sflag:s20] =	ssyncset.done $0x0  }
.Ltmp1:
0x56: {  	s29 =	sadd.s32 $0x1480, s28;
	[sflag:s20] =	ssyncadd.s32 $0xFFFFC000;
	(pc) =	sbr.rel @p0 .LBB2_4-.Ltmp1, $4  }
0x57: {  	[spmem:s3] =	stream.indirect.scatter.add.f32 [tilespmem:s18], [sflag:$0x3], $0x80, s29, s16, $0xb8;
	[tilespmem:$0x1E400] =	vst v63  }
0x58: {  	_ =	swait.ge [sflag:s14], $0x4000  }
0x59: {  	[sflag:s14] =	ssyncset.done $0x0  }
0x5a: {  	s28 =	sadd.s32 $0x180, s28;
	[sflag:s14] =	ssyncadd.s32 $0xFFFFC000  }
0x5b: {  	[tilespmem:s18], [sflag:$0x2] =	stream.indirect.gather [hbm4b:s1+s16], $0x80, s28, s16, $0xb8;
	[tilespmem:$0x1E400] =	vst v63  }
0x5c: {  	_ =	swait.ge [sflag:s19], $0x4000  }
0x5d: {  	[sflag:s19] =	ssyncset.done $0x0  }
0x5e: {  	[sflag:s19] =	ssyncadd.s32 $0xFFFFC000  }
0x5f: {  	[spmem:s3] =	stream.indirect.scatter.add.f32 [tilespmem:s17], [sflag:$0x3], $0x80, s21, s16, $0xb8;
	[tilespmem:$0x1E400] =	vst v63  }
0x60: {  	_ =	swait.ge [sflag:s14], $0x4000  }
0x61: {  	[sflag:s14] =	ssyncset.done $0x0  }
0x62: {  	[sflag:s14] =	ssyncadd.s32 $0xFFFFC000  }
0x63: {  	_ =	swait.ge [sflag:s20], $0x4000  }
0x64: {  	[sflag:s20] =	ssyncset.done $0x0  }
0x65: {  	[sflag:s20] =	ssyncadd.s32 $0xFFFFC000  }
0x66: {  	[spmem:s3] =	stream.indirect.scatter.add.f32 [tilespmem:s18], [sflag:$0x3], $0x80, s22, s16, $0xb8;
	[tilespmem:$0x1E400] =	vst v63  }
0x67: {  	_ =	swait.ge [sflag:s14], $0x4000  }
0x68: {  	[sflag:s14] =	ssyncset.done $0x0  }
0x69: {  	s26 =	simm.s32 $0x0;
	[sflag:s14] =	ssyncadd.s32 $0xFFFFC000  }
0x6a: {  	[tilespmem:s26], [sflag:$0x3] =	stream.linear.gather [hbm4b:s9+s26], $0x1400, $0x38;
	[tilespmem:$0x1E400] =	vst v63  }
0x6b: {  	_ =	swait.ge [sflag:s14], $0x1400  }
0x6c: {  	[sflag:s14] =	ssyncset.done $0x0  }
0x6d: {  	[sflag:s14] =	ssyncadd.s32 $0xFFFFEC00  }
0x6e: {  	[tilespmem:s15], [sflag:$0x3] =	stream.linear.gather [hbm4b:s10+s26], $0x1400, $0x38;
	[tilespmem:$0x1E400] =	vst v63  }
0x6f: {  	_ =	swait.ge [sflag:s14], $0x1400  }
0x70: {  	[sflag:s14] =	ssyncset.done $0x0  }
0x71: {  	s26 =	simm.s32 $0x0;
	[sflag:s14] =	ssyncadd.s32 $0xFFFFEC00  }
0x72: {  	v2 =	vld [tilespmem:s26+$0x0]  }
0x73: {  	v3 =	vld [tilespmem:s26+$0x10]  }
0x74: {  	v5 =	vld [tilespmem:s26+$0x20]  }
0x75: {  	v4 =	vld [tilespmem:s26+$0x30]  }
0x76: {  	v1 =	vld [tilespmem:s26+$0x40]  }
0x77: {  	v6 =	vshll.u32 v2, $0x1;
	v2 =	vld [tilespmem:s26+$0x50]  }
0x78: {  	s28 =	simm.s32 $0x200;
	v7 =	vshll.u32 v3, $0x1;
	v3 =	vld [tilespmem:s26+$0x60];
	v6 =	vor.u32 v0, v6  }
.LBB2_6:
0x79: {  	s29 =	sshra.s32 s28, $0x2;
	p0 =	sne.s32 s28, $0x4E00;
	[tilespmem:s26+$0x0] =	vst v6;
	v6 =	vor.u32 v0, v7;
	v5 =	vshll.u32 v5, $0x1;
	v7 =	vld [tilespmem:s26+$0x70]  }
0x7a: {  	v8 =	vld [tilespmem:s29+$0x0];
	[tilespmem:s26+$0x10] =	vst v6;
	v5 =	vor.u32 v0, v5;
	v4 =	vshll.u32 v4, $0x1  }
0x7b: {  	v9 =	vld [tilespmem:s29+$0x10];
	[tilespmem:s26+$0x20] =	vst v5;
	v4 =	vor.u32 v0, v4;
	v1 =	vshll.u32 v1, $0x1  }
.Ltmp2:
0x7c: {  	v5 =	vld [tilespmem:s29+$0x20];
	[tilespmem:s26+$0x30] =	vst v4;
	v1 =	vor.u32 v0, v1;
	v2 =	vshll.u32 v2, $0x1;
	(pc) =	sbr.rel @p0 .LBB2_6-.Ltmp2, $4  }
0x7d: {  	v4 =	vld [tilespmem:s29+$0x30];
	[tilespmem:s26+$0x40] =	vst v1;
	v2 =	vor.u32 v0, v2;
	v3 =	vshll.u32 v3, $0x1  }
0x7e: {  	v1 =	vld [tilespmem:s29+$0x40];
	[tilespmem:s26+$0x50] =	vst v2;
	v3 =	vor.u32 v0, v3;
	v6 =	vshll.u32 v7, $0x1  }
0x7f: {  	v7 =	vshll.u32 v8, $0x1;
	v2 =	vld [tilespmem:s29+$0x50];
	[tilespmem:s26+$0x60] =	vst v3;
	v8 =	vor.u32 v0, v6  }
0x80: {  	s28 =	sadd.s32 $0x200, s28;
	v6 =	vor.u32 v0, v7;
	v7 =	vshll.u32 v9, $0x1;
	v3 =	vld [tilespmem:s29+$0x60];
	[tilespmem:s26+$0x70] =	vst v8;
	s26 =	smov.u32 s29  }
0x81: {  	[tilespmem:s26+$0x0] =	vst v6;
	v62 =	vor.u32 v0, v7;
	v5 =	vshll.u32 v5, $0x1;
	v63 =	vld [tilespmem:s26+$0x70]  }
0x82: {  	[tilespmem:s26+$0x10] =	vst v62;
	v5 =	vor.u32 v0, v5;
	v4 =	vshll.u32 v4, $0x1  }
0x83: {  	[tilespmem:s26+$0x20] =	vst v5;
	v4 =	vor.u32 v0, v4;
	v1 =	vshll.u32 v1, $0x1  }
0x84: {  	[tilespmem:s26+$0x30] =	vst v4;
	v1 =	vor.u32 v0, v1;
	v2 =	vshll.u32 v2, $0x1  }
0x85: {  	[tilespmem:s26+$0x40] =	vst v1;
	v1 =	vor.u32 v0, v2;
	v2 =	vshll.u32 v3, $0x1  }
0x86: {  	[tilespmem:s26+$0x50] =	vst v1;
	v1 =	vor.u32 v0, v2;
	v2 =	vshll.u32 v63, $0x1  }
0x87: {  	[tilespmem:s26+$0x60] =	vst v1;
	v1 =	vor.u32 v0, v2  }
0x88: {  	s31 =	simm.s32 $0x0;
	[tilespmem:s26+$0x70] =	vst v1  }
0x89: {  	[tilespmem:s17], [sflag:$0x1] =	stream.indirect.gather [hbm4b:s1+s16], $0x80, s31, s16, $0xb8;
	[tilespmem:$0x1E400] =	vst v63  }
0x8a: {  	_ = 	snop  }
0x8b: {  	[tilespmem:s18], [sflag:$0x2] =	stream.indirect.gather [hbm4b:s1+s16], $0x80, s16, s16, $0xb8;
	[tilespmem:$0x1E400] =	vst v63  }
0x8c: {  	_ =	swait.ge [sflag:s19], $0x4000  }
0x8d: {  	[sflag:s19] =	ssyncset.done $0x0  }
0x8e: {  	s29 =	simm.s32 $0x1400;
	[sflag:s19] =	ssyncadd.s32 $0xFFFFC000  }
0x8f: {  	[spmem:s3] =	stream.indirect.scatter.add.f32 [tilespmem:s17], [sflag:$0x3], $0x80, s29, s16, $0xb8;
	[tilespmem:$0x1E400] =	vst v63  }
0x90: {  	_ =	swait.ge [sflag:s14], $0x4000  }
0x91: {  	[sflag:s14] =	ssyncset.done $0x0  }
0x92: {  	s30 =	simm.s32 $0x100;
	[sflag:s14] =	ssyncadd.s32 $0xFFFFC000  }
0x93: {  	[tilespmem:s17], [sflag:$0x1] =	stream.indirect.gather [hbm4b:s1+s16], $0x80, s30, s16, $0xb8;
	[tilespmem:$0x1E400] =	vst v63  }
0x94: {  	_ =	swait.ge [sflag:s20], $0x4000  }
0x95: {  	[sflag:s20] =	ssyncset.done $0x0  }
0x96: {  	s31 =	simm.s32 $0x1480;
	[sflag:s20] =	ssyncadd.s32 $0xFFFFC000  }
0x97: {  	[spmem:s3] =	stream.indirect.scatter.add.f32 [tilespmem:s18], [sflag:$0x3], $0x80, s31, s16, $0xb8;
	[tilespmem:$0x1E400] =	vst v63  }
0x98: {  	_ =	swait.ge [sflag:s14], $0x4000  }
0x99: {  	[sflag:s14] =	ssyncset.done $0x0  }
0x9a: {  	s28 =	simm.s32 $0x180;
	s26 =	simm.s32 $0x400;
	[sflag:s14] =	ssyncadd.s32 $0xFFFFC000  }
.LBB2_8:
0x9b: {  	[tilespmem:s18], [sflag:$0x2] =	stream.indirect.gather [hbm4b:s1+s16], $0x80, s28, s16, $0xb8;
	[tilespmem:$0x1E400] =	vst v63  }
0x9c: {  	s28 =	smov.u32 s26  }
0x9d: {  	p0 =	sne.s32 s26, $0x4800;
	s26 =	sadd.s32 $0x400, s26;
	_ =	swait.ge [sflag:s19], $0x4000  }
0x9e: {  	s28 =	sshra.s32 s28, $0x2;
	[sflag:s19] =	ssyncset.done $0x0  }
0x9f: {  	s29 =	sadd.s32 $0x1400, s28;
	[sflag:s19] =	ssyncadd.s32 $0xFFFFC000  }
0xa0: {  	[spmem:s3] =	stream.indirect.scatter.add.f32 [tilespmem:s17], [sflag:$0x3], $0x80, s29, s16, $0xb8;
	[tilespmem:$0x1E400] =	vst v63  }
0xa1: {  	_ =	swait.ge [sflag:s14], $0x4000  }
0xa2: {  	[sflag:s14] =	ssyncset.done $0x0  }
0xa3: {  	s29 =	sadd.s32 $0x100, s28;
	[sflag:s14] =	ssyncadd.s32 $0xFFFFC000  }
0xa4: {  	[tilespmem:s17], [sflag:$0x1] =	stream.indirect.gather [hbm4b:s1+s16], $0x80, s29, s16, $0xb8;
	[tilespmem:$0x1E400] =	vst v63  }
0xa5: {  	_ =	swait.ge [sflag:s20], $0x4000  }
0xa6: {  	[sflag:s20] =	ssyncset.done $0x0  }
.Ltmp3:
0xa7: {  	s29 =	sadd.s32 $0x1480, s28;
	[sflag:s20] =	ssyncadd.s32 $0xFFFFC000;
	(pc) =	sbr.rel @p0 .LBB2_8-.Ltmp3, $4  }
0xa8: {  	[spmem:s3] =	stream.indirect.scatter.add.f32 [tilespmem:s18], [sflag:$0x3], $0x80, s29, s16, $0xb8;
	[tilespmem:$0x1E400] =	vst v63  }
0xa9: {  	_ =	swait.ge [sflag:s14], $0x4000  }
0xaa: {  	[sflag:s14] =	ssyncset.done $0x0  }
0xab: {  	s28 =	sadd.s32 $0x180, s28;
	[sflag:s14] =	ssyncadd.s32 $0xFFFFC000  }
0xac: {  	[tilespmem:s18], [sflag:$0x2] =	stream.indirect.gather [hbm4b:s1+s16], $0x80, s28, s16, $0xb8;
	[tilespmem:$0x1E400] =	vst v63  }
0xad: {  	_ =	swait.ge [sflag:s19], $0x4000  }
0xae: {  	[sflag:s19] =	ssyncset.done $0x0  }
0xaf: {  	[sflag:s19] =	ssyncadd.s32 $0xFFFFC000  }
0xb0: {  	[spmem:s3] =	stream.indirect.scatter.add.f32 [tilespmem:s17], [sflag:$0x3], $0x80, s21, s16, $0xb8;
	[tilespmem:$0x1E400] =	vst v63  }
0xb1: {  	_ =	swait.ge [sflag:s14], $0x4000  }
0xb2: {  	[sflag:s14] =	ssyncset.done $0x0  }
0xb3: {  	[sflag:s14] =	ssyncadd.s32 $0xFFFFC000  }
0xb4: {  	_ =	swait.ge [sflag:s20], $0x4000  }
0xb5: {  	[sflag:s20] =	ssyncset.done $0x0  }
0xb6: {  	[sflag:s20] =	ssyncadd.s32 $0xFFFFC000  }
0xb7: {  	[spmem:s3] =	stream.indirect.scatter.add.f32 [tilespmem:s18], [sflag:$0x3], $0x80, s22, s16, $0xb8;
	[tilespmem:$0x1E400] =	vst v63  }
0xb8: {  	_ =	swait.ge [sflag:s14], $0x4000  }
0xb9: {  	[sflag:s14] =	ssyncset.done $0x0  }
0xba: {  	s25 =	sadd.s32 $0x1, s25;
	[sflag:s14] =	ssyncadd.s32 $0xFFFFC000  }
0xbb: {  	p0 =	sne.s32 s25, s12;
	[bflag:$0x0] =	sbarrier.arrive $0xFFFF  }
0xbc: {  	[hbm:s11@s24], [sflag:s6] =	dma.strided [spmem:s13@s16], $0x2780, s23, $0x10   }
.Ltmp4:
0xbd: {  	_ =	swait.ge [sflag:s14], $0x2780;
	(pc) =	sbr.rel @p0 .LBB2_1-.Ltmp4, $3  }
0xbe: {  	[sflag:s14] =	ssyncset.done $0x0  }
0xbf: {  	[sflag:s14] =	ssyncadd.s32 $0xFFFFD880  }
0xc0: {  	[bflag:$0x0] =	sbarrier.arrive $0xFFFF;
	_ =	sdelay $0x1  }
0xc1: {  	_ =	sfence.sel $0x180000  }
0xc2: {  	[bflag:$0x0] =	sbarrier.arrive $0xFFFF  }
0xc3: {  	p0 =	sne.s32 s2, $0x0;
	_ =	strace $0x9000004D  }
0xc4: {  	s0 =	sadd.s32 @!p0 $0x100000, s0;
	[bflag:$0x2] =	sbarrier.arrive $0xFFFF  }
0xc5: {  	[sflag:s0] =	ssyncadd.tile.s32 @!p0 $0x1;
	_ =	shalt  }
.Lfunc_end2:
_tile_overlayer_lowered:
.L_overlay_start_2:
0xc6: {  	(tag) =	ssettag $0x2  }
0xc7: {  	s0 =	rddreg [dreg:$0x0];
	s2 =	stileid.u32  }
0xc8: {  	s1 =	rddreg [dreg:$0x1];
	p0 =	sne.s32 s2, $0x0  }
0xc9: {  	s3 =	rddreg [dreg:$0x2];
	[bflag:$0x3] =	sbarrier.arrive $0xFFFF;
	s2 =	simm.s32 @!p0 $0x1C03  }
0xca: {  	[timem:s3], [sflag:s2] =	dma.local @!p0 [hbm:s0], s1  }
0xcb: {  	s0 =	simm.s32 @!p0 $0x3  }
0xcc: {  	_ =	swait.ge @!p0 [sflag:s0], s1  }
0xcd: {  	s1 =	ssub.s32 @!p0 $0x0, s1;
	[sflag:s0] =	ssyncset.done @!p0 $0x0  }
0xce: {  	[sflag:s0] =	ssyncadd.s32 @!p0 s1  }
0xcf: {  	[bflag:$0x3] =	sbarrier.arrive $0xFFFF  }
0xd0: {  	_ =	shalt  }

// kernel: kernel.8.cloned.1.call-start
scs
__scs_entry_jumppad:
0x0: {  	(pc) =	sbr.rel $0x88, $3  }
0x1: {  	(tag) =	ssettag $0x0;
	lr =	simm.s32 $0x1  }
0x2: {  	[smem:$0x3F99] =	sst lr;
	_ =	strace $0xD0000000  }
0x3: {  	_ = 	snop  }
0x4: {  	_ = 	snop  }
0x5: {  	_ = 	snop  }
0x6: {  	_ = 	snop  }
0x7: {  	_ = 	snop  }
__scs_overlays_trampoline_lowered:
0x8: {  	[smem:$0x3FA8] =	sst s0  }
0x9: {  	[smem:$0x3FA9] =	sst s1  }
0xa: {  	[smem:$0x3FAA] =	sst s2  }
0xb: {  	[smem:$0x3FAB] =	sst s3  }
0xc: {  	[smem:$0x3FAC] =	sst s4  }
0xd: {  	[smem:$0x3FAD] =	sst s5  }
0xe: {  	[smem:$0x3FAE] =	sst s6  }
0xf: {  	[smem:$0x3FAF] =	sst s7  }
0x10: {  	[smem:$0x3FB0] =	sst s8  }
0x11: {  	[smem:$0x3FB1] =	sst s9;
	s0 =	simm.s32 @!p0 $0x0  }
0x12: {  	s1 =	sld [smem:$0x3F97];
	s0 =	simm.s32 @p0 $0x1  }
0x13: {  	[smem:$0x3FB2] =	sst s0;
	s0 =	simm.s32 @!p1 $0x0  }
0x14: {  	s2 =	sld [smem:$0x3F96];
	s0 =	simm.s32 @p1 $0x1  }
0x15: {  	[smem:$0x3FB3] =	sst s0;
	s0 =	simm.s32 @!p2 $0x0  }
0x16: {  	s3 =	sld [smem:$0x3FDB];
	s0 =	simm.s32 @p2 $0x1  }
0x17: {  	s4 =	simm.s32 $0x1BF5;
	[smem:$0x3FB5] =	sst s0  }
0x18: {  	s0 =	sld [smem:$0x3F98];
	_ =	swait.ge [sflag:s4], $0x0  }
0x19: {  	s7 =	sld [smem:$0x3F99]  }
0x1a: {  	s8 =	sadd.s32 $0xFFFFE003, lr  }
0x1b: {  	s9 =	sadd.s32 $0xFFFFFEF7, lr;
	s5 =	simm.s32 $0xFFFFFFFF;
	p2 =	slt.u32 s8, $0xFFFFF086  }
0x1c: {  	p1 =	slt.u32 s9, $0xF7A;
	s5 =	simm.s32 @!p2 $0x0  }
0x1d: {  	s5 =	simm.s32 @p1 $0x1;
	p0 =	seq.s32 s7, s2  }
0x1e: {  	s7 =	smul.u32 @!p0 $0xF7A, s2;
	p2 =	seq.s32 @!p0 s5, $0x0  }
0x1f: {  	s9 =	smul.u32 $0xF7A, s1;
	s8 =	simm.s32 @!p0 $0x1BF5;
	p2 =	por !p2, p0  }
0x20: {  	[sflag:s8] =	ssyncset.s32 @!p0 $0xFFFFF086;
	s6 =	sadd.s32 @!p0 s3, s7;
	s7 =	simm.s32 @!p0 $0x108  }
0x21: {  	s3 =	sadd.s32 s3, s9;
	s6 =	sadd.s32 @!p0 $0x88, s6;
	s7 =	simm.s32 @p2 $0x1082  }
0x22: {  	[simem:s7], [sflag:s8] =	dma.local @!p0 [hbm:s6], $0xF7A  }
0x23: {  	s9 =	sor.u32 $0xD0000000, s2;
	s6 =	simm.s32 $0x108;
	_ =	swait.ge @!p0 [sflag:s8], $0x0  }
0x24: {  	s3 =	sadd.s32 $0x88, s3;
	s6 =	simm.s32 @!p1 $0x1082;
	[sflag:s4] =	ssyncset.s32 $0xFFFFF086  }
0x25: {  	[simem:s6], [sflag:s4] =	dma.local [hbm:s3], $0xF7A  }
0x26: {  	[smem:$0x3F99] =	sst s1;
	(tag) =	ssettag s2;
	_ =	strace s9  }
0x27: {  	s1 =	sld [smem:$0x3FA9]  }
0x28: {  	s2 =	sld [smem:$0x3FAA]  }
0x29: {  	s4 =	sld [smem:$0x3FAC]  }
0x2a: {  	p0 =	seq.s32 s5, $0x0;
	s5 =	sld [smem:$0x3FAD]  }
0x2b: {  	s6 =	sld [smem:$0x3FAE]  }
0x2c: {  	s7 =	sld [smem:$0x3FAF]  }
0x2d: {  	s3 =	simm.s32 $0x108;
	s8 =	sld [smem:$0x3FB0]  }
0x2e: {  	s3 =	simm.s32 @!p0 $0x1082;
	s9 =	sld [smem:$0x3FB1]  }
0x2f: {  	lr =	sadd.s32 s0, s3;
	s0 =	sld [smem:$0x3FA8]  }
0x30: {  	s3 =	sld [smem:$0x3FAB]  }
0x31: {  	[smem:$0x3FB4] =	sst s10  }
0x32: {  	s10 =	sld [smem:$0x3FB2];
	_ =	sdelay $0x3  }
0x33: {  	p0 =	seq.s32 s10, $0x1;
	s10 =	sld [smem:$0x3FB4];
	_ =	sdelay $0x3  }
0x34: {  	[smem:$0x3FB4] =	sst s10  }
0x35: {  	s10 =	sld [smem:$0x3FB3];
	_ =	sdelay $0x3  }
0x36: {  	p1 =	seq.s32 s10, $0x1;
	s10 =	sld [smem:$0x3FB4];
	_ =	sdelay $0x3  }
0x37: {  	[smem:$0x3FB4] =	sst s10  }
0x38: {  	s10 =	sld [smem:$0x3FB5]  }
0x39: {  	_ = 	snop;
	(pc) =	sbr.ind lr, $3  }
0x3a: {  	_ = 	snop  }
0x3b: {  	_ = 	snop  }
0x3c: {  	p2 =	seq.s32 s10, $0x1;
	s10 =	sld [smem:$0x3FB4]  }
0x3d: {  	_ =	shalt  }
0x3e: {  	_ =	shalt  }
0x3f: {  	_ =	shalt  }
0x40: {  	_ =	shalt  }
0x41: {  	_ =	shalt  }
0x42: {  	_ =	shalt  }
0x43: {  	_ =	shalt  }
0x44: {  	_ =	shalt  }
0x45: {  	_ =	shalt  }
0x46: {  	_ =	shalt  }
0x47: {  	_ =	shalt  }
0x48: {  	_ =	shalt  }
0x49: {  	_ =	shalt  }
0x4a: {  	_ =	shalt  }
0x4b: {  	_ =	shalt  }
0x4c: {  	_ =	shalt  }
0x4d: {  	_ =	shalt  }
0x4e: {  	_ =	shalt  }
0x4f: {  	_ =	shalt  }
0x50: {  	_ =	shalt  }
0x51: {  	_ =	shalt  }
0x52: {  	_ =	shalt  }
0x53: {  	_ =	shalt  }
0x54: {  	_ =	shalt  }
0x55: {  	_ =	shalt  }
0x56: {  	_ =	shalt  }
0x57: {  	_ =	shalt  }
0x58: {  	_ =	shalt  }
0x59: {  	_ =	shalt  }
0x5a: {  	_ =	shalt  }
0x5b: {  	_ =	shalt  }
0x5c: {  	_ =	shalt  }
0x5d: {  	_ =	shalt  }
0x5e: {  	_ =	shalt  }
0x5f: {  	_ =	shalt  }
0x60: {  	_ =	shalt  }
0x61: {  	_ =	shalt  }
0x62: {  	_ =	shalt  }
0x63: {  	_ =	shalt  }
0x64: {  	_ =	shalt  }
0x65: {  	_ =	shalt  }
0x66: {  	_ =	shalt  }
0x67: {  	_ =	shalt  }
0x68: {  	_ =	shalt  }
0x69: {  	_ =	shalt  }
0x6a: {  	_ =	shalt  }
0x6b: {  	_ =	shalt  }
0x6c: {  	_ =	shalt  }
0x6d: {  	_ =	shalt  }
0x6e: {  	_ =	shalt  }
0x6f: {  	_ =	shalt  }
0x70: {  	_ =	shalt  }
0x71: {  	_ =	shalt  }
0x72: {  	_ =	shalt  }
0x73: {  	_ =	shalt  }
0x74: {  	_ =	shalt  }
0x75: {  	_ =	shalt  }
0x76: {  	_ =	shalt  }
0x77: {  	_ =	shalt  }
0x78: {  	_ =	shalt  }
0x79: {  	_ =	shalt  }
0x7a: {  	_ =	shalt  }
0x7b: {  	_ =	shalt  }
0x7c: {  	_ =	shalt  }
0x7d: {  	_ =	shalt  }
0x7e: {  	_ =	shalt  }
0x7f: {  	_ =	shalt  }
0x80: {  	_ =	shalt  }
0x81: {  	_ =	shalt  }
0x82: {  	_ =	shalt  }
0x83: {  	_ =	shalt  }
0x84: {  	_ =	shalt  }
0x85: {  	_ =	shalt  }
0x86: {  	_ =	shalt  }
0x87: {  	_ =	shalt  }
.Lfunc_end0:
.L_simem_size_0:
called_computation_lowered:
.L_overlay_start_0:
0x88: {  	s2 =	sld [smem:$0x3FD9]  }
0x89: {  	s3 =	sld [smem:$0x3FFE];
	_ =	sdelay $0x1  }
0x8a: {  	s1 =	srdreg.scid  }
0x8b: {  	s0 =	sand.u32 $0x1, s1  }
0x8c: {  	s17 =	sshll.u32 s0, $0xA;
	s2 =	sadd.s32 s3, s2  }
0x8d: {  	s2 =	sadd.s32 s2, s17  }
0x8e: {  	[smem:$0x3FC0] =	sst s2  }
0x8f: {  	_ = 	snop  }
0x90: {  	s2 =	sld [smem:$0x3FD0];
	(tm) =	ssettm $0x1  }
0x91: {  	s18 =	sld [smem:$0x3FFB];
	_ =	sdelay $0x3  }
0x92: {  	_ =	strace s18  }
0x93: {  	s3 =	sld [smem:$0x3FFC];
	_ =	sdelay $0x3  }
0x94: {  	_ =	strace s3  }
0x95: {  	s3 =	sld [smem:$0x3FFD];
	_ =	sdelay $0x3  }
0x96: {  	_ =	strace s3  }
0x97: {  	_ =	strace $0x8FFFFFFF  }
0x98: {  	s19 =	sld [smem:$0x3FDB];
	_ =	sdelay $0x1  }
0x99: {  	s4 =	simm.s32 $_scs_section_size  }
0x9a: {  	s5 =	simm.s32 $_size__tile_overlayer_lowered;
	s6 =	simm.s32 $_tile_overlayer_lowered  }
0x9b: {  	s22 =	simm.s32 $0x1BFF;
	s21 =	sshll.u32 s6, $0x1;
	s3 =	sadd.s32 s4, s19  }
0x9c: {  	s7 =	simm.s32 $0x0;
	s20 =	sshll.u32 s5, $0x1;
	s5 =	sadd.s32 s21, s3  }
0x9d: {  	[timem:s7], [sflag:s22] =	dma.local [hbm:s5], s20  }
0x9e: {  	_ =	swait.ge [sflag:s22], s20  }
0x9f: {  	s4 =	ssub.s32 $0x0, s20;
	[sflag:s22] =	ssyncset.done $0x0  }
0xa0: {  	[sflag:s22] =	ssyncadd.s32 s4;
	_ =	sdelay $0x1  }
0xa1: {  	s23 =	simm.s32 $0x1B8B  }
0xa2: {  	_ =	swait.ge [sflag:s23], $0x1  }
0xa3: {  	[sflag:s23] =	ssyncset.done $0x0  }
0xa4: {  	s25 =	simm.s32 $0x1B8E;
	s24 =	sld [smem:$0x3FFE];
	[sflag:s23] =	ssyncadd.s32 $0xFFFFFFFF  }
0xa5: {  	s26 =	simm.s32 $execute0_lowered;
	[smem:$0x3FD2] =	sst s25  }
0xa6: {  	s5 =	sshll.u32 s26, $0x1;
	_ =	strace $0x80000046;
	[dreg:$0x1] =	wrdreg $0xFFFFFFFF  }
0xa7: {  	s28 =	simm.s32 $_size_execute0_lowered;
	s3 =	sadd.s32 s3, s5;
	[dreg:$0x0] =	wrdreg $0x0  }
0xa8: {  	s5 =	sshll.u32 s28, $0x1;
	[dreg:$0x2] =	wrdreg s3  }
0xa9: {  	[dreg:$0x3] =	wrdreg s5  }
0xaa: {  	[dreg:$0x4] =	wrdreg $0xC0  }
0xab: {  	_ =	task [dreg:s7], $0x5FFFF  }
0xac: {  	[dreg:$0x1] =	wrdreg $0xFFFFFFFF  }
0xad: {  	[dreg:$0x0] =	wrdreg $0x60  }
0xae: {  	[dreg:$0x2] =	wrdreg s2  }
0xaf: {  	[dreg:$0x3] =	wrdreg s24  }
0xb0: {  	[dreg:$0x4] =	wrdreg $0xA8000  }
0xb1: {  	[dreg:$0x5] =	wrdreg $0x9  }
0xb2: {  	_ =	task.clear_ibuf [dreg:s7], $0x6FFFF;
	_ =	strace $0x90000046  }
0xb3: {  	s29 =	simm.s32 $0x9;
	_ =	strace $0x80000048  }
0xb4: {  	_ =	swait.ge [sflag:s29], $0x1  }
0xb5: {  	[sflag:s29] =	ssyncadd.s32 $0xFFFFFFFF  }
0xb6: {  	_ =	strace $0x90000048  }
0xb7: {  	_ =	sfence  }
0xb8: {  	s30 =	sld [smem:$0x0];
	_ =	sdelay $0x2  }
0xb9: {  	s31 =	sshll.u32 s1, $0xD;
	s1 =	sshrl.u32 s1, $0x2  }
0xba: {  	s3 =	sand.u32 $0x4000, s31;
	s1 =	sadd.s32 s1, s30  }
0xbb: {  	s0 =	sor.u32 s3, s0;
	s1 =	sshll.u32 s1, $0x11  }
0xbc: {  	s0 =	sor.u32 s1, s0  }
0xbd: {  	s0 =	sadd.s32 $0x8F2B, s0  }
0xbe: {  	[sflag:s0] =	ssyncadd.remote.s32 $0x1  }
0xbf: {  	_ =	sfence.sel $0xFFFF  }
0xc0: {  	[dreg:$0x0] =	wrdreg $0xFFFFFFFF;
	(pc) =	sbr.abs _section_cstart, $3  }
0xc1: {  	[dreg:$0x1] =	wrdreg $0xFFFFFFFF  }
0xc2: {  	_ =	task.clear_ibuf [dreg:s7], $0x2FFFF;
	_ =	strace $0x9FFFFFFF  }
0xc3: {  	(tm) =	ssettm $0x7FFFFFFF  }
tec
execute0_lowered:
.L_overlay_start_1:
0x0: {  	(tag) =	ssettag $0x1  }
0x1: {  	s1 =	rddreg [dreg:$0x0]  }
0x2: {  	s5 =	rddreg [dreg:$0x1]  }
0x3: {  	s3 =	rddreg [dreg:$0x2]  }
0x4: {  	s0 =	rddreg [dreg:$0x3]  }
0x5: {  	s4 =	simm.s32 $0x0;
	s2 =	stileid.u32;
	s6 =	srdreg.scid  }
0x6: {  	s18 =	simm.s32 $0x80;
	s19 =	simm.s32 $0x2800;
	s20 =	simm.s32 $0x6800  }
0x7: {  	s21 =	simm.s32 $0x1;
	s28 =	simm.s32 $0x0;
	s22 =	smul.u32 $0x27800, s2  }
0x8: {  	[smem:$0x7FF] =	sst s4;
	s25 =	sand.u32 $0x1, s6;
	s8 =	smul.u32 $0x2780, s2  }
0x9: {  	s9 =	sadd.s32 $0x2A00, s5;
	s12 =	sadd.s32 $0x7A00, s5;
	s10 =	smul.u32 $0x4F000, s2  }
0xa: {  	s29 =	smul.u32 $0x2800, s2;
	s30 =	sshll.u32 s2, $0x6;
	_ =	strace $0x80000047  }
0xb: {  	s7 =	sshll.u32 s25, $0xA;
	s23 =	ssub.s32 $0x2, s25;
	s11 =	smul.u32 $0x1400, s25  }
0xc: {  	v0 =	vmov s25;
	s25 =	simm.s32 $0x8;
	s6 =	sor.u32 s7, s22;
	s8 =	sadd.s32 s8, s5  }
0xd: {  	s24 =	sshrl.u32 s23, $0x1;
	s26 =	sshrl.u32 s10, $0x2;
	s31 =	sshrl.u32 s29, $0x3  }
0xe: {  	s22 =	simm.s32 $0x2;
	s6 =	sshrl.u32 s6, $0x3;
	s14 =	ssub.s32 s23, s24  }
0xf: {  	s15 =	sadd.s32 s26, s3;
	s7 =	sadd.s32 s9, s31;
	s16 =	sadd.s32 $0x280, s31  }
0x10: {  	s10 =	sadd.s32 s11, s29;
	s23 =	simm.s32 $0x2700;
	s24 =	simm.s32 $0x2780  }
0x11: {  	s26 =	simm.s32 $0x100;
	s13 =	sadd.s32 s6, s5;
	s5 =	sadd.s32 $0xCA00, s8  }
0x12: {  	s6 =	sor.u32 $0x1C03, s30;
	s8 =	sadd.s32 s12, s31;
	s9 =	sadd.s32 s9, s16  }
0x13: {  	s17 =	sshrl.u32 s10, $0x3;
	s10 =	sadd.s32 s12, s16;
	s14 =	smax.u32 s14, $0x1  }
0x14: {  	s15 =	sshrl.u32 s15, $0x3;
	s16 =	simm.s32 $0x3;
	s11 =	sadd.s32 $0x34200, s13  }
0x15: {  	v1 =	vimm.f32 $1.000000000e+00;
	s12 =	sadd.s32 s12, s17;
	s13 =	sadd.s32 $0x83200, s13;
	s17 =	simm.s32 $0x1400  }
.LBB2_1:
0x16: {  	[spmem:s15], [sflag:s6] =	dma.local [hbm:s5], $0x2780  }
0x17: {  	_ =	swait.ge [sflag:s16], $0x2780  }
0x18: {  	[sflag:s16] =	ssyncset.done $0x0  }
0x19: {  	[sflag:s16] =	ssyncadd.s32 $0xFFFFD880  }
0x1a: {  	[bflag:$0x0] =	sbarrier.arrive $0xFFFF  }
0x1b: {  	[tilespmem:s4], [sflag:$0x3] =	stream.linear.gather [hbm4b:s7+s4], $0x1400, $0x38;
	[tilespmem:$0x1E400] =	vst v63  }
0x1c: {  	_ =	swait.ge [sflag:s16], $0x1400  }
0x1d: {  	[sflag:s16] =	ssyncset.done $0x0  }
0x1e: {  	[sflag:s16] =	ssyncadd.s32 $0xFFFFEC00  }
0x1f: {  	[tilespmem:s17], [sflag:$0x3] =	stream.linear.gather [hbm4b:s8+s4], $0x1400, $0x38;
	[tilespmem:$0x1E400] =	vst v63  }
0x20: {  	_ =	swait.ge [sflag:s16], $0x1400  }
0x21: {  	[sflag:s16] =	ssyncset.done $0x0  }
0x22: {  	s29 =	simm.s32 $0x0;
	[sflag:s16] =	ssyncadd.s32 $0xFFFFEC00  }
0x23: {  	v3 =	vld [tilespmem:s29+$0x0]  }
0x24: {  	v4 =	vld [tilespmem:s29+$0x10]  }
0x25: {  	v6 =	vld [tilespmem:s29+$0x20]  }
0x26: {  	v5 =	vld [tilespmem:s29+$0x30]  }
0x27: {  	v2 =	vld [tilespmem:s29+$0x40]  }
0x28: {  	v7 =	vshll.u32 v3, $0x1;
	v3 =	vld [tilespmem:s29+$0x50]  }
0x29: {  	s30 =	simm.s32 $0x200;
	v8 =	vshll.u32 v4, $0x1;
	v4 =	vld [tilespmem:s29+$0x60];
	v7 =	vor.u32 v0, v7  }
.LBB2_2:
0x2a: {  	s31 =	sshra.s32 s30, $0x2;
	p0 =	sne.s32 s30, $0x4E00;
	[tilespmem:s29+$0x0] =	vst v7;
	v7 =	vor.u32 v0, v8;
	v6 =	vshll.u32 v6, $0x1;
	v8 =	vld [tilespmem:s29+$0x70]  }
0x2b: {  	v9 =	vld [tilespmem:s31+$0x0];
	[tilespmem:s29+$0x10] =	vst v7;
	v6 =	vor.u32 v0, v6;
	v5 =	vshll.u32 v5, $0x1  }
0x2c: {  	v10 =	vld [tilespmem:s31+$0x10];
	[tilespmem:s29+$0x20] =	vst v6;
	v5 =	vor.u32 v0, v5;
	v2 =	vshll.u32 v2, $0x1  }
.Ltmp0:
0x2d: {  	v6 =	vld [tilespmem:s31+$0x20];
	[tilespmem:s29+$0x30] =	vst v5;
	v2 =	vor.u32 v0, v2;
	v3 =	vshll.u32 v3, $0x1;
	(pc) =	sbr.rel @p0 .LBB2_2-.Ltmp0, $4  }
0x2e: {  	v5 =	vld [tilespmem:s31+$0x30];
	[tilespmem:s29+$0x40] =	vst v2;
	v3 =	vor.u32 v0, v3;
	v4 =	vshll.u32 v4, $0x1  }
0x2f: {  	v2 =	vld [tilespmem:s31+$0x40];
	[tilespmem:s29+$0x50] =	vst v3;
	v4 =	vor.u32 v0, v4;
	v7 =	vshll.u32 v8, $0x1  }
0x30: {  	v8 =	vshll.u32 v9, $0x1;
	v3 =	vld [tilespmem:s31+$0x50];
	[tilespmem:s29+$0x60] =	vst v4;
	v9 =	vor.u32 v0, v7  }
0x31: {  	s30 =	sadd.s32 $0x200, s30;
	v7 =	vor.u32 v0, v8;
	v8 =	vshll.u32 v10, $0x1;
	v4 =	vld [tilespmem:s31+$0x60];
	[tilespmem:s29+$0x70] =	vst v9;
	s29 =	smov.u32 s31  }
0x32: {  	[tilespmem:s29+$0x0] =	vst v7;
	v62 =	vor.u32 v0, v8;
	v6 =	vshll.u32 v6, $0x1;
	v63 =	vld [tilespmem:s29+$0x70]  }
0x33: {  	[tilespmem:s29+$0x10] =	vst v62;
	v6 =	vor.u32 v0, v6;
	v5 =	vshll.u32 v5, $0x1  }
0x34: {  	[tilespmem:s29+$0x20] =	vst v6;
	v5 =	vor.u32 v0, v5;
	v2 =	vshll.u32 v2, $0x1  }
0x35: {  	[tilespmem:s29+$0x30] =	vst v5;
	v2 =	vor.u32 v0, v2;
	v3 =	vshll.u32 v3, $0x1  }
0x36: {  	[tilespmem:s29+$0x40] =	vst v2;
	v2 =	vor.u32 v0, v3;
	v3 =	vshll.u32 v4, $0x1  }
0x37: {  	[tilespmem:s29+$0x50] =	vst v2;
	v2 =	vor.u32 v0, v3;
	v3 =	vshll.u32 v63, $0x1  }
0x38: {  	[tilespmem:s29+$0x60] =	vst v2;
	v2 =	vor.u32 v0, v3  }
0x39: {  	[tilespmem:s29+$0x70] =	vst v2;
	s29 =	simm.s32 $0x0  }
0x3a: {  	[tilespmem:s19], [sflag:$0x1] =	stream.indirect.gather [hbm4b:s1+s18], $0x80, s29, s18, $0xb8;
	[tilespmem:$0x1E400] =	vst v63  }
0x3b: {  	_ = 	snop  }
0x3c: {  	[tilespmem:s20], [sflag:$0x2] =	stream.indirect.gather [hbm4b:s1+s18], $0x80, s18, s18, $0xb8;
	[tilespmem:$0x1E400] =	vst v63  }
0x3d: {  	_ =	swait.ge [sflag:s21], $0x4000  }
0x3e: {  	[sflag:s21] =	ssyncset.done $0x0  }
0x3f: {  	s29 =	simm.s32 $0x1400;
	[sflag:s21] =	ssyncadd.s32 $0xFFFFC000  }
0x40: {  	[spmem:s3] =	stream.indirect.scatter.add.f32 [tilespmem:s19], [sflag:$0x3], $0x80, s29, s18, $0xb8;
	[tilespmem:$0x1E400] =	vst v63  }
0x41: {  	_ =	swait.ge [sflag:s16], $0x4000  }
0x42: {  	[sflag:s16] =	ssyncset.done $0x0  }
0x43: {  	s29 =	simm.s32 $0x100;
	[sflag:s16] =	ssyncadd.s32 $0xFFFFC000  }
0x44: {  	[tilespmem:s19], [sflag:$0x1] =	stream.indirect.gather [hbm4b:s1+s18], $0x80, s29, s18, $0xb8;
	[tilespmem:$0x1E400] =	vst v63  }
0x45: {  	_ =	swait.ge [sflag:s22], $0x4000  }
0x46: {  	[sflag:s22] =	ssyncset.done $0x0  }
0x47: {  	s29 =	simm.s32 $0x1480;
	[sflag:s22] =	ssyncadd.s32 $0xFFFFC000  }
0x48: {  	[spmem:s3] =	stream.indirect.scatter.add.f32 [tilespmem:s20], [sflag:$0x3], $0x80, s29, s18, $0xb8;
	[tilespmem:$0x1E400] =	vst v63  }
0x49: {  	_ =	swait.ge [sflag:s16], $0x4000  }
0x4a: {  	[sflag:s16] =	ssyncset.done $0x0  }
0x4b: {  	s30 =	simm.s32 $0x180;
	s29 =	simm.s32 $0x400;
	[sflag:s16] =	ssyncadd.s32 $0xFFFFC000  }
.LBB2_4:
0x4c: {  	[tilespmem:s20], [sflag:$0x2] =	stream.indirect.gather [hbm4b:s1+s18], $0x80, s30, s18, $0xb8;
	[tilespmem:$0x1E400] =	vst v63  }
0x4d: {  	s30 =	smov.u32 s29  }
0x4e: {  	p0 =	sne.s32 s29, $0x4800;
	s29 =	sadd.s32 $0x400, s29;
	_ =	swait.ge [sflag:s21], $0x4000  }
0x4f: {  	s30 =	sshra.s32 s30, $0x2;
	[sflag:s21] =	ssyncset.done $0x0  }
0x50: {  	s31 =	sadd.s32 $0x1400, s30;
	[sflag:s21] =	ssyncadd.s32 $0xFFFFC000  }
0x51: {  	[spmem:s3] =	stream.indirect.scatter.add.f32 [tilespmem:s19], [sflag:$0x3], $0x80, s31, s18, $0xb8;
	[tilespmem:$0x1E400] =	vst v63  }
0x52: {  	_ =	swait.ge [sflag:s16], $0x4000  }
0x53: {  	[sflag:s16] =	ssyncset.done $0x0  }
0x54: {  	s31 =	sadd.s32 $0x100, s30;
	[sflag:s16] =	ssyncadd.s32 $0xFFFFC000  }
0x55: {  	[tilespmem:s19], [sflag:$0x1] =	stream.indirect.gather [hbm4b:s1+s18], $0x80, s31, s18, $0xb8;
	[tilespmem:$0x1E400] =	vst v63  }
0x56: {  	_ =	swait.ge [sflag:s22], $0x4000  }
0x57: {  	[sflag:s22] =	ssyncset.done $0x0  }
.Ltmp1:
0x58: {  	s31 =	sadd.s32 $0x1480, s30;
	[sflag:s22] =	ssyncadd.s32 $0xFFFFC000;
	(pc) =	sbr.rel @p0 .LBB2_4-.Ltmp1, $4  }
0x59: {  	[spmem:s3] =	stream.indirect.scatter.add.f32 [tilespmem:s20], [sflag:$0x3], $0x80, s31, s18, $0xb8;
	[tilespmem:$0x1E400] =	vst v63  }
0x5a: {  	_ =	swait.ge [sflag:s16], $0x4000  }
0x5b: {  	[sflag:s16] =	ssyncset.done $0x0  }
0x5c: {  	s30 =	sadd.s32 $0x180, s30;
	[sflag:s16] =	ssyncadd.s32 $0xFFFFC000  }
0x5d: {  	[tilespmem:s20], [sflag:$0x2] =	stream.indirect.gather [hbm4b:s1+s18], $0x80, s30, s18, $0xb8;
	[tilespmem:$0x1E400] =	vst v63  }
0x5e: {  	_ =	swait.ge [sflag:s21], $0x4000  }
0x5f: {  	[sflag:s21] =	ssyncset.done $0x0  }
0x60: {  	[sflag:s21] =	ssyncadd.s32 $0xFFFFC000  }
0x61: {  	[spmem:s3] =	stream.indirect.scatter.add.f32 [tilespmem:s19], [sflag:$0x3], $0x80, s23, s18, $0xb8;
	[tilespmem:$0x1E400] =	vst v63  }
0x62: {  	_ =	swait.ge [sflag:s16], $0x4000  }
0x63: {  	[sflag:s16] =	ssyncset.done $0x0  }
0x64: {  	[sflag:s16] =	ssyncadd.s32 $0xFFFFC000  }
0x65: {  	_ =	swait.ge [sflag:s22], $0x4000  }
0x66: {  	[sflag:s22] =	ssyncset.done $0x0  }
0x67: {  	[sflag:s22] =	ssyncadd.s32 $0xFFFFC000  }
0x68: {  	[spmem:s3] =	stream.indirect.scatter.add.f32 [tilespmem:s20], [sflag:$0x3], $0x80, s24, s18, $0xb8;
	[tilespmem:$0x1E400] =	vst v63  }
0x69: {  	_ =	swait.ge [sflag:s16], $0x4000  }
0x6a: {  	[sflag:s16] =	ssyncset.done $0x0  }
0x6b: {  	s29 =	simm.s32 $0x0;
	[sflag:s16] =	ssyncadd.s32 $0xFFFFC000  }
0x6c: {  	[tilespmem:s29], [sflag:$0x3] =	stream.linear.gather [hbm4b:s9+s29], $0x1400, $0x38;
	[tilespmem:$0x1E400] =	vst v63  }
0x6d: {  	_ =	swait.ge [sflag:s16], $0x1400  }
0x6e: {  	[sflag:s16] =	ssyncset.done $0x0  }
0x6f: {  	[sflag:s16] =	ssyncadd.s32 $0xFFFFEC00  }
0x70: {  	[tilespmem:s17], [sflag:$0x3] =	stream.linear.gather [hbm4b:s10+s29], $0x1400, $0x38;
	[tilespmem:$0x1E400] =	vst v63  }
0x71: {  	_ =	swait.ge [sflag:s16], $0x1400  }
0x72: {  	[sflag:s16] =	ssyncset.done $0x0  }
0x73: {  	s29 =	simm.s32 $0x0;
	[sflag:s16] =	ssyncadd.s32 $0xFFFFEC00  }
0x74: {  	v3 =	vld [tilespmem:s29+$0x0]  }
0x75: {  	v4 =	vld [tilespmem:s29+$0x10]  }
0x76: {  	v6 =	vld [tilespmem:s29+$0x20]  }
0x77: {  	v5 =	vld [tilespmem:s29+$0x30]  }
0x78: {  	v2 =	vld [tilespmem:s29+$0x40]  }
0x79: {  	v7 =	vshll.u32 v3, $0x1;
	v3 =	vld [tilespmem:s29+$0x50]  }
0x7a: {  	s30 =	simm.s32 $0x200;
	v8 =	vshll.u32 v4, $0x1;
	v4 =	vld [tilespmem:s29+$0x60];
	v7 =	vor.u32 v0, v7  }
.LBB2_6:
0x7b: {  	s31 =	sshra.s32 s30, $0x2;
	p0 =	sne.s32 s30, $0x4E00;
	[tilespmem:s29+$0x0] =	vst v7;
	v7 =	vor.u32 v0, v8;
	v6 =	vshll.u32 v6, $0x1;
	v8 =	vld [tilespmem:s29+$0x70]  }
0x7c: {  	v9 =	vld [tilespmem:s31+$0x0];
	[tilespmem:s29+$0x10] =	vst v7;
	v6 =	vor.u32 v0, v6;
	v5 =	vshll.u32 v5, $0x1  }
0x7d: {  	v10 =	vld [tilespmem:s31+$0x10];
	[tilespmem:s29+$0x20] =	vst v6;
	v5 =	vor.u32 v0, v5;
	v2 =	vshll.u32 v2, $0x1  }
.Ltmp2:
0x7e: {  	v6 =	vld [tilespmem:s31+$0x20];
	[tilespmem:s29+$0x30] =	vst v5;
	v2 =	vor.u32 v0, v2;
	v3 =	vshll.u32 v3, $0x1;
	(pc) =	sbr.rel @p0 .LBB2_6-.Ltmp2, $4  }
0x7f: {  	v5 =	vld [tilespmem:s31+$0x30];
	[tilespmem:s29+$0x40] =	vst v2;
	v3 =	vor.u32 v0, v3;
	v4 =	vshll.u32 v4, $0x1  }
0x80: {  	v2 =	vld [tilespmem:s31+$0x40];
	[tilespmem:s29+$0x50] =	vst v3;
	v4 =	vor.u32 v0, v4;
	v7 =	vshll.u32 v8, $0x1  }
0x81: {  	v8 =	vshll.u32 v9, $0x1;
	v3 =	vld [tilespmem:s31+$0x50];
	[tilespmem:s29+$0x60] =	vst v4;
	v9 =	vor.u32 v0, v7  }
0x82: {  	s30 =	sadd.s32 $0x200, s30;
	v7 =	vor.u32 v0, v8;
	v8 =	vshll.u32 v10, $0x1;
	v4 =	vld [tilespmem:s31+$0x60];
	[tilespmem:s29+$0x70] =	vst v9;
	s29 =	smov.u32 s31  }
0x83: {  	[tilespmem:s29+$0x0] =	vst v7;
	v62 =	vor.u32 v0, v8;
	v6 =	vshll.u32 v6, $0x1;
	v63 =	vld [tilespmem:s29+$0x70]  }
0x84: {  	[tilespmem:s29+$0x10] =	vst v62;
	v6 =	vor.u32 v0, v6;
	v5 =	vshll.u32 v5, $0x1  }
0x85: {  	[tilespmem:s29+$0x20] =	vst v6;
	v5 =	vor.u32 v0, v5;
	v2 =	vshll.u32 v2, $0x1  }
0x86: {  	[tilespmem:s29+$0x30] =	vst v5;
	v2 =	vor.u32 v0, v2;
	v3 =	vshll.u32 v3, $0x1  }
0x87: {  	[tilespmem:s29+$0x40] =	vst v2;
	v2 =	vor.u32 v0, v3;
	v3 =	vshll.u32 v4, $0x1  }
0x88: {  	[tilespmem:s29+$0x50] =	vst v2;
	v2 =	vor.u32 v0, v3;
	v3 =	vshll.u32 v63, $0x1  }
0x89: {  	[tilespmem:s29+$0x60] =	vst v2;
	v2 =	vor.u32 v0, v3  }
0x8a: {  	[tilespmem:s29+$0x70] =	vst v2;
	s29 =	simm.s32 $0x0  }
0x8b: {  	[tilespmem:s19], [sflag:$0x1] =	stream.indirect.gather [hbm4b:s1+s18], $0x80, s29, s18, $0xb8;
	[tilespmem:$0x1E400] =	vst v63  }
0x8c: {  	_ = 	snop  }
0x8d: {  	[tilespmem:s20], [sflag:$0x2] =	stream.indirect.gather [hbm4b:s1+s18], $0x80, s18, s18, $0xb8;
	[tilespmem:$0x1E400] =	vst v63  }
0x8e: {  	_ =	swait.ge [sflag:s21], $0x4000  }
0x8f: {  	[sflag:s21] =	ssyncset.done $0x0  }
0x90: {  	s29 =	simm.s32 $0x1400;
	[sflag:s21] =	ssyncadd.s32 $0xFFFFC000  }
0x91: {  	[spmem:s3] =	stream.indirect.scatter.add.f32 [tilespmem:s19], [sflag:$0x3], $0x80, s29, s18, $0xb8;
	[tilespmem:$0x1E400] =	vst v63  }
0x92: {  	_ =	swait.ge [sflag:s16], $0x4000  }
0x93: {  	[sflag:s16] =	ssyncset.done $0x0  }
0x94: {  	s29 =	simm.s32 $0x100;
	[sflag:s16] =	ssyncadd.s32 $0xFFFFC000  }
0x95: {  	[tilespmem:s19], [sflag:$0x1] =	stream.indirect.gather [hbm4b:s1+s18], $0x80, s29, s18, $0xb8;
	[tilespmem:$0x1E400] =	vst v63  }
0x96: {  	_ =	swait.ge [sflag:s22], $0x4000  }
0x97: {  	[sflag:s22] =	ssyncset.done $0x0  }
0x98: {  	s29 =	simm.s32 $0x1480;
	[sflag:s22] =	ssyncadd.s32 $0xFFFFC000  }
0x99: {  	[spmem:s3] =	stream.indirect.scatter.add.f32 [tilespmem:s20], [sflag:$0x3], $0x80, s29, s18, $0xb8;
	[tilespmem:$0x1E400] =	vst v63  }
0x9a: {  	_ =	swait.ge [sflag:s16], $0x4000  }
0x9b: {  	[sflag:s16] =	ssyncset.done $0x0  }
0x9c: {  	s30 =	simm.s32 $0x180;
	s29 =	simm.s32 $0x400;
	[sflag:s16] =	ssyncadd.s32 $0xFFFFC000  }
.LBB2_8:
0x9d: {  	[tilespmem:s20], [sflag:$0x2] =	stream.indirect.gather [hbm4b:s1+s18], $0x80, s30, s18, $0xb8;
	[tilespmem:$0x1E400] =	vst v63  }
0x9e: {  	s30 =	smov.u32 s29  }
0x9f: {  	p0 =	sne.s32 s29, $0x4800;
	s29 =	sadd.s32 $0x400, s29;
	_ =	swait.ge [sflag:s21], $0x4000  }
0xa0: {  	s30 =	sshra.s32 s30, $0x2;
	[sflag:s21] =	ssyncset.done $0x0  }
0xa1: {  	s31 =	sadd.s32 $0x1400, s30;
	[sflag:s21] =	ssyncadd.s32 $0xFFFFC000  }
0xa2: {  	[spmem:s3] =	stream.indirect.scatter.add.f32 [tilespmem:s19], [sflag:$0x3], $0x80, s31, s18, $0xb8;
	[tilespmem:$0x1E400] =	vst v63  }
0xa3: {  	_ =	swait.ge [sflag:s16], $0x4000  }
0xa4: {  	[sflag:s16] =	ssyncset.done $0x0  }
0xa5: {  	s31 =	sadd.s32 $0x100, s30;
	[sflag:s16] =	ssyncadd.s32 $0xFFFFC000  }
0xa6: {  	[tilespmem:s19], [sflag:$0x1] =	stream.indirect.gather [hbm4b:s1+s18], $0x80, s31, s18, $0xb8;
	[tilespmem:$0x1E400] =	vst v63  }
0xa7: {  	_ =	swait.ge [sflag:s22], $0x4000  }
0xa8: {  	[sflag:s22] =	ssyncset.done $0x0  }
.Ltmp3:
0xa9: {  	s31 =	sadd.s32 $0x1480, s30;
	[sflag:s22] =	ssyncadd.s32 $0xFFFFC000;
	(pc) =	sbr.rel @p0 .LBB2_8-.Ltmp3, $4  }
0xaa: {  	[spmem:s3] =	stream.indirect.scatter.add.f32 [tilespmem:s20], [sflag:$0x3], $0x80, s31, s18, $0xb8;
	[tilespmem:$0x1E400] =	vst v63  }
0xab: {  	_ =	swait.ge [sflag:s16], $0x4000  }
0xac: {  	[sflag:s16] =	ssyncset.done $0x0  }
0xad: {  	s30 =	sadd.s32 $0x180, s30;
	[sflag:s16] =	ssyncadd.s32 $0xFFFFC000  }
0xae: {  	[tilespmem:s20], [sflag:$0x2] =	stream.indirect.gather [hbm4b:s1+s18], $0x80, s30, s18, $0xb8;
	[tilespmem:$0x1E400] =	vst v63  }
0xaf: {  	_ =	swait.ge [sflag:s21], $0x4000  }
0xb0: {  	[sflag:s21] =	ssyncset.done $0x0  }
0xb1: {  	[sflag:s21] =	ssyncadd.s32 $0xFFFFC000  }
0xb2: {  	[spmem:s3] =	stream.indirect.scatter.add.f32 [tilespmem:s19], [sflag:$0x3], $0x80, s23, s18, $0xb8;
	[tilespmem:$0x1E400] =	vst v63  }
0xb3: {  	_ =	swait.ge [sflag:s16], $0x4000  }
0xb4: {  	[sflag:s16] =	ssyncset.done $0x0  }
0xb5: {  	[sflag:s16] =	ssyncadd.s32 $0xFFFFC000  }
0xb6: {  	_ =	swait.ge [sflag:s22], $0x4000  }
0xb7: {  	[sflag:s22] =	ssyncset.done $0x0  }
0xb8: {  	[sflag:s22] =	ssyncadd.s32 $0xFFFFC000  }
0xb9: {  	[spmem:s3] =	stream.indirect.scatter.add.f32 [tilespmem:s20], [sflag:$0x3], $0x80, s24, s18, $0xb8;
	[tilespmem:$0x1E400] =	vst v63  }
0xba: {  	_ =	swait.ge [sflag:s16], $0x4000  }
0xbb: {  	[sflag:s16] =	ssyncset.done $0x0  }
0xbc: {  	[sflag:s16] =	ssyncadd.s32 $0xFFFFC000  }
0xbd: {  	[bflag:$0x0] =	sbarrier.arrive $0xFFFF  }
0xbe: {  	[hbm:s11@s26], [sflag:s6] =	dma.strided [spmem:s15@s18], $0x2780, s25, $0x10   }
0xbf: {  	_ =	swait.ge [sflag:s16], $0x2780  }
0xc0: {  	[sflag:s16] =	ssyncset.done $0x0  }
0xc1: {  	[sflag:s16] =	ssyncadd.s32 $0xFFFFD880  }
0xc2: {  	[bflag:$0x0] =	sbarrier.arrive $0xFFFF  }
0xc3: {  	[spmem:s15], [sflag:s6] =	dma.local [hbm:s5], $0x2780  }
0xc4: {  	_ =	swait.ge [sflag:s16], $0x2780  }
0xc5: {  	[sflag:s16] =	ssyncset.done $0x0  }
0xc6: {  	s29 =	simm.s32 $0x0;
	[sflag:s16] =	ssyncadd.s32 $0xFFFFD880  }
0xc7: {  	[tilespmem:s17], [sflag:$0x3] =	stream.linear.gather [hbm4b:s12+s29], $0x1400, $0x38;
	[tilespmem:$0x1E400] =	vst v63  }
0xc8: {  	_ =	swait.ge [sflag:s16], $0x1400  }
0xc9: {  	[sflag:s16] =	ssyncset.done $0x0  }
0xca: {  	s30 =	simm.s32 $0x200;
	s29 =	simm.s32 $0x0;
	[sflag:s16] =	ssyncadd.s32 $0xFFFFEC00  }
.LBB2_10:
0xcb: {  	p0 =	sne.s32 s30, $0xFE00;
	[tilespmem:s29+$0x2870] =	vst v1  }
0xcc: {  	[tilespmem:s29+$0x2800] =	vst v1  }
0xcd: {  	[tilespmem:s29+$0x2810] =	vst v1  }
.Ltmp4:
0xce: {  	[tilespmem:s29+$0x2820] =	vst v1;
	(pc) =	sbr.rel @p0 .LBB2_10-.Ltmp4, $4  }
0xcf: {  	[tilespmem:s29+$0x2830] =	vst v1  }
0xd0: {  	[tilespmem:s29+$0x2840] =	vst v1  }
0xd1: {  	[tilespmem:s29+$0x2850] =	vst v1  }
0xd2: {  	[tilespmem:s29+$0x2860] =	vst v1;
	s29 =	sshra.s32 s30, $0x2;
	s30 =	sadd.s32 $0x200, s30  }
0xd3: {  	[tilespmem:s29+$0x2870] =	vst v1  }
0xd4: {  	[tilespmem:s29+$0x2800] =	vst v1  }
0xd5: {  	[tilespmem:s29+$0x2810] =	vst v1  }
0xd6: {  	[tilespmem:s29+$0x2820] =	vst v1  }
0xd7: {  	[tilespmem:s29+$0x2830] =	vst v1  }
0xd8: {  	[tilespmem:s29+$0x2840] =	vst v1  }
0xd9: {  	[tilespmem:s29+$0x2850] =	vst v1  }
0xda: {  	[tilespmem:s29+$0x2860] =	vst v1  }
0xdb: {  	s29 =	simm.s32 $0x1400;
	[bflag:$0x0] =	sbarrier.arrive $0xFFFF  }
0xdc: {  	[spmem:s3] =	stream.indirect.scatter.add.f32 [tilespmem:s19], [sflag:$0x3], $0x80, s29, s18, $0xb8;
	[tilespmem:$0x1E400] =	vst v63  }
0xdd: {  	s29 =	simm.s32 $0x200;
	_ =	swait.ge [sflag:s16], $0x4000  }
.LBB2_12:
0xde: {  	s30 =	sshra.s32 s29, $0x2;
	[sflag:s16] =	ssyncset.done $0x0;
	p0 =	sne.s32 s29, $0x4E00  }
.Ltmp5:
0xdf: {  	s30 =	sadd.s32 $0x1400, s30;
	[sflag:s16] =	ssyncadd.s32 $0xFFFFC000;
	(pc) =	sbr.rel @p0 .LBB2_12-.Ltmp5, $3  }
0xe0: {  	[spmem:s3] =	stream.indirect.scatter.add.f32 [tilespmem:s19], [sflag:$0x3], $0x80, s30, s18, $0xb8;
	[tilespmem:$0x1E400] =	vst v63  }
0xe1: {  	s29 =	sadd.s32 $0x200, s29;
	_ =	sdelay $0x1  }
0xe2: {  	_ =	swait.ge [sflag:s16], $0x4000  }
0xe3: {  	[sflag:s16] =	ssyncset.done $0x0  }
0xe4: {  	s28 =	sadd.s32 $0x1, s28;
	[sflag:s16] =	ssyncadd.s32 $0xFFFFC000  }
0xe5: {  	p0 =	sne.s32 s28, s14;
	[bflag:$0x0] =	sbarrier.arrive $0xFFFF  }
0xe6: {  	[hbm:s13@s26], [sflag:s6] =	dma.strided [spmem:s15@s18], $0x2780, s25, $0x10   }
.Ltmp6:
0xe7: {  	_ =	swait.ge [sflag:s16], $0x2780;
	(pc) =	sbr.rel @p0 .LBB2_1-.Ltmp6, $3  }
0xe8: {  	[sflag:s16] =	ssyncset.done $0x0  }
0xe9: {  	[sflag:s16] =	ssyncadd.s32 $0xFFFFD880  }
0xea: {  	[bflag:$0x0] =	sbarrier.arrive $0xFFFF;
	_ =	sdelay $0x1  }
0xeb: {  	_ =	sfence.sel $0x180000  }
0xec: {  	[bflag:$0x0] =	sbarrier.arrive $0xFFFF  }
0xed: {  	p0 =	sne.s32 s2, $0x0;
	_ =	strace $0x90000047  }
0xee: {  	s0 =	sadd.s32 @!p0 $0x100000, s0;
	[bflag:$0x2] =	sbarrier.arrive $0xFFFF  }
0xef: {  	[sflag:s0] =	ssyncadd.tile.s32 @!p0 $0x1;
	_ =	shalt  }
.Lfunc_end2:
_tile_overlayer_lowered:
.L_overlay_start_2:
0xf0: {  	(tag) =	ssettag $0x2  }
0xf1: {  	s0 =	rddreg [dreg:$0x0];
	s2 =	stileid.u32  }
0xf2: {  	s1 =	rddreg [dreg:$0x1];
	p0 =	sne.s32 s2, $0x0  }
0xf3: {  	s3 =	rddreg [dreg:$0x2];
	[bflag:$0x3] =	sbarrier.arrive $0xFFFF;
	s2 =	simm.s32 @!p0 $0x1C03  }
0xf4: {  	[timem:s3], [sflag:s2] =	dma.local @!p0 [hbm:s0], s1  }
0xf5: {  	s0 =	simm.s32 @!p0 $0x3  }
0xf6: {  	_ =	swait.ge @!p0 [sflag:s0], s1  }
0xf7: {  	s1 =	ssub.s32 @!p0 $0x0, s1;
	[sflag:s0] =	ssyncset.done @!p0 $0x0  }
0xf8: {  	[sflag:s0] =	ssyncadd.s32 @!p0 s1  }
0xf9: {  	[bflag:$0x3] =	sbarrier.arrive $0xFFFF  }
0xfa: {  	_ =	shalt  }

</sc_bundles>
